<compile_context>
chip_gen: v7x
topology: tpu7x:2x2x1
jax: 0.10.2.dev20260603
libtpu: 0.0.44.dev20260713+nightly
codegen_flags: <defaults>
</compile_context>

<pallas_src>
import functools

import jax
import jax.numpy as jnp
from jax import lax
from jax.experimental import pallas as pl
from jax.experimental.pallas import tpu as pltpu
from jax.experimental.pallas import tpu_sc as plsc

N = 10000
E = 320000
D = 128
NC = 2
NS = 16
NW = NC * NS
CHUNK = 80
EPAD = E
CPW = EPAD // (NW * CHUNK)
NPAD = 10240
RPT = NPAD // NS
CW = 16


def _mesh():
    return plsc.VectorSubcoreMesh(core_axis_name="c", subcore_axis_name="s",
                                  num_cores=NC, num_subcores=NS)


def _sc_sum_body(with_counts, *refs):
    if with_counts:
        (table, packed3, out_p0, out_p1, out_c,
         packed_v, srcl, dstl, rows0, rows1, rows2, frow,
         g0, g1, g2, s0, s1, s2, c0, c1, c2, ones_v, zc, accum, cnt) = refs
        csem = (c0, c1, c2)
    else:
        (table, packed3, out_p0, out_p1,
         packed_v, srcl, dstl, rows0, rows1, rows2, frow,
         g0, g1, g2, s0, s1, s2, accum) = refs
    cid = lax.axis_index("c")
    sid = lax.axis_index("s")
    wid = sid * NC + cid

    rows = (rows0, rows1, rows2)
    gsem = (g0, g1, g2)
    ssem = (s0, s1, s2)

    zero32 = jnp.zeros((32,), jnp.bfloat16)

    def zrow(r, c):
        for c8 in range(D // 32):
            rows0[r, pl.ds(c8 * 32, 32)] = zero32
        return c
    lax.fori_loop(0, CHUNK, zrow, 0)

    def zcopy(k, c):
        pltpu.sync_copy(rows0, accum.at[pl.ds(sid * RPT + k * CHUNK, CHUNK), :])
        return c
    lax.fori_loop(0, RPT // CHUNK, zcopy, 0)

    if with_counts:
        zero16 = jnp.zeros((16,), jnp.float32)
        one16 = jnp.ones((16,), jnp.float32)

        def zcrow(r, c):
            zc[r, :] = zero16
            return c
        lax.fori_loop(0, RPT, zcrow, 0)
        pltpu.sync_copy(zc, cnt.at[pl.ds(sid * RPT, RPT), :])

        def orow(r, c):
            ones_v[r, :] = one16
            return c
        lax.fori_loop(0, CHUNK, orow, 0)

    plsc.subcore_barrier()

    pltpu.sync_copy(packed3.at[wid], packed_v)

    mask14 = jnp.full((16,), 0x3FFF, jnp.int32)

    def unpack(j, b):
        for k in range(CHUNK // 16):
            v = packed_v[j, pl.ds(k * 16, 16)]
            srcl[b, pl.ds(k * 16, 16)] = v & mask14
            dstl[b, pl.ds(k * 16, 16)] = lax.shift_right_logical(
                v, jnp.full((16,), 14, jnp.int32)) & mask14

    def sg(b, j):
        pltpu.async_copy(table.at[srcl.at[b]], rows[b], gsem[b])

    def wg(b):
        pltpu.make_async_copy(table.at[pl.ds(0, CHUNK)], rows[b],
                              gsem[b]).wait()

    def ss(b):
        pltpu.async_copy(rows[b], accum.at[dstl.at[b]], ssem[b], add=True)
        if with_counts:
            pltpu.async_copy(ones_v, cnt.at[dstl.at[b]], csem[b], add=True)

    def ws(b):
        pltpu.make_async_copy(table.at[pl.ds(0, CHUNK)], rows[b],
                              ssem[b]).wait()
        if with_counts:
            pltpu.make_async_copy(out_c.at[0, pl.ds(0, CHUNK), :], ones_v,
                                  csem[b]).wait()

    unpack(0, 0); sg(0, 0)
    unpack(1, 1); sg(1, 1)
    wg(0); ss(0)
    unpack(2, 2); sg(2, 2)
    wg(1); ss(1)
    ws(0); unpack(3, 0); sg(0, 3)
    wg(2); ss(2)
    ws(1); unpack(4, 1); sg(1, 4)

    def tri(t, c):
        j0 = 3 * t
        wg(0); ss(0)
        ws(2); unpack(j0 + 2, 2); sg(2, j0 + 2)
        wg(1); ss(1)
        ws(0); unpack(j0 + 3, 0); sg(0, j0 + 3)
        wg(2); ss(2)
        ws(1); unpack(j0 + 4, 1); sg(1, j0 + 4)
        return c
    lax.fori_loop(1, (CPW - 5) // 3 + 1, tri, 0)

    wg(0); ss(0)
    wg(1); ws(2); ss(1)
    ws(0); ws(1)

    plsc.subcore_barrier()

    sh16 = jnp.full((16,), 16, jnp.int32)
    himask = jnp.full((16,), -65536, jnp.int32)

    def conv_chunk(k, c):
        base = sid * RPT + k * CHUNK
        pltpu.sync_copy(accum.at[pl.ds(base, CHUNK), :], rows0)

        def conv_row(r, c2):
            for g in range(D // 32):
                w = plsc.bitcast(rows0[r, pl.ds(32 * g, 32)], jnp.int32)
                ev = plsc.bitcast(lax.shift_left(w, sh16), jnp.float32)
                od = plsc.bitcast(w & himask, jnp.float32)
                frow[r, pl.ds(16 * g, 16)] = ev
                frow[r, pl.ds(D // 2 + 16 * g, 16)] = od
            return c2
        lax.fori_loop(0, CHUNK, conv_row, 0)

        @pl.when(cid == 0)
        def _():
            pltpu.sync_copy(frow, out_p0.at[pl.ds(base, CHUNK), :])

        @pl.when(cid == 1)
        def _():
            pltpu.sync_copy(frow, out_p1.at[pl.ds(base, CHUNK), :])
        return c
    lax.fori_loop(0, RPT // CHUNK, conv_chunk, 0)

    if with_counts:
        pltpu.sync_copy(cnt.at[pl.ds(sid * RPT, RPT), :],
                        out_c.at[cid, pl.ds(sid * RPT, RPT), :])


def _make_sc_sum(with_counts):
    out_type = [jax.ShapeDtypeStruct((NPAD, D), jnp.float32),
                jax.ShapeDtypeStruct((NPAD, D), jnp.float32)]
    scratch = [
        pltpu.VMEM((CPW, CHUNK), jnp.int32),
        pltpu.VMEM((3, CHUNK), jnp.int32),
        pltpu.VMEM((3, CHUNK), jnp.int32),
        pltpu.VMEM((CHUNK, D), jnp.bfloat16),
        pltpu.VMEM((CHUNK, D), jnp.bfloat16),
        pltpu.VMEM((CHUNK, D), jnp.bfloat16),
        pltpu.VMEM((CHUNK, D), jnp.float32),
        pltpu.SemaphoreType.DMA,
        pltpu.SemaphoreType.DMA,
        pltpu.SemaphoreType.DMA,
        pltpu.SemaphoreType.DMA,
        pltpu.SemaphoreType.DMA,
        pltpu.SemaphoreType.DMA,
    ]
    if with_counts:
        out_type.append(jax.ShapeDtypeStruct((NC, NPAD, CW), jnp.float32))
        scratch += [
            pltpu.SemaphoreType.DMA,
            pltpu.SemaphoreType.DMA,
            pltpu.SemaphoreType.DMA,
            pltpu.VMEM((CHUNK, CW), jnp.float32),
            pltpu.VMEM((RPT, CW), jnp.float32),
        ]
    scratch.append(pltpu.VMEM_SHARED((NPAD, D), jnp.bfloat16))
    if with_counts:
        scratch.append(pltpu.VMEM_SHARED((NPAD, CW), jnp.float32))
    return pl.kernel(
        functools.partial(_sc_sum_body, with_counts),
        out_type=tuple(out_type),
        mesh=_mesh(),
        scratch_types=tuple(scratch),
        compiler_params=pltpu.CompilerParams(use_tc_tiling_on_sc=False,
                                             needs_layout_passes=False),
        name="sc_segment_sum" + ("_counts" if with_counts else ""),
    )


_BN = 1000


def _pack_body(e_ref, pk_ref):
    pk_ref[...] = e_ref[0] | (e_ref[1] << 14)


def _pack(e):
    return pl.pallas_call(
        _pack_body,
        out_shape=jax.ShapeDtypeStruct((EPAD,), jnp.int32),
    )(e)


def _proj_body(x_ref, w_ref, b_ref, o_ref, ob_ref):
    t = lax.dot_general(
        x_ref[...], w_ref[...], (((1,), (1,)), ((), ())),
        preferred_element_type=jnp.float32) + b_ref[...]
    o_ref[...] = t
    ob_ref[...] = t.astype(jnp.bfloat16).reshape(_BN * D)


def _proj(x, w, b):
    return pl.pallas_call(
        _proj_body,
        grid=(N // _BN,),
        in_specs=[
            pl.BlockSpec((_BN, D), lambda i: (i, 0)),
            pl.BlockSpec((D, D), lambda i: (0, 0)),
            pl.BlockSpec((1, D), lambda i: (0, 0)),
        ],
        out_specs=[pl.BlockSpec((_BN, D), lambda i: (i, 0)),
                   pl.BlockSpec((_BN * D,), lambda i: (i,))],
        out_shape=[jax.ShapeDtypeStruct((N, D), jnp.float32),
                   jax.ShapeDtypeStruct((N * D,), jnp.bfloat16)],
    )(x, w, b.reshape(1, D))


def _layer1_body(p0_ref, p1_ref, c_ref, h_ref, wl_ref, bl_ref, wr_ref,
                 o_ref, ob_ref, inv_ref):
    summed = p0_ref[...] + p1_ref[...]
    inv = 1.0 / jnp.maximum(c_ref[0] + c_ref[1], 1.0)
    inv_ref[...] = inv
    t = (lax.dot_general(summed * inv[:, 0:1], wl_ref[...],
                         (((1,), (1,)), ((), ())),
                         preferred_element_type=jnp.float32)
         + bl_ref[...]
         + lax.dot_general(h_ref[...], wr_ref[...], (((1,), (1,)), ((), ())),
                           preferred_element_type=jnp.float32))
    t = jnp.maximum(t, 0.0) + h_ref[...]
    o_ref[...] = t
    ob_ref[...] = t.astype(jnp.bfloat16).reshape(_BN * D)


def _layer1(p0, p1, c, h, wl, bl, wr):
    return pl.pallas_call(
        _layer1_body,
        grid=(N // _BN,),
        in_specs=[
            pl.BlockSpec((_BN, D), lambda i: (i, 0)),
            pl.BlockSpec((_BN, D), lambda i: (i, 0)),
            pl.BlockSpec((NC, _BN, CW), lambda i: (0, i, 0)),
            pl.BlockSpec((_BN, D), lambda i: (i, 0)),
            pl.BlockSpec((D, D), lambda i: (0, 0)),
            pl.BlockSpec((1, D), lambda i: (0, 0)),
            pl.BlockSpec((D, D), lambda i: (0, 0)),
        ],
        out_specs=[pl.BlockSpec((_BN, D), lambda i: (i, 0)),
                   pl.BlockSpec((_BN * D,), lambda i: (i,)),
                   pl.BlockSpec((_BN, CW), lambda i: (i, 0))],
        out_shape=[jax.ShapeDtypeStruct((N, D), jnp.float32),
                   jax.ShapeDtypeStruct((N * D,), jnp.bfloat16),
                   jax.ShapeDtypeStruct((N, CW), jnp.float32)],
    )(p0, p1, c, h, wl, bl.reshape(1, D), wr)


def _layer2_body(p0_ref, p1_ref, inv_ref, h_ref, wl_ref, bl_ref, wr_ref,
                 o_ref):
    mean = (p0_ref[...] + p1_ref[...]) * inv_ref[:, 0:1]
    t = (lax.dot_general(mean, wl_ref[...], (((1,), (1,)), ((), ())),
                         preferred_element_type=jnp.float32)
         + bl_ref[...]
         + lax.dot_general(h_ref[...], wr_ref[...], (((1,), (1,)), ((), ())),
                           preferred_element_type=jnp.float32))
    o_ref[...] = t + h_ref[...]


def _layer2(p0, p1, inv, h, wl, bl, wr):
    return pl.pallas_call(
        _layer2_body,
        grid=(N // _BN,),
        in_specs=[
            pl.BlockSpec((_BN, D), lambda i: (i, 0)),
            pl.BlockSpec((_BN, D), lambda i: (i, 0)),
            pl.BlockSpec((_BN, CW), lambda i: (i, 0)),
            pl.BlockSpec((_BN, D), lambda i: (i, 0)),
            pl.BlockSpec((D, D), lambda i: (0, 0)),
            pl.BlockSpec((1, D), lambda i: (0, 0)),
            pl.BlockSpec((D, D), lambda i: (0, 0)),
        ],
        out_specs=pl.BlockSpec((_BN, D), lambda i: (i, 0)),
        out_shape=jax.ShapeDtypeStruct((N, D), jnp.float32),
    )(p0, p1, inv, h, wl, bl.reshape(1, D), wr)


_sc_sum_counts = _make_sc_sum(True)
_sc_sum_plain = _make_sc_sum(False)


def kernel(x, edge_index, W_lin, b_lin, W_l1, b_l1, W_r1, W_l2, b_l2, W_r2):
    perm = jnp.concatenate([jnp.arange(0, D, 2), jnp.arange(1, D, 2)])
    W_l1p = W_l1[:, perm]
    W_l2p = W_l2[:, perm]
    packed3 = _pack(edge_index).reshape(NW, CPW, CHUNK)
    h, h_bf = _proj(x, W_lin, b_lin)
    p0, p1, c = _sc_sum_counts(h_bf.reshape(N, D), packed3)
    out1, out1_bf, inv = _layer1(p0, p1, c, h, W_l1p, b_l1, W_r1)
    q0, q1 = _sc_sum_plain(out1_bf.reshape(N, D), packed3)
    out2 = _layer2(q0, q1, inv, out1, W_l2p, b_l2, W_r2)
    return (out1, out2)

# --- scband reference (transcript-rebuilt; emitter-appended) ---
"""Pipeline reference for scband-gcnencoder-32684701122703 (READ-ONLY COPY).

The authoritative reference and input builder live on the scoring server;
editing this copy changes nothing except your own understanding.
"""

import jax, jax.numpy as jnp
import numpy as np

N_NODES = 10000
N_EDGES = 320000
D = 128


def _sage_conv(x, src, dst, W_l, b_l, W_r):
    # PyG SAGEConv: out = lin_l(mean_{j in N(i)} x_j) + lin_r(x_i)
    msgs = x[src]
    summed = jax.ops.segment_sum(msgs, dst, num_segments=N_NODES)
    counts = jax.ops.segment_sum(jnp.ones((src.shape[0], 1), dtype=x.dtype), dst, num_segments=N_NODES)
    mean = summed / jnp.clip(counts, 1.0, None)
    return mean @ W_l.T + b_l + x @ W_r.T


def setup_inputs(seed: int = 0) -> dict:
    key = jax.random.key(seed)
    ks = jax.random.split(key, 10)
    s = 1.0 / np.sqrt(D)
    x = jax.random.normal(ks[0], (N_NODES, D), dtype=jnp.float32)
    edge_index = jax.random.randint(ks[1], (2, N_EDGES), 0, N_NODES, dtype=jnp.int32)
    W_lin = jax.random.normal(ks[2], (D, D), dtype=jnp.float32) * s
    b_lin = jax.random.normal(ks[3], (D,), dtype=jnp.float32) * s
    W_l1 = jax.random.normal(ks[4], (D, D), dtype=jnp.float32) * s
    b_l1 = jax.random.normal(ks[5], (D,), dtype=jnp.float32) * s
    W_r1 = jax.random.normal(ks[6], (D, D), dtype=jnp.float32) * s
    W_l2 = jax.random.normal(ks[7], (D, D), dtype=jnp.float32) * s
    b_l2 = jax.random.normal(ks[8], (D,), dtype=jnp.float32) * s
    W_r2 = jax.random.normal(ks[9], (D, D), dtype=jnp.float32) * s
    return {"x": x, "edge_index": edge_index, "W_lin": W_lin, "b_lin": b_lin,
            "W_l1": W_l1, "b_l1": b_l1, "W_r1": W_r1,
            "W_l2": W_l2, "b_l2": b_l2, "W_r2": W_r2}


def reference(x, edge_index, W_lin, b_lin, W_l1, b_l1, W_r1, W_l2, b_l2, W_r2):
    # Dropout layers are identity at inference time.
    src = edge_index[0]
    dst = edge_index[1]
    h = x @ W_lin.T + b_lin
    identity1 = h
    out1 = jax.nn.relu(_sage_conv(h, src, dst, W_l1, b_l1, W_r1)) + identity1
    identity2 = out1
    out2 = _sage_conv(out1, src, dst, W_l2, b_l2, W_r2) + identity2
    return (out1, out2)

if __name__ == "__main__":
    import jax
    _d = setup_inputs()
    print(jax.jit(kernel)(*tuple(_d.values())))

</pallas_src>

<mosaic_0001>
#map = affine_map<(d0, d1) -> (0, 0)>
#map1 = affine_map<(d0, d1) -> (0, 0, 0)>
module attributes {stable_mosaic.version = 14 : i64} {
  func.func @sc_segment_sum(%arg0: i32, %arg1: i32, %arg2: memref<10000x128xbf16, #tpu.memory_space<hbm>>, %arg3: memref<32x125x80xi32, #tpu.memory_space<hbm>>, %arg4: memref<10240x128xf32, #tpu.memory_space<hbm>>, %arg5: memref<10240x128xf32, #tpu.memory_space<hbm>>, %arg6: memref<125x80xi32, #tpu.memory_space<vmem>>, %arg7: memref<3x80xi32, #tpu.memory_space<vmem>>, %arg8: memref<3x80xi32, #tpu.memory_space<vmem>>, %arg9: memref<80x128xbf16, #tpu.memory_space<vmem>>, %arg10: memref<80x128xbf16, #tpu.memory_space<vmem>>, %arg11: memref<80x128xbf16, #tpu.memory_space<vmem>>, %arg12: memref<80x128xf32, #tpu.memory_space<vmem>>, %arg13: memref<!tpu.dma_semaphore, #tpu.memory_space<semaphore_mem>>, %arg14: memref<!tpu.dma_semaphore, #tpu.memory_space<semaphore_mem>>, %arg15: memref<!tpu.dma_semaphore, #tpu.memory_space<semaphore_mem>>, %arg16: memref<!tpu.dma_semaphore, #tpu.memory_space<semaphore_mem>>, %arg17: memref<!tpu.dma_semaphore, #tpu.memory_space<semaphore_mem>>, %arg18: memref<!tpu.dma_semaphore, #tpu.memory_space<semaphore_mem>>, %arg19: memref<10240x128xbf16, #tpu.memory_space<vmem_shared>>) attributes {dimension_semantics = [#tpu.dimension_semantics<core_parallel>, #tpu.dimension_semantics<subcore_parallel>], iteration_bounds = array<i64: 2, 16>, scalar_prefetch = 0 : i64, scratch_operands = 14 : i64, tpu.core_type = #tpu.core_type<sc_vector_subcore>, window_params = [{transform_indices = #map}, {transform_indices = #map1}, {transform_indices = #map}, {transform_indices = #map}]} {
    %mul3A = arith.constant 2 : i32
    %mul3A_0 = arith.muli %arg1, %mul3A : i32
    %add3A = arith.addi %mul3A_0, %arg0 : i32
    %broadcast_in_dim3A = arith.constant 0.000000e+00 : bf16
    %broadcast_in_dim3A_1 = vector.broadcast %broadcast_in_dim3A : bf16 to vector<32xbf16>
    %scan3A = arith.constant 0 : i32
    %scan3A_2 = arith.constant 0 : i32
    %scan3A_3 = arith.constant 80 : i32
    %scan3A_4 = arith.addi %scan3A_2, %scan3A_3 : i32
    %scan3A_5 = arith.constant 1 : i32
    scf.for %scan3A_581 = %scan3A_2 to %scan3A_4 step %scan3A_5  : i32 {
      %swap3A_582 = arith.index_cast %scan3A_581 : i32 to index
      %swap3A_583 = arith.constant 0 : index
      %swap3A_584 = tpu.vector_load %arg9[%swap3A_582, %swap3A_583] {strides = array<i32>} : memref<80x128xbf16, #tpu.memory_space<vmem>>, vector<32xbf16>,
      tpu.vector_store %arg9[%swap3A_582, %swap3A_583], %broadcast_in_dim3A_1 {strides = array<i32>} : memref<80x128xbf16, #tpu.memory_space<vmem>>, vector<32xbf16>,
      %swap3A_585 = arith.index_cast %scan3A_581 : i32 to index
      %swap3A_586 = arith.constant 32 : index
      %swap3A_587 = tpu.vector_load %arg9[%swap3A_585, %swap3A_586] {strides = array<i32>} : memref<80x128xbf16, #tpu.memory_space<vmem>>, vector<32xbf16>,
      tpu.vector_store %arg9[%swap3A_585, %swap3A_586], %broadcast_in_dim3A_1 {strides = array<i32>} : memref<80x128xbf16, #tpu.memory_space<vmem>>, vector<32xbf16>,
      %swap3A_588 = arith.index_cast %scan3A_581 : i32 to index
      %swap3A_589 = arith.constant 64 : index
      %swap3A_590 = tpu.vector_load %arg9[%swap3A_588, %swap3A_589] {strides = array<i32>} : memref<80x128xbf16, #tpu.memory_space<vmem>>, vector<32xbf16>,
      tpu.vector_store %arg9[%swap3A_588, %swap3A_589], %broadcast_in_dim3A_1 {strides = array<i32>} : memref<80x128xbf16, #tpu.memory_space<vmem>>, vector<32xbf16>,
      %swap3A_591 = arith.index_cast %scan3A_581 : i32 to index
      %swap3A_592 = arith.constant 96 : index
      %swap3A_593 = tpu.vector_load %arg9[%swap3A_591, %swap3A_592] {strides = array<i32>} : memref<80x128xbf16, #tpu.memory_space<vmem>>, vector<32xbf16>,
      tpu.vector_store %arg9[%swap3A_591, %swap3A_592], %broadcast_in_dim3A_1 {strides = array<i32>} : memref<80x128xbf16, #tpu.memory_space<vmem>>, vector<32xbf16>,
    }
    %scan3A_6 = arith.constant 80 : i32
    %scan3A_7 = arith.constant 0 : i32
    %scan3A_8 = arith.constant 0 : i32
    %scan3A_9 = arith.constant 8 : i32
    %scan3A_10 = arith.addi %scan3A_8, %scan3A_9 : i32
    %scan3A_11 = arith.constant 1 : i32
    scf.for %scan3A_581 = %scan3A_8 to %scan3A_10 step %scan3A_11  : i32 {
      %mul3A_582 = arith.constant 640 : i32
      %mul3A_583 = arith.muli %arg1, %mul3A_582 : i32
      %mul3A_584 = arith.constant 80 : i32
      %mul3A_585 = arith.muli %scan3A_581, %mul3A_584 : i32
      %add3A_586 = arith.addi %mul3A_583, %mul3A_585 : i32
      "tpu.region"() ({
        %run_scoped3A = tpu.sem_alloc : memref<!tpu.dma_semaphore, #tpu.memory_space<semaphore_mem>>
        %dma_start3A_587 = arith.constant 0 : i32
        %dma_start3A_588 = tpu.memref_slice %arg19[%add3A_586, %dma_start3A_587] : memref<10240x128xbf16, #tpu.memory_space<vmem_shared>> -> memref<80x128xbf16, #tpu.memory_space<vmem_shared>>
        %dma_start3A_589 = arith.constant 0 : i32
        %dma_start3A_590 = tpu.memref_slice %arg19[%add3A_586, %dma_start3A_589] : memref<10240x128xbf16, #tpu.memory_space<vmem_shared>> -> memref<80x128xbf16, #tpu.memory_space<vmem_shared>>
        tpu.enqueue_dma source(%arg9 : memref<80x128xbf16, #tpu.memory_space<vmem>>) target(%dma_start3A_590 : memref<80x128xbf16, #tpu.memory_space<vmem_shared>>) target_semaphore(%run_scoped3A : memref<!tpu.dma_semaphore, #tpu.memory_space<semaphore_mem>>)
        %dma_wait3A_591 = arith.constant 0 : i32
        %dma_wait3A_592 = tpu.memref_slice %arg19[%add3A_586, %dma_wait3A_591] : memref<10240x128xbf16, #tpu.memory_space<vmem_shared>> -> memref<80x128xbf16, #tpu.memory_space<vmem_shared>>
        %dma_wait3A_593 = arith.constant 0 : i32
        %dma_wait3A_594 = tpu.memref_slice %arg19[%add3A_586, %dma_wait3A_593] : memref<10240x128xbf16, #tpu.memory_space<vmem_shared>> -> memref<80x128xbf16, #tpu.memory_space<vmem_shared>>
        tpu.wait_dma2 semaphore(%run_scoped3A : memref<!tpu.dma_semaphore, #tpu.memory_space<semaphore_mem>>) src(%arg9 : memref<80x128xbf16, #tpu.memory_space<vmem>>) dst(%dma_wait3A_594 : memref<80x128xbf16, #tpu.memory_space<vmem_shared>>)
        tpu.yield
      }) : () -> ()
    }
    %scan3A_12 = arith.constant 8 : i32
    %barrier3A = arith.constant 0 : index
    tpu.barrier barrier_id(%barrier3A)
    "tpu.region"() ({
      %run_scoped3A = tpu.sem_alloc : memref<!tpu.dma_semaphore, #tpu.memory_space<semaphore_mem>>
      %dma_start3A_581 = arith.constant 0 : i32
      %dma_start3A_582 = arith.constant 0 : i32
      %dma_start3A_583 = tpu.memref_slice %arg3[%add3A, %dma_start3A_581, %dma_start3A_582] : memref<32x125x80xi32, #tpu.memory_space<hbm>> -> memref<1x125x80xi32, #tpu.memory_space<hbm>>
      %dma_start3A_584 = tpu.memref_squeeze %dma_start3A_583 : memref<1x125x80xi32, #tpu.memory_space<hbm>> -> memref<125x80xi32, #tpu.memory_space<hbm>>
      %dma_start3A_585 = arith.constant 0 : i32
      %dma_start3A_586 = arith.constant 0 : i32
      %dma_start3A_587 = tpu.memref_slice %arg3[%add3A, %dma_start3A_585, %dma_start3A_586] : memref<32x125x80xi32, #tpu.memory_space<hbm>> -> memref<1x125x80xi32, #tpu.memory_space<hbm>>
      %dma_start3A_588 = tpu.memref_squeeze %dma_start3A_587 : memref<1x125x80xi32, #tpu.memory_space<hbm>> -> memref<125x80xi32, #tpu.memory_space<hbm>>
      tpu.enqueue_dma source(%dma_start3A_588 : memref<125x80xi32, #tpu.memory_space<hbm>>) target(%arg6 : memref<125x80xi32, #tpu.memory_space<vmem>>) target_semaphore(%run_scoped3A : memref<!tpu.dma_semaphore, #tpu.memory_space<semaphore_mem>>)
      %dma_wait3A_589 = arith.constant 0 : i32
      %dma_wait3A_590 = arith.constant 0 : i32
      %dma_wait3A_591 = tpu.memref_slice %arg3[%add3A, %dma_wait3A_589, %dma_wait3A_590] : memref<32x125x80xi32, #tpu.memory_space<hbm>> -> memref<1x125x80xi32, #tpu.memory_space<hbm>>
      %dma_wait3A_592 = tpu.memref_squeeze %dma_wait3A_591 : memref<1x125x80xi32, #tpu.memory_space<hbm>> -> memref<125x80xi32, #tpu.memory_space<hbm>>
      %dma_wait3A_593 = arith.constant 0 : i32
      %dma_wait3A_594 = arith.constant 0 : i32
      %dma_wait3A_595 = tpu.memref_slice %arg3[%add3A, %dma_wait3A_593, %dma_wait3A_594] : memref<32x125x80xi32, #tpu.memory_space<hbm>> -> memref<1x125x80xi32, #tpu.memory_space<hbm>>
      %dma_wait3A_596 = tpu.memref_squeeze %dma_wait3A_595 : memref<1x125x80xi32, #tpu.memory_space<hbm>> -> memref<125x80xi32, #tpu.memory_space<hbm>>
      tpu.wait_dma2 semaphore(%run_scoped3A : memref<!tpu.dma_semaphore, #tpu.memory_space<semaphore_mem>>) src(%dma_wait3A_596 : memref<125x80xi32, #tpu.memory_space<hbm>>) dst(%arg6 : memref<125x80xi32, #tpu.memory_space<vmem>>)
      tpu.yield
    }) : () -> ()
    %broadcast_in_dim3A_13 = arith.constant 16383 : i32
    %broadcast_in_dim3A_14 = vector.broadcast %broadcast_in_dim3A_13 : i32 to vector<16xi32>
    %get3A = arith.constant 0 : i32
    %get3A_15 = arith.index_cast %get3A : i32 to index
    %get3A_16 = arith.constant 0 : index
    %get3A_17 = tpu.vector_load %arg6[%get3A_15, %get3A_16] {strides = array<i32>} : memref<125x80xi32, #tpu.memory_space<vmem>>, vector<16xi32>,
    %and3A = arith.andi %get3A_17, %broadcast_in_dim3A_14 : vector<16xi32>
    %swap3A = arith.constant 0 : i32
    %swap3A_18 = arith.index_cast %swap3A : i32 to index
    %swap3A_19 = arith.constant 0 : index
    %swap3A_20 = tpu.vector_load %arg7[%swap3A_18, %swap3A_19] {strides = array<i32>} : memref<3x80xi32, #tpu.memory_space<vmem>>, vector<16xi32>,
    tpu.vector_store %arg7[%swap3A_18, %swap3A_19], %and3A {strides = array<i32>} : memref<3x80xi32, #tpu.memory_space<vmem>>, vector<16xi32>,
    %broadcast_in_dim3A_21 = arith.constant 14 : i32
    %broadcast_in_dim3A_22 = vector.broadcast %broadcast_in_dim3A_21 : i32 to vector<16xi32>
    %shift_right_logical3A = arith.shrui %get3A_17, %broadcast_in_dim3A_22 : vector<16xi32>
    %and3A_23 = arith.andi %shift_right_logical3A, %broadcast_in_dim3A_14 : vector<16xi32>
    %swap3A_24 = arith.constant 0 : i32
    %swap3A_25 = arith.index_cast %swap3A_24 : i32 to index
    %swap3A_26 = arith.constant 0 : index
    %swap3A_27 = tpu.vector_load %arg8[%swap3A_25, %swap3A_26] {strides = array<i32>} : memref<3x80xi32, #tpu.memory_space<vmem>>, vector<16xi32>,
    tpu.vector_store %arg8[%swap3A_25, %swap3A_26], %and3A_23 {strides = array<i32>} : memref<3x80xi32, #tpu.memory_space<vmem>>, vector<16xi32>,
    %get3A_28 = arith.constant 0 : i32
    %get3A_29 = arith.index_cast %get3A_28 : i32 to index
    %get3A_30 = arith.constant 16 : index
    %get3A_31 = tpu.vector_load %arg6[%get3A_29, %get3A_30] {strides = array<i32>} : memref<125x80xi32, #tpu.memory_space<vmem>>, vector<16xi32>,
    %and3A_32 = arith.andi %get3A_31, %broadcast_in_dim3A_14 : vector<16xi32>
    %swap3A_33 = arith.constant 0 : i32
    %swap3A_34 = arith.index_cast %swap3A_33 : i32 to index
    %swap3A_35 = arith.constant 16 : index
    %swap3A_36 = tpu.vector_load %arg7[%swap3A_34, %swap3A_35] {strides = array<i32>} : memref<3x80xi32, #tpu.memory_space<vmem>>, vector<16xi32>,
    tpu.vector_store %arg7[%swap3A_34, %swap3A_35], %and3A_32 {strides = array<i32>} : memref<3x80xi32, #tpu.memory_space<vmem>>, vector<16xi32>,
    %broadcast_in_dim3A_37 = arith.constant 14 : i32
    %broadcast_in_dim3A_38 = vector.broadcast %broadcast_in_dim3A_37 : i32 to vector<16xi32>
    %shift_right_logical3A_39 = arith.shrui %get3A_31, %broadcast_in_dim3A_38 : vector<16xi32>
    %and3A_40 = arith.andi %shift_right_logical3A_39, %broadcast_in_dim3A_14 : vector<16xi32>
    %swap3A_41 = arith.constant 0 : i32
    %swap3A_42 = arith.index_cast %swap3A_41 : i32 to index
    %swap3A_43 = arith.constant 16 : index
    %swap3A_44 = tpu.vector_load %arg8[%swap3A_42, %swap3A_43] {strides = array<i32>} : memref<3x80xi32, #tpu.memory_space<vmem>>, vector<16xi32>,
    tpu.vector_store %arg8[%swap3A_42, %swap3A_43], %and3A_40 {strides = array<i32>} : memref<3x80xi32, #tpu.memory_space<vmem>>, vector<16xi32>,
    %get3A_45 = arith.constant 0 : i32
    %get3A_46 = arith.index_cast %get3A_45 : i32 to index
    %get3A_47 = arith.constant 32 : index
    %get3A_48 = tpu.vector_load %arg6[%get3A_46, %get3A_47] {strides = array<i32>} : memref<125x80xi32, #tpu.memory_space<vmem>>, vector<16xi32>,
    %and3A_49 = arith.andi %get3A_48, %broadcast_in_dim3A_14 : vector<16xi32>
    %swap3A_50 = arith.constant 0 : i32
    %swap3A_51 = arith.index_cast %swap3A_50 : i32 to index
    %swap3A_52 = arith.constant 32 : index
    %swap3A_53 = tpu.vector_load %arg7[%swap3A_51, %swap3A_52] {strides = array<i32>} : memref<3x80xi32, #tpu.memory_space<vmem>>, vector<16xi32>,
    tpu.vector_store %arg7[%swap3A_51, %swap3A_52], %and3A_49 {strides = array<i32>} : memref<3x80xi32, #tpu.memory_space<vmem>>, vector<16xi32>,
    %broadcast_in_dim3A_54 = arith.constant 14 : i32
    %broadcast_in_dim3A_55 = vector.broadcast %broadcast_in_dim3A_54 : i32 to vector<16xi32>
    %shift_right_logical3A_56 = arith.shrui %get3A_48, %broadcast_in_dim3A_55 : vector<16xi32>
    %and3A_57 = arith.andi %shift_right_logical3A_56, %broadcast_in_dim3A_14 : vector<16xi32>
    %swap3A_58 = arith.constant 0 : i32
    %swap3A_59 = arith.index_cast %swap3A_58 : i32 to index
    %swap3A_60 = arith.constant 32 : index
    %swap3A_61 = tpu.vector_load %arg8[%swap3A_59, %swap3A_60] {strides = array<i32>} : memref<3x80xi32, #tpu.memory_space<vmem>>, vector<16xi32>,
    tpu.vector_store %arg8[%swap3A_59, %swap3A_60], %and3A_57 {strides = array<i32>} : memref<3x80xi32, #tpu.memory_space<vmem>>, vector<16xi32>,
    %get3A_62 = arith.constant 0 : i32
    %get3A_63 = arith.index_cast %get3A_62 : i32 to index
    %get3A_64 = arith.constant 48 : index
    %get3A_65 = tpu.vector_load %arg6[%get3A_63, %get3A_64] {strides = array<i32>} : memref<125x80xi32, #tpu.memory_space<vmem>>, vector<16xi32>,
    %and3A_66 = arith.andi %get3A_65, %broadcast_in_dim3A_14 : vector<16xi32>
    %swap3A_67 = arith.constant 0 : i32
    %swap3A_68 = arith.index_cast %swap3A_67 : i32 to index
    %swap3A_69 = arith.constant 48 : index
    %swap3A_70 = tpu.vector_load %arg7[%swap3A_68, %swap3A_69] {strides = array<i32>} : memref<3x80xi32, #tpu.memory_space<vmem>>, vector<16xi32>,
    tpu.vector_store %arg7[%swap3A_68, %swap3A_69], %and3A_66 {strides = array<i32>} : memref<3x80xi32, #tpu.memory_space<vmem>>, vector<16xi32>,
    %broadcast_in_dim3A_71 = arith.constant 14 : i32
    %broadcast_in_dim3A_72 = vector.broadcast %broadcast_in_dim3A_71 : i32 to vector<16xi32>
    %shift_right_logical3A_73 = arith.shrui %get3A_65, %broadcast_in_dim3A_72 : vector<16xi32>
    %and3A_74 = arith.andi %shift_right_logical3A_73, %broadcast_in_dim3A_14 : vector<16xi32>
    %swap3A_75 = arith.constant 0 : i32
    %swap3A_76 = arith.index_cast %swap3A_75 : i32 to index
    %swap3A_77 = arith.constant 48 : index
    %swap3A_78 = tpu.vector_load %arg8[%swap3A_76, %swap3A_77] {strides = array<i32>} : memref<3x80xi32, #tpu.memory_space<vmem>>, vector<16xi32>,
    tpu.vector_store %arg8[%swap3A_76, %swap3A_77], %and3A_74 {strides = array<i32>} : memref<3x80xi32, #tpu.memory_space<vmem>>, vector<16xi32>,
    %get3A_79 = arith.constant 0 : i32
    %get3A_80 = arith.index_cast %get3A_79 : i32 to index
    %get3A_81 = arith.constant 64 : index
    %get3A_82 = tpu.vector_load %arg6[%get3A_80, %get3A_81] {strides = array<i32>} : memref<125x80xi32, #tpu.memory_space<vmem>>, vector<16xi32>,
    %and3A_83 = arith.andi %get3A_82, %broadcast_in_dim3A_14 : vector<16xi32>
    %swap3A_84 = arith.constant 0 : i32
    %swap3A_85 = arith.index_cast %swap3A_84 : i32 to index
    %swap3A_86 = arith.constant 64 : index
    %swap3A_87 = tpu.vector_load %arg7[%swap3A_85, %swap3A_86] {strides = array<i32>} : memref<3x80xi32, #tpu.memory_space<vmem>>, vector<16xi32>,
    tpu.vector_store %arg7[%swap3A_85, %swap3A_86], %and3A_83 {strides = array<i32>} : memref<3x80xi32, #tpu.memory_space<vmem>>, vector<16xi32>,
    %broadcast_in_dim3A_88 = arith.constant 14 : i32
    %broadcast_in_dim3A_89 = vector.broadcast %broadcast_in_dim3A_88 : i32 to vector<16xi32>
    %shift_right_logical3A_90 = arith.shrui %get3A_82, %broadcast_in_dim3A_89 : vector<16xi32>
    %and3A_91 = arith.andi %shift_right_logical3A_90, %broadcast_in_dim3A_14 : vector<16xi32>
    %swap3A_92 = arith.constant 0 : i32
    %swap3A_93 = arith.index_cast %swap3A_92 : i32 to index
    %swap3A_94 = arith.constant 64 : index
    %swap3A_95 = tpu.vector_load %arg8[%swap3A_93, %swap3A_94] {strides = array<i32>} : memref<3x80xi32, #tpu.memory_space<vmem>>, vector<16xi32>,
    tpu.vector_store %arg8[%swap3A_93, %swap3A_94], %and3A_91 {strides = array<i32>} : memref<3x80xi32, #tpu.memory_space<vmem>>, vector<16xi32>,
    %dma_start3A = arith.constant 0 : i32
    %dma_start3A_96 = arith.constant 0 : i32
    %dma_start3A_97 = tpu.memref_slice %arg7[%dma_start3A, %dma_start3A_96] : memref<3x80xi32, #tpu.memory_space<vmem>> -> memref<1x80xi32, #tpu.memory_space<vmem>>
    %dma_start3A_98 = tpu.memref_squeeze %dma_start3A_97 : memref<1x80xi32, #tpu.memory_space<vmem>> -> memref<80xi32, #tpu.memory_space<vmem>>
    %dma_start3A_99 = arith.constant 0 : i32
    %dma_start3A_100 = arith.constant 0 : i32
    %dma_start3A_101 = tpu.memref_slice %arg2[%dma_start3A_99, %dma_start3A_100] : memref<10000x128xbf16, #tpu.memory_space<hbm>> -> memref<10000x128xbf16, #tpu.memory_space<hbm>>
    tpu.enqueue_indirect_dma source(%dma_start3A_101 : memref<10000x128xbf16, #tpu.memory_space<hbm>>) target(%arg9 : memref<80x128xbf16, #tpu.memory_space<vmem>>) offsets(%dma_start3A_98 : memref<80xi32, #tpu.memory_space<vmem>>) semaphore(%arg13 : memref<!tpu.dma_semaphore, #tpu.memory_space<semaphore_mem>>)
    %get3A_102 = arith.constant 1 : i32
    %get3A_103 = arith.index_cast %get3A_102 : i32 to index
    %get3A_104 = arith.constant 0 : index
    %get3A_105 = tpu.vector_load %arg6[%get3A_103, %get3A_104] {strides = array<i32>} : memref<125x80xi32, #tpu.memory_space<vmem>>, vector<16xi32>,
    %and3A_106 = arith.andi %get3A_105, %broadcast_in_dim3A_14 : vector<16xi32>
    %swap3A_107 = arith.constant 1 : i32
    %swap3A_108 = arith.index_cast %swap3A_107 : i32 to index
    %swap3A_109 = arith.constant 0 : index
    %swap3A_110 = tpu.vector_load %arg7[%swap3A_108, %swap3A_109] {strides = array<i32>} : memref<3x80xi32, #tpu.memory_space<vmem>>, vector<16xi32>,
    tpu.vector_store %arg7[%swap3A_108, %swap3A_109], %and3A_106 {strides = array<i32>} : memref<3x80xi32, #tpu.memory_space<vmem>>, vector<16xi32>,
    %broadcast_in_dim3A_111 = arith.constant 14 : i32
    %broadcast_in_dim3A_112 = vector.broadcast %broadcast_in_dim3A_111 : i32 to vector<16xi32>
    %shift_right_logical3A_113 = arith.shrui %get3A_105, %broadcast_in_dim3A_112 : vector<16xi32>
    %and3A_114 = arith.andi %shift_right_logical3A_113, %broadcast_in_dim3A_14 : vector<16xi32>
    %swap3A_115 = arith.constant 1 : i32
    %swap3A_116 = arith.index_cast %swap3A_115 : i32 to index
    %swap3A_117 = arith.constant 0 : index
    %swap3A_118 = tpu.vector_load %arg8[%swap3A_116, %swap3A_117] {strides = array<i32>} : memref<3x80xi32, #tpu.memory_space<vmem>>, vector<16xi32>,
    tpu.vector_store %arg8[%swap3A_116, %swap3A_117], %and3A_114 {strides = array<i32>} : memref<3x80xi32, #tpu.memory_space<vmem>>, vector<16xi32>,
    %get3A_119 = arith.constant 1 : i32
    %get3A_120 = arith.index_cast %get3A_119 : i32 to index
    %get3A_121 = arith.constant 16 : index
    %get3A_122 = tpu.vector_load %arg6[%get3A_120, %get3A_121] {strides = array<i32>} : memref<125x80xi32, #tpu.memory_space<vmem>>, vector<16xi32>,
    %and3A_123 = arith.andi %get3A_122, %broadcast_in_dim3A_14 : vector<16xi32>
    %swap3A_124 = arith.constant 1 : i32
    %swap3A_125 = arith.index_cast %swap3A_124 : i32 to index
    %swap3A_126 = arith.constant 16 : index
    %swap3A_127 = tpu.vector_load %arg7[%swap3A_125, %swap3A_126] {strides = array<i32>} : memref<3x80xi32, #tpu.memory_space<vmem>>, vector<16xi32>,
    tpu.vector_store %arg7[%swap3A_125, %swap3A_126], %and3A_123 {strides = array<i32>} : memref<3x80xi32, #tpu.memory_space<vmem>>, vector<16xi32>,
    %broadcast_in_dim3A_128 = arith.constant 14 : i32
    %broadcast_in_dim3A_129 = vector.broadcast %broadcast_in_dim3A_128 : i32 to vector<16xi32>
    %shift_right_logical3A_130 = arith.shrui %get3A_122, %broadcast_in_dim3A_129 : vector<16xi32>
    %and3A_131 = arith.andi %shift_right_logical3A_130, %broadcast_in_dim3A_14 : vector<16xi32>
    %swap3A_132 = arith.constant 1 : i32
    %swap3A_133 = arith.index_cast %swap3A_132 : i32 to index
    %swap3A_134 = arith.constant 16 : index
    %swap3A_135 = tpu.vector_load %arg8[%swap3A_133, %swap3A_134] {strides = array<i32>} : memref<3x80xi32, #tpu.memory_space<vmem>>, vector<16xi32>,
    tpu.vector_store %arg8[%swap3A_133, %swap3A_134], %and3A_131 {strides = array<i32>} : memref<3x80xi32, #tpu.memory_space<vmem>>, vector<16xi32>,
    %get3A_136 = arith.constant 1 : i32
    %get3A_137 = arith.index_cast %get3A_136 : i32 to index
    %get3A_138 = arith.constant 32 : index
    %get3A_139 = tpu.vector_load %arg6[%get3A_137, %get3A_138] {strides = array<i32>} : memref<125x80xi32, #tpu.memory_space<vmem>>, vector<16xi32>,
    %and3A_140 = arith.andi %get3A_139, %broadcast_in_dim3A_14 : vector<16xi32>
    %swap3A_141 = arith.constant 1 : i32
    %swap3A_142 = arith.index_cast %swap3A_141 : i32 to index
    %swap3A_143 = arith.constant 32 : index
    %swap3A_144 = tpu.vector_load %arg7[%swap3A_142, %swap3A_143] {strides = array<i32>} : memref<3x80xi32, #tpu.memory_space<vmem>>, vector<16xi32>,
    tpu.vector_store %arg7[%swap3A_142, %swap3A_143], %and3A_140 {strides = array<i32>} : memref<3x80xi32, #tpu.memory_space<vmem>>, vector<16xi32>,
    %broadcast_in_dim3A_145 = arith.constant 14 : i32
    %broadcast_in_dim3A_146 = vector.broadcast %broadcast_in_dim3A_145 : i32 to vector<16xi32>
    %shift_right_logical3A_147 = arith.shrui %get3A_139, %broadcast_in_dim3A_146 : vector<16xi32>
    %and3A_148 = arith.andi %shift_right_logical3A_147, %broadcast_in_dim3A_14 : vector<16xi32>
    %swap3A_149 = arith.constant 1 : i32
    %swap3A_150 = arith.index_cast %swap3A_149 : i32 to index
    %swap3A_151 = arith.constant 32 : index
    %swap3A_152 = tpu.vector_load %arg8[%swap3A_150, %swap3A_151] {strides = array<i32>} : memref<3x80xi32, #tpu.memory_space<vmem>>, vector<16xi32>,
    tpu.vector_store %arg8[%swap3A_150, %swap3A_151], %and3A_148 {strides = array<i32>} : memref<3x80xi32, #tpu.memory_space<vmem>>, vector<16xi32>,
    %get3A_153 = arith.constant 1 : i32
    %get3A_154 = arith.index_cast %get3A_153 : i32 to index
    %get3A_155 = arith.constant 48 : index
    %get3A_156 = tpu.vector_load %arg6[%get3A_154, %get3A_155] {strides = array<i32>} : memref<125x80xi32, #tpu.memory_space<vmem>>, vector<16xi32>,
    %and3A_157 = arith.andi %get3A_156, %broadcast_in_dim3A_14 : vector<16xi32>
    %swap3A_158 = arith.constant 1 : i32
    %swap3A_159 = arith.index_cast %swap3A_158 : i32 to index
    %swap3A_160 = arith.constant 48 : index
    %swap3A_161 = tpu.vector_load %arg7[%swap3A_159, %swap3A_160] {strides = array<i32>} : memref<3x80xi32, #tpu.memory_space<vmem>>, vector<16xi32>,
    tpu.vector_store %arg7[%swap3A_159, %swap3A_160], %and3A_157 {strides = array<i32>} : memref<3x80xi32, #tpu.memory_space<vmem>>, vector<16xi32>,
    %broadcast_in_dim3A_162 = arith.constant 14 : i32
    %broadcast_in_dim3A_163 = vector.broadcast %broadcast_in_dim3A_162 : i32 to vector<16xi32>
    %shift_right_logical3A_164 = arith.shrui %get3A_156, %broadcast_in_dim3A_163 : vector<16xi32>
    %and3A_165 = arith.andi %shift_right_logical3A_164, %broadcast_in_dim3A_14 : vector<16xi32>
    %swap3A_166 = arith.constant 1 : i32
    %swap3A_167 = arith.index_cast %swap3A_166 : i32 to index
    %swap3A_168 = arith.constant 48 : index
    %swap3A_169 = tpu.vector_load %arg8[%swap3A_167, %swap3A_168] {strides = array<i32>} : memref<3x80xi32, #tpu.memory_space<vmem>>, vector<16xi32>,
    tpu.vector_store %arg8[%swap3A_167, %swap3A_168], %and3A_165 {strides = array<i32>} : memref<3x80xi32, #tpu.memory_space<vmem>>, vector<16xi32>,
    %get3A_170 = arith.constant 1 : i32
    %get3A_171 = arith.index_cast %get3A_170 : i32 to index
    %get3A_172 = arith.constant 64 : index
    %get3A_173 = tpu.vector_load %arg6[%get3A_171, %get3A_172] {strides = array<i32>} : memref<125x80xi32, #tpu.memory_space<vmem>>, vector<16xi32>,
    %and3A_174 = arith.andi %get3A_173, %broadcast_in_dim3A_14 : vector<16xi32>
    %swap3A_175 = arith.constant 1 : i32
    %swap3A_176 = arith.index_cast %swap3A_175 : i32 to index
    %swap3A_177 = arith.constant 64 : index
    %swap3A_178 = tpu.vector_load %arg7[%swap3A_176, %swap3A_177] {strides = array<i32>} : memref<3x80xi32, #tpu.memory_space<vmem>>, vector<16xi32>,
    tpu.vector_store %arg7[%swap3A_176, %swap3A_177], %and3A_174 {strides = array<i32>} : memref<3x80xi32, #tpu.memory_space<vmem>>, vector<16xi32>,
    %broadcast_in_dim3A_179 = arith.constant 14 : i32
    %broadcast_in_dim3A_180 = vector.broadcast %broadcast_in_dim3A_179 : i32 to vector<16xi32>
    %shift_right_logical3A_181 = arith.shrui %get3A_173, %broadcast_in_dim3A_180 : vector<16xi32>
    %and3A_182 = arith.andi %shift_right_logical3A_181, %broadcast_in_dim3A_14 : vector<16xi32>
    %swap3A_183 = arith.constant 1 : i32
    %swap3A_184 = arith.index_cast %swap3A_183 : i32 to index
    %swap3A_185 = arith.constant 64 : index
    %swap3A_186 = tpu.vector_load %arg8[%swap3A_184, %swap3A_185] {strides = array<i32>} : memref<3x80xi32, #tpu.memory_space<vmem>>, vector<16xi32>,
    tpu.vector_store %arg8[%swap3A_184, %swap3A_185], %and3A_182 {strides = array<i32>} : memref<3x80xi32, #tpu.memory_space<vmem>>, vector<16xi32>,
    %dma_start3A_187 = arith.constant 1 : i32
    %dma_start3A_188 = arith.constant 0 : i32
    %dma_start3A_189 = tpu.memref_slice %arg7[%dma_start3A_187, %dma_start3A_188] : memref<3x80xi32, #tpu.memory_space<vmem>> -> memref<1x80xi32, #tpu.memory_space<vmem>>
    %dma_start3A_190 = tpu.memref_squeeze %dma_start3A_189 : memref<1x80xi32, #tpu.memory_space<vmem>> -> memref<80xi32, #tpu.memory_space<vmem>>
    %dma_start3A_191 = arith.constant 0 : i32
    %dma_start3A_192 = arith.constant 0 : i32
    %dma_start3A_193 = tpu.memref_slice %arg2[%dma_start3A_191, %dma_start3A_192] : memref<10000x128xbf16, #tpu.memory_space<hbm>> -> memref<10000x128xbf16, #tpu.memory_space<hbm>>
    tpu.enqueue_indirect_dma source(%dma_start3A_193 : memref<10000x128xbf16, #tpu.memory_space<hbm>>) target(%arg10 : memref<80x128xbf16, #tpu.memory_space<vmem>>) offsets(%dma_start3A_190 : memref<80xi32, #tpu.memory_space<vmem>>) semaphore(%arg14 : memref<!tpu.dma_semaphore, #tpu.memory_space<semaphore_mem>>)
    %dma_wait3A = arith.constant 0 : i32
    %dma_wait3A_194 = arith.constant 0 : i32
    %dma_wait3A_195 = tpu.memref_slice %arg2[%dma_wait3A, %dma_wait3A_194] : memref<10000x128xbf16, #tpu.memory_space<hbm>> -> memref<80x128xbf16, #tpu.memory_space<hbm>>
    %dma_wait3A_196 = arith.constant 0 : i32
    %dma_wait3A_197 = arith.constant 0 : i32
    %dma_wait3A_198 = tpu.memref_slice %arg2[%dma_wait3A_196, %dma_wait3A_197] : memref<10000x128xbf16, #tpu.memory_space<hbm>> -> memref<80x128xbf16, #tpu.memory_space<hbm>>
    tpu.wait_dma2 semaphore(%arg13 : memref<!tpu.dma_semaphore, #tpu.memory_space<semaphore_mem>>) src(%dma_wait3A_198 : memref<80x128xbf16, #tpu.memory_space<hbm>>) dst(%arg9 : memref<80x128xbf16, #tpu.memory_space<vmem>>)
    %dma_start3A_199 = arith.constant 0 : i32
    %dma_start3A_200 = arith.constant 0 : i32
    %dma_start3A_201 = tpu.memref_slice %arg8[%dma_start3A_199, %dma_start3A_200] : memref<3x80xi32, #tpu.memory_space<vmem>> -> memref<1x80xi32, #tpu.memory_space<vmem>>
    %dma_start3A_202 = tpu.memref_squeeze %dma_start3A_201 : memref<1x80xi32, #tpu.memory_space<vmem>> -> memref<80xi32, #tpu.memory_space<vmem>>
    %dma_start3A_203 = arith.constant 0 : i32
    %dma_start3A_204 = arith.constant 0 : i32
    %dma_start3A_205 = tpu.memref_slice %arg19[%dma_start3A_203, %dma_start3A_204] : memref<10240x128xbf16, #tpu.memory_space<vmem_shared>> -> memref<10240x128xbf16, #tpu.memory_space<vmem_shared>>
    tpu.enqueue_indirect_dma source(%arg9 : memref<80x128xbf16, #tpu.memory_space<vmem>>) target(%dma_start3A_205 : memref<10240x128xbf16, #tpu.memory_space<vmem_shared>>) offsets(%dma_start3A_202 : memref<80xi32, #tpu.memory_space<vmem>>) semaphore(%arg16 : memref<!tpu.dma_semaphore, #tpu.memory_space<semaphore_mem>>) {add = true}
    %get3A_206 = arith.constant 2 : i32
    %get3A_207 = arith.index_cast %get3A_206 : i32 to index
    %get3A_208 = arith.constant 0 : index
    %get3A_209 = tpu.vector_load %arg6[%get3A_207, %get3A_208] {strides = array<i32>} : memref<125x80xi32, #tpu.memory_space<vmem>>, vector<16xi32>,
    %and3A_210 = arith.andi %get3A_209, %broadcast_in_dim3A_14 : vector<16xi32>
    %swap3A_211 = arith.constant 2 : i32
    %swap3A_212 = arith.index_cast %swap3A_211 : i32 to index
    %swap3A_213 = arith.constant 0 : index
    %swap3A_214 = tpu.vector_load %arg7[%swap3A_212, %swap3A_213] {strides = array<i32>} : memref<3x80xi32, #tpu.memory_space<vmem>>, vector<16xi32>,
    tpu.vector_store %arg7[%swap3A_212, %swap3A_213], %and3A_210 {strides = array<i32>} : memref<3x80xi32, #tpu.memory_space<vmem>>, vector<16xi32>,
    %broadcast_in_dim3A_215 = arith.constant 14 : i32
    %broadcast_in_dim3A_216 = vector.broadcast %broadcast_in_dim3A_215 : i32 to vector<16xi32>
    %shift_right_logical3A_217 = arith.shrui %get3A_209, %broadcast_in_dim3A_216 : vector<16xi32>
    %and3A_218 = arith.andi %shift_right_logical3A_217, %broadcast_in_dim3A_14 : vector<16xi32>
    %swap3A_219 = arith.constant 2 : i32
    %swap3A_220 = arith.index_cast %swap3A_219 : i32 to index
    %swap3A_221 = arith.constant 0 : index
    %swap3A_222 = tpu.vector_load %arg8[%swap3A_220, %swap3A_221] {strides = array<i32>} : memref<3x80xi32, #tpu.memory_space<vmem>>, vector<16xi32>,
    tpu.vector_store %arg8[%swap3A_220, %swap3A_221], %and3A_218 {strides = array<i32>} : memref<3x80xi32, #tpu.memory_space<vmem>>, vector<16xi32>,
    %get3A_223 = arith.constant 2 : i32
    %get3A_224 = arith.index_cast %get3A_223 : i32 to index
    %get3A_225 = arith.constant 16 : index
    %get3A_226 = tpu.vector_load %arg6[%get3A_224, %get3A_225] {strides = array<i32>} : memref<125x80xi32, #tpu.memory_space<vmem>>, vector<16xi32>,
    %and3A_227 = arith.andi %get3A_226, %broadcast_in_dim3A_14 : vector<16xi32>
    %swap3A_228 = arith.constant 2 : i32
    %swap3A_229 = arith.index_cast %swap3A_228 : i32 to index
    %swap3A_230 = arith.constant 16 : index
    %swap3A_231 = tpu.vector_load %arg7[%swap3A_229, %swap3A_230] {strides = array<i32>} : memref<3x80xi32, #tpu.memory_space<vmem>>, vector<16xi32>,
    tpu.vector_store %arg7[%swap3A_229, %swap3A_230], %and3A_227 {strides = array<i32>} : memref<3x80xi32, #tpu.memory_space<vmem>>, vector<16xi32>,
    %broadcast_in_dim3A_232 = arith.constant 14 : i32
    %broadcast_in_dim3A_233 = vector.broadcast %broadcast_in_dim3A_232 : i32 to vector<16xi32>
    %shift_right_logical3A_234 = arith.shrui %get3A_226, %broadcast_in_dim3A_233 : vector<16xi32>
    %and3A_235 = arith.andi %shift_right_logical3A_234, %broadcast_in_dim3A_14 : vector<16xi32>
    %swap3A_236 = arith.constant 2 : i32
    %swap3A_237 = arith.index_cast %swap3A_236 : i32 to index
    %swap3A_238 = arith.constant 16 : index
    %swap3A_239 = tpu.vector_load %arg8[%swap3A_237, %swap3A_238] {strides = array<i32>} : memref<3x80xi32, #tpu.memory_space<vmem>>, vector<16xi32>,
    tpu.vector_store %arg8[%swap3A_237, %swap3A_238], %and3A_235 {strides = array<i32>} : memref<3x80xi32, #tpu.memory_space<vmem>>, vector<16xi32>,
    %get3A_240 = arith.constant 2 : i32
    %get3A_241 = arith.index_cast %get3A_240 : i32 to index
    %get3A_242 = arith.constant 32 : index
    %get3A_243 = tpu.vector_load %arg6[%get3A_241, %get3A_242] {strides = array<i32>} : memref<125x80xi32, #tpu.memory_space<vmem>>, vector<16xi32>,
    %and3A_244 = arith.andi %get3A_243, %broadcast_in_dim3A_14 : vector<16xi32>
    %swap3A_245 = arith.constant 2 : i32
    %swap3A_246 = arith.index_cast %swap3A_245 : i32 to index
    %swap3A_247 = arith.constant 32 : index
    %swap3A_248 = tpu.vector_load %arg7[%swap3A_246, %swap3A_247] {strides = array<i32>} : memref<3x80xi32, #tpu.memory_space<vmem>>, vector<16xi32>,
    tpu.vector_store %arg7[%swap3A_246, %swap3A_247], %and3A_244 {strides = array<i32>} : memref<3x80xi32, #tpu.memory_space<vmem>>, vector<16xi32>,
    %broadcast_in_dim3A_249 = arith.constant 14 : i32
    %broadcast_in_dim3A_250 = vector.broadcast %broadcast_in_dim3A_249 : i32 to vector<16xi32>
    %shift_right_logical3A_251 = arith.shrui %get3A_243, %broadcast_in_dim3A_250 : vector<16xi32>
    %and3A_252 = arith.andi %shift_right_logical3A_251, %broadcast_in_dim3A_14 : vector<16xi32>
    %swap3A_253 = arith.constant 2 : i32
    %swap3A_254 = arith.index_cast %swap3A_253 : i32 to index
    %swap3A_255 = arith.constant 32 : index
    %swap3A_256 = tpu.vector_load %arg8[%swap3A_254, %swap3A_255] {strides = array<i32>} : memref<3x80xi32, #tpu.memory_space<vmem>>, vector<16xi32>,
    tpu.vector_store %arg8[%swap3A_254, %swap3A_255], %and3A_252 {strides = array<i32>} : memref<3x80xi32, #tpu.memory_space<vmem>>, vector<16xi32>,
    %get3A_257 = arith.constant 2 : i32
    %get3A_258 = arith.index_cast %get3A_257 : i32 to index
    %get3A_259 = arith.constant 48 : index
    %get3A_260 = tpu.vector_load %arg6[%get3A_258, %get3A_259] {strides = array<i32>} : memref<125x80xi32, #tpu.memory_space<vmem>>, vector<16xi32>,
    %and3A_261 = arith.andi %get3A_260, %broadcast_in_dim3A_14 : vector<16xi32>
    %swap3A_262 = arith.constant 2 : i32
    %swap3A_263 = arith.index_cast %swap3A_262 : i32 to index
    %swap3A_264 = arith.constant 48 : index
    %swap3A_265 = tpu.vector_load %arg7[%swap3A_263, %swap3A_264] {strides = array<i32>} : memref<3x80xi32, #tpu.memory_space<vmem>>, vector<16xi32>,
    tpu.vector_store %arg7[%swap3A_263, %swap3A_264], %and3A_261 {strides = array<i32>} : memref<3x80xi32, #tpu.memory_space<vmem>>, vector<16xi32>,
    %broadcast_in_dim3A_266 = arith.constant 14 : i32
    %broadcast_in_dim3A_267 = vector.broadcast %broadcast_in_dim3A_266 : i32 to vector<16xi32>
    %shift_right_logical3A_268 = arith.shrui %get3A_260, %broadcast_in_dim3A_267 : vector<16xi32>
    %and3A_269 = arith.andi %shift_right_logical3A_268, %broadcast_in_dim3A_14 : vector<16xi32>
    %swap3A_270 = arith.constant 2 : i32
    %swap3A_271 = arith.index_cast %swap3A_270 : i32 to index
    %swap3A_272 = arith.constant 48 : index
    %swap3A_273 = tpu.vector_load %arg8[%swap3A_271, %swap3A_272] {strides = array<i32>} : memref<3x80xi32, #tpu.memory_space<vmem>>, vector<16xi32>,
    tpu.vector_store %arg8[%swap3A_271, %swap3A_272], %and3A_269 {strides = array<i32>} : memref<3x80xi32, #tpu.memory_space<vmem>>, vector<16xi32>,
    %get3A_274 = arith.constant 2 : i32
    %get3A_275 = arith.index_cast %get3A_274 : i32 to index
    %get3A_276 = arith.constant 64 : index
    %get3A_277 = tpu.vector_load %arg6[%get3A_275, %get3A_276] {strides = array<i32>} : memref<125x80xi32, #tpu.memory_space<vmem>>, vector<16xi32>,
    %and3A_278 = arith.andi %get3A_277, %broadcast_in_dim3A_14 : vector<16xi32>
    %swap3A_279 = arith.constant 2 : i32
    %swap3A_280 = arith.index_cast %swap3A_279 : i32 to index
    %swap3A_281 = arith.constant 64 : index
    %swap3A_282 = tpu.vector_load %arg7[%swap3A_280, %swap3A_281] {strides = array<i32>} : memref<3x80xi32, #tpu.memory_space<vmem>>, vector<16xi32>,
    tpu.vector_store %arg7[%swap3A_280, %swap3A_281], %and3A_278 {strides = array<i32>} : memref<3x80xi32, #tpu.memory_space<vmem>>, vector<16xi32>,
    %broadcast_in_dim3A_283 = arith.constant 14 : i32
    %broadcast_in_dim3A_284 = vector.broadcast %broadcast_in_dim3A_283 : i32 to vector<16xi32>
    %shift_right_logical3A_285 = arith.shrui %get3A_277, %broadcast_in_dim3A_284 : vector<16xi32>
    %and3A_286 = arith.andi %shift_right_logical3A_285, %broadcast_in_dim3A_14 : vector<16xi32>
    %swap3A_287 = arith.constant 2 : i32
    %swap3A_288 = arith.index_cast %swap3A_287 : i32 to index
    %swap3A_289 = arith.constant 64 : index
    %swap3A_290 = tpu.vector_load %arg8[%swap3A_288, %swap3A_289] {strides = array<i32>} : memref<3x80xi32, #tpu.memory_space<vmem>>, vector<16xi32>,
    tpu.vector_store %arg8[%swap3A_288, %swap3A_289], %and3A_286 {strides = array<i32>} : memref<3x80xi32, #tpu.memory_space<vmem>>, vector<16xi32>,
    %dma_start3A_291 = arith.constant 2 : i32
    %dma_start3A_292 = arith.constant 0 : i32
    %dma_start3A_293 = tpu.memref_slice %arg7[%dma_start3A_291, %dma_start3A_292] : memref<3x80xi32, #tpu.memory_space<vmem>> -> memref<1x80xi32, #tpu.memory_space<vmem>>
    %dma_start3A_294 = tpu.memref_squeeze %dma_start3A_293 : memref<1x80xi32, #tpu.memory_space<vmem>> -> memref<80xi32, #tpu.memory_space<vmem>>
    %dma_start3A_295 = arith.constant 0 : i32
    %dma_start3A_296 = arith.constant 0 : i32
    %dma_start3A_297 = tpu.memref_slice %arg2[%dma_start3A_295, %dma_start3A_296] : memref<10000x128xbf16, #tpu.memory_space<hbm>> -> memref<10000x128xbf16, #tpu.memory_space<hbm>>
    tpu.enqueue_indirect_dma source(%dma_start3A_297 : memref<10000x128xbf16, #tpu.memory_space<hbm>>) target(%arg11 : memref<80x128xbf16, #tpu.memory_space<vmem>>) offsets(%dma_start3A_294 : memref<80xi32, #tpu.memory_space<vmem>>) semaphore(%arg15 : memref<!tpu.dma_semaphore, #tpu.memory_space<semaphore_mem>>)
    %dma_wait3A_298 = arith.constant 0 : i32
    %dma_wait3A_299 = arith.constant 0 : i32
    %dma_wait3A_300 = tpu.memref_slice %arg2[%dma_wait3A_298, %dma_wait3A_299] : memref<10000x128xbf16, #tpu.memory_space<hbm>> -> memref<80x128xbf16, #tpu.memory_space<hbm>>
    %dma_wait3A_301 = arith.constant 0 : i32
    %dma_wait3A_302 = arith.constant 0 : i32
    %dma_wait3A_303 = tpu.memref_slice %arg2[%dma_wait3A_301, %dma_wait3A_302] : memref<10000x128xbf16, #tpu.memory_space<hbm>> -> memref<80x128xbf16, #tpu.memory_space<hbm>>
    tpu.wait_dma2 semaphore(%arg14 : memref<!tpu.dma_semaphore, #tpu.memory_space<semaphore_mem>>) src(%dma_wait3A_303 : memref<80x128xbf16, #tpu.memory_space<hbm>>) dst(%arg10 : memref<80x128xbf16, #tpu.memory_space<vmem>>)
    %dma_start3A_304 = arith.constant 1 : i32
    %dma_start3A_305 = arith.constant 0 : i32
    %dma_start3A_306 = tpu.memref_slice %arg8[%dma_start3A_304, %dma_start3A_305] : memref<3x80xi32, #tpu.memory_space<vmem>> -> memref<1x80xi32, #tpu.memory_space<vmem>>
    %dma_start3A_307 = tpu.memref_squeeze %dma_start3A_306 : memref<1x80xi32, #tpu.memory_space<vmem>> -> memref<80xi32, #tpu.memory_space<vmem>>
    %dma_start3A_308 = arith.constant 0 : i32
    %dma_start3A_309 = arith.constant 0 : i32
    %dma_start3A_310 = tpu.memref_slice %arg19[%dma_start3A_308, %dma_start3A_309] : memref<10240x128xbf16, #tpu.memory_space<vmem_shared>> -> memref<10240x128xbf16, #tpu.memory_space<vmem_shared>>
    tpu.enqueue_indirect_dma source(%arg10 : memref<80x128xbf16, #tpu.memory_space<vmem>>) target(%dma_start3A_310 : memref<10240x128xbf16, #tpu.memory_space<vmem_shared>>) offsets(%dma_start3A_307 : memref<80xi32, #tpu.memory_space<vmem>>) semaphore(%arg17 : memref<!tpu.dma_semaphore, #tpu.memory_space<semaphore_mem>>) {add = true}
    %dma_wait3A_311 = arith.constant 0 : i32
    %dma_wait3A_312 = arith.constant 0 : i32
    %dma_wait3A_313 = tpu.memref_slice %arg2[%dma_wait3A_311, %dma_wait3A_312] : memref<10000x128xbf16, #tpu.memory_space<hbm>> -> memref<80x128xbf16, #tpu.memory_space<hbm>>
    %dma_wait3A_314 = arith.constant 0 : i32
    %dma_wait3A_315 = arith.constant 0 : i32
    %dma_wait3A_316 = tpu.memref_slice %arg2[%dma_wait3A_314, %dma_wait3A_315] : memref<10000x128xbf16, #tpu.memory_space<hbm>> -> memref<80x128xbf16, #tpu.memory_space<hbm>>
    tpu.wait_dma2 semaphore(%arg16 : memref<!tpu.dma_semaphore, #tpu.memory_space<semaphore_mem>>) src(%dma_wait3A_316 : memref<80x128xbf16, #tpu.memory_space<hbm>>) dst(%arg9 : memref<80x128xbf16, #tpu.memory_space<vmem>>)
    %get3A_317 = arith.constant 3 : i32
    %get3A_318 = arith.index_cast %get3A_317 : i32 to index
    %get3A_319 = arith.constant 0 : index
    %get3A_320 = tpu.vector_load %arg6[%get3A_318, %get3A_319] {strides = array<i32>} : memref<125x80xi32, #tpu.memory_space<vmem>>, vector<16xi32>,
    %and3A_321 = arith.andi %get3A_320, %broadcast_in_dim3A_14 : vector<16xi32>
    %swap3A_322 = arith.constant 0 : i32
    %swap3A_323 = arith.index_cast %swap3A_322 : i32 to index
    %swap3A_324 = arith.constant 0 : index
    %swap3A_325 = tpu.vector_load %arg7[%swap3A_323, %swap3A_324] {strides = array<i32>} : memref<3x80xi32, #tpu.memory_space<vmem>>, vector<16xi32>,
    tpu.vector_store %arg7[%swap3A_323, %swap3A_324], %and3A_321 {strides = array<i32>} : memref<3x80xi32, #tpu.memory_space<vmem>>, vector<16xi32>,
    %broadcast_in_dim3A_326 = arith.constant 14 : i32
    %broadcast_in_dim3A_327 = vector.broadcast %broadcast_in_dim3A_326 : i32 to vector<16xi32>
    %shift_right_logical3A_328 = arith.shrui %get3A_320, %broadcast_in_dim3A_327 : vector<16xi32>
    %and3A_329 = arith.andi %shift_right_logical3A_328, %broadcast_in_dim3A_14 : vector<16xi32>
    %swap3A_330 = arith.constant 0 : i32
    %swap3A_331 = arith.index_cast %swap3A_330 : i32 to index
    %swap3A_332 = arith.constant 0 : index
    %swap3A_333 = tpu.vector_load %arg8[%swap3A_331, %swap3A_332] {strides = array<i32>} : memref<3x80xi32, #tpu.memory_space<vmem>>, vector<16xi32>,
    tpu.vector_store %arg8[%swap3A_331, %swap3A_332], %and3A_329 {strides = array<i32>} : memref<3x80xi32, #tpu.memory_space<vmem>>, vector<16xi32>,
    %get3A_334 = arith.constant 3 : i32
    %get3A_335 = arith.index_cast %get3A_334 : i32 to index
    %get3A_336 = arith.constant 16 : index
    %get3A_337 = tpu.vector_load %arg6[%get3A_335, %get3A_336] {strides = array<i32>} : memref<125x80xi32, #tpu.memory_space<vmem>>, vector<16xi32>,
    %and3A_338 = arith.andi %get3A_337, %broadcast_in_dim3A_14 : vector<16xi32>
    %swap3A_339 = arith.constant 0 : i32
    %swap3A_340 = arith.index_cast %swap3A_339 : i32 to index
    %swap3A_341 = arith.constant 16 : index
    %swap3A_342 = tpu.vector_load %arg7[%swap3A_340, %swap3A_341] {strides = array<i32>} : memref<3x80xi32, #tpu.memory_space<vmem>>, vector<16xi32>,
    tpu.vector_store %arg7[%swap3A_340, %swap3A_341], %and3A_338 {strides = array<i32>} : memref<3x80xi32, #tpu.memory_space<vmem>>, vector<16xi32>,
    %broadcast_in_dim3A_343 = arith.constant 14 : i32
    %broadcast_in_dim3A_344 = vector.broadcast %broadcast_in_dim3A_343 : i32 to vector<16xi32>
    %shift_right_logical3A_345 = arith.shrui %get3A_337, %broadcast_in_dim3A_344 : vector<16xi32>
    %and3A_346 = arith.andi %shift_right_logical3A_345, %broadcast_in_dim3A_14 : vector<16xi32>
    %swap3A_347 = arith.constant 0 : i32
    %swap3A_348 = arith.index_cast %swap3A_347 : i32 to index
    %swap3A_349 = arith.constant 16 : index
    %swap3A_350 = tpu.vector_load %arg8[%swap3A_348, %swap3A_349] {strides = array<i32>} : memref<3x80xi32, #tpu.memory_space<vmem>>, vector<16xi32>,
    tpu.vector_store %arg8[%swap3A_348, %swap3A_349], %and3A_346 {strides = array<i32>} : memref<3x80xi32, #tpu.memory_space<vmem>>, vector<16xi32>,
    %get3A_351 = arith.constant 3 : i32
    %get3A_352 = arith.index_cast %get3A_351 : i32 to index
    %get3A_353 = arith.constant 32 : index
    %get3A_354 = tpu.vector_load %arg6[%get3A_352, %get3A_353] {strides = array<i32>} : memref<125x80xi32, #tpu.memory_space<vmem>>, vector<16xi32>,
    %and3A_355 = arith.andi %get3A_354, %broadcast_in_dim3A_14 : vector<16xi32>
    %swap3A_356 = arith.constant 0 : i32
    %swap3A_357 = arith.index_cast %swap3A_356 : i32 to index
    %swap3A_358 = arith.constant 32 : index
    %swap3A_359 = tpu.vector_load %arg7[%swap3A_357, %swap3A_358] {strides = array<i32>} : memref<3x80xi32, #tpu.memory_space<vmem>>, vector<16xi32>,
    tpu.vector_store %arg7[%swap3A_357, %swap3A_358], %and3A_355 {strides = array<i32>} : memref<3x80xi32, #tpu.memory_space<vmem>>, vector<16xi32>,
    %broadcast_in_dim3A_360 = arith.constant 14 : i32
    %broadcast_in_dim3A_361 = vector.broadcast %broadcast_in_dim3A_360 : i32 to vector<16xi32>
    %shift_right_logical3A_362 = arith.shrui %get3A_354, %broadcast_in_dim3A_361 : vector<16xi32>
    %and3A_363 = arith.andi %shift_right_logical3A_362, %broadcast_in_dim3A_14 : vector<16xi32>
    %swap3A_364 = arith.constant 0 : i32
    %swap3A_365 = arith.index_cast %swap3A_364 : i32 to index
    %swap3A_366 = arith.constant 32 : index
    %swap3A_367 = tpu.vector_load %arg8[%swap3A_365, %swap3A_366] {strides = array<i32>} : memref<3x80xi32, #tpu.memory_space<vmem>>, vector<16xi32>,
    tpu.vector_store %arg8[%swap3A_365, %swap3A_366], %and3A_363 {strides = array<i32>} : memref<3x80xi32, #tpu.memory_space<vmem>>, vector<16xi32>,
    %get3A_368 = arith.constant 3 : i32
    %get3A_369 = arith.index_cast %get3A_368 : i32 to index
    %get3A_370 = arith.constant 48 : index
    %get3A_371 = tpu.vector_load %arg6[%get3A_369, %get3A_370] {strides = array<i32>} : memref<125x80xi32, #tpu.memory_space<vmem>>, vector<16xi32>,
    %and3A_372 = arith.andi %get3A_371, %broadcast_in_dim3A_14 : vector<16xi32>
    %swap3A_373 = arith.constant 0 : i32
    %swap3A_374 = arith.index_cast %swap3A_373 : i32 to index
    %swap3A_375 = arith.constant 48 : index
    %swap3A_376 = tpu.vector_load %arg7[%swap3A_374, %swap3A_375] {strides = array<i32>} : memref<3x80xi32, #tpu.memory_space<vmem>>, vector<16xi32>,
    tpu.vector_store %arg7[%swap3A_374, %swap3A_375], %and3A_372 {strides = array<i32>} : memref<3x80xi32, #tpu.memory_space<vmem>>, vector<16xi32>,
    %broadcast_in_dim3A_377 = arith.constant 14 : i32
    %broadcast_in_dim3A_378 = vector.broadcast %broadcast_in_dim3A_377 : i32 to vector<16xi32>
    %shift_right_logical3A_379 = arith.shrui %get3A_371, %broadcast_in_dim3A_378 : vector<16xi32>
    %and3A_380 = arith.andi %shift_right_logical3A_379, %broadcast_in_dim3A_14 : vector<16xi32>
    %swap3A_381 = arith.constant 0 : i32
    %swap3A_382 = arith.index_cast %swap3A_381 : i32 to index
    %swap3A_383 = arith.constant 48 : index
    %swap3A_384 = tpu.vector_load %arg8[%swap3A_382, %swap3A_383] {strides = array<i32>} : memref<3x80xi32, #tpu.memory_space<vmem>>, vector<16xi32>,
    tpu.vector_store %arg8[%swap3A_382, %swap3A_383], %and3A_380 {strides = array<i32>} : memref<3x80xi32, #tpu.memory_space<vmem>>, vector<16xi32>,
    %get3A_385 = arith.constant 3 : i32
    %get3A_386 = arith.index_cast %get3A_385 : i32 to index
    %get3A_387 = arith.constant 64 : index
    %get3A_388 = tpu.vector_load %arg6[%get3A_386, %get3A_387] {strides = array<i32>} : memref<125x80xi32, #tpu.memory_space<vmem>>, vector<16xi32>,
    %and3A_389 = arith.andi %get3A_388, %broadcast_in_dim3A_14 : vector<16xi32>
    %swap3A_390 = arith.constant 0 : i32
    %swap3A_391 = arith.index_cast %swap3A_390 : i32 to index
    %swap3A_392 = arith.constant 64 : index
    %swap3A_393 = tpu.vector_load %arg7[%swap3A_391, %swap3A_392] {strides = array<i32>} : memref<3x80xi32, #tpu.memory_space<vmem>>, vector<16xi32>,
    tpu.vector_store %arg7[%swap3A_391, %swap3A_392], %and3A_389 {strides = array<i32>} : memref<3x80xi32, #tpu.memory_space<vmem>>, vector<16xi32>,
    %broadcast_in_dim3A_394 = arith.constant 14 : i32
    %broadcast_in_dim3A_395 = vector.broadcast %broadcast_in_dim3A_394 : i32 to vector<16xi32>
    %shift_right_logical3A_396 = arith.shrui %get3A_388, %broadcast_in_dim3A_395 : vector<16xi32>
    %and3A_397 = arith.andi %shift_right_logical3A_396, %broadcast_in_dim3A_14 : vector<16xi32>
    %swap3A_398 = arith.constant 0 : i32
    %swap3A_399 = arith.index_cast %swap3A_398 : i32 to index
    %swap3A_400 = arith.constant 64 : index
    %swap3A_401 = tpu.vector_load %arg8[%swap3A_399, %swap3A_400] {strides = array<i32>} : memref<3x80xi32, #tpu.memory_space<vmem>>, vector<16xi32>,
    tpu.vector_store %arg8[%swap3A_399, %swap3A_400], %and3A_397 {strides = array<i32>} : memref<3x80xi32, #tpu.memory_space<vmem>>, vector<16xi32>,
    %dma_start3A_402 = arith.constant 0 : i32
    %dma_start3A_403 = arith.constant 0 : i32
    %dma_start3A_404 = tpu.memref_slice %arg7[%dma_start3A_402, %dma_start3A_403] : memref<3x80xi32, #tpu.memory_space<vmem>> -> memref<1x80xi32, #tpu.memory_space<vmem>>
    %dma_start3A_405 = tpu.memref_squeeze %dma_start3A_404 : memref<1x80xi32, #tpu.memory_space<vmem>> -> memref<80xi32, #tpu.memory_space<vmem>>
    %dma_start3A_406 = arith.constant 0 : i32
    %dma_start3A_407 = arith.constant 0 : i32
    %dma_start3A_408 = tpu.memref_slice %arg2[%dma_start3A_406, %dma_start3A_407] : memref<10000x128xbf16, #tpu.memory_space<hbm>> -> memref<10000x128xbf16, #tpu.memory_space<hbm>>
    tpu.enqueue_indirect_dma source(%dma_start3A_408 : memref<10000x128xbf16, #tpu.memory_space<hbm>>) target(%arg9 : memref<80x128xbf16, #tpu.memory_space<vmem>>) offsets(%dma_start3A_405 : memref<80xi32, #tpu.memory_space<vmem>>) semaphore(%arg13 : memref<!tpu.dma_semaphore, #tpu.memory_space<semaphore_mem>>)
    %dma_wait3A_409 = arith.constant 0 : i32
    %dma_wait3A_410 = arith.constant 0 : i32
    %dma_wait3A_411 = tpu.memref_slice %arg2[%dma_wait3A_409, %dma_wait3A_410] : memref<10000x128xbf16, #tpu.memory_space<hbm>> -> memref<80x128xbf16, #tpu.memory_space<hbm>>
    %dma_wait3A_412 = arith.constant 0 : i32
    %dma_wait3A_413 = arith.constant 0 : i32
    %dma_wait3A_414 = tpu.memref_slice %arg2[%dma_wait3A_412, %dma_wait3A_413] : memref<10000x128xbf16, #tpu.memory_space<hbm>> -> memref<80x128xbf16, #tpu.memory_space<hbm>>
    tpu.wait_dma2 semaphore(%arg15 : memref<!tpu.dma_semaphore, #tpu.memory_space<semaphore_mem>>) src(%dma_wait3A_414 : memref<80x128xbf16, #tpu.memory_space<hbm>>) dst(%arg11 : memref<80x128xbf16, #tpu.memory_space<vmem>>)
    %dma_start3A_415 = arith.constant 2 : i32
    %dma_start3A_416 = arith.constant 0 : i32
    %dma_start3A_417 = tpu.memref_slice %arg8[%dma_start3A_415, %dma_start3A_416] : memref<3x80xi32, #tpu.memory_space<vmem>> -> memref<1x80xi32, #tpu.memory_space<vmem>>
    %dma_start3A_418 = tpu.memref_squeeze %dma_start3A_417 : memref<1x80xi32, #tpu.memory_space<vmem>> -> memref<80xi32, #tpu.memory_space<vmem>>
    %dma_start3A_419 = arith.constant 0 : i32
    %dma_start3A_420 = arith.constant 0 : i32
    %dma_start3A_421 = tpu.memref_slice %arg19[%dma_start3A_419, %dma_start3A_420] : memref<10240x128xbf16, #tpu.memory_space<vmem_shared>> -> memref<10240x128xbf16, #tpu.memory_space<vmem_shared>>
    tpu.enqueue_indirect_dma source(%arg11 : memref<80x128xbf16, #tpu.memory_space<vmem>>) target(%dma_start3A_421 : memref<10240x128xbf16, #tpu.memory_space<vmem_shared>>) offsets(%dma_start3A_418 : memref<80xi32, #tpu.memory_space<vmem>>) semaphore(%arg18 : memref<!tpu.dma_semaphore, #tpu.memory_space<semaphore_mem>>) {add = true}
    %dma_wait3A_422 = arith.constant 0 : i32
    %dma_wait3A_423 = arith.constant 0 : i32
    %dma_wait3A_424 = tpu.memref_slice %arg2[%dma_wait3A_422, %dma_wait3A_423] : memref<10000x128xbf16, #tpu.memory_space<hbm>> -> memref<80x128xbf16, #tpu.memory_space<hbm>>
    %dma_wait3A_425 = arith.constant 0 : i32
    %dma_wait3A_426 = arith.constant 0 : i32
    %dma_wait3A_427 = tpu.memref_slice %arg2[%dma_wait3A_425, %dma_wait3A_426] : memref<10000x128xbf16, #tpu.memory_space<hbm>> -> memref<80x128xbf16, #tpu.memory_space<hbm>>
    tpu.wait_dma2 semaphore(%arg17 : memref<!tpu.dma_semaphore, #tpu.memory_space<semaphore_mem>>) src(%dma_wait3A_427 : memref<80x128xbf16, #tpu.memory_space<hbm>>) dst(%arg10 : memref<80x128xbf16, #tpu.memory_space<vmem>>)
    %get3A_428 = arith.constant 4 : i32
    %get3A_429 = arith.index_cast %get3A_428 : i32 to index
    %get3A_430 = arith.constant 0 : index
    %get3A_431 = tpu.vector_load %arg6[%get3A_429, %get3A_430] {strides = array<i32>} : memref<125x80xi32, #tpu.memory_space<vmem>>, vector<16xi32>,
    %and3A_432 = arith.andi %get3A_431, %broadcast_in_dim3A_14 : vector<16xi32>
    %swap3A_433 = arith.constant 1 : i32
    %swap3A_434 = arith.index_cast %swap3A_433 : i32 to index
    %swap3A_435 = arith.constant 0 : index
    %swap3A_436 = tpu.vector_load %arg7[%swap3A_434, %swap3A_435] {strides = array<i32>} : memref<3x80xi32, #tpu.memory_space<vmem>>, vector<16xi32>,
    tpu.vector_store %arg7[%swap3A_434, %swap3A_435], %and3A_432 {strides = array<i32>} : memref<3x80xi32, #tpu.memory_space<vmem>>, vector<16xi32>,
    %broadcast_in_dim3A_437 = arith.constant 14 : i32
    %broadcast_in_dim3A_438 = vector.broadcast %broadcast_in_dim3A_437 : i32 to vector<16xi32>
    %shift_right_logical3A_439 = arith.shrui %get3A_431, %broadcast_in_dim3A_438 : vector<16xi32>
    %and3A_440 = arith.andi %shift_right_logical3A_439, %broadcast_in_dim3A_14 : vector<16xi32>
    %swap3A_441 = arith.constant 1 : i32
    %swap3A_442 = arith.index_cast %swap3A_441 : i32 to index
    %swap3A_443 = arith.constant 0 : index
    %swap3A_444 = tpu.vector_load %arg8[%swap3A_442, %swap3A_443] {strides = array<i32>} : memref<3x80xi32, #tpu.memory_space<vmem>>, vector<16xi32>,
    tpu.vector_store %arg8[%swap3A_442, %swap3A_443], %and3A_440 {strides = array<i32>} : memref<3x80xi32, #tpu.memory_space<vmem>>, vector<16xi32>,
    %get3A_445 = arith.constant 4 : i32
    %get3A_446 = arith.index_cast %get3A_445 : i32 to index
    %get3A_447 = arith.constant 16 : index
    %get3A_448 = tpu.vector_load %arg6[%get3A_446, %get3A_447] {strides = array<i32>} : memref<125x80xi32, #tpu.memory_space<vmem>>, vector<16xi32>,
    %and3A_449 = arith.andi %get3A_448, %broadcast_in_dim3A_14 : vector<16xi32>
    %swap3A_450 = arith.constant 1 : i32
    %swap3A_451 = arith.index_cast %swap3A_450 : i32 to index
    %swap3A_452 = arith.constant 16 : index
    %swap3A_453 = tpu.vector_load %arg7[%swap3A_451, %swap3A_452] {strides = array<i32>} : memref<3x80xi32, #tpu.memory_space<vmem>>, vector<16xi32>,
    tpu.vector_store %arg7[%swap3A_451, %swap3A_452], %and3A_449 {strides = array<i32>} : memref<3x80xi32, #tpu.memory_space<vmem>>, vector<16xi32>,
    %broadcast_in_dim3A_454 = arith.constant 14 : i32
    %broadcast_in_dim3A_455 = vector.broadcast %broadcast_in_dim3A_454 : i32 to vector<16xi32>
    %shift_right_logical3A_456 = arith.shrui %get3A_448, %broadcast_in_dim3A_455 : vector<16xi32>
    %and3A_457 = arith.andi %shift_right_logical3A_456, %broadcast_in_dim3A_14 : vector<16xi32>
    %swap3A_458 = arith.constant 1 : i32
    %swap3A_459 = arith.index_cast %swap3A_458 : i32 to index
    %swap3A_460 = arith.constant 16 : index
    %swap3A_461 = tpu.vector_load %arg8[%swap3A_459, %swap3A_460] {strides = array<i32>} : memref<3x80xi32, #tpu.memory_space<vmem>>, vector<16xi32>,
    tpu.vector_store %arg8[%swap3A_459, %swap3A_460], %and3A_457 {strides = array<i32>} : memref<3x80xi32, #tpu.memory_space<vmem>>, vector<16xi32>,
    %get3A_462 = arith.constant 4 : i32
    %get3A_463 = arith.index_cast %get3A_462 : i32 to index
    %get3A_464 = arith.constant 32 : index
    %get3A_465 = tpu.vector_load %arg6[%get3A_463, %get3A_464] {strides = array<i32>} : memref<125x80xi32, #tpu.memory_space<vmem>>, vector<16xi32>,
    %and3A_466 = arith.andi %get3A_465, %broadcast_in_dim3A_14 : vector<16xi32>
    %swap3A_467 = arith.constant 1 : i32
    %swap3A_468 = arith.index_cast %swap3A_467 : i32 to index
    %swap3A_469 = arith.constant 32 : index
    %swap3A_470 = tpu.vector_load %arg7[%swap3A_468, %swap3A_469] {strides = array<i32>} : memref<3x80xi32, #tpu.memory_space<vmem>>, vector<16xi32>,
    tpu.vector_store %arg7[%swap3A_468, %swap3A_469], %and3A_466 {strides = array<i32>} : memref<3x80xi32, #tpu.memory_space<vmem>>, vector<16xi32>,
    %broadcast_in_dim3A_471 = arith.constant 14 : i32
    %broadcast_in_dim3A_472 = vector.broadcast %broadcast_in_dim3A_471 : i32 to vector<16xi32>
    %shift_right_logical3A_473 = arith.shrui %get3A_465, %broadcast_in_dim3A_472 : vector<16xi32>
    %and3A_474 = arith.andi %shift_right_logical3A_473, %broadcast_in_dim3A_14 : vector<16xi32>
    %swap3A_475 = arith.constant 1 : i32
    %swap3A_476 = arith.index_cast %swap3A_475 : i32 to index
    %swap3A_477 = arith.constant 32 : index
    %swap3A_478 = tpu.vector_load %arg8[%swap3A_476, %swap3A_477] {strides = array<i32>} : memref<3x80xi32, #tpu.memory_space<vmem>>, vector<16xi32>,
    tpu.vector_store %arg8[%swap3A_476, %swap3A_477], %and3A_474 {strides = array<i32>} : memref<3x80xi32, #tpu.memory_space<vmem>>, vector<16xi32>,
    %get3A_479 = arith.constant 4 : i32
    %get3A_480 = arith.index_cast %get3A_479 : i32 to index
    %get3A_481 = arith.constant 48 : index
    %get3A_482 = tpu.vector_load %arg6[%get3A_480, %get3A_481] {strides = array<i32>} : memref<125x80xi32, #tpu.memory_space<vmem>>, vector<16xi32>,
    %and3A_483 = arith.andi %get3A_482, %broadcast_in_dim3A_14 : vector<16xi32>
    %swap3A_484 = arith.constant 1 : i32
    %swap3A_485 = arith.index_cast %swap3A_484 : i32 to index
    %swap3A_486 = arith.constant 48 : index
    %swap3A_487 = tpu.vector_load %arg7[%swap3A_485, %swap3A_486] {strides = array<i32>} : memref<3x80xi32, #tpu.memory_space<vmem>>, vector<16xi32>,
    tpu.vector_store %arg7[%swap3A_485, %swap3A_486], %and3A_483 {strides = array<i32>} : memref<3x80xi32, #tpu.memory_space<vmem>>, vector<16xi32>,
    %broadcast_in_dim3A_488 = arith.constant 14 : i32
    %broadcast_in_dim3A_489 = vector.broadcast %broadcast_in_dim3A_488 : i32 to vector<16xi32>
    %shift_right_logical3A_490 = arith.shrui %get3A_482, %broadcast_in_dim3A_489 : vector<16xi32>
    %and3A_491 = arith.andi %shift_right_logical3A_490, %broadcast_in_dim3A_14 : vector<16xi32>
    %swap3A_492 = arith.constant 1 : i32
    %swap3A_493 = arith.index_cast %swap3A_492 : i32 to index
    %swap3A_494 = arith.constant 48 : index
    %swap3A_495 = tpu.vector_load %arg8[%swap3A_493, %swap3A_494] {strides = array<i32>} : memref<3x80xi32, #tpu.memory_space<vmem>>, vector<16xi32>,
    tpu.vector_store %arg8[%swap3A_493, %swap3A_494], %and3A_491 {strides = array<i32>} : memref<3x80xi32, #tpu.memory_space<vmem>>, vector<16xi32>,
    %get3A_496 = arith.constant 4 : i32
    %get3A_497 = arith.index_cast %get3A_496 : i32 to index
    %get3A_498 = arith.constant 64 : index
    %get3A_499 = tpu.vector_load %arg6[%get3A_497, %get3A_498] {strides = array<i32>} : memref<125x80xi32, #tpu.memory_space<vmem>>, vector<16xi32>,
    %and3A_500 = arith.andi %get3A_499, %broadcast_in_dim3A_14 : vector<16xi32>
    %swap3A_501 = arith.constant 1 : i32
    %swap3A_502 = arith.index_cast %swap3A_501 : i32 to index
    %swap3A_503 = arith.constant 64 : index
    %swap3A_504 = tpu.vector_load %arg7[%swap3A_502, %swap3A_503] {strides = array<i32>} : memref<3x80xi32, #tpu.memory_space<vmem>>, vector<16xi32>,
    tpu.vector_store %arg7[%swap3A_502, %swap3A_503], %and3A_500 {strides = array<i32>} : memref<3x80xi32, #tpu.memory_space<vmem>>, vector<16xi32>,
    %broadcast_in_dim3A_505 = arith.constant 14 : i32
    %broadcast_in_dim3A_506 = vector.broadcast %broadcast_in_dim3A_505 : i32 to vector<16xi32>
    %shift_right_logical3A_507 = arith.shrui %get3A_499, %broadcast_in_dim3A_506 : vector<16xi32>
    %and3A_508 = arith.andi %shift_right_logical3A_507, %broadcast_in_dim3A_14 : vector<16xi32>
    %swap3A_509 = arith.constant 1 : i32
    %swap3A_510 = arith.index_cast %swap3A_509 : i32 to index
    %swap3A_511 = arith.constant 64 : index
    %swap3A_512 = tpu.vector_load %arg8[%swap3A_510, %swap3A_511] {strides = array<i32>} : memref<3x80xi32, #tpu.memory_space<vmem>>, vector<16xi32>,
    tpu.vector_store %arg8[%swap3A_510, %swap3A_511], %and3A_508 {strides = array<i32>} : memref<3x80xi32, #tpu.memory_space<vmem>>, vector<16xi32>,
    %dma_start3A_513 = arith.constant 1 : i32
    %dma_start3A_514 = arith.constant 0 : i32
    %dma_start3A_515 = tpu.memref_slice %arg7[%dma_start3A_513, %dma_start3A_514] : memref<3x80xi32, #tpu.memory_space<vmem>> -> memref<1x80xi32, #tpu.memory_space<vmem>>
    %dma_start3A_516 = tpu.memref_squeeze %dma_start3A_515 : memref<1x80xi32, #tpu.memory_space<vmem>> -> memref<80xi32, #tpu.memory_space<vmem>>
    %dma_start3A_517 = arith.constant 0 : i32
    %dma_start3A_518 = arith.constant 0 : i32
    %dma_start3A_519 = tpu.memref_slice %arg2[%dma_start3A_517, %dma_start3A_518] : memref<10000x128xbf16, #tpu.memory_space<hbm>> -> memref<10000x128xbf16, #tpu.memory_space<hbm>>
    tpu.enqueue_indirect_dma source(%dma_start3A_519 : memref<10000x128xbf16, #tpu.memory_space<hbm>>) target(%arg10 : memref<80x128xbf16, #tpu.memory_space<vmem>>) offsets(%dma_start3A_516 : memref<80xi32, #tpu.memory_space<vmem>>) semaphore(%arg14 : memref<!tpu.dma_semaphore, #tpu.memory_space<semaphore_mem>>)
    %scan3A_520 = arith.constant 0 : i32
    %scan3A_521 = arith.constant 1 : i32
    %scan3A_522 = arith.constant 40 : i32
    %scan3A_523 = arith.addi %scan3A_521, %scan3A_522 : i32
    %scan3A_524 = arith.constant 1 : i32
    scf.for %scan3A_581 = %scan3A_521 to %scan3A_523 step %scan3A_524  : i32 {
      %mul3A_582 = arith.constant 3 : i32
      %mul3A_583 = arith.muli %mul3A_582, %scan3A_581 : i32
      %dma_wait3A_584 = arith.constant 0 : i32
      %dma_wait3A_585 = arith.constant 0 : i32
      %dma_wait3A_586 = tpu.memref_slice %arg2[%dma_wait3A_584, %dma_wait3A_585] : memref<10000x128xbf16, #tpu.memory_space<hbm>> -> memref<80x128xbf16, #tpu.memory_space<hbm>>
      %dma_wait3A_587 = arith.constant 0 : i32
      %dma_wait3A_588 = arith.constant 0 : i32
      %dma_wait3A_589 = tpu.memref_slice %arg2[%dma_wait3A_587, %dma_wait3A_588] : memref<10000x128xbf16, #tpu.memory_space<hbm>> -> memref<80x128xbf16, #tpu.memory_space<hbm>>
      tpu.wait_dma2 semaphore(%arg13 : memref<!tpu.dma_semaphore, #tpu.memory_space<semaphore_mem>>) src(%dma_wait3A_589 : memref<80x128xbf16, #tpu.memory_space<hbm>>) dst(%arg9 : memref<80x128xbf16, #tpu.memory_space<vmem>>)
      %dma_start3A_590 = arith.constant 0 : i32
      %dma_start3A_591 = arith.constant 0 : i32
      %dma_start3A_592 = tpu.memref_slice %arg8[%dma_start3A_590, %dma_start3A_591] : memref<3x80xi32, #tpu.memory_space<vmem>> -> memref<1x80xi32, #tpu.memory_space<vmem>>
      %dma_start3A_593 = tpu.memref_squeeze %dma_start3A_592 : memref<1x80xi32, #tpu.memory_space<vmem>> -> memref<80xi32, #tpu.memory_space<vmem>>
      %dma_start3A_594 = arith.constant 0 : i32
      %dma_start3A_595 = arith.constant 0 : i32
      %dma_start3A_596 = tpu.memref_slice %arg19[%dma_start3A_594, %dma_start3A_595] : memref<10240x128xbf16, #tpu.memory_space<vmem_shared>> -> memref<10240x128xbf16, #tpu.memory_space<vmem_shared>>
      tpu.enqueue_indirect_dma source(%arg9 : memref<80x128xbf16, #tpu.memory_space<vmem>>) target(%dma_start3A_596 : memref<10240x128xbf16, #tpu.memory_space<vmem_shared>>) offsets(%dma_start3A_593 : memref<80xi32, #tpu.memory_space<vmem>>) semaphore(%arg16 : memref<!tpu.dma_semaphore, #tpu.memory_space<semaphore_mem>>) {add = true}
      %dma_wait3A_597 = arith.constant 0 : i32
      %dma_wait3A_598 = arith.constant 0 : i32
      %dma_wait3A_599 = tpu.memref_slice %arg2[%dma_wait3A_597, %dma_wait3A_598] : memref<10000x128xbf16, #tpu.memory_space<hbm>> -> memref<80x128xbf16, #tpu.memory_space<hbm>>
      %dma_wait3A_600 = arith.constant 0 : i32
      %dma_wait3A_601 = arith.constant 0 : i32
      %dma_wait3A_602 = tpu.memref_slice %arg2[%dma_wait3A_600, %dma_wait3A_601] : memref<10000x128xbf16, #tpu.memory_space<hbm>> -> memref<80x128xbf16, #tpu.memory_space<hbm>>
      tpu.wait_dma2 semaphore(%arg18 : memref<!tpu.dma_semaphore, #tpu.memory_space<semaphore_mem>>) src(%dma_wait3A_602 : memref<80x128xbf16, #tpu.memory_space<hbm>>) dst(%arg11 : memref<80x128xbf16, #tpu.memory_space<vmem>>)
      %add3A_603 = arith.constant 2 : i32
      %add3A_604 = arith.addi %mul3A_583, %add3A_603 : i32
      %get3A_605 = arith.index_cast %add3A_604 : i32 to index
      %get3A_606 = arith.constant 0 : index
      %get3A_607 = tpu.vector_load %arg6[%get3A_605, %get3A_606] {strides = array<i32>} : memref<125x80xi32, #tpu.memory_space<vmem>>, vector<16xi32>,
      %and3A_608 = arith.andi %get3A_607, %broadcast_in_dim3A_14 : vector<16xi32>
      %swap3A_609 = arith.constant 2 : i32
      %swap3A_610 = arith.index_cast %swap3A_609 : i32 to index
      %swap3A_611 = arith.constant 0 : index
      %swap3A_612 = tpu.vector_load %arg7[%swap3A_610, %swap3A_611] {strides = array<i32>} : memref<3x80xi32, #tpu.memory_space<vmem>>, vector<16xi32>,
      tpu.vector_store %arg7[%swap3A_610, %swap3A_611], %and3A_608 {strides = array<i32>} : memref<3x80xi32, #tpu.memory_space<vmem>>, vector<16xi32>,
      %broadcast_in_dim3A_613 = arith.constant 14 : i32
      %broadcast_in_dim3A_614 = vector.broadcast %broadcast_in_dim3A_613 : i32 to vector<16xi32>
      %shift_right_logical3A_615 = arith.shrui %get3A_607, %broadcast_in_dim3A_614 : vector<16xi32>
      %and3A_616 = arith.andi %shift_right_logical3A_615, %broadcast_in_dim3A_14 : vector<16xi32>
      %swap3A_617 = arith.constant 2 : i32
      %swap3A_618 = arith.index_cast %swap3A_617 : i32 to index
      %swap3A_619 = arith.constant 0 : index
      %swap3A_620 = tpu.vector_load %arg8[%swap3A_618, %swap3A_619] {strides = array<i32>} : memref<3x80xi32, #tpu.memory_space<vmem>>, vector<16xi32>,
      tpu.vector_store %arg8[%swap3A_618, %swap3A_619], %and3A_616 {strides = array<i32>} : memref<3x80xi32, #tpu.memory_space<vmem>>, vector<16xi32>,
      %get3A_621 = arith.index_cast %add3A_604 : i32 to index
      %get3A_622 = arith.constant 16 : index
      %get3A_623 = tpu.vector_load %arg6[%get3A_621, %get3A_622] {strides = array<i32>} : memref<125x80xi32, #tpu.memory_space<vmem>>, vector<16xi32>,
      %and3A_624 = arith.andi %get3A_623, %broadcast_in_dim3A_14 : vector<16xi32>
      %swap3A_625 = arith.constant 2 : i32
      %swap3A_626 = arith.index_cast %swap3A_625 : i32 to index
      %swap3A_627 = arith.constant 16 : index
      %swap3A_628 = tpu.vector_load %arg7[%swap3A_626, %swap3A_627] {strides = array<i32>} : memref<3x80xi32, #tpu.memory_space<vmem>>, vector<16xi32>,
      tpu.vector_store %arg7[%swap3A_626, %swap3A_627], %and3A_624 {strides = array<i32>} : memref<3x80xi32, #tpu.memory_space<vmem>>, vector<16xi32>,
      %broadcast_in_dim3A_629 = arith.constant 14 : i32
      %broadcast_in_dim3A_630 = vector.broadcast %broadcast_in_dim3A_629 : i32 to vector<16xi32>
      %shift_right_logical3A_631 = arith.shrui %get3A_623, %broadcast_in_dim3A_630 : vector<16xi32>
      %and3A_632 = arith.andi %shift_right_logical3A_631, %broadcast_in_dim3A_14 : vector<16xi32>
      %swap3A_633 = arith.constant 2 : i32
      %swap3A_634 = arith.index_cast %swap3A_633 : i32 to index
      %swap3A_635 = arith.constant 16 : index
      %swap3A_636 = tpu.vector_load %arg8[%swap3A_634, %swap3A_635] {strides = array<i32>} : memref<3x80xi32, #tpu.memory_space<vmem>>, vector<16xi32>,
      tpu.vector_store %arg8[%swap3A_634, %swap3A_635], %and3A_632 {strides = array<i32>} : memref<3x80xi32, #tpu.memory_space<vmem>>, vector<16xi32>,
      %get3A_637 = arith.index_cast %add3A_604 : i32 to index
      %get3A_638 = arith.constant 32 : index
      %get3A_639 = tpu.vector_load %arg6[%get3A_637, %get3A_638] {strides = array<i32>} : memref<125x80xi32, #tpu.memory_space<vmem>>, vector<16xi32>,
      %and3A_640 = arith.andi %get3A_639, %broadcast_in_dim3A_14 : vector<16xi32>
      %swap3A_641 = arith.constant 2 : i32
      %swap3A_642 = arith.index_cast %swap3A_641 : i32 to index
      %swap3A_643 = arith.constant 32 : index
      %swap3A_644 = tpu.vector_load %arg7[%swap3A_642, %swap3A_643] {strides = array<i32>} : memref<3x80xi32, #tpu.memory_space<vmem>>, vector<16xi32>,
      tpu.vector_store %arg7[%swap3A_642, %swap3A_643], %and3A_640 {strides = array<i32>} : memref<3x80xi32, #tpu.memory_space<vmem>>, vector<16xi32>,
      %broadcast_in_dim3A_645 = arith.constant 14 : i32
      %broadcast_in_dim3A_646 = vector.broadcast %broadcast_in_dim3A_645 : i32 to vector<16xi32>
      %shift_right_logical3A_647 = arith.shrui %get3A_639, %broadcast_in_dim3A_646 : vector<16xi32>
      %and3A_648 = arith.andi %shift_right_logical3A_647, %broadcast_in_dim3A_14 : vector<16xi32>
      %swap3A_649 = arith.constant 2 : i32
      %swap3A_650 = arith.index_cast %swap3A_649 : i32 to index
      %swap3A_651 = arith.constant 32 : index
      %swap3A_652 = tpu.vector_load %arg8[%swap3A_650, %swap3A_651] {strides = array<i32>} : memref<3x80xi32, #tpu.memory_space<vmem>>, vector<16xi32>,
      tpu.vector_store %arg8[%swap3A_650, %swap3A_651], %and3A_648 {strides = array<i32>} : memref<3x80xi32, #tpu.memory_space<vmem>>, vector<16xi32>,
      %get3A_653 = arith.index_cast %add3A_604 : i32 to index
      %get3A_654 = arith.constant 48 : index
      %get3A_655 = tpu.vector_load %arg6[%get3A_653, %get3A_654] {strides = array<i32>} : memref<125x80xi32, #tpu.memory_space<vmem>>, vector<16xi32>,
      %and3A_656 = arith.andi %get3A_655, %broadcast_in_dim3A_14 : vector<16xi32>
      %swap3A_657 = arith.constant 2 : i32
      %swap3A_658 = arith.index_cast %swap3A_657 : i32 to index
      %swap3A_659 = arith.constant 48 : index
      %swap3A_660 = tpu.vector_load %arg7[%swap3A_658, %swap3A_659] {strides = array<i32>} : memref<3x80xi32, #tpu.memory_space<vmem>>, vector<16xi32>,
      tpu.vector_store %arg7[%swap3A_658, %swap3A_659], %and3A_656 {strides = array<i32>} : memref<3x80xi32, #tpu.memory_space<vmem>>, vector<16xi32>,
      %broadcast_in_dim3A_661 = arith.constant 14 : i32
      %broadcast_in_dim3A_662 = vector.broadcast %broadcast_in_dim3A_661 : i32 to vector<16xi32>
      %shift_right_logical3A_663 = arith.shrui %get3A_655, %broadcast_in_dim3A_662 : vector<16xi32>
      %and3A_664 = arith.andi %shift_right_logical3A_663, %broadcast_in_dim3A_14 : vector<16xi32>
      %swap3A_665 = arith.constant 2 : i32
      %swap3A_666 = arith.index_cast %swap3A_665 : i32 to index
      %swap3A_667 = arith.constant 48 : index
      %swap3A_668 = tpu.vector_load %arg8[%swap3A_666, %swap3A_667] {strides = array<i32>} : memref<3x80xi32, #tpu.memory_space<vmem>>, vector<16xi32>,
      tpu.vector_store %arg8[%swap3A_666, %swap3A_667], %and3A_664 {strides = array<i32>} : memref<3x80xi32, #tpu.memory_space<vmem>>, vector<16xi32>,
      %get3A_669 = arith.index_cast %add3A_604 : i32 to index
      %get3A_670 = arith.constant 64 : index
      %get3A_671 = tpu.vector_load %arg6[%get3A_669, %get3A_670] {strides = array<i32>} : memref<125x80xi32, #tpu.memory_space<vmem>>, vector<16xi32>,
      %and3A_672 = arith.andi %get3A_671, %broadcast_in_dim3A_14 : vector<16xi32>
      %swap3A_673 = arith.constant 2 : i32
      %swap3A_674 = arith.index_cast %swap3A_673 : i32 to index
      %swap3A_675 = arith.constant 64 : index
      %swap3A_676 = tpu.vector_load %arg7[%swap3A_674, %swap3A_675] {strides = array<i32>} : memref<3x80xi32, #tpu.memory_space<vmem>>, vector<16xi32>,
      tpu.vector_store %arg7[%swap3A_674, %swap3A_675], %and3A_672 {strides = array<i32>} : memref<3x80xi32, #tpu.memory_space<vmem>>, vector<16xi32>,
      %broadcast_in_dim3A_677 = arith.constant 14 : i32
      %broadcast_in_dim3A_678 = vector.broadcast %broadcast_in_dim3A_677 : i32 to vector<16xi32>
      %shift_right_logical3A_679 = arith.shrui %get3A_671, %broadcast_in_dim3A_678 : vector<16xi32>
      %and3A_680 = arith.andi %shift_right_logical3A_679, %broadcast_in_dim3A_14 : vector<16xi32>
      %swap3A_681 = arith.constant 2 : i32
      %swap3A_682 = arith.index_cast %swap3A_681 : i32 to index
      %swap3A_683 = arith.constant 64 : index
      %swap3A_684 = tpu.vector_load %arg8[%swap3A_682, %swap3A_683] {strides = array<i32>} : memref<3x80xi32, #tpu.memory_space<vmem>>, vector<16xi32>,
      tpu.vector_store %arg8[%swap3A_682, %swap3A_683], %and3A_680 {strides = array<i32>} : memref<3x80xi32, #tpu.memory_space<vmem>>, vector<16xi32>,
      %add3A_685 = arith.constant 2 : i32
      %add3A_686 = arith.addi %mul3A_583, %add3A_685 : i32
      %dma_start3A_687 = arith.constant 2 : i32
      %dma_start3A_688 = arith.constant 0 : i32
      %dma_start3A_689 = tpu.memref_slice %arg7[%dma_start3A_687, %dma_start3A_688] : memref<3x80xi32, #tpu.memory_space<vmem>> -> memref<1x80xi32, #tpu.memory_space<vmem>>
      %dma_start3A_690 = tpu.memref_squeeze %dma_start3A_689 : memref<1x80xi32, #tpu.memory_space<vmem>> -> memref<80xi32, #tpu.memory_space<vmem>>
      %dma_start3A_691 = arith.constant 0 : i32
      %dma_start3A_692 = arith.constant 0 : i32
      %dma_start3A_693 = tpu.memref_slice %arg2[%dma_start3A_691, %dma_start3A_692] : memref<10000x128xbf16, #tpu.memory_space<hbm>> -> memref<10000x128xbf16, #tpu.memory_space<hbm>>
      tpu.enqueue_indirect_dma source(%dma_start3A_693 : memref<10000x128xbf16, #tpu.memory_space<hbm>>) target(%arg11 : memref<80x128xbf16, #tpu.memory_space<vmem>>) offsets(%dma_start3A_690 : memref<80xi32, #tpu.memory_space<vmem>>) semaphore(%arg15 : memref<!tpu.dma_semaphore, #tpu.memory_space<semaphore_mem>>)
      %dma_wait3A_694 = arith.constant 0 : i32
      %dma_wait3A_695 = arith.constant 0 : i32
      %dma_wait3A_696 = tpu.memref_slice %arg2[%dma_wait3A_694, %dma_wait3A_695] : memref<10000x128xbf16, #tpu.memory_space<hbm>> -> memref<80x128xbf16, #tpu.memory_space<hbm>>
      %dma_wait3A_697 = arith.constant 0 : i32
      %dma_wait3A_698 = arith.constant 0 : i32
      %dma_wait3A_699 = tpu.memref_slice %arg2[%dma_wait3A_697, %dma_wait3A_698] : memref<10000x128xbf16, #tpu.memory_space<hbm>> -> memref<80x128xbf16, #tpu.memory_space<hbm>>
      tpu.wait_dma2 semaphore(%arg14 : memref<!tpu.dma_semaphore, #tpu.memory_space<semaphore_mem>>) src(%dma_wait3A_699 : memref<80x128xbf16, #tpu.memory_space<hbm>>) dst(%arg10 : memref<80x128xbf16, #tpu.memory_space<vmem>>)
      %dma_start3A_700 = arith.constant 1 : i32
      %dma_start3A_701 = arith.constant 0 : i32
      %dma_start3A_702 = tpu.memref_slice %arg8[%dma_start3A_700, %dma_start3A_701] : memref<3x80xi32, #tpu.memory_space<vmem>> -> memref<1x80xi32, #tpu.memory_space<vmem>>
      %dma_start3A_703 = tpu.memref_squeeze %dma_start3A_702 : memref<1x80xi32, #tpu.memory_space<vmem>> -> memref<80xi32, #tpu.memory_space<vmem>>
      %dma_start3A_704 = arith.constant 0 : i32
      %dma_start3A_705 = arith.constant 0 : i32
      %dma_start3A_706 = tpu.memref_slice %arg19[%dma_start3A_704, %dma_start3A_705] : memref<10240x128xbf16, #tpu.memory_space<vmem_shared>> -> memref<10240x128xbf16, #tpu.memory_space<vmem_shared>>
      tpu.enqueue_indirect_dma source(%arg10 : memref<80x128xbf16, #tpu.memory_space<vmem>>) target(%dma_start3A_706 : memref<10240x128xbf16, #tpu.memory_space<vmem_shared>>) offsets(%dma_start3A_703 : memref<80xi32, #tpu.memory_space<vmem>>) semaphore(%arg17 : memref<!tpu.dma_semaphore, #tpu.memory_space<semaphore_mem>>) {add = true}
      %dma_wait3A_707 = arith.constant 0 : i32
      %dma_wait3A_708 = arith.constant 0 : i32
      %dma_wait3A_709 = tpu.memref_slice %arg2[%dma_wait3A_707, %dma_wait3A_708] : memref<10000x128xbf16, #tpu.memory_space<hbm>> -> memref<80x128xbf16, #tpu.memory_space<hbm>>
      %dma_wait3A_710 = arith.constant 0 : i32
      %dma_wait3A_711 = arith.constant 0 : i32
      %dma_wait3A_712 = tpu.memref_slice %arg2[%dma_wait3A_710, %dma_wait3A_711] : memref<10000x128xbf16, #tpu.memory_space<hbm>> -> memref<80x128xbf16, #tpu.memory_space<hbm>>
      tpu.wait_dma2 semaphore(%arg16 : memref<!tpu.dma_semaphore, #tpu.memory_space<semaphore_mem>>) src(%dma_wait3A_712 : memref<80x128xbf16, #tpu.memory_space<hbm>>) dst(%arg9 : memref<80x128xbf16, #tpu.memory_space<vmem>>)
      %add3A_713 = arith.constant 3 : i32
      %add3A_714 = arith.addi %mul3A_583, %add3A_713 : i32
      %get3A_715 = arith.index_cast %add3A_714 : i32 to index
      %get3A_716 = arith.constant 0 : index
      %get3A_717 = tpu.vector_load %arg6[%get3A_715, %get3A_716] {strides = array<i32>} : memref<125x80xi32, #tpu.memory_space<vmem>>, vector<16xi32>,
      %and3A_718 = arith.andi %get3A_717, %broadcast_in_dim3A_14 : vector<16xi32>
      %swap3A_719 = arith.constant 0 : i32
      %swap3A_720 = arith.index_cast %swap3A_719 : i32 to index
      %swap3A_721 = arith.constant 0 : index
      %swap3A_722 = tpu.vector_load %arg7[%swap3A_720, %swap3A_721] {strides = array<i32>} : memref<3x80xi32, #tpu.memory_space<vmem>>, vector<16xi32>,
      tpu.vector_store %arg7[%swap3A_720, %swap3A_721], %and3A_718 {strides = array<i32>} : memref<3x80xi32, #tpu.memory_space<vmem>>, vector<16xi32>,
      %broadcast_in_dim3A_723 = arith.constant 14 : i32
      %broadcast_in_dim3A_724 = vector.broadcast %broadcast_in_dim3A_723 : i32 to vector<16xi32>
      %shift_right_logical3A_725 = arith.shrui %get3A_717, %broadcast_in_dim3A_724 : vector<16xi32>
      %and3A_726 = arith.andi %shift_right_logical3A_725, %broadcast_in_dim3A_14 : vector<16xi32>
      %swap3A_727 = arith.constant 0 : i32
      %swap3A_728 = arith.index_cast %swap3A_727 : i32 to index
      %swap3A_729 = arith.constant 0 : index
      %swap3A_730 = tpu.vector_load %arg8[%swap3A_728, %swap3A_729] {strides = array<i32>} : memref<3x80xi32, #tpu.memory_space<vmem>>, vector<16xi32>,
      tpu.vector_store %arg8[%swap3A_728, %swap3A_729], %and3A_726 {strides = array<i32>} : memref<3x80xi32, #tpu.memory_space<vmem>>, vector<16xi32>,
      %get3A_731 = arith.index_cast %add3A_714 : i32 to index
      %get3A_732 = arith.constant 16 : index
      %get3A_733 = tpu.vector_load %arg6[%get3A_731, %get3A_732] {strides = array<i32>} : memref<125x80xi32, #tpu.memory_space<vmem>>, vector<16xi32>,
      %and3A_734 = arith.andi %get3A_733, %broadcast_in_dim3A_14 : vector<16xi32>
      %swap3A_735 = arith.constant 0 : i32
      %swap3A_736 = arith.index_cast %swap3A_735 : i32 to index
      %swap3A_737 = arith.constant 16 : index
      %swap3A_738 = tpu.vector_load %arg7[%swap3A_736, %swap3A_737] {strides = array<i32>} : memref<3x80xi32, #tpu.memory_space<vmem>>, vector<16xi32>,
      tpu.vector_store %arg7[%swap3A_736, %swap3A_737], %and3A_734 {strides = array<i32>} : memref<3x80xi32, #tpu.memory_space<vmem>>, vector<16xi32>,
      %broadcast_in_dim3A_739 = arith.constant 14 : i32
      %broadcast_in_dim3A_740 = vector.broadcast %broadcast_in_dim3A_739 : i32 to vector<16xi32>
      %shift_right_logical3A_741 = arith.shrui %get3A_733, %broadcast_in_dim3A_740 : vector<16xi32>
      %and3A_742 = arith.andi %shift_right_logical3A_741, %broadcast_in_dim3A_14 : vector<16xi32>
      %swap3A_743 = arith.constant 0 : i32
      %swap3A_744 = arith.index_cast %swap3A_743 : i32 to index
      %swap3A_745 = arith.constant 16 : index
      %swap3A_746 = tpu.vector_load %arg8[%swap3A_744, %swap3A_745] {strides = array<i32>} : memref<3x80xi32, #tpu.memory_space<vmem>>, vector<16xi32>,
      tpu.vector_store %arg8[%swap3A_744, %swap3A_745], %and3A_742 {strides = array<i32>} : memref<3x80xi32, #tpu.memory_space<vmem>>, vector<16xi32>,
      %get3A_747 = arith.index_cast %add3A_714 : i32 to index
      %get3A_748 = arith.constant 32 : index
      %get3A_749 = tpu.vector_load %arg6[%get3A_747, %get3A_748] {strides = array<i32>} : memref<125x80xi32, #tpu.memory_space<vmem>>, vector<16xi32>,
      %and3A_750 = arith.andi %get3A_749, %broadcast_in_dim3A_14 : vector<16xi32>
      %swap3A_751 = arith.constant 0 : i32
      %swap3A_752 = arith.index_cast %swap3A_751 : i32 to index
      %swap3A_753 = arith.constant 32 : index
      %swap3A_754 = tpu.vector_load %arg7[%swap3A_752, %swap3A_753] {strides = array<i32>} : memref<3x80xi32, #tpu.memory_space<vmem>>, vector<16xi32>,
      tpu.vector_store %arg7[%swap3A_752, %swap3A_753], %and3A_750 {strides = array<i32>} : memref<3x80xi32, #tpu.memory_space<vmem>>, vector<16xi32>,
      %broadcast_in_dim3A_755 = arith.constant 14 : i32
      %broadcast_in_dim3A_756 = vector.broadcast %broadcast_in_dim3A_755 : i32 to vector<16xi32>
      %shift_right_logical3A_757 = arith.shrui %get3A_749, %broadcast_in_dim3A_756 : vector<16xi32>
      %and3A_758 = arith.andi %shift_right_logical3A_757, %broadcast_in_dim3A_14 : vector<16xi32>
      %swap3A_759 = arith.constant 0 : i32
      %swap3A_760 = arith.index_cast %swap3A_759 : i32 to index
      %swap3A_761 = arith.constant 32 : index
      %swap3A_762 = tpu.vector_load %arg8[%swap3A_760, %swap3A_761] {strides = array<i32>} : memref<3x80xi32, #tpu.memory_space<vmem>>, vector<16xi32>,
      tpu.vector_store %arg8[%swap3A_760, %swap3A_761], %and3A_758 {strides = array<i32>} : memref<3x80xi32, #tpu.memory_space<vmem>>, vector<16xi32>,
      %get3A_763 = arith.index_cast %add3A_714 : i32 to index
      %get3A_764 = arith.constant 48 : index
      %get3A_765 = tpu.vector_load %arg6[%get3A_763, %get3A_764] {strides = array<i32>} : memref<125x80xi32, #tpu.memory_space<vmem>>, vector<16xi32>,
      %and3A_766 = arith.andi %get3A_765, %broadcast_in_dim3A_14 : vector<16xi32>
      %swap3A_767 = arith.constant 0 : i32
      %swap3A_768 = arith.index_cast %swap3A_767 : i32 to index
      %swap3A_769 = arith.constant 48 : index
      %swap3A_770 = tpu.vector_load %arg7[%swap3A_768, %swap3A_769] {strides = array<i32>} : memref<3x80xi32, #tpu.memory_space<vmem>>, vector<16xi32>,
      tpu.vector_store %arg7[%swap3A_768, %swap3A_769], %and3A_766 {strides = array<i32>} : memref<3x80xi32, #tpu.memory_space<vmem>>, vector<16xi32>,
      %broadcast_in_dim3A_771 = arith.constant 14 : i32
      %broadcast_in_dim3A_772 = vector.broadcast %broadcast_in_dim3A_771 : i32 to vector<16xi32>
      %shift_right_logical3A_773 = arith.shrui %get3A_765, %broadcast_in_dim3A_772 : vector<16xi32>
      %and3A_774 = arith.andi %shift_right_logical3A_773, %broadcast_in_dim3A_14 : vector<16xi32>
      %swap3A_775 = arith.constant 0 : i32
      %swap3A_776 = arith.index_cast %swap3A_775 : i32 to index
      %swap3A_777 = arith.constant 48 : index
      %swap3A_778 = tpu.vector_load %arg8[%swap3A_776, %swap3A_777] {strides = array<i32>} : memref<3x80xi32, #tpu.memory_space<vmem>>, vector<16xi32>,
      tpu.vector_store %arg8[%swap3A_776, %swap3A_777], %and3A_774 {strides = array<i32>} : memref<3x80xi32, #tpu.memory_space<vmem>>, vector<16xi32>,
      %get3A_779 = arith.index_cast %add3A_714 : i32 to index
      %get3A_780 = arith.constant 64 : index
      %get3A_781 = tpu.vector_load %arg6[%get3A_779, %get3A_780] {strides = array<i32>} : memref<125x80xi32, #tpu.memory_space<vmem>>, vector<16xi32>,
      %and3A_782 = arith.andi %get3A_781, %broadcast_in_dim3A_14 : vector<16xi32>
      %swap3A_783 = arith.constant 0 : i32
      %swap3A_784 = arith.index_cast %swap3A_783 : i32 to index
      %swap3A_785 = arith.constant 64 : index
      %swap3A_786 = tpu.vector_load %arg7[%swap3A_784, %swap3A_785] {strides = array<i32>} : memref<3x80xi32, #tpu.memory_space<vmem>>, vector<16xi32>,
      tpu.vector_store %arg7[%swap3A_784, %swap3A_785], %and3A_782 {strides = array<i32>} : memref<3x80xi32, #tpu.memory_space<vmem>>, vector<16xi32>,
      %broadcast_in_dim3A_787 = arith.constant 14 : i32
      %broadcast_in_dim3A_788 = vector.broadcast %broadcast_in_dim3A_787 : i32 to vector<16xi32>
      %shift_right_logical3A_789 = arith.shrui %get3A_781, %broadcast_in_dim3A_788 : vector<16xi32>
      %and3A_790 = arith.andi %shift_right_logical3A_789, %broadcast_in_dim3A_14 : vector<16xi32>
      %swap3A_791 = arith.constant 0 : i32
      %swap3A_792 = arith.index_cast %swap3A_791 : i32 to index
      %swap3A_793 = arith.constant 64 : index
      %swap3A_794 = tpu.vector_load %arg8[%swap3A_792, %swap3A_793] {strides = array<i32>} : memref<3x80xi32, #tpu.memory_space<vmem>>, vector<16xi32>,
      tpu.vector_store %arg8[%swap3A_792, %swap3A_793], %and3A_790 {strides = array<i32>} : memref<3x80xi32, #tpu.memory_space<vmem>>, vector<16xi32>,
      %add3A_795 = arith.constant 3 : i32
      %add3A_796 = arith.addi %mul3A_583, %add3A_795 : i32
      %dma_start3A_797 = arith.constant 0 : i32
      %dma_start3A_798 = arith.constant 0 : i32
      %dma_start3A_799 = tpu.memref_slice %arg7[%dma_start3A_797, %dma_start3A_798] : memref<3x80xi32, #tpu.memory_space<vmem>> -> memref<1x80xi32, #tpu.memory_space<vmem>>
      %dma_start3A_800 = tpu.memref_squeeze %dma_start3A_799 : memref<1x80xi32, #tpu.memory_space<vmem>> -> memref<80xi32, #tpu.memory_space<vmem>>
      %dma_start3A_801 = arith.constant 0 : i32
      %dma_start3A_802 = arith.constant 0 : i32
      %dma_start3A_803 = tpu.memref_slice %arg2[%dma_start3A_801, %dma_start3A_802] : memref<10000x128xbf16, #tpu.memory_space<hbm>> -> memref<10000x128xbf16, #tpu.memory_space<hbm>>
      tpu.enqueue_indirect_dma source(%dma_start3A_803 : memref<10000x128xbf16, #tpu.memory_space<hbm>>) target(%arg9 : memref<80x128xbf16, #tpu.memory_space<vmem>>) offsets(%dma_start3A_800 : memref<80xi32, #tpu.memory_space<vmem>>) semaphore(%arg13 : memref<!tpu.dma_semaphore, #tpu.memory_space<semaphore_mem>>)
      %dma_wait3A_804 = arith.constant 0 : i32
      %dma_wait3A_805 = arith.constant 0 : i32
      %dma_wait3A_806 = tpu.memref_slice %arg2[%dma_wait3A_804, %dma_wait3A_805] : memref<10000x128xbf16, #tpu.memory_space<hbm>> -> memref<80x128xbf16, #tpu.memory_space<hbm>>
      %dma_wait3A_807 = arith.constant 0 : i32
      %dma_wait3A_808 = arith.constant 0 : i32
      %dma_wait3A_809 = tpu.memref_slice %arg2[%dma_wait3A_807, %dma_wait3A_808] : memref<10000x128xbf16, #tpu.memory_space<hbm>> -> memref<80x128xbf16, #tpu.memory_space<hbm>>
      tpu.wait_dma2 semaphore(%arg15 : memref<!tpu.dma_semaphore, #tpu.memory_space<semaphore_mem>>) src(%dma_wait3A_809 : memref<80x128xbf16, #tpu.memory_space<hbm>>) dst(%arg11 : memref<80x128xbf16, #tpu.memory_space<vmem>>)
      %dma_start3A_810 = arith.constant 2 : i32
      %dma_start3A_811 = arith.constant 0 : i32
      %dma_start3A_812 = tpu.memref_slice %arg8[%dma_start3A_810, %dma_start3A_811] : memref<3x80xi32, #tpu.memory_space<vmem>> -> memref<1x80xi32, #tpu.memory_space<vmem>>
      %dma_start3A_813 = tpu.memref_squeeze %dma_start3A_812 : memref<1x80xi32, #tpu.memory_space<vmem>> -> memref<80xi32, #tpu.memory_space<vmem>>
      %dma_start3A_814 = arith.constant 0 : i32
      %dma_start3A_815 = arith.constant 0 : i32
      %dma_start3A_816 = tpu.memref_slice %arg19[%dma_start3A_814, %dma_start3A_815] : memref<10240x128xbf16, #tpu.memory_space<vmem_shared>> -> memref<10240x128xbf16, #tpu.memory_space<vmem_shared>>
      tpu.enqueue_indirect_dma source(%arg11 : memref<80x128xbf16, #tpu.memory_space<vmem>>) target(%dma_start3A_816 : memref<10240x128xbf16, #tpu.memory_space<vmem_shared>>) offsets(%dma_start3A_813 : memref<80xi32, #tpu.memory_space<vmem>>) semaphore(%arg18 : memref<!tpu.dma_semaphore, #tpu.memory_space<semaphore_mem>>) {add = true}
      %dma_wait3A_817 = arith.constant 0 : i32
      %dma_wait3A_818 = arith.constant 0 : i32
      %dma_wait3A_819 = tpu.memref_slice %arg2[%dma_wait3A_817, %dma_wait3A_818] : memref<10000x128xbf16, #tpu.memory_space<hbm>> -> memref<80x128xbf16, #tpu.memory_space<hbm>>
      %dma_wait3A_820 = arith.constant 0 : i32
      %dma_wait3A_821 = arith.constant 0 : i32
      %dma_wait3A_822 = tpu.memref_slice %arg2[%dma_wait3A_820, %dma_wait3A_821] : memref<10000x128xbf16, #tpu.memory_space<hbm>> -> memref<80x128xbf16, #tpu.memory_space<hbm>>
      tpu.wait_dma2 semaphore(%arg17 : memref<!tpu.dma_semaphore, #tpu.memory_space<semaphore_mem>>) src(%dma_wait3A_822 : memref<80x128xbf16, #tpu.memory_space<hbm>>) dst(%arg10 : memref<80x128xbf16, #tpu.memory_space<vmem>>)
      %add3A_823 = arith.constant 4 : i32
      %add3A_824 = arith.addi %mul3A_583, %add3A_823 : i32
      %get3A_825 = arith.index_cast %add3A_824 : i32 to index
      %get3A_826 = arith.constant 0 : index
      %get3A_827 = tpu.vector_load %arg6[%get3A_825, %get3A_826] {strides = array<i32>} : memref<125x80xi32, #tpu.memory_space<vmem>>, vector<16xi32>,
      %and3A_828 = arith.andi %get3A_827, %broadcast_in_dim3A_14 : vector<16xi32>
      %swap3A_829 = arith.constant 1 : i32
      %swap3A_830 = arith.index_cast %swap3A_829 : i32 to index
      %swap3A_831 = arith.constant 0 : index
      %swap3A_832 = tpu.vector_load %arg7[%swap3A_830, %swap3A_831] {strides = array<i32>} : memref<3x80xi32, #tpu.memory_space<vmem>>, vector<16xi32>,
      tpu.vector_store %arg7[%swap3A_830, %swap3A_831], %and3A_828 {strides = array<i32>} : memref<3x80xi32, #tpu.memory_space<vmem>>, vector<16xi32>,
      %broadcast_in_dim3A_833 = arith.constant 14 : i32
      %broadcast_in_dim3A_834 = vector.broadcast %broadcast_in_dim3A_833 : i32 to vector<16xi32>
      %shift_right_logical3A_835 = arith.shrui %get3A_827, %broadcast_in_dim3A_834 : vector<16xi32>
      %and3A_836 = arith.andi %shift_right_logical3A_835, %broadcast_in_dim3A_14 : vector<16xi32>
      %swap3A_837 = arith.constant 1 : i32
      %swap3A_838 = arith.index_cast %swap3A_837 : i32 to index
      %swap3A_839 = arith.constant 0 : index
      %swap3A_840 = tpu.vector_load %arg8[%swap3A_838, %swap3A_839] {strides = array<i32>} : memref<3x80xi32, #tpu.memory_space<vmem>>, vector<16xi32>,
      tpu.vector_store %arg8[%swap3A_838, %swap3A_839], %and3A_836 {strides = array<i32>} : memref<3x80xi32, #tpu.memory_space<vmem>>, vector<16xi32>,
      %get3A_841 = arith.index_cast %add3A_824 : i32 to index
      %get3A_842 = arith.constant 16 : index
      %get3A_843 = tpu.vector_load %arg6[%get3A_841, %get3A_842] {strides = array<i32>} : memref<125x80xi32, #tpu.memory_space<vmem>>, vector<16xi32>,
      %and3A_844 = arith.andi %get3A_843, %broadcast_in_dim3A_14 : vector<16xi32>
      %swap3A_845 = arith.constant 1 : i32
      %swap3A_846 = arith.index_cast %swap3A_845 : i32 to index
      %swap3A_847 = arith.constant 16 : index
      %swap3A_848 = tpu.vector_load %arg7[%swap3A_846, %swap3A_847] {strides = array<i32>} : memref<3x80xi32, #tpu.memory_space<vmem>>, vector<16xi32>,
      tpu.vector_store %arg7[%swap3A_846, %swap3A_847], %and3A_844 {strides = array<i32>} : memref<3x80xi32, #tpu.memory_space<vmem>>, vector<16xi32>,
      %broadcast_in_dim3A_849 = arith.constant 14 : i32
      %broadcast_in_dim3A_850 = vector.broadcast %broadcast_in_dim3A_849 : i32 to vector<16xi32>
      %shift_right_logical3A_851 = arith.shrui %get3A_843, %broadcast_in_dim3A_850 : vector<16xi32>
      %and3A_852 = arith.andi %shift_right_logical3A_851, %broadcast_in_dim3A_14 : vector<16xi32>
      %swap3A_853 = arith.constant 1 : i32
      %swap3A_854 = arith.index_cast %swap3A_853 : i32 to index
      %swap3A_855 = arith.constant 16 : index
      %swap3A_856 = tpu.vector_load %arg8[%swap3A_854, %swap3A_855] {strides = array<i32>} : memref<3x80xi32, #tpu.memory_space<vmem>>, vector<16xi32>,
      tpu.vector_store %arg8[%swap3A_854, %swap3A_855], %and3A_852 {strides = array<i32>} : memref<3x80xi32, #tpu.memory_space<vmem>>, vector<16xi32>,
      %get3A_857 = arith.index_cast %add3A_824 : i32 to index
      %get3A_858 = arith.constant 32 : index
      %get3A_859 = tpu.vector_load %arg6[%get3A_857, %get3A_858] {strides = array<i32>} : memref<125x80xi32, #tpu.memory_space<vmem>>, vector<16xi32>,
      %and3A_860 = arith.andi %get3A_859, %broadcast_in_dim3A_14 : vector<16xi32>
      %swap3A_861 = arith.constant 1 : i32
      %swap3A_862 = arith.index_cast %swap3A_861 : i32 to index
      %swap3A_863 = arith.constant 32 : index
      %swap3A_864 = tpu.vector_load %arg7[%swap3A_862, %swap3A_863] {strides = array<i32>} : memref<3x80xi32, #tpu.memory_space<vmem>>, vector<16xi32>,
      tpu.vector_store %arg7[%swap3A_862, %swap3A_863], %and3A_860 {strides = array<i32>} : memref<3x80xi32, #tpu.memory_space<vmem>>, vector<16xi32>,
      %broadcast_in_dim3A_865 = arith.constant 14 : i32
      %broadcast_in_dim3A_866 = vector.broadcast %broadcast_in_dim3A_865 : i32 to vector<16xi32>
      %shift_right_logical3A_867 = arith.shrui %get3A_859, %broadcast_in_dim3A_866 : vector<16xi32>
      %and3A_868 = arith.andi %shift_right_logical3A_867, %broadcast_in_dim3A_14 : vector<16xi32>
      %swap3A_869 = arith.constant 1 : i32
      %swap3A_870 = arith.index_cast %swap3A_869 : i32 to index
      %swap3A_871 = arith.constant 32 : index
      %swap3A_872 = tpu.vector_load %arg8[%swap3A_870, %swap3A_871] {strides = array<i32>} : memref<3x80xi32, #tpu.memory_space<vmem>>, vector<16xi32>,
      tpu.vector_store %arg8[%swap3A_870, %swap3A_871], %and3A_868 {strides = array<i32>} : memref<3x80xi32, #tpu.memory_space<vmem>>, vector<16xi32>,
      %get3A_873 = arith.index_cast %add3A_824 : i32 to index
      %get3A_874 = arith.constant 48 : index
      %get3A_875 = tpu.vector_load %arg6[%get3A_873, %get3A_874] {strides = array<i32>} : memref<125x80xi32, #tpu.memory_space<vmem>>, vector<16xi32>,
      %and3A_876 = arith.andi %get3A_875, %broadcast_in_dim3A_14 : vector<16xi32>
      %swap3A_877 = arith.constant 1 : i32
      %swap3A_878 = arith.index_cast %swap3A_877 : i32 to index
      %swap3A_879 = arith.constant 48 : index
      %swap3A_880 = tpu.vector_load %arg7[%swap3A_878, %swap3A_879] {strides = array<i32>} : memref<3x80xi32, #tpu.memory_space<vmem>>, vector<16xi32>,
      tpu.vector_store %arg7[%swap3A_878, %swap3A_879], %and3A_876 {strides = array<i32>} : memref<3x80xi32, #tpu.memory_space<vmem>>, vector<16xi32>,
      %broadcast_in_dim3A_881 = arith.constant 14 : i32
      %broadcast_in_dim3A_882 = vector.broadcast %broadcast_in_dim3A_881 : i32 to vector<16xi32>
      %shift_right_logical3A_883 = arith.shrui %get3A_875, %broadcast_in_dim3A_882 : vector<16xi32>
      %and3A_884 = arith.andi %shift_right_logical3A_883, %broadcast_in_dim3A_14 : vector<16xi32>
      %swap3A_885 = arith.constant 1 : i32
      %swap3A_886 = arith.index_cast %swap3A_885 : i32 to index
      %swap3A_887 = arith.constant 48 : index
      %swap3A_888 = tpu.vector_load %arg8[%swap3A_886, %swap3A_887] {strides = array<i32>} : memref<3x80xi32, #tpu.memory_space<vmem>>, vector<16xi32>,
      tpu.vector_store %arg8[%swap3A_886, %swap3A_887], %and3A_884 {strides = array<i32>} : memref<3x80xi32, #tpu.memory_space<vmem>>, vector<16xi32>,
      %get3A_889 = arith.index_cast %add3A_824 : i32 to index
      %get3A_890 = arith.constant 64 : index
      %get3A_891 = tpu.vector_load %arg6[%get3A_889, %get3A_890] {strides = array<i32>} : memref<125x80xi32, #tpu.memory_space<vmem>>, vector<16xi32>,
      %and3A_892 = arith.andi %get3A_891, %broadcast_in_dim3A_14 : vector<16xi32>
      %swap3A_893 = arith.constant 1 : i32
      %swap3A_894 = arith.index_cast %swap3A_893 : i32 to index
      %swap3A_895 = arith.constant 64 : index
      %swap3A_896 = tpu.vector_load %arg7[%swap3A_894, %swap3A_895] {strides = array<i32>} : memref<3x80xi32, #tpu.memory_space<vmem>>, vector<16xi32>,
      tpu.vector_store %arg7[%swap3A_894, %swap3A_895], %and3A_892 {strides = array<i32>} : memref<3x80xi32, #tpu.memory_space<vmem>>, vector<16xi32>,
      %broadcast_in_dim3A_897 = arith.constant 14 : i32
      %broadcast_in_dim3A_898 = vector.broadcast %broadcast_in_dim3A_897 : i32 to vector<16xi32>
      %shift_right_logical3A_899 = arith.shrui %get3A_891, %broadcast_in_dim3A_898 : vector<16xi32>
      %and3A_900 = arith.andi %shift_right_logical3A_899, %broadcast_in_dim3A_14 : vector<16xi32>
      %swap3A_901 = arith.constant 1 : i32
      %swap3A_902 = arith.index_cast %swap3A_901 : i32 to index
      %swap3A_903 = arith.constant 64 : index
      %swap3A_904 = tpu.vector_load %arg8[%swap3A_902, %swap3A_903] {strides = array<i32>} : memref<3x80xi32, #tpu.memory_space<vmem>>, vector<16xi32>,
      tpu.vector_store %arg8[%swap3A_902, %swap3A_903], %and3A_900 {strides = array<i32>} : memref<3x80xi32, #tpu.memory_space<vmem>>, vector<16xi32>,
      %add3A_905 = arith.constant 4 : i32
      %add3A_906 = arith.addi %mul3A_583, %add3A_905 : i32
      %dma_start3A_907 = arith.constant 1 : i32
      %dma_start3A_908 = arith.constant 0 : i32
      %dma_start3A_909 = tpu.memref_slice %arg7[%dma_start3A_907, %dma_start3A_908] : memref<3x80xi32, #tpu.memory_space<vmem>> -> memref<1x80xi32, #tpu.memory_space<vmem>>
      %dma_start3A_910 = tpu.memref_squeeze %dma_start3A_909 : memref<1x80xi32, #tpu.memory_space<vmem>> -> memref<80xi32, #tpu.memory_space<vmem>>
      %dma_start3A_911 = arith.constant 0 : i32
      %dma_start3A_912 = arith.constant 0 : i32
      %dma_start3A_913 = tpu.memref_slice %arg2[%dma_start3A_911, %dma_start3A_912] : memref<10000x128xbf16, #tpu.memory_space<hbm>> -> memref<10000x128xbf16, #tpu.memory_space<hbm>>
      tpu.enqueue_indirect_dma source(%dma_start3A_913 : memref<10000x128xbf16, #tpu.memory_space<hbm>>) target(%arg10 : memref<80x128xbf16, #tpu.memory_space<vmem>>) offsets(%dma_start3A_910 : memref<80xi32, #tpu.memory_space<vmem>>) semaphore(%arg14 : memref<!tpu.dma_semaphore, #tpu.memory_space<semaphore_mem>>)
    }
    %scan3A_525 = arith.constant 40 : i32
    %dma_wait3A_526 = arith.constant 0 : i32
    %dma_wait3A_527 = arith.constant 0 : i32
    %dma_wait3A_528 = tpu.memref_slice %arg2[%dma_wait3A_526, %dma_wait3A_527] : memref<10000x128xbf16, #tpu.memory_space<hbm>> -> memref<80x128xbf16, #tpu.memory_space<hbm>>
    %dma_wait3A_529 = arith.constant 0 : i32
    %dma_wait3A_530 = arith.constant 0 : i32
    %dma_wait3A_531 = tpu.memref_slice %arg2[%dma_wait3A_529, %dma_wait3A_530] : memref<10000x128xbf16, #tpu.memory_space<hbm>> -> memref<80x128xbf16, #tpu.memory_space<hbm>>
    tpu.wait_dma2 semaphore(%arg13 : memref<!tpu.dma_semaphore, #tpu.memory_space<semaphore_mem>>) src(%dma_wait3A_531 : memref<80x128xbf16, #tpu.memory_space<hbm>>) dst(%arg9 : memref<80x128xbf16, #tpu.memory_space<vmem>>)
    %dma_start3A_532 = arith.constant 0 : i32
    %dma_start3A_533 = arith.constant 0 : i32
    %dma_start3A_534 = tpu.memref_slice %arg8[%dma_start3A_532, %dma_start3A_533] : memref<3x80xi32, #tpu.memory_space<vmem>> -> memref<1x80xi32, #tpu.memory_space<vmem>>
    %dma_start3A_535 = tpu.memref_squeeze %dma_start3A_534 : memref<1x80xi32, #tpu.memory_space<vmem>> -> memref<80xi32, #tpu.memory_space<vmem>>
    %dma_start3A_536 = arith.constant 0 : i32
    %dma_start3A_537 = arith.constant 0 : i32
    %dma_start3A_538 = tpu.memref_slice %arg19[%dma_start3A_536, %dma_start3A_537] : memref<10240x128xbf16, #tpu.memory_space<vmem_shared>> -> memref<10240x128xbf16, #tpu.memory_space<vmem_shared>>
    tpu.enqueue_indirect_dma source(%arg9 : memref<80x128xbf16, #tpu.memory_space<vmem>>) target(%dma_start3A_538 : memref<10240x128xbf16, #tpu.memory_space<vmem_shared>>) offsets(%dma_start3A_535 : memref<80xi32, #tpu.memory_space<vmem>>) semaphore(%arg16 : memref<!tpu.dma_semaphore, #tpu.memory_space<semaphore_mem>>) {add = true}
    %dma_wait3A_539 = arith.constant 0 : i32
    %dma_wait3A_540 = arith.constant 0 : i32
    %dma_wait3A_541 = tpu.memref_slice %arg2[%dma_wait3A_539, %dma_wait3A_540] : memref<10000x128xbf16, #tpu.memory_space<hbm>> -> memref<80x128xbf16, #tpu.memory_space<hbm>>
    %dma_wait3A_542 = arith.constant 0 : i32
    %dma_wait3A_543 = arith.constant 0 : i32
    %dma_wait3A_544 = tpu.memref_slice %arg2[%dma_wait3A_542, %dma_wait3A_543] : memref<10000x128xbf16, #tpu.memory_space<hbm>> -> memref<80x128xbf16, #tpu.memory_space<hbm>>
    tpu.wait_dma2 semaphore(%arg14 : memref<!tpu.dma_semaphore, #tpu.memory_space<semaphore_mem>>) src(%dma_wait3A_544 : memref<80x128xbf16, #tpu.memory_space<hbm>>) dst(%arg10 : memref<80x128xbf16, #tpu.memory_space<vmem>>)
    %dma_wait3A_545 = arith.constant 0 : i32
    %dma_wait3A_546 = arith.constant 0 : i32
    %dma_wait3A_547 = tpu.memref_slice %arg2[%dma_wait3A_545, %dma_wait3A_546] : memref<10000x128xbf16, #tpu.memory_space<hbm>> -> memref<80x128xbf16, #tpu.memory_space<hbm>>
    %dma_wait3A_548 = arith.constant 0 : i32
    %dma_wait3A_549 = arith.constant 0 : i32
    %dma_wait3A_550 = tpu.memref_slice %arg2[%dma_wait3A_548, %dma_wait3A_549] : memref<10000x128xbf16, #tpu.memory_space<hbm>> -> memref<80x128xbf16, #tpu.memory_space<hbm>>
    tpu.wait_dma2 semaphore(%arg18 : memref<!tpu.dma_semaphore, #tpu.memory_space<semaphore_mem>>) src(%dma_wait3A_550 : memref<80x128xbf16, #tpu.memory_space<hbm>>) dst(%arg11 : memref<80x128xbf16, #tpu.memory_space<vmem>>)
    %dma_start3A_551 = arith.constant 1 : i32
    %dma_start3A_552 = arith.constant 0 : i32
    %dma_start3A_553 = tpu.memref_slice %arg8[%dma_start3A_551, %dma_start3A_552] : memref<3x80xi32, #tpu.memory_space<vmem>> -> memref<1x80xi32, #tpu.memory_space<vmem>>
    %dma_start3A_554 = tpu.memref_squeeze %dma_start3A_553 : memref<1x80xi32, #tpu.memory_space<vmem>> -> memref<80xi32, #tpu.memory_space<vmem>>
    %dma_start3A_555 = arith.constant 0 : i32
    %dma_start3A_556 = arith.constant 0 : i32
    %dma_start3A_557 = tpu.memref_slice %arg19[%dma_start3A_555, %dma_start3A_556] : memref<10240x128xbf16, #tpu.memory_space<vmem_shared>> -> memref<10240x128xbf16, #tpu.memory_space<vmem_shared>>
    tpu.enqueue_indirect_dma source(%arg10 : memref<80x128xbf16, #tpu.memory_space<vmem>>) target(%dma_start3A_557 : memref<10240x128xbf16, #tpu.memory_space<vmem_shared>>) offsets(%dma_start3A_554 : memref<80xi32, #tpu.memory_space<vmem>>) semaphore(%arg17 : memref<!tpu.dma_semaphore, #tpu.memory_space<semaphore_mem>>) {add = true}
    %dma_wait3A_558 = arith.constant 0 : i32
    %dma_wait3A_559 = arith.constant 0 : i32
    %dma_wait3A_560 = tpu.memref_slice %arg2[%dma_wait3A_558, %dma_wait3A_559] : memref<10000x128xbf16, #tpu.memory_space<hbm>> -> memref<80x128xbf16, #tpu.memory_space<hbm>>
    %dma_wait3A_561 = arith.constant 0 : i32
    %dma_wait3A_562 = arith.constant 0 : i32
    %dma_wait3A_563 = tpu.memref_slice %arg2[%dma_wait3A_561, %dma_wait3A_562] : memref<10000x128xbf16, #tpu.memory_space<hbm>> -> memref<80x128xbf16, #tpu.memory_space<hbm>>
    tpu.wait_dma2 semaphore(%arg16 : memref<!tpu.dma_semaphore, #tpu.memory_space<semaphore_mem>>) src(%dma_wait3A_563 : memref<80x128xbf16, #tpu.memory_space<hbm>>) dst(%arg9 : memref<80x128xbf16, #tpu.memory_space<vmem>>)
    %dma_wait3A_564 = arith.constant 0 : i32
    %dma_wait3A_565 = arith.constant 0 : i32
    %dma_wait3A_566 = tpu.memref_slice %arg2[%dma_wait3A_564, %dma_wait3A_565] : memref<10000x128xbf16, #tpu.memory_space<hbm>> -> memref<80x128xbf16, #tpu.memory_space<hbm>>
    %dma_wait3A_567 = arith.constant 0 : i32
    %dma_wait3A_568 = arith.constant 0 : i32
    %dma_wait3A_569 = tpu.memref_slice %arg2[%dma_wait3A_567, %dma_wait3A_568] : memref<10000x128xbf16, #tpu.memory_space<hbm>> -> memref<80x128xbf16, #tpu.memory_space<hbm>>
    tpu.wait_dma2 semaphore(%arg17 : memref<!tpu.dma_semaphore, #tpu.memory_space<semaphore_mem>>) src(%dma_wait3A_569 : memref<80x128xbf16, #tpu.memory_space<hbm>>) dst(%arg10 : memref<80x128xbf16, #tpu.memory_space<vmem>>)
    %barrier3A_570 = arith.constant 0 : index
    tpu.barrier barrier_id(%barrier3A_570)
    %broadcast_in_dim3A_571 = arith.constant 16 : i32
    %broadcast_in_dim3A_572 = vector.broadcast %broadcast_in_dim3A_571 : i32 to vector<16xi32>
    %broadcast_in_dim3A_573 = arith.constant -65536 : i32
    %broadcast_in_dim3A_574 = vector.broadcast %broadcast_in_dim3A_573 : i32 to vector<16xi32>
    %scan3A_575 = arith.constant 0 : i32
    %scan3A_576 = arith.constant 0 : i32
    %scan3A_577 = arith.constant 8 : i32
    %scan3A_578 = arith.addi %scan3A_576, %scan3A_577 : i32
    %scan3A_579 = arith.constant 1 : i32
    scf.for %scan3A_581 = %scan3A_576 to %scan3A_578 step %scan3A_579  : i32 {
      %mul3A_582 = arith.constant 640 : i32
      %mul3A_583 = arith.muli %arg1, %mul3A_582 : i32
      %mul3A_584 = arith.constant 80 : i32
      %mul3A_585 = arith.muli %scan3A_581, %mul3A_584 : i32
      %add3A_586 = arith.addi %mul3A_583, %mul3A_585 : i32
      "tpu.region"() ({
        %run_scoped3A = tpu.sem_alloc : memref<!tpu.dma_semaphore, #tpu.memory_space<semaphore_mem>>
        %dma_start3A_600 = arith.constant 0 : i32
        %dma_start3A_601 = tpu.memref_slice %arg19[%add3A_586, %dma_start3A_600] : memref<10240x128xbf16, #tpu.memory_space<vmem_shared>> -> memref<80x128xbf16, #tpu.memory_space<vmem_shared>>
        %dma_start3A_602 = arith.constant 0 : i32
        %dma_start3A_603 = tpu.memref_slice %arg19[%add3A_586, %dma_start3A_602] : memref<10240x128xbf16, #tpu.memory_space<vmem_shared>> -> memref<80x128xbf16, #tpu.memory_space<vmem_shared>>
        tpu.enqueue_dma source(%dma_start3A_603 : memref<80x128xbf16, #tpu.memory_space<vmem_shared>>) target(%arg9 : memref<80x128xbf16, #tpu.memory_space<vmem>>) target_semaphore(%run_scoped3A : memref<!tpu.dma_semaphore, #tpu.memory_space<semaphore_mem>>)
        %dma_wait3A_604 = arith.constant 0 : i32
        %dma_wait3A_605 = tpu.memref_slice %arg19[%add3A_586, %dma_wait3A_604] : memref<10240x128xbf16, #tpu.memory_space<vmem_shared>> -> memref<80x128xbf16, #tpu.memory_space<vmem_shared>>
        %dma_wait3A_606 = arith.constant 0 : i32
        %dma_wait3A_607 = tpu.memref_slice %arg19[%add3A_586, %dma_wait3A_606] : memref<10240x128xbf16, #tpu.memory_space<vmem_shared>> -> memref<80x128xbf16, #tpu.memory_space<vmem_shared>>
        tpu.wait_dma2 semaphore(%run_scoped3A : memref<!tpu.dma_semaphore, #tpu.memory_space<semaphore_mem>>) src(%dma_wait3A_607 : memref<80x128xbf16, #tpu.memory_space<vmem_shared>>) dst(%arg9 : memref<80x128xbf16, #tpu.memory_space<vmem>>)
        tpu.yield
      }) : () -> ()
      %scan3A_587 = arith.constant 0 : i32
      %scan3A_588 = arith.constant 0 : i32
      %scan3A_589 = arith.constant 80 : i32
      %scan3A_590 = arith.addi %scan3A_588, %scan3A_589 : i32
      %scan3A_591 = arith.constant 1 : i32
      scf.for %scan3A_600 = %scan3A_588 to %scan3A_590 step %scan3A_591  : i32 {
        %get3A_601 = arith.index_cast %scan3A_600 : i32 to index
        %get3A_602 = arith.constant 0 : index
        %get3A_603 = tpu.vector_load %arg9[%get3A_601, %get3A_602] {strides = array<i32>} : memref<80x128xbf16, #tpu.memory_space<vmem>>, vector<32xbf16>,
        %bitcast3A = vector.bitcast %get3A_603 : vector<32xbf16> to vector<16xi32>
        %shift_left3A = arith.shli %bitcast3A, %broadcast_in_dim3A_572 : vector<16xi32>
        %bitcast3A_604 = vector.bitcast %shift_left3A : vector<16xi32> to vector<16xf32>
        %and3A_605 = arith.andi %bitcast3A, %broadcast_in_dim3A_574 : vector<16xi32>
        %bitcast3A_606 = vector.bitcast %and3A_605 : vector<16xi32> to vector<16xf32>
        %swap3A_607 = arith.index_cast %scan3A_600 : i32 to index
        %swap3A_608 = arith.constant 0 : index
        %swap3A_609 = tpu.vector_load %arg12[%swap3A_607, %swap3A_608] {strides = array<i32>} : memref<80x128xf32, #tpu.memory_space<vmem>>, vector<16xf32>,
        tpu.vector_store %arg12[%swap3A_607, %swap3A_608], %bitcast3A_604 {strides = array<i32>} : memref<80x128xf32, #tpu.memory_space<vmem>>, vector<16xf32>,
        %swap3A_610 = arith.index_cast %scan3A_600 : i32 to index
        %swap3A_611 = arith.constant 64 : index
        %swap3A_612 = tpu.vector_load %arg12[%swap3A_610, %swap3A_611] {strides = array<i32>} : memref<80x128xf32, #tpu.memory_space<vmem>>, vector<16xf32>,
        tpu.vector_store %arg12[%swap3A_610, %swap3A_611], %bitcast3A_606 {strides = array<i32>} : memref<80x128xf32, #tpu.memory_space<vmem>>, vector<16xf32>,
        %get3A_613 = arith.index_cast %scan3A_600 : i32 to index
        %get3A_614 = arith.constant 32 : index
        %get3A_615 = tpu.vector_load %arg9[%get3A_613, %get3A_614] {strides = array<i32>} : memref<80x128xbf16, #tpu.memory_space<vmem>>, vector<32xbf16>,
        %bitcast3A_616 = vector.bitcast %get3A_615 : vector<32xbf16> to vector<16xi32>
        %shift_left3A_617 = arith.shli %bitcast3A_616, %broadcast_in_dim3A_572 : vector<16xi32>
        %bitcast3A_618 = vector.bitcast %shift_left3A_617 : vector<16xi32> to vector<16xf32>
        %and3A_619 = arith.andi %bitcast3A_616, %broadcast_in_dim3A_574 : vector<16xi32>
        %bitcast3A_620 = vector.bitcast %and3A_619 : vector<16xi32> to vector<16xf32>
        %swap3A_621 = arith.index_cast %scan3A_600 : i32 to index
        %swap3A_622 = arith.constant 16 : index
        %swap3A_623 = tpu.vector_load %arg12[%swap3A_621, %swap3A_622] {strides = array<i32>} : memref<80x128xf32, #tpu.memory_space<vmem>>, vector<16xf32>,
        tpu.vector_store %arg12[%swap3A_621, %swap3A_622], %bitcast3A_618 {strides = array<i32>} : memref<80x128xf32, #tpu.memory_space<vmem>>, vector<16xf32>,
        %swap3A_624 = arith.index_cast %scan3A_600 : i32 to index
        %swap3A_625 = arith.constant 80 : index
        %swap3A_626 = tpu.vector_load %arg12[%swap3A_624, %swap3A_625] {strides = array<i32>} : memref<80x128xf32, #tpu.memory_space<vmem>>, vector<16xf32>,
        tpu.vector_store %arg12[%swap3A_624, %swap3A_625], %bitcast3A_620 {strides = array<i32>} : memref<80x128xf32, #tpu.memory_space<vmem>>, vector<16xf32>,
        %get3A_627 = arith.index_cast %scan3A_600 : i32 to index
        %get3A_628 = arith.constant 64 : index
        %get3A_629 = tpu.vector_load %arg9[%get3A_627, %get3A_628] {strides = array<i32>} : memref<80x128xbf16, #tpu.memory_space<vmem>>, vector<32xbf16>,
        %bitcast3A_630 = vector.bitcast %get3A_629 : vector<32xbf16> to vector<16xi32>
        %shift_left3A_631 = arith.shli %bitcast3A_630, %broadcast_in_dim3A_572 : vector<16xi32>
        %bitcast3A_632 = vector.bitcast %shift_left3A_631 : vector<16xi32> to vector<16xf32>
        %and3A_633 = arith.andi %bitcast3A_630, %broadcast_in_dim3A_574 : vector<16xi32>
        %bitcast3A_634 = vector.bitcast %and3A_633 : vector<16xi32> to vector<16xf32>
        %swap3A_635 = arith.index_cast %scan3A_600 : i32 to index
        %swap3A_636 = arith.constant 32 : index
        %swap3A_637 = tpu.vector_load %arg12[%swap3A_635, %swap3A_636] {strides = array<i32>} : memref<80x128xf32, #tpu.memory_space<vmem>>, vector<16xf32>,
        tpu.vector_store %arg12[%swap3A_635, %swap3A_636], %bitcast3A_632 {strides = array<i32>} : memref<80x128xf32, #tpu.memory_space<vmem>>, vector<16xf32>,
        %swap3A_638 = arith.index_cast %scan3A_600 : i32 to index
        %swap3A_639 = arith.constant 96 : index
        %swap3A_640 = tpu.vector_load %arg12[%swap3A_638, %swap3A_639] {strides = array<i32>} : memref<80x128xf32, #tpu.memory_space<vmem>>, vector<16xf32>,
        tpu.vector_store %arg12[%swap3A_638, %swap3A_639], %bitcast3A_634 {strides = array<i32>} : memref<80x128xf32, #tpu.memory_space<vmem>>, vector<16xf32>,
        %get3A_641 = arith.index_cast %scan3A_600 : i32 to index
        %get3A_642 = arith.constant 96 : index
        %get3A_643 = tpu.vector_load %arg9[%get3A_641, %get3A_642] {strides = array<i32>} : memref<80x128xbf16, #tpu.memory_space<vmem>>, vector<32xbf16>,
        %bitcast3A_644 = vector.bitcast %get3A_643 : vector<32xbf16> to vector<16xi32>
        %shift_left3A_645 = arith.shli %bitcast3A_644, %broadcast_in_dim3A_572 : vector<16xi32>
        %bitcast3A_646 = vector.bitcast %shift_left3A_645 : vector<16xi32> to vector<16xf32>
        %and3A_647 = arith.andi %bitcast3A_644, %broadcast_in_dim3A_574 : vector<16xi32>
        %bitcast3A_648 = vector.bitcast %and3A_647 : vector<16xi32> to vector<16xf32>
        %swap3A_649 = arith.index_cast %scan3A_600 : i32 to index
        %swap3A_650 = arith.constant 48 : index
        %swap3A_651 = tpu.vector_load %arg12[%swap3A_649, %swap3A_650] {strides = array<i32>} : memref<80x128xf32, #tpu.memory_space<vmem>>, vector<16xf32>,
        tpu.vector_store %arg12[%swap3A_649, %swap3A_650], %bitcast3A_646 {strides = array<i32>} : memref<80x128xf32, #tpu.memory_space<vmem>>, vector<16xf32>,
        %swap3A_652 = arith.index_cast %scan3A_600 : i32 to index
        %swap3A_653 = arith.constant 112 : index
        %swap3A_654 = tpu.vector_load %arg12[%swap3A_652, %swap3A_653] {strides = array<i32>} : memref<80x128xf32, #tpu.memory_space<vmem>>, vector<16xf32>,
        tpu.vector_store %arg12[%swap3A_652, %swap3A_653], %bitcast3A_648 {strides = array<i32>} : memref<80x128xf32, #tpu.memory_space<vmem>>, vector<16xf32>,
      }
      %scan3A_592 = arith.constant 80 : i32
      %eq3A = arith.constant 0 : i32
      %eq3A_593 = arith.cmpi eq, %arg0, %eq3A : i32
      %convert_element_type3A = arith.extui %eq3A_593 : i1 to i32
      %cond3A = arith.constant 0 : i32
      %cond3A_594 = arith.cmpi ne, %convert_element_type3A, %cond3A : i32
      scf.if %cond3A_594 {
        "tpu.region"() ({
          %run_scoped3A = tpu.sem_alloc : memref<!tpu.dma_semaphore, #tpu.memory_space<semaphore_mem>>
          %dma_start3A_600 = arith.constant 0 : i32
          %dma_start3A_601 = tpu.memref_slice %arg4[%add3A_586, %dma_start3A_600] : memref<10240x128xf32, #tpu.memory_space<hbm>> -> memref<80x128xf32, #tpu.memory_space<hbm>>
          %dma_start3A_602 = arith.constant 0 : i32
          %dma_start3A_603 = tpu.memref_slice %arg4[%add3A_586, %dma_start3A_602] : memref<10240x128xf32, #tpu.memory_space<hbm>> -> memref<80x128xf32, #tpu.memory_space<hbm>>
          tpu.enqueue_dma source(%arg12 : memref<80x128xf32, #tpu.memory_space<vmem>>) target(%dma_start3A_603 : memref<80x128xf32, #tpu.memory_space<hbm>>) target_semaphore(%run_scoped3A : memref<!tpu.dma_semaphore, #tpu.memory_space<semaphore_mem>>)
          %dma_wait3A_604 = arith.constant 0 : i32
          %dma_wait3A_605 = tpu.memref_slice %arg4[%add3A_586, %dma_wait3A_604] : memref<10240x128xf32, #tpu.memory_space<hbm>> -> memref<80x128xf32, #tpu.memory_space<hbm>>
          %dma_wait3A_606 = arith.constant 0 : i32
          %dma_wait3A_607 = tpu.memref_slice %arg4[%add3A_586, %dma_wait3A_606] : memref<10240x128xf32, #tpu.memory_space<hbm>> -> memref<80x128xf32, #tpu.memory_space<hbm>>
          tpu.wait_dma2 semaphore(%run_scoped3A : memref<!tpu.dma_semaphore, #tpu.memory_space<semaphore_mem>>) src(%arg12 : memref<80x128xf32, #tpu.memory_space<vmem>>) dst(%dma_wait3A_607 : memref<80x128xf32, #tpu.memory_space<hbm>>)
          tpu.yield
        }) : () -> ()
      } else {
      }
      %eq3A_595 = arith.constant 1 : i32
      %eq3A_596 = arith.cmpi eq, %arg0, %eq3A_595 : i32
      %convert_element_type3A_597 = arith.extui %eq3A_596 : i1 to i32
      %cond3A_598 = arith.constant 0 : i32
      %cond3A_599 = arith.cmpi ne, %convert_element_type3A_597, %cond3A_598 : i32
      scf.if %cond3A_599 {
        "tpu.region"() ({
          %run_scoped3A = tpu.sem_alloc : memref<!tpu.dma_semaphore, #tpu.memory_space<semaphore_mem>>
          %dma_start3A_600 = arith.constant 0 : i32
          %dma_start3A_601 = tpu.memref_slice %arg5[%add3A_586, %dma_start3A_600] : memref<10240x128xf32, #tpu.memory_space<hbm>> -> memref<80x128xf32, #tpu.memory_space<hbm>>
          %dma_start3A_602 = arith.constant 0 : i32
          %dma_start3A_603 = tpu.memref_slice %arg5[%add3A_586, %dma_start3A_602] : memref<10240x128xf32, #tpu.memory_space<hbm>> -> memref<80x128xf32, #tpu.memory_space<hbm>>
          tpu.enqueue_dma source(%arg12 : memref<80x128xf32, #tpu.memory_space<vmem>>) target(%dma_start3A_603 : memref<80x128xf32, #tpu.memory_space<hbm>>) target_semaphore(%run_scoped3A : memref<!tpu.dma_semaphore, #tpu.memory_space<semaphore_mem>>)
          %dma_wait3A_604 = arith.constant 0 : i32
          %dma_wait3A_605 = tpu.memref_slice %arg5[%add3A_586, %dma_wait3A_604] : memref<10240x128xf32, #tpu.memory_space<hbm>> -> memref<80x128xf32, #tpu.memory_space<hbm>>
          %dma_wait3A_606 = arith.constant 0 : i32
          %dma_wait3A_607 = tpu.memref_slice %arg5[%add3A_586, %dma_wait3A_606] : memref<10240x128xf32, #tpu.memory_space<hbm>> -> memref<80x128xf32, #tpu.memory_space<hbm>>
          tpu.wait_dma2 semaphore(%run_scoped3A : memref<!tpu.dma_semaphore, #tpu.memory_space<semaphore_mem>>) src(%arg12 : memref<80x128xf32, #tpu.memory_space<vmem>>) dst(%dma_wait3A_607 : memref<80x128xf32, #tpu.memory_space<hbm>>)
          tpu.yield
        }) : () -> ()
      } else {
      }
    }
    %scan3A_580 = arith.constant 8 : i32
    return
  }
}

#map = affine_map<(d0, d1) -> (0, 0)>
#map1 = affine_map<(d0, d1) -> (0, 0, 0)>
module attributes {stable_mosaic.version = 14 : i64} {
  func.func @sc_segment_sum_counts(%arg0: i32, %arg1: i32, %arg2: memref<10000x128xbf16, #tpu.memory_space<hbm>>, %arg3: memref<32x125x80xi32, #tpu.memory_space<hbm>>, %arg4: memref<10240x128xf32, #tpu.memory_space<hbm>>, %arg5: memref<10240x128xf32, #tpu.memory_space<hbm>>, %arg6: memref<2x10240x16xf32, #tpu.memory_space<hbm>>, %arg7: memref<125x80xi32, #tpu.memory_space<vmem>>, %arg8: memref<3x80xi32, #tpu.memory_space<vmem>>, %arg9: memref<3x80xi32, #tpu.memory_space<vmem>>, %arg10: memref<80x128xbf16, #tpu.memory_space<vmem>>, %arg11: memref<80x128xbf16, #tpu.memory_space<vmem>>, %arg12: memref<80x128xbf16, #tpu.memory_space<vmem>>, %arg13: memref<80x128xf32, #tpu.memory_space<vmem>>, %arg14: memref<!tpu.dma_semaphore, #tpu.memory_space<semaphore_mem>>, %arg15: memref<!tpu.dma_semaphore, #tpu.memory_space<semaphore_mem>>, %arg16: memref<!tpu.dma_semaphore, #tpu.memory_space<semaphore_mem>>, %arg17: memref<!tpu.dma_semaphore, #tpu.memory_space<semaphore_mem>>, %arg18: memref<!tpu.dma_semaphore, #tpu.memory_space<semaphore_mem>>, %arg19: memref<!tpu.dma_semaphore, #tpu.memory_space<semaphore_mem>>, %arg20: memref<!tpu.dma_semaphore, #tpu.memory_space<semaphore_mem>>, %arg21: memref<!tpu.dma_semaphore, #tpu.memory_space<semaphore_mem>>, %arg22: memref<!tpu.dma_semaphore, #tpu.memory_space<semaphore_mem>>, %arg23: memref<80x16xf32, #tpu.memory_space<vmem>>, %arg24: memref<640x16xf32, #tpu.memory_space<vmem>>, %arg25: memref<10240x128xbf16, #tpu.memory_space<vmem_shared>>, %arg26: memref<10240x16xf32, #tpu.memory_space<vmem_shared>>) attributes {dimension_semantics = [#tpu.dimension_semantics<core_parallel>, #tpu.dimension_semantics<subcore_parallel>], iteration_bounds = array<i64: 2, 16>, scalar_prefetch = 0 : i64, scratch_operands = 20 : i64, tpu.core_type = #tpu.core_type<sc_vector_subcore>, window_params = [{transform_indices = #map}, {transform_indices = #map1}, {transform_indices = #map}, {transform_indices = #map}, {transform_indices = #map1}]} {
    %mul3A = arith.constant 2 : i32
    %mul3A_0 = arith.muli %arg1, %mul3A : i32
    %add3A = arith.addi %mul3A_0, %arg0 : i32
    %broadcast_in_dim3A = arith.constant 0.000000e+00 : bf16
    %broadcast_in_dim3A_1 = vector.broadcast %broadcast_in_dim3A : bf16 to vector<32xbf16>
    %scan3A = arith.constant 0 : i32
    %scan3A_2 = arith.constant 0 : i32
    %scan3A_3 = arith.constant 80 : i32
    %scan3A_4 = arith.addi %scan3A_2, %scan3A_3 : i32
    %scan3A_5 = arith.constant 1 : i32
    scf.for %scan3A_683 = %scan3A_2 to %scan3A_4 step %scan3A_5  : i32 {
      %swap3A_684 = arith.index_cast %scan3A_683 : i32 to index
      %swap3A_685 = arith.constant 0 : index
      %swap3A_686 = tpu.vector_load %arg10[%swap3A_684, %swap3A_685] {strides = array<i32>} : memref<80x128xbf16, #tpu.memory_space<vmem>>, vector<32xbf16>,
      tpu.vector_store %arg10[%swap3A_684, %swap3A_685], %broadcast_in_dim3A_1 {strides = array<i32>} : memref<80x128xbf16, #tpu.memory_space<vmem>>, vector<32xbf16>,
      %swap3A_687 = arith.index_cast %scan3A_683 : i32 to index
      %swap3A_688 = arith.constant 32 : index
      %swap3A_689 = tpu.vector_load %arg10[%swap3A_687, %swap3A_688] {strides = array<i32>} : memref<80x128xbf16, #tpu.memory_space<vmem>>, vector<32xbf16>,
      tpu.vector_store %arg10[%swap3A_687, %swap3A_688], %broadcast_in_dim3A_1 {strides = array<i32>} : memref<80x128xbf16, #tpu.memory_space<vmem>>, vector<32xbf16>,
      %swap3A_690 = arith.index_cast %scan3A_683 : i32 to index
      %swap3A_691 = arith.constant 64 : index
      %swap3A_692 = tpu.vector_load %arg10[%swap3A_690, %swap3A_691] {strides = array<i32>} : memref<80x128xbf16, #tpu.memory_space<vmem>>, vector<32xbf16>,
      tpu.vector_store %arg10[%swap3A_690, %swap3A_691], %broadcast_in_dim3A_1 {strides = array<i32>} : memref<80x128xbf16, #tpu.memory_space<vmem>>, vector<32xbf16>,
      %swap3A_693 = arith.index_cast %scan3A_683 : i32 to index
      %swap3A_694 = arith.constant 96 : index
      %swap3A_695 = tpu.vector_load %arg10[%swap3A_693, %swap3A_694] {strides = array<i32>} : memref<80x128xbf16, #tpu.memory_space<vmem>>, vector<32xbf16>,
      tpu.vector_store %arg10[%swap3A_693, %swap3A_694], %broadcast_in_dim3A_1 {strides = array<i32>} : memref<80x128xbf16, #tpu.memory_space<vmem>>, vector<32xbf16>,
    }
    %scan3A_6 = arith.constant 80 : i32
    %scan3A_7 = arith.constant 0 : i32
    %scan3A_8 = arith.constant 0 : i32
    %scan3A_9 = arith.constant 8 : i32
    %scan3A_10 = arith.addi %scan3A_8, %scan3A_9 : i32
    %scan3A_11 = arith.constant 1 : i32
    scf.for %scan3A_683 = %scan3A_8 to %scan3A_10 step %scan3A_11  : i32 {
      %mul3A_684 = arith.constant 640 : i32
      %mul3A_685 = arith.muli %arg1, %mul3A_684 : i32
      %mul3A_686 = arith.constant 80 : i32
      %mul3A_687 = arith.muli %scan3A_683, %mul3A_686 : i32
      %add3A_688 = arith.addi %mul3A_685, %mul3A_687 : i32
      "tpu.region"() ({
        %run_scoped3A = tpu.sem_alloc : memref<!tpu.dma_semaphore, #tpu.memory_space<semaphore_mem>>
        %dma_start3A_689 = arith.constant 0 : i32
        %dma_start3A_690 = tpu.memref_slice %arg25[%add3A_688, %dma_start3A_689] : memref<10240x128xbf16, #tpu.memory_space<vmem_shared>> -> memref<80x128xbf16, #tpu.memory_space<vmem_shared>>
        %dma_start3A_691 = arith.constant 0 : i32
        %dma_start3A_692 = tpu.memref_slice %arg25[%add3A_688, %dma_start3A_691] : memref<10240x128xbf16, #tpu.memory_space<vmem_shared>> -> memref<80x128xbf16, #tpu.memory_space<vmem_shared>>
        tpu.enqueue_dma source(%arg10 : memref<80x128xbf16, #tpu.memory_space<vmem>>) target(%dma_start3A_692 : memref<80x128xbf16, #tpu.memory_space<vmem_shared>>) target_semaphore(%run_scoped3A : memref<!tpu.dma_semaphore, #tpu.memory_space<semaphore_mem>>)
        %dma_wait3A_693 = arith.constant 0 : i32
        %dma_wait3A_694 = tpu.memref_slice %arg25[%add3A_688, %dma_wait3A_693] : memref<10240x128xbf16, #tpu.memory_space<vmem_shared>> -> memref<80x128xbf16, #tpu.memory_space<vmem_shared>>
        %dma_wait3A_695 = arith.constant 0 : i32
        %dma_wait3A_696 = tpu.memref_slice %arg25[%add3A_688, %dma_wait3A_695] : memref<10240x128xbf16, #tpu.memory_space<vmem_shared>> -> memref<80x128xbf16, #tpu.memory_space<vmem_shared>>
        tpu.wait_dma2 semaphore(%run_scoped3A : memref<!tpu.dma_semaphore, #tpu.memory_space<semaphore_mem>>) src(%arg10 : memref<80x128xbf16, #tpu.memory_space<vmem>>) dst(%dma_wait3A_696 : memref<80x128xbf16, #tpu.memory_space<vmem_shared>>)
        tpu.yield
      }) : () -> ()
    }
    %scan3A_12 = arith.constant 8 : i32
    %broadcast_in_dim3A_13 = arith.constant 0.000000e+00 : f32
    %broadcast_in_dim3A_14 = vector.broadcast %broadcast_in_dim3A_13 : f32 to vector<16xf32>
    %broadcast_in_dim3A_15 = arith.constant 1.000000e+00 : f32
    %broadcast_in_dim3A_16 = vector.broadcast %broadcast_in_dim3A_15 : f32 to vector<16xf32>
    %scan3A_17 = arith.constant 0 : i32
    %scan3A_18 = arith.constant 0 : i32
    %scan3A_19 = arith.constant 640 : i32
    %scan3A_20 = arith.addi %scan3A_18, %scan3A_19 : i32
    %scan3A_21 = arith.constant 1 : i32
    scf.for %scan3A_683 = %scan3A_18 to %scan3A_20 step %scan3A_21  : i32 {
      %swap3A_684 = arith.index_cast %scan3A_683 : i32 to index
      %swap3A_685 = arith.constant 0 : index
      %swap3A_686 = tpu.vector_load %arg24[%swap3A_684, %swap3A_685] {strides = array<i32>} : memref<640x16xf32, #tpu.memory_space<vmem>>, vector<16xf32>,
      tpu.vector_store %arg24[%swap3A_684, %swap3A_685], %broadcast_in_dim3A_14 {strides = array<i32>} : memref<640x16xf32, #tpu.memory_space<vmem>>, vector<16xf32>,
    }
    %scan3A_22 = arith.constant 640 : i32
    %mul3A_23 = arith.constant 640 : i32
    %mul3A_24 = arith.muli %arg1, %mul3A_23 : i32
    "tpu.region"() ({
      %run_scoped3A = tpu.sem_alloc : memref<!tpu.dma_semaphore, #tpu.memory_space<semaphore_mem>>
      %dma_start3A_683 = arith.constant 0 : i32
      %dma_start3A_684 = tpu.memref_slice %arg26[%mul3A_24, %dma_start3A_683] : memref<10240x16xf32, #tpu.memory_space<vmem_shared>> -> memref<640x16xf32, #tpu.memory_space<vmem_shared>>
      %dma_start3A_685 = arith.constant 0 : i32
      %dma_start3A_686 = tpu.memref_slice %arg26[%mul3A_24, %dma_start3A_685] : memref<10240x16xf32, #tpu.memory_space<vmem_shared>> -> memref<640x16xf32, #tpu.memory_space<vmem_shared>>
      tpu.enqueue_dma source(%arg24 : memref<640x16xf32, #tpu.memory_space<vmem>>) target(%dma_start3A_686 : memref<640x16xf32, #tpu.memory_space<vmem_shared>>) target_semaphore(%run_scoped3A : memref<!tpu.dma_semaphore, #tpu.memory_space<semaphore_mem>>)
      %dma_wait3A_687 = arith.constant 0 : i32
      %dma_wait3A_688 = tpu.memref_slice %arg26[%mul3A_24, %dma_wait3A_687] : memref<10240x16xf32, #tpu.memory_space<vmem_shared>> -> memref<640x16xf32, #tpu.memory_space<vmem_shared>>
      %dma_wait3A_689 = arith.constant 0 : i32
      %dma_wait3A_690 = tpu.memref_slice %arg26[%mul3A_24, %dma_wait3A_689] : memref<10240x16xf32, #tpu.memory_space<vmem_shared>> -> memref<640x16xf32, #tpu.memory_space<vmem_shared>>
      tpu.wait_dma2 semaphore(%run_scoped3A : memref<!tpu.dma_semaphore, #tpu.memory_space<semaphore_mem>>) src(%arg24 : memref<640x16xf32, #tpu.memory_space<vmem>>) dst(%dma_wait3A_690 : memref<640x16xf32, #tpu.memory_space<vmem_shared>>)
      tpu.yield
    }) : () -> ()
    %scan3A_25 = arith.constant 0 : i32
    %scan3A_26 = arith.constant 0 : i32
    %scan3A_27 = arith.constant 80 : i32
    %scan3A_28 = arith.addi %scan3A_26, %scan3A_27 : i32
    %scan3A_29 = arith.constant 1 : i32
    scf.for %scan3A_683 = %scan3A_26 to %scan3A_28 step %scan3A_29  : i32 {
      %swap3A_684 = arith.index_cast %scan3A_683 : i32 to index
      %swap3A_685 = arith.constant 0 : index
      %swap3A_686 = tpu.vector_load %arg23[%swap3A_684, %swap3A_685] {strides = array<i32>} : memref<80x16xf32, #tpu.memory_space<vmem>>, vector<16xf32>,
      tpu.vector_store %arg23[%swap3A_684, %swap3A_685], %broadcast_in_dim3A_16 {strides = array<i32>} : memref<80x16xf32, #tpu.memory_space<vmem>>, vector<16xf32>,
    }
    %scan3A_30 = arith.constant 80 : i32
    %barrier3A = arith.constant 0 : index
    tpu.barrier barrier_id(%barrier3A)
    "tpu.region"() ({
      %run_scoped3A = tpu.sem_alloc : memref<!tpu.dma_semaphore, #tpu.memory_space<semaphore_mem>>
      %dma_start3A_683 = arith.constant 0 : i32
      %dma_start3A_684 = arith.constant 0 : i32
      %dma_start3A_685 = tpu.memref_slice %arg3[%add3A, %dma_start3A_683, %dma_start3A_684] : memref<32x125x80xi32, #tpu.memory_space<hbm>> -> memref<1x125x80xi32, #tpu.memory_space<hbm>>
      %dma_start3A_686 = tpu.memref_squeeze %dma_start3A_685 : memref<1x125x80xi32, #tpu.memory_space<hbm>> -> memref<125x80xi32, #tpu.memory_space<hbm>>
      %dma_start3A_687 = arith.constant 0 : i32
      %dma_start3A_688 = arith.constant 0 : i32
      %dma_start3A_689 = tpu.memref_slice %arg3[%add3A, %dma_start3A_687, %dma_start3A_688] : memref<32x125x80xi32, #tpu.memory_space<hbm>> -> memref<1x125x80xi32, #tpu.memory_space<hbm>>
      %dma_start3A_690 = tpu.memref_squeeze %dma_start3A_689 : memref<1x125x80xi32, #tpu.memory_space<hbm>> -> memref<125x80xi32, #tpu.memory_space<hbm>>
      tpu.enqueue_dma source(%dma_start3A_690 : memref<125x80xi32, #tpu.memory_space<hbm>>) target(%arg7 : memref<125x80xi32, #tpu.memory_space<vmem>>) target_semaphore(%run_scoped3A : memref<!tpu.dma_semaphore, #tpu.memory_space<semaphore_mem>>)
      %dma_wait3A_691 = arith.constant 0 : i32
      %dma_wait3A_692 = arith.constant 0 : i32
      %dma_wait3A_693 = tpu.memref_slice %arg3[%add3A, %dma_wait3A_691, %dma_wait3A_692] : memref<32x125x80xi32, #tpu.memory_space<hbm>> -> memref<1x125x80xi32, #tpu.memory_space<hbm>>
      %dma_wait3A_694 = tpu.memref_squeeze %dma_wait3A_693 : memref<1x125x80xi32, #tpu.memory_space<hbm>> -> memref<125x80xi32, #tpu.memory_space<hbm>>
      %dma_wait3A_695 = arith.constant 0 : i32
      %dma_wait3A_696 = arith.constant 0 : i32
      %dma_wait3A_697 = tpu.memref_slice %arg3[%add3A, %dma_wait3A_695, %dma_wait3A_696] : memref<32x125x80xi32, #tpu.memory_space<hbm>> -> memref<1x125x80xi32, #tpu.memory_space<hbm>>
      %dma_wait3A_698 = tpu.memref_squeeze %dma_wait3A_697 : memref<1x125x80xi32, #tpu.memory_space<hbm>> -> memref<125x80xi32, #tpu.memory_space<hbm>>
      tpu.wait_dma2 semaphore(%run_scoped3A : memref<!tpu.dma_semaphore, #tpu.memory_space<semaphore_mem>>) src(%dma_wait3A_698 : memref<125x80xi32, #tpu.memory_space<hbm>>) dst(%arg7 : memref<125x80xi32, #tpu.memory_space<vmem>>)
      tpu.yield
    }) : () -> ()
    %broadcast_in_dim3A_31 = arith.constant 16383 : i32
    %broadcast_in_dim3A_32 = vector.broadcast %broadcast_in_dim3A_31 : i32 to vector<16xi32>
    %get3A = arith.constant 0 : i32
    %get3A_33 = arith.index_cast %get3A : i32 to index
    %get3A_34 = arith.constant 0 : index
    %get3A_35 = tpu.vector_load %arg7[%get3A_33, %get3A_34] {strides = array<i32>} : memref<125x80xi32, #tpu.memory_space<vmem>>, vector<16xi32>,
    %and3A = arith.andi %get3A_35, %broadcast_in_dim3A_32 : vector<16xi32>
    %swap3A = arith.constant 0 : i32
    %swap3A_36 = arith.index_cast %swap3A : i32 to index
    %swap3A_37 = arith.constant 0 : index
    %swap3A_38 = tpu.vector_load %arg8[%swap3A_36, %swap3A_37] {strides = array<i32>} : memref<3x80xi32, #tpu.memory_space<vmem>>, vector<16xi32>,
    tpu.vector_store %arg8[%swap3A_36, %swap3A_37], %and3A {strides = array<i32>} : memref<3x80xi32, #tpu.memory_space<vmem>>, vector<16xi32>,
    %broadcast_in_dim3A_39 = arith.constant 14 : i32
    %broadcast_in_dim3A_40 = vector.broadcast %broadcast_in_dim3A_39 : i32 to vector<16xi32>
    %shift_right_logical3A = arith.shrui %get3A_35, %broadcast_in_dim3A_40 : vector<16xi32>
    %and3A_41 = arith.andi %shift_right_logical3A, %broadcast_in_dim3A_32 : vector<16xi32>
    %swap3A_42 = arith.constant 0 : i32
    %swap3A_43 = arith.index_cast %swap3A_42 : i32 to index
    %swap3A_44 = arith.constant 0 : index
    %swap3A_45 = tpu.vector_load %arg9[%swap3A_43, %swap3A_44] {strides = array<i32>} : memref<3x80xi32, #tpu.memory_space<vmem>>, vector<16xi32>,
    tpu.vector_store %arg9[%swap3A_43, %swap3A_44], %and3A_41 {strides = array<i32>} : memref<3x80xi32, #tpu.memory_space<vmem>>, vector<16xi32>,
    %get3A_46 = arith.constant 0 : i32
    %get3A_47 = arith.index_cast %get3A_46 : i32 to index
    %get3A_48 = arith.constant 16 : index
    %get3A_49 = tpu.vector_load %arg7[%get3A_47, %get3A_48] {strides = array<i32>} : memref<125x80xi32, #tpu.memory_space<vmem>>, vector<16xi32>,
    %and3A_50 = arith.andi %get3A_49, %broadcast_in_dim3A_32 : vector<16xi32>
    %swap3A_51 = arith.constant 0 : i32
    %swap3A_52 = arith.index_cast %swap3A_51 : i32 to index
    %swap3A_53 = arith.constant 16 : index
    %swap3A_54 = tpu.vector_load %arg8[%swap3A_52, %swap3A_53] {strides = array<i32>} : memref<3x80xi32, #tpu.memory_space<vmem>>, vector<16xi32>,
    tpu.vector_store %arg8[%swap3A_52, %swap3A_53], %and3A_50 {strides = array<i32>} : memref<3x80xi32, #tpu.memory_space<vmem>>, vector<16xi32>,
    %broadcast_in_dim3A_55 = arith.constant 14 : i32
    %broadcast_in_dim3A_56 = vector.broadcast %broadcast_in_dim3A_55 : i32 to vector<16xi32>
    %shift_right_logical3A_57 = arith.shrui %get3A_49, %broadcast_in_dim3A_56 : vector<16xi32>
    %and3A_58 = arith.andi %shift_right_logical3A_57, %broadcast_in_dim3A_32 : vector<16xi32>
    %swap3A_59 = arith.constant 0 : i32
    %swap3A_60 = arith.index_cast %swap3A_59 : i32 to index
    %swap3A_61 = arith.constant 16 : index
    %swap3A_62 = tpu.vector_load %arg9[%swap3A_60, %swap3A_61] {strides = array<i32>} : memref<3x80xi32, #tpu.memory_space<vmem>>, vector<16xi32>,
    tpu.vector_store %arg9[%swap3A_60, %swap3A_61], %and3A_58 {strides = array<i32>} : memref<3x80xi32, #tpu.memory_space<vmem>>, vector<16xi32>,
    %get3A_63 = arith.constant 0 : i32
    %get3A_64 = arith.index_cast %get3A_63 : i32 to index
    %get3A_65 = arith.constant 32 : index
    %get3A_66 = tpu.vector_load %arg7[%get3A_64, %get3A_65] {strides = array<i32>} : memref<125x80xi32, #tpu.memory_space<vmem>>, vector<16xi32>,
    %and3A_67 = arith.andi %get3A_66, %broadcast_in_dim3A_32 : vector<16xi32>
    %swap3A_68 = arith.constant 0 : i32
    %swap3A_69 = arith.index_cast %swap3A_68 : i32 to index
    %swap3A_70 = arith.constant 32 : index
    %swap3A_71 = tpu.vector_load %arg8[%swap3A_69, %swap3A_70] {strides = array<i32>} : memref<3x80xi32, #tpu.memory_space<vmem>>, vector<16xi32>,
    tpu.vector_store %arg8[%swap3A_69, %swap3A_70], %and3A_67 {strides = array<i32>} : memref<3x80xi32, #tpu.memory_space<vmem>>, vector<16xi32>,
    %broadcast_in_dim3A_72 = arith.constant 14 : i32
    %broadcast_in_dim3A_73 = vector.broadcast %broadcast_in_dim3A_72 : i32 to vector<16xi32>
    %shift_right_logical3A_74 = arith.shrui %get3A_66, %broadcast_in_dim3A_73 : vector<16xi32>
    %and3A_75 = arith.andi %shift_right_logical3A_74, %broadcast_in_dim3A_32 : vector<16xi32>
    %swap3A_76 = arith.constant 0 : i32
    %swap3A_77 = arith.index_cast %swap3A_76 : i32 to index
    %swap3A_78 = arith.constant 32 : index
    %swap3A_79 = tpu.vector_load %arg9[%swap3A_77, %swap3A_78] {strides = array<i32>} : memref<3x80xi32, #tpu.memory_space<vmem>>, vector<16xi32>,
    tpu.vector_store %arg9[%swap3A_77, %swap3A_78], %and3A_75 {strides = array<i32>} : memref<3x80xi32, #tpu.memory_space<vmem>>, vector<16xi32>,
    %get3A_80 = arith.constant 0 : i32
    %get3A_81 = arith.index_cast %get3A_80 : i32 to index
    %get3A_82 = arith.constant 48 : index
    %get3A_83 = tpu.vector_load %arg7[%get3A_81, %get3A_82] {strides = array<i32>} : memref<125x80xi32, #tpu.memory_space<vmem>>, vector<16xi32>,
    %and3A_84 = arith.andi %get3A_83, %broadcast_in_dim3A_32 : vector<16xi32>
    %swap3A_85 = arith.constant 0 : i32
    %swap3A_86 = arith.index_cast %swap3A_85 : i32 to index
    %swap3A_87 = arith.constant 48 : index
    %swap3A_88 = tpu.vector_load %arg8[%swap3A_86, %swap3A_87] {strides = array<i32>} : memref<3x80xi32, #tpu.memory_space<vmem>>, vector<16xi32>,
    tpu.vector_store %arg8[%swap3A_86, %swap3A_87], %and3A_84 {strides = array<i32>} : memref<3x80xi32, #tpu.memory_space<vmem>>, vector<16xi32>,
    %broadcast_in_dim3A_89 = arith.constant 14 : i32
    %broadcast_in_dim3A_90 = vector.broadcast %broadcast_in_dim3A_89 : i32 to vector<16xi32>
    %shift_right_logical3A_91 = arith.shrui %get3A_83, %broadcast_in_dim3A_90 : vector<16xi32>
    %and3A_92 = arith.andi %shift_right_logical3A_91, %broadcast_in_dim3A_32 : vector<16xi32>
    %swap3A_93 = arith.constant 0 : i32
    %swap3A_94 = arith.index_cast %swap3A_93 : i32 to index
    %swap3A_95 = arith.constant 48 : index
    %swap3A_96 = tpu.vector_load %arg9[%swap3A_94, %swap3A_95] {strides = array<i32>} : memref<3x80xi32, #tpu.memory_space<vmem>>, vector<16xi32>,
    tpu.vector_store %arg9[%swap3A_94, %swap3A_95], %and3A_92 {strides = array<i32>} : memref<3x80xi32, #tpu.memory_space<vmem>>, vector<16xi32>,
    %get3A_97 = arith.constant 0 : i32
    %get3A_98 = arith.index_cast %get3A_97 : i32 to index
    %get3A_99 = arith.constant 64 : index
    %get3A_100 = tpu.vector_load %arg7[%get3A_98, %get3A_99] {strides = array<i32>} : memref<125x80xi32, #tpu.memory_space<vmem>>, vector<16xi32>,
    %and3A_101 = arith.andi %get3A_100, %broadcast_in_dim3A_32 : vector<16xi32>
    %swap3A_102 = arith.constant 0 : i32
    %swap3A_103 = arith.index_cast %swap3A_102 : i32 to index
    %swap3A_104 = arith.constant 64 : index
    %swap3A_105 = tpu.vector_load %arg8[%swap3A_103, %swap3A_104] {strides = array<i32>} : memref<3x80xi32, #tpu.memory_space<vmem>>, vector<16xi32>,
    tpu.vector_store %arg8[%swap3A_103, %swap3A_104], %and3A_101 {strides = array<i32>} : memref<3x80xi32, #tpu.memory_space<vmem>>, vector<16xi32>,
    %broadcast_in_dim3A_106 = arith.constant 14 : i32
    %broadcast_in_dim3A_107 = vector.broadcast %broadcast_in_dim3A_106 : i32 to vector<16xi32>
    %shift_right_logical3A_108 = arith.shrui %get3A_100, %broadcast_in_dim3A_107 : vector<16xi32>
    %and3A_109 = arith.andi %shift_right_logical3A_108, %broadcast_in_dim3A_32 : vector<16xi32>
    %swap3A_110 = arith.constant 0 : i32
    %swap3A_111 = arith.index_cast %swap3A_110 : i32 to index
    %swap3A_112 = arith.constant 64 : index
    %swap3A_113 = tpu.vector_load %arg9[%swap3A_111, %swap3A_112] {strides = array<i32>} : memref<3x80xi32, #tpu.memory_space<vmem>>, vector<16xi32>,
    tpu.vector_store %arg9[%swap3A_111, %swap3A_112], %and3A_109 {strides = array<i32>} : memref<3x80xi32, #tpu.memory_space<vmem>>, vector<16xi32>,
    %dma_start3A = arith.constant 0 : i32
    %dma_start3A_114 = arith.constant 0 : i32
    %dma_start3A_115 = tpu.memref_slice %arg8[%dma_start3A, %dma_start3A_114] : memref<3x80xi32, #tpu.memory_space<vmem>> -> memref<1x80xi32, #tpu.memory_space<vmem>>
    %dma_start3A_116 = tpu.memref_squeeze %dma_start3A_115 : memref<1x80xi32, #tpu.memory_space<vmem>> -> memref<80xi32, #tpu.memory_space<vmem>>
    %dma_start3A_117 = arith.constant 0 : i32
    %dma_start3A_118 = arith.constant 0 : i32
    %dma_start3A_119 = tpu.memref_slice %arg2[%dma_start3A_117, %dma_start3A_118] : memref<10000x128xbf16, #tpu.memory_space<hbm>> -> memref<10000x128xbf16, #tpu.memory_space<hbm>>
    tpu.enqueue_indirect_dma source(%dma_start3A_119 : memref<10000x128xbf16, #tpu.memory_space<hbm>>) target(%arg10 : memref<80x128xbf16, #tpu.memory_space<vmem>>) offsets(%dma_start3A_116 : memref<80xi32, #tpu.memory_space<vmem>>) semaphore(%arg14 : memref<!tpu.dma_semaphore, #tpu.memory_space<semaphore_mem>>)
    %get3A_120 = arith.constant 1 : i32
    %get3A_121 = arith.index_cast %get3A_120 : i32 to index
    %get3A_122 = arith.constant 0 : index
    %get3A_123 = tpu.vector_load %arg7[%get3A_121, %get3A_122] {strides = array<i32>} : memref<125x80xi32, #tpu.memory_space<vmem>>, vector<16xi32>,
    %and3A_124 = arith.andi %get3A_123, %broadcast_in_dim3A_32 : vector<16xi32>
    %swap3A_125 = arith.constant 1 : i32
    %swap3A_126 = arith.index_cast %swap3A_125 : i32 to index
    %swap3A_127 = arith.constant 0 : index
    %swap3A_128 = tpu.vector_load %arg8[%swap3A_126, %swap3A_127] {strides = array<i32>} : memref<3x80xi32, #tpu.memory_space<vmem>>, vector<16xi32>,
    tpu.vector_store %arg8[%swap3A_126, %swap3A_127], %and3A_124 {strides = array<i32>} : memref<3x80xi32, #tpu.memory_space<vmem>>, vector<16xi32>,
    %broadcast_in_dim3A_129 = arith.constant 14 : i32
    %broadcast_in_dim3A_130 = vector.broadcast %broadcast_in_dim3A_129 : i32 to vector<16xi32>
    %shift_right_logical3A_131 = arith.shrui %get3A_123, %broadcast_in_dim3A_130 : vector<16xi32>
    %and3A_132 = arith.andi %shift_right_logical3A_131, %broadcast_in_dim3A_32 : vector<16xi32>
    %swap3A_133 = arith.constant 1 : i32
    %swap3A_134 = arith.index_cast %swap3A_133 : i32 to index
    %swap3A_135 = arith.constant 0 : index
    %swap3A_136 = tpu.vector_load %arg9[%swap3A_134, %swap3A_135] {strides = array<i32>} : memref<3x80xi32, #tpu.memory_space<vmem>>, vector<16xi32>,
    tpu.vector_store %arg9[%swap3A_134, %swap3A_135], %and3A_132 {strides = array<i32>} : memref<3x80xi32, #tpu.memory_space<vmem>>, vector<16xi32>,
    %get3A_137 = arith.constant 1 : i32
    %get3A_138 = arith.index_cast %get3A_137 : i32 to index
    %get3A_139 = arith.constant 16 : index
    %get3A_140 = tpu.vector_load %arg7[%get3A_138, %get3A_139] {strides = array<i32>} : memref<125x80xi32, #tpu.memory_space<vmem>>, vector<16xi32>,
    %and3A_141 = arith.andi %get3A_140, %broadcast_in_dim3A_32 : vector<16xi32>
    %swap3A_142 = arith.constant 1 : i32
    %swap3A_143 = arith.index_cast %swap3A_142 : i32 to index
    %swap3A_144 = arith.constant 16 : index
    %swap3A_145 = tpu.vector_load %arg8[%swap3A_143, %swap3A_144] {strides = array<i32>} : memref<3x80xi32, #tpu.memory_space<vmem>>, vector<16xi32>,
    tpu.vector_store %arg8[%swap3A_143, %swap3A_144], %and3A_141 {strides = array<i32>} : memref<3x80xi32, #tpu.memory_space<vmem>>, vector<16xi32>,
    %broadcast_in_dim3A_146 = arith.constant 14 : i32
    %broadcast_in_dim3A_147 = vector.broadcast %broadcast_in_dim3A_146 : i32 to vector<16xi32>
    %shift_right_logical3A_148 = arith.shrui %get3A_140, %broadcast_in_dim3A_147 : vector<16xi32>
    %and3A_149 = arith.andi %shift_right_logical3A_148, %broadcast_in_dim3A_32 : vector<16xi32>
    %swap3A_150 = arith.constant 1 : i32
    %swap3A_151 = arith.index_cast %swap3A_150 : i32 to index
    %swap3A_152 = arith.constant 16 : index
    %swap3A_153 = tpu.vector_load %arg9[%swap3A_151, %swap3A_152] {strides = array<i32>} : memref<3x80xi32, #tpu.memory_space<vmem>>, vector<16xi32>,
    tpu.vector_store %arg9[%swap3A_151, %swap3A_152], %and3A_149 {strides = array<i32>} : memref<3x80xi32, #tpu.memory_space<vmem>>, vector<16xi32>,
    %get3A_154 = arith.constant 1 : i32
    %get3A_155 = arith.index_cast %get3A_154 : i32 to index
    %get3A_156 = arith.constant 32 : index
    %get3A_157 = tpu.vector_load %arg7[%get3A_155, %get3A_156] {strides = array<i32>} : memref<125x80xi32, #tpu.memory_space<vmem>>, vector<16xi32>,
    %and3A_158 = arith.andi %get3A_157, %broadcast_in_dim3A_32 : vector<16xi32>
    %swap3A_159 = arith.constant 1 : i32
    %swap3A_160 = arith.index_cast %swap3A_159 : i32 to index
    %swap3A_161 = arith.constant 32 : index
    %swap3A_162 = tpu.vector_load %arg8[%swap3A_160, %swap3A_161] {strides = array<i32>} : memref<3x80xi32, #tpu.memory_space<vmem>>, vector<16xi32>,
    tpu.vector_store %arg8[%swap3A_160, %swap3A_161], %and3A_158 {strides = array<i32>} : memref<3x80xi32, #tpu.memory_space<vmem>>, vector<16xi32>,
    %broadcast_in_dim3A_163 = arith.constant 14 : i32
    %broadcast_in_dim3A_164 = vector.broadcast %broadcast_in_dim3A_163 : i32 to vector<16xi32>
    %shift_right_logical3A_165 = arith.shrui %get3A_157, %broadcast_in_dim3A_164 : vector<16xi32>
    %and3A_166 = arith.andi %shift_right_logical3A_165, %broadcast_in_dim3A_32 : vector<16xi32>
    %swap3A_167 = arith.constant 1 : i32
    %swap3A_168 = arith.index_cast %swap3A_167 : i32 to index
    %swap3A_169 = arith.constant 32 : index
    %swap3A_170 = tpu.vector_load %arg9[%swap3A_168, %swap3A_169] {strides = array<i32>} : memref<3x80xi32, #tpu.memory_space<vmem>>, vector<16xi32>,
    tpu.vector_store %arg9[%swap3A_168, %swap3A_169], %and3A_166 {strides = array<i32>} : memref<3x80xi32, #tpu.memory_space<vmem>>, vector<16xi32>,
    %get3A_171 = arith.constant 1 : i32
    %get3A_172 = arith.index_cast %get3A_171 : i32 to index
    %get3A_173 = arith.constant 48 : index
    %get3A_174 = tpu.vector_load %arg7[%get3A_172, %get3A_173] {strides = array<i32>} : memref<125x80xi32, #tpu.memory_space<vmem>>, vector<16xi32>,
    %and3A_175 = arith.andi %get3A_174, %broadcast_in_dim3A_32 : vector<16xi32>
    %swap3A_176 = arith.constant 1 : i32
    %swap3A_177 = arith.index_cast %swap3A_176 : i32 to index
    %swap3A_178 = arith.constant 48 : index
    %swap3A_179 = tpu.vector_load %arg8[%swap3A_177, %swap3A_178] {strides = array<i32>} : memref<3x80xi32, #tpu.memory_space<vmem>>, vector<16xi32>,
    tpu.vector_store %arg8[%swap3A_177, %swap3A_178], %and3A_175 {strides = array<i32>} : memref<3x80xi32, #tpu.memory_space<vmem>>, vector<16xi32>,
    %broadcast_in_dim3A_180 = arith.constant 14 : i32
    %broadcast_in_dim3A_181 = vector.broadcast %broadcast_in_dim3A_180 : i32 to vector<16xi32>
    %shift_right_logical3A_182 = arith.shrui %get3A_174, %broadcast_in_dim3A_181 : vector<16xi32>
    %and3A_183 = arith.andi %shift_right_logical3A_182, %broadcast_in_dim3A_32 : vector<16xi32>
    %swap3A_184 = arith.constant 1 : i32
    %swap3A_185 = arith.index_cast %swap3A_184 : i32 to index
    %swap3A_186 = arith.constant 48 : index
    %swap3A_187 = tpu.vector_load %arg9[%swap3A_185, %swap3A_186] {strides = array<i32>} : memref<3x80xi32, #tpu.memory_space<vmem>>, vector<16xi32>,
    tpu.vector_store %arg9[%swap3A_185, %swap3A_186], %and3A_183 {strides = array<i32>} : memref<3x80xi32, #tpu.memory_space<vmem>>, vector<16xi32>,
    %get3A_188 = arith.constant 1 : i32
    %get3A_189 = arith.index_cast %get3A_188 : i32 to index
    %get3A_190 = arith.constant 64 : index
    %get3A_191 = tpu.vector_load %arg7[%get3A_189, %get3A_190] {strides = array<i32>} : memref<125x80xi32, #tpu.memory_space<vmem>>, vector<16xi32>,
    %and3A_192 = arith.andi %get3A_191, %broadcast_in_dim3A_32 : vector<16xi32>
    %swap3A_193 = arith.constant 1 : i32
    %swap3A_194 = arith.index_cast %swap3A_193 : i32 to index
    %swap3A_195 = arith.constant 64 : index
    %swap3A_196 = tpu.vector_load %arg8[%swap3A_194, %swap3A_195] {strides = array<i32>} : memref<3x80xi32, #tpu.memory_space<vmem>>, vector<16xi32>,
    tpu.vector_store %arg8[%swap3A_194, %swap3A_195], %and3A_192 {strides = array<i32>} : memref<3x80xi32, #tpu.memory_space<vmem>>, vector<16xi32>,
    %broadcast_in_dim3A_197 = arith.constant 14 : i32
    %broadcast_in_dim3A_198 = vector.broadcast %broadcast_in_dim3A_197 : i32 to vector<16xi32>
    %shift_right_logical3A_199 = arith.shrui %get3A_191, %broadcast_in_dim3A_198 : vector<16xi32>
    %and3A_200 = arith.andi %shift_right_logical3A_199, %broadcast_in_dim3A_32 : vector<16xi32>
    %swap3A_201 = arith.constant 1 : i32
    %swap3A_202 = arith.index_cast %swap3A_201 : i32 to index
    %swap3A_203 = arith.constant 64 : index
    %swap3A_204 = tpu.vector_load %arg9[%swap3A_202, %swap3A_203] {strides = array<i32>} : memref<3x80xi32, #tpu.memory_space<vmem>>, vector<16xi32>,
    tpu.vector_store %arg9[%swap3A_202, %swap3A_203], %and3A_200 {strides = array<i32>} : memref<3x80xi32, #tpu.memory_space<vmem>>, vector<16xi32>,
    %dma_start3A_205 = arith.constant 1 : i32
    %dma_start3A_206 = arith.constant 0 : i32
    %dma_start3A_207 = tpu.memref_slice %arg8[%dma_start3A_205, %dma_start3A_206] : memref<3x80xi32, #tpu.memory_space<vmem>> -> memref<1x80xi32, #tpu.memory_space<vmem>>
    %dma_start3A_208 = tpu.memref_squeeze %dma_start3A_207 : memref<1x80xi32, #tpu.memory_space<vmem>> -> memref<80xi32, #tpu.memory_space<vmem>>
    %dma_start3A_209 = arith.constant 0 : i32
    %dma_start3A_210 = arith.constant 0 : i32
    %dma_start3A_211 = tpu.memref_slice %arg2[%dma_start3A_209, %dma_start3A_210] : memref<10000x128xbf16, #tpu.memory_space<hbm>> -> memref<10000x128xbf16, #tpu.memory_space<hbm>>
    tpu.enqueue_indirect_dma source(%dma_start3A_211 : memref<10000x128xbf16, #tpu.memory_space<hbm>>) target(%arg11 : memref<80x128xbf16, #tpu.memory_space<vmem>>) offsets(%dma_start3A_208 : memref<80xi32, #tpu.memory_space<vmem>>) semaphore(%arg15 : memref<!tpu.dma_semaphore, #tpu.memory_space<semaphore_mem>>)
    %dma_wait3A = arith.constant 0 : i32
    %dma_wait3A_212 = arith.constant 0 : i32
    %dma_wait3A_213 = tpu.memref_slice %arg2[%dma_wait3A, %dma_wait3A_212] : memref<10000x128xbf16, #tpu.memory_space<hbm>> -> memref<80x128xbf16, #tpu.memory_space<hbm>>
    %dma_wait3A_214 = arith.constant 0 : i32
    %dma_wait3A_215 = arith.constant 0 : i32
    %dma_wait3A_216 = tpu.memref_slice %arg2[%dma_wait3A_214, %dma_wait3A_215] : memref<10000x128xbf16, #tpu.memory_space<hbm>> -> memref<80x128xbf16, #tpu.memory_space<hbm>>
    tpu.wait_dma2 semaphore(%arg14 : memref<!tpu.dma_semaphore, #tpu.memory_space<semaphore_mem>>) src(%dma_wait3A_216 : memref<80x128xbf16, #tpu.memory_space<hbm>>) dst(%arg10 : memref<80x128xbf16, #tpu.memory_space<vmem>>)
    %dma_start3A_217 = arith.constant 0 : i32
    %dma_start3A_218 = arith.constant 0 : i32
    %dma_start3A_219 = tpu.memref_slice %arg9[%dma_start3A_217, %dma_start3A_218] : memref<3x80xi32, #tpu.memory_space<vmem>> -> memref<1x80xi32, #tpu.memory_space<vmem>>
    %dma_start3A_220 = tpu.memref_squeeze %dma_start3A_219 : memref<1x80xi32, #tpu.memory_space<vmem>> -> memref<80xi32, #tpu.memory_space<vmem>>
    %dma_start3A_221 = arith.constant 0 : i32
    %dma_start3A_222 = arith.constant 0 : i32
    %dma_start3A_223 = tpu.memref_slice %arg25[%dma_start3A_221, %dma_start3A_222] : memref<10240x128xbf16, #tpu.memory_space<vmem_shared>> -> memref<10240x128xbf16, #tpu.memory_space<vmem_shared>>
    tpu.enqueue_indirect_dma source(%arg10 : memref<80x128xbf16, #tpu.memory_space<vmem>>) target(%dma_start3A_223 : memref<10240x128xbf16, #tpu.memory_space<vmem_shared>>) offsets(%dma_start3A_220 : memref<80xi32, #tpu.memory_space<vmem>>) semaphore(%arg17 : memref<!tpu.dma_semaphore, #tpu.memory_space<semaphore_mem>>) {add = true}
    %dma_start3A_224 = arith.constant 0 : i32
    %dma_start3A_225 = arith.constant 0 : i32
    %dma_start3A_226 = tpu.memref_slice %arg9[%dma_start3A_224, %dma_start3A_225] : memref<3x80xi32, #tpu.memory_space<vmem>> -> memref<1x80xi32, #tpu.memory_space<vmem>>
    %dma_start3A_227 = tpu.memref_squeeze %dma_start3A_226 : memref<1x80xi32, #tpu.memory_space<vmem>> -> memref<80xi32, #tpu.memory_space<vmem>>
    %dma_start3A_228 = arith.constant 0 : i32
    %dma_start3A_229 = arith.constant 0 : i32
    %dma_start3A_230 = tpu.memref_slice %arg26[%dma_start3A_228, %dma_start3A_229] : memref<10240x16xf32, #tpu.memory_space<vmem_shared>> -> memref<10240x16xf32, #tpu.memory_space<vmem_shared>>
    tpu.enqueue_indirect_dma source(%arg23 : memref<80x16xf32, #tpu.memory_space<vmem>>) target(%dma_start3A_230 : memref<10240x16xf32, #tpu.memory_space<vmem_shared>>) offsets(%dma_start3A_227 : memref<80xi32, #tpu.memory_space<vmem>>) semaphore(%arg20 : memref<!tpu.dma_semaphore, #tpu.memory_space<semaphore_mem>>) {add = true}
    %get3A_231 = arith.constant 2 : i32
    %get3A_232 = arith.index_cast %get3A_231 : i32 to index
    %get3A_233 = arith.constant 0 : index
    %get3A_234 = tpu.vector_load %arg7[%get3A_232, %get3A_233] {strides = array<i32>} : memref<125x80xi32, #tpu.memory_space<vmem>>, vector<16xi32>,
    %and3A_235 = arith.andi %get3A_234, %broadcast_in_dim3A_32 : vector<16xi32>
    %swap3A_236 = arith.constant 2 : i32
    %swap3A_237 = arith.index_cast %swap3A_236 : i32 to index
    %swap3A_238 = arith.constant 0 : index
    %swap3A_239 = tpu.vector_load %arg8[%swap3A_237, %swap3A_238] {strides = array<i32>} : memref<3x80xi32, #tpu.memory_space<vmem>>, vector<16xi32>,
    tpu.vector_store %arg8[%swap3A_237, %swap3A_238], %and3A_235 {strides = array<i32>} : memref<3x80xi32, #tpu.memory_space<vmem>>, vector<16xi32>,
    %broadcast_in_dim3A_240 = arith.constant 14 : i32
    %broadcast_in_dim3A_241 = vector.broadcast %broadcast_in_dim3A_240 : i32 to vector<16xi32>
    %shift_right_logical3A_242 = arith.shrui %get3A_234, %broadcast_in_dim3A_241 : vector<16xi32>
    %and3A_243 = arith.andi %shift_right_logical3A_242, %broadcast_in_dim3A_32 : vector<16xi32>
    %swap3A_244 = arith.constant 2 : i32
    %swap3A_245 = arith.index_cast %swap3A_244 : i32 to index
    %swap3A_246 = arith.constant 0 : index
    %swap3A_247 = tpu.vector_load %arg9[%swap3A_245, %swap3A_246] {strides = array<i32>} : memref<3x80xi32, #tpu.memory_space<vmem>>, vector<16xi32>,
    tpu.vector_store %arg9[%swap3A_245, %swap3A_246], %and3A_243 {strides = array<i32>} : memref<3x80xi32, #tpu.memory_space<vmem>>, vector<16xi32>,
    %get3A_248 = arith.constant 2 : i32
    %get3A_249 = arith.index_cast %get3A_248 : i32 to index
    %get3A_250 = arith.constant 16 : index
    %get3A_251 = tpu.vector_load %arg7[%get3A_249, %get3A_250] {strides = array<i32>} : memref<125x80xi32, #tpu.memory_space<vmem>>, vector<16xi32>,
    %and3A_252 = arith.andi %get3A_251, %broadcast_in_dim3A_32 : vector<16xi32>
    %swap3A_253 = arith.constant 2 : i32
    %swap3A_254 = arith.index_cast %swap3A_253 : i32 to index
    %swap3A_255 = arith.constant 16 : index
    %swap3A_256 = tpu.vector_load %arg8[%swap3A_254, %swap3A_255] {strides = array<i32>} : memref<3x80xi32, #tpu.memory_space<vmem>>, vector<16xi32>,
    tpu.vector_store %arg8[%swap3A_254, %swap3A_255], %and3A_252 {strides = array<i32>} : memref<3x80xi32, #tpu.memory_space<vmem>>, vector<16xi32>,
    %broadcast_in_dim3A_257 = arith.constant 14 : i32
    %broadcast_in_dim3A_258 = vector.broadcast %broadcast_in_dim3A_257 : i32 to vector<16xi32>
    %shift_right_logical3A_259 = arith.shrui %get3A_251, %broadcast_in_dim3A_258 : vector<16xi32>
    %and3A_260 = arith.andi %shift_right_logical3A_259, %broadcast_in_dim3A_32 : vector<16xi32>
    %swap3A_261 = arith.constant 2 : i32
    %swap3A_262 = arith.index_cast %swap3A_261 : i32 to index
    %swap3A_263 = arith.constant 16 : index
    %swap3A_264 = tpu.vector_load %arg9[%swap3A_262, %swap3A_263] {strides = array<i32>} : memref<3x80xi32, #tpu.memory_space<vmem>>, vector<16xi32>,
    tpu.vector_store %arg9[%swap3A_262, %swap3A_263], %and3A_260 {strides = array<i32>} : memref<3x80xi32, #tpu.memory_space<vmem>>, vector<16xi32>,
    %get3A_265 = arith.constant 2 : i32
    %get3A_266 = arith.index_cast %get3A_265 : i32 to index
    %get3A_267 = arith.constant 32 : index
    %get3A_268 = tpu.vector_load %arg7[%get3A_266, %get3A_267] {strides = array<i32>} : memref<125x80xi32, #tpu.memory_space<vmem>>, vector<16xi32>,
    %and3A_269 = arith.andi %get3A_268, %broadcast_in_dim3A_32 : vector<16xi32>
    %swap3A_270 = arith.constant 2 : i32
    %swap3A_271 = arith.index_cast %swap3A_270 : i32 to index
    %swap3A_272 = arith.constant 32 : index
    %swap3A_273 = tpu.vector_load %arg8[%swap3A_271, %swap3A_272] {strides = array<i32>} : memref<3x80xi32, #tpu.memory_space<vmem>>, vector<16xi32>,
    tpu.vector_store %arg8[%swap3A_271, %swap3A_272], %and3A_269 {strides = array<i32>} : memref<3x80xi32, #tpu.memory_space<vmem>>, vector<16xi32>,
    %broadcast_in_dim3A_274 = arith.constant 14 : i32
    %broadcast_in_dim3A_275 = vector.broadcast %broadcast_in_dim3A_274 : i32 to vector<16xi32>
    %shift_right_logical3A_276 = arith.shrui %get3A_268, %broadcast_in_dim3A_275 : vector<16xi32>
    %and3A_277 = arith.andi %shift_right_logical3A_276, %broadcast_in_dim3A_32 : vector<16xi32>
    %swap3A_278 = arith.constant 2 : i32
    %swap3A_279 = arith.index_cast %swap3A_278 : i32 to index
    %swap3A_280 = arith.constant 32 : index
    %swap3A_281 = tpu.vector_load %arg9[%swap3A_279, %swap3A_280] {strides = array<i32>} : memref<3x80xi32, #tpu.memory_space<vmem>>, vector<16xi32>,
    tpu.vector_store %arg9[%swap3A_279, %swap3A_280], %and3A_277 {strides = array<i32>} : memref<3x80xi32, #tpu.memory_space<vmem>>, vector<16xi32>,
    %get3A_282 = arith.constant 2 : i32
    %get3A_283 = arith.index_cast %get3A_282 : i32 to index
    %get3A_284 = arith.constant 48 : index
    %get3A_285 = tpu.vector_load %arg7[%get3A_283, %get3A_284] {strides = array<i32>} : memref<125x80xi32, #tpu.memory_space<vmem>>, vector<16xi32>,
    %and3A_286 = arith.andi %get3A_285, %broadcast_in_dim3A_32 : vector<16xi32>
    %swap3A_287 = arith.constant 2 : i32
    %swap3A_288 = arith.index_cast %swap3A_287 : i32 to index
    %swap3A_289 = arith.constant 48 : index
    %swap3A_290 = tpu.vector_load %arg8[%swap3A_288, %swap3A_289] {strides = array<i32>} : memref<3x80xi32, #tpu.memory_space<vmem>>, vector<16xi32>,
    tpu.vector_store %arg8[%swap3A_288, %swap3A_289], %and3A_286 {strides = array<i32>} : memref<3x80xi32, #tpu.memory_space<vmem>>, vector<16xi32>,
    %broadcast_in_dim3A_291 = arith.constant 14 : i32
    %broadcast_in_dim3A_292 = vector.broadcast %broadcast_in_dim3A_291 : i32 to vector<16xi32>
    %shift_right_logical3A_293 = arith.shrui %get3A_285, %broadcast_in_dim3A_292 : vector<16xi32>
    %and3A_294 = arith.andi %shift_right_logical3A_293, %broadcast_in_dim3A_32 : vector<16xi32>
    %swap3A_295 = arith.constant 2 : i32
    %swap3A_296 = arith.index_cast %swap3A_295 : i32 to index
    %swap3A_297 = arith.constant 48 : index
    %swap3A_298 = tpu.vector_load %arg9[%swap3A_296, %swap3A_297] {strides = array<i32>} : memref<3x80xi32, #tpu.memory_space<vmem>>, vector<16xi32>,
    tpu.vector_store %arg9[%swap3A_296, %swap3A_297], %and3A_294 {strides = array<i32>} : memref<3x80xi32, #tpu.memory_space<vmem>>, vector<16xi32>,
    %get3A_299 = arith.constant 2 : i32
    %get3A_300 = arith.index_cast %get3A_299 : i32 to index
    %get3A_301 = arith.constant 64 : index
    %get3A_302 = tpu.vector_load %arg7[%get3A_300, %get3A_301] {strides = array<i32>} : memref<125x80xi32, #tpu.memory_space<vmem>>, vector<16xi32>,
    %and3A_303 = arith.andi %get3A_302, %broadcast_in_dim3A_32 : vector<16xi32>
    %swap3A_304 = arith.constant 2 : i32
    %swap3A_305 = arith.index_cast %swap3A_304 : i32 to index
    %swap3A_306 = arith.constant 64 : index
    %swap3A_307 = tpu.vector_load %arg8[%swap3A_305, %swap3A_306] {strides = array<i32>} : memref<3x80xi32, #tpu.memory_space<vmem>>, vector<16xi32>,
    tpu.vector_store %arg8[%swap3A_305, %swap3A_306], %and3A_303 {strides = array<i32>} : memref<3x80xi32, #tpu.memory_space<vmem>>, vector<16xi32>,
    %broadcast_in_dim3A_308 = arith.constant 14 : i32
    %broadcast_in_dim3A_309 = vector.broadcast %broadcast_in_dim3A_308 : i32 to vector<16xi32>
    %shift_right_logical3A_310 = arith.shrui %get3A_302, %broadcast_in_dim3A_309 : vector<16xi32>
    %and3A_311 = arith.andi %shift_right_logical3A_310, %broadcast_in_dim3A_32 : vector<16xi32>
    %swap3A_312 = arith.constant 2 : i32
    %swap3A_313 = arith.index_cast %swap3A_312 : i32 to index
    %swap3A_314 = arith.constant 64 : index
    %swap3A_315 = tpu.vector_load %arg9[%swap3A_313, %swap3A_314] {strides = array<i32>} : memref<3x80xi32, #tpu.memory_space<vmem>>, vector<16xi32>,
    tpu.vector_store %arg9[%swap3A_313, %swap3A_314], %and3A_311 {strides = array<i32>} : memref<3x80xi32, #tpu.memory_space<vmem>>, vector<16xi32>,
    %dma_start3A_316 = arith.constant 2 : i32
    %dma_start3A_317 = arith.constant 0 : i32
    %dma_start3A_318 = tpu.memref_slice %arg8[%dma_start3A_316, %dma_start3A_317] : memref<3x80xi32, #tpu.memory_space<vmem>> -> memref<1x80xi32, #tpu.memory_space<vmem>>
    %dma_start3A_319 = tpu.memref_squeeze %dma_start3A_318 : memref<1x80xi32, #tpu.memory_space<vmem>> -> memref<80xi32, #tpu.memory_space<vmem>>
    %dma_start3A_320 = arith.constant 0 : i32
    %dma_start3A_321 = arith.constant 0 : i32
    %dma_start3A_322 = tpu.memref_slice %arg2[%dma_start3A_320, %dma_start3A_321] : memref<10000x128xbf16, #tpu.memory_space<hbm>> -> memref<10000x128xbf16, #tpu.memory_space<hbm>>
    tpu.enqueue_indirect_dma source(%dma_start3A_322 : memref<10000x128xbf16, #tpu.memory_space<hbm>>) target(%arg12 : memref<80x128xbf16, #tpu.memory_space<vmem>>) offsets(%dma_start3A_319 : memref<80xi32, #tpu.memory_space<vmem>>) semaphore(%arg16 : memref<!tpu.dma_semaphore, #tpu.memory_space<semaphore_mem>>)
    %dma_wait3A_323 = arith.constant 0 : i32
    %dma_wait3A_324 = arith.constant 0 : i32
    %dma_wait3A_325 = tpu.memref_slice %arg2[%dma_wait3A_323, %dma_wait3A_324] : memref<10000x128xbf16, #tpu.memory_space<hbm>> -> memref<80x128xbf16, #tpu.memory_space<hbm>>
    %dma_wait3A_326 = arith.constant 0 : i32
    %dma_wait3A_327 = arith.constant 0 : i32
    %dma_wait3A_328 = tpu.memref_slice %arg2[%dma_wait3A_326, %dma_wait3A_327] : memref<10000x128xbf16, #tpu.memory_space<hbm>> -> memref<80x128xbf16, #tpu.memory_space<hbm>>
    tpu.wait_dma2 semaphore(%arg15 : memref<!tpu.dma_semaphore, #tpu.memory_space<semaphore_mem>>) src(%dma_wait3A_328 : memref<80x128xbf16, #tpu.memory_space<hbm>>) dst(%arg11 : memref<80x128xbf16, #tpu.memory_space<vmem>>)
    %dma_start3A_329 = arith.constant 1 : i32
    %dma_start3A_330 = arith.constant 0 : i32
    %dma_start3A_331 = tpu.memref_slice %arg9[%dma_start3A_329, %dma_start3A_330] : memref<3x80xi32, #tpu.memory_space<vmem>> -> memref<1x80xi32, #tpu.memory_space<vmem>>
    %dma_start3A_332 = tpu.memref_squeeze %dma_start3A_331 : memref<1x80xi32, #tpu.memory_space<vmem>> -> memref<80xi32, #tpu.memory_space<vmem>>
    %dma_start3A_333 = arith.constant 0 : i32
    %dma_start3A_334 = arith.constant 0 : i32
    %dma_start3A_335 = tpu.memref_slice %arg25[%dma_start3A_333, %dma_start3A_334] : memref<10240x128xbf16, #tpu.memory_space<vmem_shared>> -> memref<10240x128xbf16, #tpu.memory_space<vmem_shared>>
    tpu.enqueue_indirect_dma source(%arg11 : memref<80x128xbf16, #tpu.memory_space<vmem>>) target(%dma_start3A_335 : memref<10240x128xbf16, #tpu.memory_space<vmem_shared>>) offsets(%dma_start3A_332 : memref<80xi32, #tpu.memory_space<vmem>>) semaphore(%arg18 : memref<!tpu.dma_semaphore, #tpu.memory_space<semaphore_mem>>) {add = true}
    %dma_start3A_336 = arith.constant 1 : i32
    %dma_start3A_337 = arith.constant 0 : i32
    %dma_start3A_338 = tpu.memref_slice %arg9[%dma_start3A_336, %dma_start3A_337] : memref<3x80xi32, #tpu.memory_space<vmem>> -> memref<1x80xi32, #tpu.memory_space<vmem>>
    %dma_start3A_339 = tpu.memref_squeeze %dma_start3A_338 : memref<1x80xi32, #tpu.memory_space<vmem>> -> memref<80xi32, #tpu.memory_space<vmem>>
    %dma_start3A_340 = arith.constant 0 : i32
    %dma_start3A_341 = arith.constant 0 : i32
    %dma_start3A_342 = tpu.memref_slice %arg26[%dma_start3A_340, %dma_start3A_341] : memref<10240x16xf32, #tpu.memory_space<vmem_shared>> -> memref<10240x16xf32, #tpu.memory_space<vmem_shared>>
    tpu.enqueue_indirect_dma source(%arg23 : memref<80x16xf32, #tpu.memory_space<vmem>>) target(%dma_start3A_342 : memref<10240x16xf32, #tpu.memory_space<vmem_shared>>) offsets(%dma_start3A_339 : memref<80xi32, #tpu.memory_space<vmem>>) semaphore(%arg21 : memref<!tpu.dma_semaphore, #tpu.memory_space<semaphore_mem>>) {add = true}
    %dma_wait3A_343 = arith.constant 0 : i32
    %dma_wait3A_344 = arith.constant 0 : i32
    %dma_wait3A_345 = tpu.memref_slice %arg2[%dma_wait3A_343, %dma_wait3A_344] : memref<10000x128xbf16, #tpu.memory_space<hbm>> -> memref<80x128xbf16, #tpu.memory_space<hbm>>
    %dma_wait3A_346 = arith.constant 0 : i32
    %dma_wait3A_347 = arith.constant 0 : i32
    %dma_wait3A_348 = tpu.memref_slice %arg2[%dma_wait3A_346, %dma_wait3A_347] : memref<10000x128xbf16, #tpu.memory_space<hbm>> -> memref<80x128xbf16, #tpu.memory_space<hbm>>
    tpu.wait_dma2 semaphore(%arg17 : memref<!tpu.dma_semaphore, #tpu.memory_space<semaphore_mem>>) src(%dma_wait3A_348 : memref<80x128xbf16, #tpu.memory_space<hbm>>) dst(%arg10 : memref<80x128xbf16, #tpu.memory_space<vmem>>)
    %dma_wait3A_349 = arith.constant 0 : i32
    %dma_wait3A_350 = arith.constant 0 : i32
    %dma_wait3A_351 = arith.constant 0 : i32
    %dma_wait3A_352 = tpu.memref_slice %arg6[%dma_wait3A_349, %dma_wait3A_350, %dma_wait3A_351] : memref<2x10240x16xf32, #tpu.memory_space<hbm>> -> memref<1x80x16xf32, #tpu.memory_space<hbm>>
    %dma_wait3A_353 = tpu.memref_squeeze %dma_wait3A_352 : memref<1x80x16xf32, #tpu.memory_space<hbm>> -> memref<80x16xf32, #tpu.memory_space<hbm>>
    %dma_wait3A_354 = arith.constant 0 : i32
    %dma_wait3A_355 = arith.constant 0 : i32
    %dma_wait3A_356 = tpu.memref_slice %arg6[%dma_wait3A_349, %dma_wait3A_354, %dma_wait3A_355] : memref<2x10240x16xf32, #tpu.memory_space<hbm>> -> memref<1x80x16xf32, #tpu.memory_space<hbm>>
    %dma_wait3A_357 = tpu.memref_squeeze %dma_wait3A_356 : memref<1x80x16xf32, #tpu.memory_space<hbm>> -> memref<80x16xf32, #tpu.memory_space<hbm>>
    tpu.wait_dma2 semaphore(%arg20 : memref<!tpu.dma_semaphore, #tpu.memory_space<semaphore_mem>>) src(%dma_wait3A_357 : memref<80x16xf32, #tpu.memory_space<hbm>>) dst(%arg23 : memref<80x16xf32, #tpu.memory_space<vmem>>)
    %get3A_358 = arith.constant 3 : i32
    %get3A_359 = arith.index_cast %get3A_358 : i32 to index
    %get3A_360 = arith.constant 0 : index
    %get3A_361 = tpu.vector_load %arg7[%get3A_359, %get3A_360] {strides = array<i32>} : memref<125x80xi32, #tpu.memory_space<vmem>>, vector<16xi32>,
    %and3A_362 = arith.andi %get3A_361, %broadcast_in_dim3A_32 : vector<16xi32>
    %swap3A_363 = arith.constant 0 : i32
    %swap3A_364 = arith.index_cast %swap3A_363 : i32 to index
    %swap3A_365 = arith.constant 0 : index
    %swap3A_366 = tpu.vector_load %arg8[%swap3A_364, %swap3A_365] {strides = array<i32>} : memref<3x80xi32, #tpu.memory_space<vmem>>, vector<16xi32>,
    tpu.vector_store %arg8[%swap3A_364, %swap3A_365], %and3A_362 {strides = array<i32>} : memref<3x80xi32, #tpu.memory_space<vmem>>, vector<16xi32>,
    %broadcast_in_dim3A_367 = arith.constant 14 : i32
    %broadcast_in_dim3A_368 = vector.broadcast %broadcast_in_dim3A_367 : i32 to vector<16xi32>
    %shift_right_logical3A_369 = arith.shrui %get3A_361, %broadcast_in_dim3A_368 : vector<16xi32>
    %and3A_370 = arith.andi %shift_right_logical3A_369, %broadcast_in_dim3A_32 : vector<16xi32>
    %swap3A_371 = arith.constant 0 : i32
    %swap3A_372 = arith.index_cast %swap3A_371 : i32 to index
    %swap3A_373 = arith.constant 0 : index
    %swap3A_374 = tpu.vector_load %arg9[%swap3A_372, %swap3A_373] {strides = array<i32>} : memref<3x80xi32, #tpu.memory_space<vmem>>, vector<16xi32>,
    tpu.vector_store %arg9[%swap3A_372, %swap3A_373], %and3A_370 {strides = array<i32>} : memref<3x80xi32, #tpu.memory_space<vmem>>, vector<16xi32>,
    %get3A_375 = arith.constant 3 : i32
    %get3A_376 = arith.index_cast %get3A_375 : i32 to index
    %get3A_377 = arith.constant 16 : index
    %get3A_378 = tpu.vector_load %arg7[%get3A_376, %get3A_377] {strides = array<i32>} : memref<125x80xi32, #tpu.memory_space<vmem>>, vector<16xi32>,
    %and3A_379 = arith.andi %get3A_378, %broadcast_in_dim3A_32 : vector<16xi32>
    %swap3A_380 = arith.constant 0 : i32
    %swap3A_381 = arith.index_cast %swap3A_380 : i32 to index
    %swap3A_382 = arith.constant 16 : index
    %swap3A_383 = tpu.vector_load %arg8[%swap3A_381, %swap3A_382] {strides = array<i32>} : memref<3x80xi32, #tpu.memory_space<vmem>>, vector<16xi32>,
    tpu.vector_store %arg8[%swap3A_381, %swap3A_382], %and3A_379 {strides = array<i32>} : memref<3x80xi32, #tpu.memory_space<vmem>>, vector<16xi32>,
    %broadcast_in_dim3A_384 = arith.constant 14 : i32
    %broadcast_in_dim3A_385 = vector.broadcast %broadcast_in_dim3A_384 : i32 to vector<16xi32>
    %shift_right_logical3A_386 = arith.shrui %get3A_378, %broadcast_in_dim3A_385 : vector<16xi32>
    %and3A_387 = arith.andi %shift_right_logical3A_386, %broadcast_in_dim3A_32 : vector<16xi32>
    %swap3A_388 = arith.constant 0 : i32
    %swap3A_389 = arith.index_cast %swap3A_388 : i32 to index
    %swap3A_390 = arith.constant 16 : index
    %swap3A_391 = tpu.vector_load %arg9[%swap3A_389, %swap3A_390] {strides = array<i32>} : memref<3x80xi32, #tpu.memory_space<vmem>>, vector<16xi32>,
    tpu.vector_store %arg9[%swap3A_389, %swap3A_390], %and3A_387 {strides = array<i32>} : memref<3x80xi32, #tpu.memory_space<vmem>>, vector<16xi32>,
    %get3A_392 = arith.constant 3 : i32
    %get3A_393 = arith.index_cast %get3A_392 : i32 to index
    %get3A_394 = arith.constant 32 : index
    %get3A_395 = tpu.vector_load %arg7[%get3A_393, %get3A_394] {strides = array<i32>} : memref<125x80xi32, #tpu.memory_space<vmem>>, vector<16xi32>,
    %and3A_396 = arith.andi %get3A_395, %broadcast_in_dim3A_32 : vector<16xi32>
    %swap3A_397 = arith.constant 0 : i32
    %swap3A_398 = arith.index_cast %swap3A_397 : i32 to index
    %swap3A_399 = arith.constant 32 : index
    %swap3A_400 = tpu.vector_load %arg8[%swap3A_398, %swap3A_399] {strides = array<i32>} : memref<3x80xi32, #tpu.memory_space<vmem>>, vector<16xi32>,
    tpu.vector_store %arg8[%swap3A_398, %swap3A_399], %and3A_396 {strides = array<i32>} : memref<3x80xi32, #tpu.memory_space<vmem>>, vector<16xi32>,
    %broadcast_in_dim3A_401 = arith.constant 14 : i32
    %broadcast_in_dim3A_402 = vector.broadcast %broadcast_in_dim3A_401 : i32 to vector<16xi32>
    %shift_right_logical3A_403 = arith.shrui %get3A_395, %broadcast_in_dim3A_402 : vector<16xi32>
    %and3A_404 = arith.andi %shift_right_logical3A_403, %broadcast_in_dim3A_32 : vector<16xi32>
    %swap3A_405 = arith.constant 0 : i32
    %swap3A_406 = arith.index_cast %swap3A_405 : i32 to index
    %swap3A_407 = arith.constant 32 : index
    %swap3A_408 = tpu.vector_load %arg9[%swap3A_406, %swap3A_407] {strides = array<i32>} : memref<3x80xi32, #tpu.memory_space<vmem>>, vector<16xi32>,
    tpu.vector_store %arg9[%swap3A_406, %swap3A_407], %and3A_404 {strides = array<i32>} : memref<3x80xi32, #tpu.memory_space<vmem>>, vector<16xi32>,
    %get3A_409 = arith.constant 3 : i32
    %get3A_410 = arith.index_cast %get3A_409 : i32 to index
    %get3A_411 = arith.constant 48 : index
    %get3A_412 = tpu.vector_load %arg7[%get3A_410, %get3A_411] {strides = array<i32>} : memref<125x80xi32, #tpu.memory_space<vmem>>, vector<16xi32>,
    %and3A_413 = arith.andi %get3A_412, %broadcast_in_dim3A_32 : vector<16xi32>
    %swap3A_414 = arith.constant 0 : i32
    %swap3A_415 = arith.index_cast %swap3A_414 : i32 to index
    %swap3A_416 = arith.constant 48 : index
    %swap3A_417 = tpu.vector_load %arg8[%swap3A_415, %swap3A_416] {strides = array<i32>} : memref<3x80xi32, #tpu.memory_space<vmem>>, vector<16xi32>,
    tpu.vector_store %arg8[%swap3A_415, %swap3A_416], %and3A_413 {strides = array<i32>} : memref<3x80xi32, #tpu.memory_space<vmem>>, vector<16xi32>,
    %broadcast_in_dim3A_418 = arith.constant 14 : i32
    %broadcast_in_dim3A_419 = vector.broadcast %broadcast_in_dim3A_418 : i32 to vector<16xi32>
    %shift_right_logical3A_420 = arith.shrui %get3A_412, %broadcast_in_dim3A_419 : vector<16xi32>
    %and3A_421 = arith.andi %shift_right_logical3A_420, %broadcast_in_dim3A_32 : vector<16xi32>
    %swap3A_422 = arith.constant 0 : i32
    %swap3A_423 = arith.index_cast %swap3A_422 : i32 to index
    %swap3A_424 = arith.constant 48 : index
    %swap3A_425 = tpu.vector_load %arg9[%swap3A_423, %swap3A_424] {strides = array<i32>} : memref<3x80xi32, #tpu.memory_space<vmem>>, vector<16xi32>,
    tpu.vector_store %arg9[%swap3A_423, %swap3A_424], %and3A_421 {strides = array<i32>} : memref<3x80xi32, #tpu.memory_space<vmem>>, vector<16xi32>,
    %get3A_426 = arith.constant 3 : i32
    %get3A_427 = arith.index_cast %get3A_426 : i32 to index
    %get3A_428 = arith.constant 64 : index
    %get3A_429 = tpu.vector_load %arg7[%get3A_427, %get3A_428] {strides = array<i32>} : memref<125x80xi32, #tpu.memory_space<vmem>>, vector<16xi32>,
    %and3A_430 = arith.andi %get3A_429, %broadcast_in_dim3A_32 : vector<16xi32>
    %swap3A_431 = arith.constant 0 : i32
    %swap3A_432 = arith.index_cast %swap3A_431 : i32 to index
    %swap3A_433 = arith.constant 64 : index
    %swap3A_434 = tpu.vector_load %arg8[%swap3A_432, %swap3A_433] {strides = array<i32>} : memref<3x80xi32, #tpu.memory_space<vmem>>, vector<16xi32>,
    tpu.vector_store %arg8[%swap3A_432, %swap3A_433], %and3A_430 {strides = array<i32>} : memref<3x80xi32, #tpu.memory_space<vmem>>, vector<16xi32>,
    %broadcast_in_dim3A_435 = arith.constant 14 : i32
    %broadcast_in_dim3A_436 = vector.broadcast %broadcast_in_dim3A_435 : i32 to vector<16xi32>
    %shift_right_logical3A_437 = arith.shrui %get3A_429, %broadcast_in_dim3A_436 : vector<16xi32>
    %and3A_438 = arith.andi %shift_right_logical3A_437, %broadcast_in_dim3A_32 : vector<16xi32>
    %swap3A_439 = arith.constant 0 : i32
    %swap3A_440 = arith.index_cast %swap3A_439 : i32 to index
    %swap3A_441 = arith.constant 64 : index
    %swap3A_442 = tpu.vector_load %arg9[%swap3A_440, %swap3A_441] {strides = array<i32>} : memref<3x80xi32, #tpu.memory_space<vmem>>, vector<16xi32>,
    tpu.vector_store %arg9[%swap3A_440, %swap3A_441], %and3A_438 {strides = array<i32>} : memref<3x80xi32, #tpu.memory_space<vmem>>, vector<16xi32>,
    %dma_start3A_443 = arith.constant 0 : i32
    %dma_start3A_444 = arith.constant 0 : i32
    %dma_start3A_445 = tpu.memref_slice %arg8[%dma_start3A_443, %dma_start3A_444] : memref<3x80xi32, #tpu.memory_space<vmem>> -> memref<1x80xi32, #tpu.memory_space<vmem>>
    %dma_start3A_446 = tpu.memref_squeeze %dma_start3A_445 : memref<1x80xi32, #tpu.memory_space<vmem>> -> memref<80xi32, #tpu.memory_space<vmem>>
    %dma_start3A_447 = arith.constant 0 : i32
    %dma_start3A_448 = arith.constant 0 : i32
    %dma_start3A_449 = tpu.memref_slice %arg2[%dma_start3A_447, %dma_start3A_448] : memref<10000x128xbf16, #tpu.memory_space<hbm>> -> memref<10000x128xbf16, #tpu.memory_space<hbm>>
    tpu.enqueue_indirect_dma source(%dma_start3A_449 : memref<10000x128xbf16, #tpu.memory_space<hbm>>) target(%arg10 : memref<80x128xbf16, #tpu.memory_space<vmem>>) offsets(%dma_start3A_446 : memref<80xi32, #tpu.memory_space<vmem>>) semaphore(%arg14 : memref<!tpu.dma_semaphore, #tpu.memory_space<semaphore_mem>>)
    %dma_wait3A_450 = arith.constant 0 : i32
    %dma_wait3A_451 = arith.constant 0 : i32
    %dma_wait3A_452 = tpu.memref_slice %arg2[%dma_wait3A_450, %dma_wait3A_451] : memref<10000x128xbf16, #tpu.memory_space<hbm>> -> memref<80x128xbf16, #tpu.memory_space<hbm>>
    %dma_wait3A_453 = arith.constant 0 : i32
    %dma_wait3A_454 = arith.constant 0 : i32
    %dma_wait3A_455 = tpu.memref_slice %arg2[%dma_wait3A_453, %dma_wait3A_454] : memref<10000x128xbf16, #tpu.memory_space<hbm>> -> memref<80x128xbf16, #tpu.memory_space<hbm>>
    tpu.wait_dma2 semaphore(%arg16 : memref<!tpu.dma_semaphore, #tpu.memory_space<semaphore_mem>>) src(%dma_wait3A_455 : memref<80x128xbf16, #tpu.memory_space<hbm>>) dst(%arg12 : memref<80x128xbf16, #tpu.memory_space<vmem>>)
    %dma_start3A_456 = arith.constant 2 : i32
    %dma_start3A_457 = arith.constant 0 : i32
    %dma_start3A_458 = tpu.memref_slice %arg9[%dma_start3A_456, %dma_start3A_457] : memref<3x80xi32, #tpu.memory_space<vmem>> -> memref<1x80xi32, #tpu.memory_space<vmem>>
    %dma_start3A_459 = tpu.memref_squeeze %dma_start3A_458 : memref<1x80xi32, #tpu.memory_space<vmem>> -> memref<80xi32, #tpu.memory_space<vmem>>
    %dma_start3A_460 = arith.constant 0 : i32
    %dma_start3A_461 = arith.constant 0 : i32
    %dma_start3A_462 = tpu.memref_slice %arg25[%dma_start3A_460, %dma_start3A_461] : memref<10240x128xbf16, #tpu.memory_space<vmem_shared>> -> memref<10240x128xbf16, #tpu.memory_space<vmem_shared>>
    tpu.enqueue_indirect_dma source(%arg12 : memref<80x128xbf16, #tpu.memory_space<vmem>>) target(%dma_start3A_462 : memref<10240x128xbf16, #tpu.memory_space<vmem_shared>>) offsets(%dma_start3A_459 : memref<80xi32, #tpu.memory_space<vmem>>) semaphore(%arg19 : memref<!tpu.dma_semaphore, #tpu.memory_space<semaphore_mem>>) {add = true}
    %dma_start3A_463 = arith.constant 2 : i32
    %dma_start3A_464 = arith.constant 0 : i32
    %dma_start3A_465 = tpu.memref_slice %arg9[%dma_start3A_463, %dma_start3A_464] : memref<3x80xi32, #tpu.memory_space<vmem>> -> memref<1x80xi32, #tpu.memory_space<vmem>>
    %dma_start3A_466 = tpu.memref_squeeze %dma_start3A_465 : memref<1x80xi32, #tpu.memory_space<vmem>> -> memref<80xi32, #tpu.memory_space<vmem>>
    %dma_start3A_467 = arith.constant 0 : i32
    %dma_start3A_468 = arith.constant 0 : i32
    %dma_start3A_469 = tpu.memref_slice %arg26[%dma_start3A_467, %dma_start3A_468] : memref<10240x16xf32, #tpu.memory_space<vmem_shared>> -> memref<10240x16xf32, #tpu.memory_space<vmem_shared>>
    tpu.enqueue_indirect_dma source(%arg23 : memref<80x16xf32, #tpu.memory_space<vmem>>) target(%dma_start3A_469 : memref<10240x16xf32, #tpu.memory_space<vmem_shared>>) offsets(%dma_start3A_466 : memref<80xi32, #tpu.memory_space<vmem>>) semaphore(%arg22 : memref<!tpu.dma_semaphore, #tpu.memory_space<semaphore_mem>>) {add = true}
    %dma_wait3A_470 = arith.constant 0 : i32
    %dma_wait3A_471 = arith.constant 0 : i32
    %dma_wait3A_472 = tpu.memref_slice %arg2[%dma_wait3A_470, %dma_wait3A_471] : memref<10000x128xbf16, #tpu.memory_space<hbm>> -> memref<80x128xbf16, #tpu.memory_space<hbm>>
    %dma_wait3A_473 = arith.constant 0 : i32
    %dma_wait3A_474 = arith.constant 0 : i32
    %dma_wait3A_475 = tpu.memref_slice %arg2[%dma_wait3A_473, %dma_wait3A_474] : memref<10000x128xbf16, #tpu.memory_space<hbm>> -> memref<80x128xbf16, #tpu.memory_space<hbm>>
    tpu.wait_dma2 semaphore(%arg18 : memref<!tpu.dma_semaphore, #tpu.memory_space<semaphore_mem>>) src(%dma_wait3A_475 : memref<80x128xbf16, #tpu.memory_space<hbm>>) dst(%arg11 : memref<80x128xbf16, #tpu.memory_space<vmem>>)
    %dma_wait3A_476 = arith.constant 0 : i32
    %dma_wait3A_477 = arith.constant 0 : i32
    %dma_wait3A_478 = arith.constant 0 : i32
    %dma_wait3A_479 = tpu.memref_slice %arg6[%dma_wait3A_476, %dma_wait3A_477, %dma_wait3A_478] : memref<2x10240x16xf32, #tpu.memory_space<hbm>> -> memref<1x80x16xf32, #tpu.memory_space<hbm>>
    %dma_wait3A_480 = tpu.memref_squeeze %dma_wait3A_479 : memref<1x80x16xf32, #tpu.memory_space<hbm>> -> memref<80x16xf32, #tpu.memory_space<hbm>>
    %dma_wait3A_481 = arith.constant 0 : i32
    %dma_wait3A_482 = arith.constant 0 : i32
    %dma_wait3A_483 = tpu.memref_slice %arg6[%dma_wait3A_476, %dma_wait3A_481, %dma_wait3A_482] : memref<2x10240x16xf32, #tpu.memory_space<hbm>> -> memref<1x80x16xf32, #tpu.memory_space<hbm>>
    %dma_wait3A_484 = tpu.memref_squeeze %dma_wait3A_483 : memref<1x80x16xf32, #tpu.memory_space<hbm>> -> memref<80x16xf32, #tpu.memory_space<hbm>>
    tpu.wait_dma2 semaphore(%arg21 : memref<!tpu.dma_semaphore, #tpu.memory_space<semaphore_mem>>) src(%dma_wait3A_484 : memref<80x16xf32, #tpu.memory_space<hbm>>) dst(%arg23 : memref<80x16xf32, #tpu.memory_space<vmem>>)
    %get3A_485 = arith.constant 4 : i32
    %get3A_486 = arith.index_cast %get3A_485 : i32 to index
    %get3A_487 = arith.constant 0 : index
    %get3A_488 = tpu.vector_load %arg7[%get3A_486, %get3A_487] {strides = array<i32>} : memref<125x80xi32, #tpu.memory_space<vmem>>, vector<16xi32>,
    %and3A_489 = arith.andi %get3A_488, %broadcast_in_dim3A_32 : vector<16xi32>
    %swap3A_490 = arith.constant 1 : i32
    %swap3A_491 = arith.index_cast %swap3A_490 : i32 to index
    %swap3A_492 = arith.constant 0 : index
    %swap3A_493 = tpu.vector_load %arg8[%swap3A_491, %swap3A_492] {strides = array<i32>} : memref<3x80xi32, #tpu.memory_space<vmem>>, vector<16xi32>,
    tpu.vector_store %arg8[%swap3A_491, %swap3A_492], %and3A_489 {strides = array<i32>} : memref<3x80xi32, #tpu.memory_space<vmem>>, vector<16xi32>,
    %broadcast_in_dim3A_494 = arith.constant 14 : i32
    %broadcast_in_dim3A_495 = vector.broadcast %broadcast_in_dim3A_494 : i32 to vector<16xi32>
    %shift_right_logical3A_496 = arith.shrui %get3A_488, %broadcast_in_dim3A_495 : vector<16xi32>
    %and3A_497 = arith.andi %shift_right_logical3A_496, %broadcast_in_dim3A_32 : vector<16xi32>
    %swap3A_498 = arith.constant 1 : i32
    %swap3A_499 = arith.index_cast %swap3A_498 : i32 to index
    %swap3A_500 = arith.constant 0 : index
    %swap3A_501 = tpu.vector_load %arg9[%swap3A_499, %swap3A_500] {strides = array<i32>} : memref<3x80xi32, #tpu.memory_space<vmem>>, vector<16xi32>,
    tpu.vector_store %arg9[%swap3A_499, %swap3A_500], %and3A_497 {strides = array<i32>} : memref<3x80xi32, #tpu.memory_space<vmem>>, vector<16xi32>,
    %get3A_502 = arith.constant 4 : i32
    %get3A_503 = arith.index_cast %get3A_502 : i32 to index
    %get3A_504 = arith.constant 16 : index
    %get3A_505 = tpu.vector_load %arg7[%get3A_503, %get3A_504] {strides = array<i32>} : memref<125x80xi32, #tpu.memory_space<vmem>>, vector<16xi32>,
    %and3A_506 = arith.andi %get3A_505, %broadcast_in_dim3A_32 : vector<16xi32>
    %swap3A_507 = arith.constant 1 : i32
    %swap3A_508 = arith.index_cast %swap3A_507 : i32 to index
    %swap3A_509 = arith.constant 16 : index
    %swap3A_510 = tpu.vector_load %arg8[%swap3A_508, %swap3A_509] {strides = array<i32>} : memref<3x80xi32, #tpu.memory_space<vmem>>, vector<16xi32>,
    tpu.vector_store %arg8[%swap3A_508, %swap3A_509], %and3A_506 {strides = array<i32>} : memref<3x80xi32, #tpu.memory_space<vmem>>, vector<16xi32>,
    %broadcast_in_dim3A_511 = arith.constant 14 : i32
    %broadcast_in_dim3A_512 = vector.broadcast %broadcast_in_dim3A_511 : i32 to vector<16xi32>
    %shift_right_logical3A_513 = arith.shrui %get3A_505, %broadcast_in_dim3A_512 : vector<16xi32>
    %and3A_514 = arith.andi %shift_right_logical3A_513, %broadcast_in_dim3A_32 : vector<16xi32>
    %swap3A_515 = arith.constant 1 : i32
    %swap3A_516 = arith.index_cast %swap3A_515 : i32 to index
    %swap3A_517 = arith.constant 16 : index
    %swap3A_518 = tpu.vector_load %arg9[%swap3A_516, %swap3A_517] {strides = array<i32>} : memref<3x80xi32, #tpu.memory_space<vmem>>, vector<16xi32>,
    tpu.vector_store %arg9[%swap3A_516, %swap3A_517], %and3A_514 {strides = array<i32>} : memref<3x80xi32, #tpu.memory_space<vmem>>, vector<16xi32>,
    %get3A_519 = arith.constant 4 : i32
    %get3A_520 = arith.index_cast %get3A_519 : i32 to index
    %get3A_521 = arith.constant 32 : index
    %get3A_522 = tpu.vector_load %arg7[%get3A_520, %get3A_521] {strides = array<i32>} : memref<125x80xi32, #tpu.memory_space<vmem>>, vector<16xi32>,
    %and3A_523 = arith.andi %get3A_522, %broadcast_in_dim3A_32 : vector<16xi32>
    %swap3A_524 = arith.constant 1 : i32
    %swap3A_525 = arith.index_cast %swap3A_524 : i32 to index
    %swap3A_526 = arith.constant 32 : index
    %swap3A_527 = tpu.vector_load %arg8[%swap3A_525, %swap3A_526] {strides = array<i32>} : memref<3x80xi32, #tpu.memory_space<vmem>>, vector<16xi32>,
    tpu.vector_store %arg8[%swap3A_525, %swap3A_526], %and3A_523 {strides = array<i32>} : memref<3x80xi32, #tpu.memory_space<vmem>>, vector<16xi32>,
    %broadcast_in_dim3A_528 = arith.constant 14 : i32
    %broadcast_in_dim3A_529 = vector.broadcast %broadcast_in_dim3A_528 : i32 to vector<16xi32>
    %shift_right_logical3A_530 = arith.shrui %get3A_522, %broadcast_in_dim3A_529 : vector<16xi32>
    %and3A_531 = arith.andi %shift_right_logical3A_530, %broadcast_in_dim3A_32 : vector<16xi32>
    %swap3A_532 = arith.constant 1 : i32
    %swap3A_533 = arith.index_cast %swap3A_532 : i32 to index
    %swap3A_534 = arith.constant 32 : index
    %swap3A_535 = tpu.vector_load %arg9[%swap3A_533, %swap3A_534] {strides = array<i32>} : memref<3x80xi32, #tpu.memory_space<vmem>>, vector<16xi32>,
    tpu.vector_store %arg9[%swap3A_533, %swap3A_534], %and3A_531 {strides = array<i32>} : memref<3x80xi32, #tpu.memory_space<vmem>>, vector<16xi32>,
    %get3A_536 = arith.constant 4 : i32
    %get3A_537 = arith.index_cast %get3A_536 : i32 to index
    %get3A_538 = arith.constant 48 : index
    %get3A_539 = tpu.vector_load %arg7[%get3A_537, %get3A_538] {strides = array<i32>} : memref<125x80xi32, #tpu.memory_space<vmem>>, vector<16xi32>,
    %and3A_540 = arith.andi %get3A_539, %broadcast_in_dim3A_32 : vector<16xi32>
    %swap3A_541 = arith.constant 1 : i32
    %swap3A_542 = arith.index_cast %swap3A_541 : i32 to index
    %swap3A_543 = arith.constant 48 : index
    %swap3A_544 = tpu.vector_load %arg8[%swap3A_542, %swap3A_543] {strides = array<i32>} : memref<3x80xi32, #tpu.memory_space<vmem>>, vector<16xi32>,
    tpu.vector_store %arg8[%swap3A_542, %swap3A_543], %and3A_540 {strides = array<i32>} : memref<3x80xi32, #tpu.memory_space<vmem>>, vector<16xi32>,
    %broadcast_in_dim3A_545 = arith.constant 14 : i32
    %broadcast_in_dim3A_546 = vector.broadcast %broadcast_in_dim3A_545 : i32 to vector<16xi32>
    %shift_right_logical3A_547 = arith.shrui %get3A_539, %broadcast_in_dim3A_546 : vector<16xi32>
    %and3A_548 = arith.andi %shift_right_logical3A_547, %broadcast_in_dim3A_32 : vector<16xi32>
    %swap3A_549 = arith.constant 1 : i32
    %swap3A_550 = arith.index_cast %swap3A_549 : i32 to index
    %swap3A_551 = arith.constant 48 : index
    %swap3A_552 = tpu.vector_load %arg9[%swap3A_550, %swap3A_551] {strides = array<i32>} : memref<3x80xi32, #tpu.memory_space<vmem>>, vector<16xi32>,
    tpu.vector_store %arg9[%swap3A_550, %swap3A_551], %and3A_548 {strides = array<i32>} : memref<3x80xi32, #tpu.memory_space<vmem>>, vector<16xi32>,
    %get3A_553 = arith.constant 4 : i32
    %get3A_554 = arith.index_cast %get3A_553 : i32 to index
    %get3A_555 = arith.constant 64 : index
    %get3A_556 = tpu.vector_load %arg7[%get3A_554, %get3A_555] {strides = array<i32>} : memref<125x80xi32, #tpu.memory_space<vmem>>, vector<16xi32>,
    %and3A_557 = arith.andi %get3A_556, %broadcast_in_dim3A_32 : vector<16xi32>
    %swap3A_558 = arith.constant 1 : i32
    %swap3A_559 = arith.index_cast %swap3A_558 : i32 to index
    %swap3A_560 = arith.constant 64 : index
    %swap3A_561 = tpu.vector_load %arg8[%swap3A_559, %swap3A_560] {strides = array<i32>} : memref<3x80xi32, #tpu.memory_space<vmem>>, vector<16xi32>,
    tpu.vector_store %arg8[%swap3A_559, %swap3A_560], %and3A_557 {strides = array<i32>} : memref<3x80xi32, #tpu.memory_space<vmem>>, vector<16xi32>,
    %broadcast_in_dim3A_562 = arith.constant 14 : i32
    %broadcast_in_dim3A_563 = vector.broadcast %broadcast_in_dim3A_562 : i32 to vector<16xi32>
    %shift_right_logical3A_564 = arith.shrui %get3A_556, %broadcast_in_dim3A_563 : vector<16xi32>
    %and3A_565 = arith.andi %shift_right_logical3A_564, %broadcast_in_dim3A_32 : vector<16xi32>
    %swap3A_566 = arith.constant 1 : i32
    %swap3A_567 = arith.index_cast %swap3A_566 : i32 to index
    %swap3A_568 = arith.constant 64 : index
    %swap3A_569 = tpu.vector_load %arg9[%swap3A_567, %swap3A_568] {strides = array<i32>} : memref<3x80xi32, #tpu.memory_space<vmem>>, vector<16xi32>,
    tpu.vector_store %arg9[%swap3A_567, %swap3A_568], %and3A_565 {strides = array<i32>} : memref<3x80xi32, #tpu.memory_space<vmem>>, vector<16xi32>,
    %dma_start3A_570 = arith.constant 1 : i32
    %dma_start3A_571 = arith.constant 0 : i32
    %dma_start3A_572 = tpu.memref_slice %arg8[%dma_start3A_570, %dma_start3A_571] : memref<3x80xi32, #tpu.memory_space<vmem>> -> memref<1x80xi32, #tpu.memory_space<vmem>>
    %dma_start3A_573 = tpu.memref_squeeze %dma_start3A_572 : memref<1x80xi32, #tpu.memory_space<vmem>> -> memref<80xi32, #tpu.memory_space<vmem>>
    %dma_start3A_574 = arith.constant 0 : i32
    %dma_start3A_575 = arith.constant 0 : i32
    %dma_start3A_576 = tpu.memref_slice %arg2[%dma_start3A_574, %dma_start3A_575] : memref<10000x128xbf16, #tpu.memory_space<hbm>> -> memref<10000x128xbf16, #tpu.memory_space<hbm>>
    tpu.enqueue_indirect_dma source(%dma_start3A_576 : memref<10000x128xbf16, #tpu.memory_space<hbm>>) target(%arg11 : memref<80x128xbf16, #tpu.memory_space<vmem>>) offsets(%dma_start3A_573 : memref<80xi32, #tpu.memory_space<vmem>>) semaphore(%arg15 : memref<!tpu.dma_semaphore, #tpu.memory_space<semaphore_mem>>)
    %scan3A_577 = arith.constant 0 : i32
    %scan3A_578 = arith.constant 1 : i32
    %scan3A_579 = arith.constant 40 : i32
    %scan3A_580 = arith.addi %scan3A_578, %scan3A_579 : i32
    %scan3A_581 = arith.constant 1 : i32
    scf.for %scan3A_683 = %scan3A_578 to %scan3A_580 step %scan3A_581  : i32 {
      %mul3A_684 = arith.constant 3 : i32
      %mul3A_685 = arith.muli %mul3A_684, %scan3A_683 : i32
      %dma_wait3A_686 = arith.constant 0 : i32
      %dma_wait3A_687 = arith.constant 0 : i32
      %dma_wait3A_688 = tpu.memref_slice %arg2[%dma_wait3A_686, %dma_wait3A_687] : memref<10000x128xbf16, #tpu.memory_space<hbm>> -> memref<80x128xbf16, #tpu.memory_space<hbm>>
      %dma_wait3A_689 = arith.constant 0 : i32
      %dma_wait3A_690 = arith.constant 0 : i32
      %dma_wait3A_691 = tpu.memref_slice %arg2[%dma_wait3A_689, %dma_wait3A_690] : memref<10000x128xbf16, #tpu.memory_space<hbm>> -> memref<80x128xbf16, #tpu.memory_space<hbm>>
      tpu.wait_dma2 semaphore(%arg14 : memref<!tpu.dma_semaphore, #tpu.memory_space<semaphore_mem>>) src(%dma_wait3A_691 : memref<80x128xbf16, #tpu.memory_space<hbm>>) dst(%arg10 : memref<80x128xbf16, #tpu.memory_space<vmem>>)
      %dma_start3A_692 = arith.constant 0 : i32
      %dma_start3A_693 = arith.constant 0 : i32
      %dma_start3A_694 = tpu.memref_slice %arg9[%dma_start3A_692, %dma_start3A_693] : memref<3x80xi32, #tpu.memory_space<vmem>> -> memref<1x80xi32, #tpu.memory_space<vmem>>
      %dma_start3A_695 = tpu.memref_squeeze %dma_start3A_694 : memref<1x80xi32, #tpu.memory_space<vmem>> -> memref<80xi32, #tpu.memory_space<vmem>>
      %dma_start3A_696 = arith.constant 0 : i32
      %dma_start3A_697 = arith.constant 0 : i32
      %dma_start3A_698 = tpu.memref_slice %arg25[%dma_start3A_696, %dma_start3A_697] : memref<10240x128xbf16, #tpu.memory_space<vmem_shared>> -> memref<10240x128xbf16, #tpu.memory_space<vmem_shared>>
      tpu.enqueue_indirect_dma source(%arg10 : memref<80x128xbf16, #tpu.memory_space<vmem>>) target(%dma_start3A_698 : memref<10240x128xbf16, #tpu.memory_space<vmem_shared>>) offsets(%dma_start3A_695 : memref<80xi32, #tpu.memory_space<vmem>>) semaphore(%arg17 : memref<!tpu.dma_semaphore, #tpu.memory_space<semaphore_mem>>) {add = true}
      %dma_start3A_699 = arith.constant 0 : i32
      %dma_start3A_700 = arith.constant 0 : i32
      %dma_start3A_701 = tpu.memref_slice %arg9[%dma_start3A_699, %dma_start3A_700] : memref<3x80xi32, #tpu.memory_space<vmem>> -> memref<1x80xi32, #tpu.memory_space<vmem>>
      %dma_start3A_702 = tpu.memref_squeeze %dma_start3A_701 : memref<1x80xi32, #tpu.memory_space<vmem>> -> memref<80xi32, #tpu.memory_space<vmem>>
      %dma_start3A_703 = arith.constant 0 : i32
      %dma_start3A_704 = arith.constant 0 : i32
      %dma_start3A_705 = tpu.memref_slice %arg26[%dma_start3A_703, %dma_start3A_704] : memref<10240x16xf32, #tpu.memory_space<vmem_shared>> -> memref<10240x16xf32, #tpu.memory_space<vmem_shared>>
      tpu.enqueue_indirect_dma source(%arg23 : memref<80x16xf32, #tpu.memory_space<vmem>>) target(%dma_start3A_705 : memref<10240x16xf32, #tpu.memory_space<vmem_shared>>) offsets(%dma_start3A_702 : memref<80xi32, #tpu.memory_space<vmem>>) semaphore(%arg20 : memref<!tpu.dma_semaphore, #tpu.memory_space<semaphore_mem>>) {add = true}
      %dma_wait3A_706 = arith.constant 0 : i32
      %dma_wait3A_707 = arith.constant 0 : i32
      %dma_wait3A_708 = tpu.memref_slice %arg2[%dma_wait3A_706, %dma_wait3A_707] : memref<10000x128xbf16, #tpu.memory_space<hbm>> -> memref<80x128xbf16, #tpu.memory_space<hbm>>
      %dma_wait3A_709 = arith.constant 0 : i32
      %dma_wait3A_710 = arith.constant 0 : i32
      %dma_wait3A_711 = tpu.memref_slice %arg2[%dma_wait3A_709, %dma_wait3A_710] : memref<10000x128xbf16, #tpu.memory_space<hbm>> -> memref<80x128xbf16, #tpu.memory_space<hbm>>
      tpu.wait_dma2 semaphore(%arg19 : memref<!tpu.dma_semaphore, #tpu.memory_space<semaphore_mem>>) src(%dma_wait3A_711 : memref<80x128xbf16, #tpu.memory_space<hbm>>) dst(%arg12 : memref<80x128xbf16, #tpu.memory_space<vmem>>)
      %dma_wait3A_712 = arith.constant 0 : i32
      %dma_wait3A_713 = arith.constant 0 : i32
      %dma_wait3A_714 = arith.constant 0 : i32
      %dma_wait3A_715 = tpu.memref_slice %arg6[%dma_wait3A_712, %dma_wait3A_713, %dma_wait3A_714] : memref<2x10240x16xf32, #tpu.memory_space<hbm>> -> memref<1x80x16xf32, #tpu.memory_space<hbm>>
      %dma_wait3A_716 = tpu.memref_squeeze %dma_wait3A_715 : memref<1x80x16xf32, #tpu.memory_space<hbm>> -> memref<80x16xf32, #tpu.memory_space<hbm>>
      %dma_wait3A_717 = arith.constant 0 : i32
      %dma_wait3A_718 = arith.constant 0 : i32
      %dma_wait3A_719 = tpu.memref_slice %arg6[%dma_wait3A_712, %dma_wait3A_717, %dma_wait3A_718] : memref<2x10240x16xf32, #tpu.memory_space<hbm>> -> memref<1x80x16xf32, #tpu.memory_space<hbm>>
      %dma_wait3A_720 = tpu.memref_squeeze %dma_wait3A_719 : memref<1x80x16xf32, #tpu.memory_space<hbm>> -> memref<80x16xf32, #tpu.memory_space<hbm>>
      tpu.wait_dma2 semaphore(%arg22 : memref<!tpu.dma_semaphore, #tpu.memory_space<semaphore_mem>>) src(%dma_wait3A_720 : memref<80x16xf32, #tpu.memory_space<hbm>>) dst(%arg23 : memref<80x16xf32, #tpu.memory_space<vmem>>)
      %add3A_721 = arith.constant 2 : i32
      %add3A_722 = arith.addi %mul3A_685, %add3A_721 : i32
      %get3A_723 = arith.index_cast %add3A_722 : i32 to index
      %get3A_724 = arith.constant 0 : index
      %get3A_725 = tpu.vector_load %arg7[%get3A_723, %get3A_724] {strides = array<i32>} : memref<125x80xi32, #tpu.memory_space<vmem>>, vector<16xi32>,
      %and3A_726 = arith.andi %get3A_725, %broadcast_in_dim3A_32 : vector<16xi32>
      %swap3A_727 = arith.constant 2 : i32
      %swap3A_728 = arith.index_cast %swap3A_727 : i32 to index
      %swap3A_729 = arith.constant 0 : index
      %swap3A_730 = tpu.vector_load %arg8[%swap3A_728, %swap3A_729] {strides = array<i32>} : memref<3x80xi32, #tpu.memory_space<vmem>>, vector<16xi32>,
      tpu.vector_store %arg8[%swap3A_728, %swap3A_729], %and3A_726 {strides = array<i32>} : memref<3x80xi32, #tpu.memory_space<vmem>>, vector<16xi32>,
      %broadcast_in_dim3A_731 = arith.constant 14 : i32
      %broadcast_in_dim3A_732 = vector.broadcast %broadcast_in_dim3A_731 : i32 to vector<16xi32>
      %shift_right_logical3A_733 = arith.shrui %get3A_725, %broadcast_in_dim3A_732 : vector<16xi32>
      %and3A_734 = arith.andi %shift_right_logical3A_733, %broadcast_in_dim3A_32 : vector<16xi32>
      %swap3A_735 = arith.constant 2 : i32
      %swap3A_736 = arith.index_cast %swap3A_735 : i32 to index
      %swap3A_737 = arith.constant 0 : index
      %swap3A_738 = tpu.vector_load %arg9[%swap3A_736, %swap3A_737] {strides = array<i32>} : memref<3x80xi32, #tpu.memory_space<vmem>>, vector<16xi32>,
      tpu.vector_store %arg9[%swap3A_736, %swap3A_737], %and3A_734 {strides = array<i32>} : memref<3x80xi32, #tpu.memory_space<vmem>>, vector<16xi32>,
      %get3A_739 = arith.index_cast %add3A_722 : i32 to index
      %get3A_740 = arith.constant 16 : index
      %get3A_741 = tpu.vector_load %arg7[%get3A_739, %get3A_740] {strides = array<i32>} : memref<125x80xi32, #tpu.memory_space<vmem>>, vector<16xi32>,
      %and3A_742 = arith.andi %get3A_741, %broadcast_in_dim3A_32 : vector<16xi32>
      %swap3A_743 = arith.constant 2 : i32
      %swap3A_744 = arith.index_cast %swap3A_743 : i32 to index
      %swap3A_745 = arith.constant 16 : index
      %swap3A_746 = tpu.vector_load %arg8[%swap3A_744, %swap3A_745] {strides = array<i32>} : memref<3x80xi32, #tpu.memory_space<vmem>>, vector<16xi32>,
      tpu.vector_store %arg8[%swap3A_744, %swap3A_745], %and3A_742 {strides = array<i32>} : memref<3x80xi32, #tpu.memory_space<vmem>>, vector<16xi32>,
      %broadcast_in_dim3A_747 = arith.constant 14 : i32
      %broadcast_in_dim3A_748 = vector.broadcast %broadcast_in_dim3A_747 : i32 to vector<16xi32>
      %shift_right_logical3A_749 = arith.shrui %get3A_741, %broadcast_in_dim3A_748 : vector<16xi32>
      %and3A_750 = arith.andi %shift_right_logical3A_749, %broadcast_in_dim3A_32 : vector<16xi32>
      %swap3A_751 = arith.constant 2 : i32
      %swap3A_752 = arith.index_cast %swap3A_751 : i32 to index
      %swap3A_753 = arith.constant 16 : index
      %swap3A_754 = tpu.vector_load %arg9[%swap3A_752, %swap3A_753] {strides = array<i32>} : memref<3x80xi32, #tpu.memory_space<vmem>>, vector<16xi32>,
      tpu.vector_store %arg9[%swap3A_752, %swap3A_753], %and3A_750 {strides = array<i32>} : memref<3x80xi32, #tpu.memory_space<vmem>>, vector<16xi32>,
      %get3A_755 = arith.index_cast %add3A_722 : i32 to index
      %get3A_756 = arith.constant 32 : index
      %get3A_757 = tpu.vector_load %arg7[%get3A_755, %get3A_756] {strides = array<i32>} : memref<125x80xi32, #tpu.memory_space<vmem>>, vector<16xi32>,
      %and3A_758 = arith.andi %get3A_757, %broadcast_in_dim3A_32 : vector<16xi32>
      %swap3A_759 = arith.constant 2 : i32
      %swap3A_760 = arith.index_cast %swap3A_759 : i32 to index
      %swap3A_761 = arith.constant 32 : index
      %swap3A_762 = tpu.vector_load %arg8[%swap3A_760, %swap3A_761] {strides = array<i32>} : memref<3x80xi32, #tpu.memory_space<vmem>>, vector<16xi32>,
      tpu.vector_store %arg8[%swap3A_760, %swap3A_761], %and3A_758 {strides = array<i32>} : memref<3x80xi32, #tpu.memory_space<vmem>>, vector<16xi32>,
      %broadcast_in_dim3A_763 = arith.constant 14 : i32
      %broadcast_in_dim3A_764 = vector.broadcast %broadcast_in_dim3A_763 : i32 to vector<16xi32>
      %shift_right_logical3A_765 = arith.shrui %get3A_757, %broadcast_in_dim3A_764 : vector<16xi32>
      %and3A_766 = arith.andi %shift_right_logical3A_765, %broadcast_in_dim3A_32 : vector<16xi32>
      %swap3A_767 = arith.constant 2 : i32
      %swap3A_768 = arith.index_cast %swap3A_767 : i32 to index
      %swap3A_769 = arith.constant 32 : index
      %swap3A_770 = tpu.vector_load %arg9[%swap3A_768, %swap3A_769] {strides = array<i32>} : memref<3x80xi32, #tpu.memory_space<vmem>>, vector<16xi32>,
      tpu.vector_store %arg9[%swap3A_768, %swap3A_769], %and3A_766 {strides = array<i32>} : memref<3x80xi32, #tpu.memory_space<vmem>>, vector<16xi32>,
      %get3A_771 = arith.index_cast %add3A_722 : i32 to index
      %get3A_772 = arith.constant 48 : index
      %get3A_773 = tpu.vector_load %arg7[%get3A_771, %get3A_772] {strides = array<i32>} : memref<125x80xi32, #tpu.memory_space<vmem>>, vector<16xi32>,
      %and3A_774 = arith.andi %get3A_773, %broadcast_in_dim3A_32 : vector<16xi32>
      %swap3A_775 = arith.constant 2 : i32
      %swap3A_776 = arith.index_cast %swap3A_775 : i32 to index
      %swap3A_777 = arith.constant 48 : index
      %swap3A_778 = tpu.vector_load %arg8[%swap3A_776, %swap3A_777] {strides = array<i32>} : memref<3x80xi32, #tpu.memory_space<vmem>>, vector<16xi32>,
      tpu.vector_store %arg8[%swap3A_776, %swap3A_777], %and3A_774 {strides = array<i32>} : memref<3x80xi32, #tpu.memory_space<vmem>>, vector<16xi32>,
      %broadcast_in_dim3A_779 = arith.constant 14 : i32
      %broadcast_in_dim3A_780 = vector.broadcast %broadcast_in_dim3A_779 : i32 to vector<16xi32>
      %shift_right_logical3A_781 = arith.shrui %get3A_773, %broadcast_in_dim3A_780 : vector<16xi32>
      %and3A_782 = arith.andi %shift_right_logical3A_781, %broadcast_in_dim3A_32 : vector<16xi32>
      %swap3A_783 = arith.constant 2 : i32
      %swap3A_784 = arith.index_cast %swap3A_783 : i32 to index
      %swap3A_785 = arith.constant 48 : index
      %swap3A_786 = tpu.vector_load %arg9[%swap3A_784, %swap3A_785] {strides = array<i32>} : memref<3x80xi32, #tpu.memory_space<vmem>>, vector<16xi32>,
      tpu.vector_store %arg9[%swap3A_784, %swap3A_785], %and3A_782 {strides = array<i32>} : memref<3x80xi32, #tpu.memory_space<vmem>>, vector<16xi32>,
      %get3A_787 = arith.index_cast %add3A_722 : i32 to index
      %get3A_788 = arith.constant 64 : index
      %get3A_789 = tpu.vector_load %arg7[%get3A_787, %get3A_788] {strides = array<i32>} : memref<125x80xi32, #tpu.memory_space<vmem>>, vector<16xi32>,
      %and3A_790 = arith.andi %get3A_789, %broadcast_in_dim3A_32 : vector<16xi32>
      %swap3A_791 = arith.constant 2 : i32
      %swap3A_792 = arith.index_cast %swap3A_791 : i32 to index
      %swap3A_793 = arith.constant 64 : index
      %swap3A_794 = tpu.vector_load %arg8[%swap3A_792, %swap3A_793] {strides = array<i32>} : memref<3x80xi32, #tpu.memory_space<vmem>>, vector<16xi32>,
      tpu.vector_store %arg8[%swap3A_792, %swap3A_793], %and3A_790 {strides = array<i32>} : memref<3x80xi32, #tpu.memory_space<vmem>>, vector<16xi32>,
      %broadcast_in_dim3A_795 = arith.constant 14 : i32
      %broadcast_in_dim3A_796 = vector.broadcast %broadcast_in_dim3A_795 : i32 to vector<16xi32>
      %shift_right_logical3A_797 = arith.shrui %get3A_789, %broadcast_in_dim3A_796 : vector<16xi32>
      %and3A_798 = arith.andi %shift_right_logical3A_797, %broadcast_in_dim3A_32 : vector<16xi32>
      %swap3A_799 = arith.constant 2 : i32
      %swap3A_800 = arith.index_cast %swap3A_799 : i32 to index
      %swap3A_801 = arith.constant 64 : index
      %swap3A_802 = tpu.vector_load %arg9[%swap3A_800, %swap3A_801] {strides = array<i32>} : memref<3x80xi32, #tpu.memory_space<vmem>>, vector<16xi32>,
      tpu.vector_store %arg9[%swap3A_800, %swap3A_801], %and3A_798 {strides = array<i32>} : memref<3x80xi32, #tpu.memory_space<vmem>>, vector<16xi32>,
      %add3A_803 = arith.constant 2 : i32
      %add3A_804 = arith.addi %mul3A_685, %add3A_803 : i32
      %dma_start3A_805 = arith.constant 2 : i32
      %dma_start3A_806 = arith.constant 0 : i32
      %dma_start3A_807 = tpu.memref_slice %arg8[%dma_start3A_805, %dma_start3A_806] : memref<3x80xi32, #tpu.memory_space<vmem>> -> memref<1x80xi32, #tpu.memory_space<vmem>>
      %dma_start3A_808 = tpu.memref_squeeze %dma_start3A_807 : memref<1x80xi32, #tpu.memory_space<vmem>> -> memref<80xi32, #tpu.memory_space<vmem>>
      %dma_start3A_809 = arith.constant 0 : i32
      %dma_start3A_810 = arith.constant 0 : i32
      %dma_start3A_811 = tpu.memref_slice %arg2[%dma_start3A_809, %dma_start3A_810] : memref<10000x128xbf16, #tpu.memory_space<hbm>> -> memref<10000x128xbf16, #tpu.memory_space<hbm>>
      tpu.enqueue_indirect_dma source(%dma_start3A_811 : memref<10000x128xbf16, #tpu.memory_space<hbm>>) target(%arg12 : memref<80x128xbf16, #tpu.memory_space<vmem>>) offsets(%dma_start3A_808 : memref<80xi32, #tpu.memory_space<vmem>>) semaphore(%arg16 : memref<!tpu.dma_semaphore, #tpu.memory_space<semaphore_mem>>)
      %dma_wait3A_812 = arith.constant 0 : i32
      %dma_wait3A_813 = arith.constant 0 : i32
      %dma_wait3A_814 = tpu.memref_slice %arg2[%dma_wait3A_812, %dma_wait3A_813] : memref<10000x128xbf16, #tpu.memory_space<hbm>> -> memref<80x128xbf16, #tpu.memory_space<hbm>>
      %dma_wait3A_815 = arith.constant 0 : i32
      %dma_wait3A_816 = arith.constant 0 : i32
      %dma_wait3A_817 = tpu.memref_slice %arg2[%dma_wait3A_815, %dma_wait3A_816] : memref<10000x128xbf16, #tpu.memory_space<hbm>> -> memref<80x128xbf16, #tpu.memory_space<hbm>>
      tpu.wait_dma2 semaphore(%arg15 : memref<!tpu.dma_semaphore, #tpu.memory_space<semaphore_mem>>) src(%dma_wait3A_817 : memref<80x128xbf16, #tpu.memory_space<hbm>>) dst(%arg11 : memref<80x128xbf16, #tpu.memory_space<vmem>>)
      %dma_start3A_818 = arith.constant 1 : i32
      %dma_start3A_819 = arith.constant 0 : i32
      %dma_start3A_820 = tpu.memref_slice %arg9[%dma_start3A_818, %dma_start3A_819] : memref<3x80xi32, #tpu.memory_space<vmem>> -> memref<1x80xi32, #tpu.memory_space<vmem>>
      %dma_start3A_821 = tpu.memref_squeeze %dma_start3A_820 : memref<1x80xi32, #tpu.memory_space<vmem>> -> memref<80xi32, #tpu.memory_space<vmem>>
      %dma_start3A_822 = arith.constant 0 : i32
      %dma_start3A_823 = arith.constant 0 : i32
      %dma_start3A_824 = tpu.memref_slice %arg25[%dma_start3A_822, %dma_start3A_823] : memref<10240x128xbf16, #tpu.memory_space<vmem_shared>> -> memref<10240x128xbf16, #tpu.memory_space<vmem_shared>>
      tpu.enqueue_indirect_dma source(%arg11 : memref<80x128xbf16, #tpu.memory_space<vmem>>) target(%dma_start3A_824 : memref<10240x128xbf16, #tpu.memory_space<vmem_shared>>) offsets(%dma_start3A_821 : memref<80xi32, #tpu.memory_space<vmem>>) semaphore(%arg18 : memref<!tpu.dma_semaphore, #tpu.memory_space<semaphore_mem>>) {add = true}
      %dma_start3A_825 = arith.constant 1 : i32
      %dma_start3A_826 = arith.constant 0 : i32
      %dma_start3A_827 = tpu.memref_slice %arg9[%dma_start3A_825, %dma_start3A_826] : memref<3x80xi32, #tpu.memory_space<vmem>> -> memref<1x80xi32, #tpu.memory_space<vmem>>
      %dma_start3A_828 = tpu.memref_squeeze %dma_start3A_827 : memref<1x80xi32, #tpu.memory_space<vmem>> -> memref<80xi32, #tpu.memory_space<vmem>>
      %dma_start3A_829 = arith.constant 0 : i32
      %dma_start3A_830 = arith.constant 0 : i32
      %dma_start3A_831 = tpu.memref_slice %arg26[%dma_start3A_829, %dma_start3A_830] : memref<10240x16xf32, #tpu.memory_space<vmem_shared>> -> memref<10240x16xf32, #tpu.memory_space<vmem_shared>>
      tpu.enqueue_indirect_dma source(%arg23 : memref<80x16xf32, #tpu.memory_space<vmem>>) target(%dma_start3A_831 : memref<10240x16xf32, #tpu.memory_space<vmem_shared>>) offsets(%dma_start3A_828 : memref<80xi32, #tpu.memory_space<vmem>>) semaphore(%arg21 : memref<!tpu.dma_semaphore, #tpu.memory_space<semaphore_mem>>) {add = true}
      %dma_wait3A_832 = arith.constant 0 : i32
      %dma_wait3A_833 = arith.constant 0 : i32
      %dma_wait3A_834 = tpu.memref_slice %arg2[%dma_wait3A_832, %dma_wait3A_833] : memref<10000x128xbf16, #tpu.memory_space<hbm>> -> memref<80x128xbf16, #tpu.memory_space<hbm>>
      %dma_wait3A_835 = arith.constant 0 : i32
      %dma_wait3A_836 = arith.constant 0 : i32
      %dma_wait3A_837 = tpu.memref_slice %arg2[%dma_wait3A_835, %dma_wait3A_836] : memref<10000x128xbf16, #tpu.memory_space<hbm>> -> memref<80x128xbf16, #tpu.memory_space<hbm>>
      tpu.wait_dma2 semaphore(%arg17 : memref<!tpu.dma_semaphore, #tpu.memory_space<semaphore_mem>>) src(%dma_wait3A_837 : memref<80x128xbf16, #tpu.memory_space<hbm>>) dst(%arg10 : memref<80x128xbf16, #tpu.memory_space<vmem>>)
      %dma_wait3A_838 = arith.constant 0 : i32
      %dma_wait3A_839 = arith.constant 0 : i32
      %dma_wait3A_840 = arith.constant 0 : i32
      %dma_wait3A_841 = tpu.memref_slice %arg6[%dma_wait3A_838, %dma_wait3A_839, %dma_wait3A_840] : memref<2x10240x16xf32, #tpu.memory_space<hbm>> -> memref<1x80x16xf32, #tpu.memory_space<hbm>>
      %dma_wait3A_842 = tpu.memref_squeeze %dma_wait3A_841 : memref<1x80x16xf32, #tpu.memory_space<hbm>> -> memref<80x16xf32, #tpu.memory_space<hbm>>
      %dma_wait3A_843 = arith.constant 0 : i32
      %dma_wait3A_844 = arith.constant 0 : i32
      %dma_wait3A_845 = tpu.memref_slice %arg6[%dma_wait3A_838, %dma_wait3A_843, %dma_wait3A_844] : memref<2x10240x16xf32, #tpu.memory_space<hbm>> -> memref<1x80x16xf32, #tpu.memory_space<hbm>>
      %dma_wait3A_846 = tpu.memref_squeeze %dma_wait3A_845 : memref<1x80x16xf32, #tpu.memory_space<hbm>> -> memref<80x16xf32, #tpu.memory_space<hbm>>
      tpu.wait_dma2 semaphore(%arg20 : memref<!tpu.dma_semaphore, #tpu.memory_space<semaphore_mem>>) src(%dma_wait3A_846 : memref<80x16xf32, #tpu.memory_space<hbm>>) dst(%arg23 : memref<80x16xf32, #tpu.memory_space<vmem>>)
      %add3A_847 = arith.constant 3 : i32
      %add3A_848 = arith.addi %mul3A_685, %add3A_847 : i32
      %get3A_849 = arith.index_cast %add3A_848 : i32 to index
      %get3A_850 = arith.constant 0 : index
      %get3A_851 = tpu.vector_load %arg7[%get3A_849, %get3A_850] {strides = array<i32>} : memref<125x80xi32, #tpu.memory_space<vmem>>, vector<16xi32>,
      %and3A_852 = arith.andi %get3A_851, %broadcast_in_dim3A_32 : vector<16xi32>
      %swap3A_853 = arith.constant 0 : i32
      %swap3A_854 = arith.index_cast %swap3A_853 : i32 to index
      %swap3A_855 = arith.constant 0 : index
      %swap3A_856 = tpu.vector_load %arg8[%swap3A_854, %swap3A_855] {strides = array<i32>} : memref<3x80xi32, #tpu.memory_space<vmem>>, vector<16xi32>,
      tpu.vector_store %arg8[%swap3A_854, %swap3A_855], %and3A_852 {strides = array<i32>} : memref<3x80xi32, #tpu.memory_space<vmem>>, vector<16xi32>,
      %broadcast_in_dim3A_857 = arith.constant 14 : i32
      %broadcast_in_dim3A_858 = vector.broadcast %broadcast_in_dim3A_857 : i32 to vector<16xi32>
      %shift_right_logical3A_859 = arith.shrui %get3A_851, %broadcast_in_dim3A_858 : vector<16xi32>
      %and3A_860 = arith.andi %shift_right_logical3A_859, %broadcast_in_dim3A_32 : vector<16xi32>
      %swap3A_861 = arith.constant 0 : i32
      %swap3A_862 = arith.index_cast %swap3A_861 : i32 to index
      %swap3A_863 = arith.constant 0 : index
      %swap3A_864 = tpu.vector_load %arg9[%swap3A_862, %swap3A_863] {strides = array<i32>} : memref<3x80xi32, #tpu.memory_space<vmem>>, vector<16xi32>,
      tpu.vector_store %arg9[%swap3A_862, %swap3A_863], %and3A_860 {strides = array<i32>} : memref<3x80xi32, #tpu.memory_space<vmem>>, vector<16xi32>,
      %get3A_865 = arith.index_cast %add3A_848 : i32 to index
      %get3A_866 = arith.constant 16 : index
      %get3A_867 = tpu.vector_load %arg7[%get3A_865, %get3A_866] {strides = array<i32>} : memref<125x80xi32, #tpu.memory_space<vmem>>, vector<16xi32>,
      %and3A_868 = arith.andi %get3A_867, %broadcast_in_dim3A_32 : vector<16xi32>
      %swap3A_869 = arith.constant 0 : i32
      %swap3A_870 = arith.index_cast %swap3A_869 : i32 to index
      %swap3A_871 = arith.constant 16 : index
      %swap3A_872 = tpu.vector_load %arg8[%swap3A_870, %swap3A_871] {strides = array<i32>} : memref<3x80xi32, #tpu.memory_space<vmem>>, vector<16xi32>,
      tpu.vector_store %arg8[%swap3A_870, %swap3A_871], %and3A_868 {strides = array<i32>} : memref<3x80xi32, #tpu.memory_space<vmem>>, vector<16xi32>,
      %broadcast_in_dim3A_873 = arith.constant 14 : i32
      %broadcast_in_dim3A_874 = vector.broadcast %broadcast_in_dim3A_873 : i32 to vector<16xi32>
      %shift_right_logical3A_875 = arith.shrui %get3A_867, %broadcast_in_dim3A_874 : vector<16xi32>
      %and3A_876 = arith.andi %shift_right_logical3A_875, %broadcast_in_dim3A_32 : vector<16xi32>
      %swap3A_877 = arith.constant 0 : i32
      %swap3A_878 = arith.index_cast %swap3A_877 : i32 to index
      %swap3A_879 = arith.constant 16 : index
      %swap3A_880 = tpu.vector_load %arg9[%swap3A_878, %swap3A_879] {strides = array<i32>} : memref<3x80xi32, #tpu.memory_space<vmem>>, vector<16xi32>,
      tpu.vector_store %arg9[%swap3A_878, %swap3A_879], %and3A_876 {strides = array<i32>} : memref<3x80xi32, #tpu.memory_space<vmem>>, vector<16xi32>,
      %get3A_881 = arith.index_cast %add3A_848 : i32 to index
      %get3A_882 = arith.constant 32 : index
      %get3A_883 = tpu.vector_load %arg7[%get3A_881, %get3A_882] {strides = array<i32>} : memref<125x80xi32, #tpu.memory_space<vmem>>, vector<16xi32>,
      %and3A_884 = arith.andi %get3A_883, %broadcast_in_dim3A_32 : vector<16xi32>
      %swap3A_885 = arith.constant 0 : i32
      %swap3A_886 = arith.index_cast %swap3A_885 : i32 to index
      %swap3A_887 = arith.constant 32 : index
      %swap3A_888 = tpu.vector_load %arg8[%swap3A_886, %swap3A_887] {strides = array<i32>} : memref<3x80xi32, #tpu.memory_space<vmem>>, vector<16xi32>,
      tpu.vector_store %arg8[%swap3A_886, %swap3A_887], %and3A_884 {strides = array<i32>} : memref<3x80xi32, #tpu.memory_space<vmem>>, vector<16xi32>,
      %broadcast_in_dim3A_889 = arith.constant 14 : i32
      %broadcast_in_dim3A_890 = vector.broadcast %broadcast_in_dim3A_889 : i32 to vector<16xi32>
      %shift_right_logical3A_891 = arith.shrui %get3A_883, %broadcast_in_dim3A_890 : vector<16xi32>
      %and3A_892 = arith.andi %shift_right_logical3A_891, %broadcast_in_dim3A_32 : vector<16xi32>
      %swap3A_893 = arith.constant 0 : i32
      %swap3A_894 = arith.index_cast %swap3A_893 : i32 to index
      %swap3A_895 = arith.constant 32 : index
      %swap3A_896 = tpu.vector_load %arg9[%swap3A_894, %swap3A_895] {strides = array<i32>} : memref<3x80xi32, #tpu.memory_space<vmem>>, vector<16xi32>,
      tpu.vector_store %arg9[%swap3A_894, %swap3A_895], %and3A_892 {strides = array<i32>} : memref<3x80xi32, #tpu.memory_space<vmem>>, vector<16xi32>,
      %get3A_897 = arith.index_cast %add3A_848 : i32 to index
      %get3A_898 = arith.constant 48 : index
      %get3A_899 = tpu.vector_load %arg7[%get3A_897, %get3A_898] {strides = array<i32>} : memref<125x80xi32, #tpu.memory_space<vmem>>, vector<16xi32>,
      %and3A_900 = arith.andi %get3A_899, %broadcast_in_dim3A_32 : vector<16xi32>
      %swap3A_901 = arith.constant 0 : i32
      %swap3A_902 = arith.index_cast %swap3A_901 : i32 to index
      %swap3A_903 = arith.constant 48 : index
      %swap3A_904 = tpu.vector_load %arg8[%swap3A_902, %swap3A_903] {strides = array<i32>} : memref<3x80xi32, #tpu.memory_space<vmem>>, vector<16xi32>,
      tpu.vector_store %arg8[%swap3A_902, %swap3A_903], %and3A_900 {strides = array<i32>} : memref<3x80xi32, #tpu.memory_space<vmem>>, vector<16xi32>,
      %broadcast_in_dim3A_905 = arith.constant 14 : i32
      %broadcast_in_dim3A_906 = vector.broadcast %broadcast_in_dim3A_905 : i32 to vector<16xi32>
      %shift_right_logical3A_907 = arith.shrui %get3A_899, %broadcast_in_dim3A_906 : vector<16xi32>
      %and3A_908 = arith.andi %shift_right_logical3A_907, %broadcast_in_dim3A_32 : vector<16xi32>
      %swap3A_909 = arith.constant 0 : i32
      %swap3A_910 = arith.index_cast %swap3A_909 : i32 to index
      %swap3A_911 = arith.constant 48 : index
      %swap3A_912 = tpu.vector_load %arg9[%swap3A_910, %swap3A_911] {strides = array<i32>} : memref<3x80xi32, #tpu.memory_space<vmem>>, vector<16xi32>,
      tpu.vector_store %arg9[%swap3A_910, %swap3A_911], %and3A_908 {strides = array<i32>} : memref<3x80xi32, #tpu.memory_space<vmem>>, vector<16xi32>,
      %get3A_913 = arith.index_cast %add3A_848 : i32 to index
      %get3A_914 = arith.constant 64 : index
      %get3A_915 = tpu.vector_load %arg7[%get3A_913, %get3A_914] {strides = array<i32>} : memref<125x80xi32, #tpu.memory_space<vmem>>, vector<16xi32>,
      %and3A_916 = arith.andi %get3A_915, %broadcast_in_dim3A_32 : vector<16xi32>
      %swap3A_917 = arith.constant 0 : i32
      %swap3A_918 = arith.index_cast %swap3A_917 : i32 to index
      %swap3A_919 = arith.constant 64 : index
      %swap3A_920 = tpu.vector_load %arg8[%swap3A_918, %swap3A_919] {strides = array<i32>} : memref<3x80xi32, #tpu.memory_space<vmem>>, vector<16xi32>,
      tpu.vector_store %arg8[%swap3A_918, %swap3A_919], %and3A_916 {strides = array<i32>} : memref<3x80xi32, #tpu.memory_space<vmem>>, vector<16xi32>,
      %broadcast_in_dim3A_921 = arith.constant 14 : i32
      %broadcast_in_dim3A_922 = vector.broadcast %broadcast_in_dim3A_921 : i32 to vector<16xi32>
      %shift_right_logical3A_923 = arith.shrui %get3A_915, %broadcast_in_dim3A_922 : vector<16xi32>
      %and3A_924 = arith.andi %shift_right_logical3A_923, %broadcast_in_dim3A_32 : vector<16xi32>
      %swap3A_925 = arith.constant 0 : i32
      %swap3A_926 = arith.index_cast %swap3A_925 : i32 to index
      %swap3A_927 = arith.constant 64 : index
      %swap3A_928 = tpu.vector_load %arg9[%swap3A_926, %swap3A_927] {strides = array<i32>} : memref<3x80xi32, #tpu.memory_space<vmem>>, vector<16xi32>,
      tpu.vector_store %arg9[%swap3A_926, %swap3A_927], %and3A_924 {strides = array<i32>} : memref<3x80xi32, #tpu.memory_space<vmem>>, vector<16xi32>,
      %add3A_929 = arith.constant 3 : i32
      %add3A_930 = arith.addi %mul3A_685, %add3A_929 : i32
      %dma_start3A_931 = arith.constant 0 : i32
      %dma_start3A_932 = arith.constant 0 : i32
      %dma_start3A_933 = tpu.memref_slice %arg8[%dma_start3A_931, %dma_start3A_932] : memref<3x80xi32, #tpu.memory_space<vmem>> -> memref<1x80xi32, #tpu.memory_space<vmem>>
      %dma_start3A_934 = tpu.memref_squeeze %dma_start3A_933 : memref<1x80xi32, #tpu.memory_space<vmem>> -> memref<80xi32, #tpu.memory_space<vmem>>
      %dma_start3A_935 = arith.constant 0 : i32
      %dma_start3A_936 = arith.constant 0 : i32
      %dma_start3A_937 = tpu.memref_slice %arg2[%dma_start3A_935, %dma_start3A_936] : memref<10000x128xbf16, #tpu.memory_space<hbm>> -> memref<10000x128xbf16, #tpu.memory_space<hbm>>
      tpu.enqueue_indirect_dma source(%dma_start3A_937 : memref<10000x128xbf16, #tpu.memory_space<hbm>>) target(%arg10 : memref<80x128xbf16, #tpu.memory_space<vmem>>) offsets(%dma_start3A_934 : memref<80xi32, #tpu.memory_space<vmem>>) semaphore(%arg14 : memref<!tpu.dma_semaphore, #tpu.memory_space<semaphore_mem>>)
      %dma_wait3A_938 = arith.constant 0 : i32
      %dma_wait3A_939 = arith.constant 0 : i32
      %dma_wait3A_940 = tpu.memref_slice %arg2[%dma_wait3A_938, %dma_wait3A_939] : memref<10000x128xbf16, #tpu.memory_space<hbm>> -> memref<80x128xbf16, #tpu.memory_space<hbm>>
      %dma_wait3A_941 = arith.constant 0 : i32
      %dma_wait3A_942 = arith.constant 0 : i32
      %dma_wait3A_943 = tpu.memref_slice %arg2[%dma_wait3A_941, %dma_wait3A_942] : memref<10000x128xbf16, #tpu.memory_space<hbm>> -> memref<80x128xbf16, #tpu.memory_space<hbm>>
      tpu.wait_dma2 semaphore(%arg16 : memref<!tpu.dma_semaphore, #tpu.memory_space<semaphore_mem>>) src(%dma_wait3A_943 : memref<80x128xbf16, #tpu.memory_space<hbm>>) dst(%arg12 : memref<80x128xbf16, #tpu.memory_space<vmem>>)
      %dma_start3A_944 = arith.constant 2 : i32
      %dma_start3A_945 = arith.constant 0 : i32
      %dma_start3A_946 = tpu.memref_slice %arg9[%dma_start3A_944, %dma_start3A_945] : memref<3x80xi32, #tpu.memory_space<vmem>> -> memref<1x80xi32, #tpu.memory_space<vmem>>
      %dma_start3A_947 = tpu.memref_squeeze %dma_start3A_946 : memref<1x80xi32, #tpu.memory_space<vmem>> -> memref<80xi32, #tpu.memory_space<vmem>>
      %dma_start3A_948 = arith.constant 0 : i32
      %dma_start3A_949 = arith.constant 0 : i32
      %dma_start3A_950 = tpu.memref_slice %arg25[%dma_start3A_948, %dma_start3A_949] : memref<10240x128xbf16, #tpu.memory_space<vmem_shared>> -> memref<10240x128xbf16, #tpu.memory_space<vmem_shared>>
      tpu.enqueue_indirect_dma source(%arg12 : memref<80x128xbf16, #tpu.memory_space<vmem>>) target(%dma_start3A_950 : memref<10240x128xbf16, #tpu.memory_space<vmem_shared>>) offsets(%dma_start3A_947 : memref<80xi32, #tpu.memory_space<vmem>>) semaphore(%arg19 : memref<!tpu.dma_semaphore, #tpu.memory_space<semaphore_mem>>) {add = true}
      %dma_start3A_951 = arith.constant 2 : i32
      %dma_start3A_952 = arith.constant 0 : i32
      %dma_start3A_953 = tpu.memref_slice %arg9[%dma_start3A_951, %dma_start3A_952] : memref<3x80xi32, #tpu.memory_space<vmem>> -> memref<1x80xi32, #tpu.memory_space<vmem>>
      %dma_start3A_954 = tpu.memref_squeeze %dma_start3A_953 : memref<1x80xi32, #tpu.memory_space<vmem>> -> memref<80xi32, #tpu.memory_space<vmem>>
      %dma_start3A_955 = arith.constant 0 : i32
      %dma_start3A_956 = arith.constant 0 : i32
      %dma_start3A_957 = tpu.memref_slice %arg26[%dma_start3A_955, %dma_start3A_956] : memref<10240x16xf32, #tpu.memory_space<vmem_shared>> -> memref<10240x16xf32, #tpu.memory_space<vmem_shared>>
      tpu.enqueue_indirect_dma source(%arg23 : memref<80x16xf32, #tpu.memory_space<vmem>>) target(%dma_start3A_957 : memref<10240x16xf32, #tpu.memory_space<vmem_shared>>) offsets(%dma_start3A_954 : memref<80xi32, #tpu.memory_space<vmem>>) semaphore(%arg22 : memref<!tpu.dma_semaphore, #tpu.memory_space<semaphore_mem>>) {add = true}
      %dma_wait3A_958 = arith.constant 0 : i32
      %dma_wait3A_959 = arith.constant 0 : i32
      %dma_wait3A_960 = tpu.memref_slice %arg2[%dma_wait3A_958, %dma_wait3A_959] : memref<10000x128xbf16, #tpu.memory_space<hbm>> -> memref<80x128xbf16, #tpu.memory_space<hbm>>
      %dma_wait3A_961 = arith.constant 0 : i32
      %dma_wait3A_962 = arith.constant 0 : i32
      %dma_wait3A_963 = tpu.memref_slice %arg2[%dma_wait3A_961, %dma_wait3A_962] : memref<10000x128xbf16, #tpu.memory_space<hbm>> -> memref<80x128xbf16, #tpu.memory_space<hbm>>
      tpu.wait_dma2 semaphore(%arg18 : memref<!tpu.dma_semaphore, #tpu.memory_space<semaphore_mem>>) src(%dma_wait3A_963 : memref<80x128xbf16, #tpu.memory_space<hbm>>) dst(%arg11 : memref<80x128xbf16, #tpu.memory_space<vmem>>)
      %dma_wait3A_964 = arith.constant 0 : i32
      %dma_wait3A_965 = arith.constant 0 : i32
      %dma_wait3A_966 = arith.constant 0 : i32
      %dma_wait3A_967 = tpu.memref_slice %arg6[%dma_wait3A_964, %dma_wait3A_965, %dma_wait3A_966] : memref<2x10240x16xf32, #tpu.memory_space<hbm>> -> memref<1x80x16xf32, #tpu.memory_space<hbm>>
      %dma_wait3A_968 = tpu.memref_squeeze %dma_wait3A_967 : memref<1x80x16xf32, #tpu.memory_space<hbm>> -> memref<80x16xf32, #tpu.memory_space<hbm>>
      %dma_wait3A_969 = arith.constant 0 : i32
      %dma_wait3A_970 = arith.constant 0 : i32
      %dma_wait3A_971 = tpu.memref_slice %arg6[%dma_wait3A_964, %dma_wait3A_969, %dma_wait3A_970] : memref<2x10240x16xf32, #tpu.memory_space<hbm>> -> memref<1x80x16xf32, #tpu.memory_space<hbm>>
      %dma_wait3A_972 = tpu.memref_squeeze %dma_wait3A_971 : memref<1x80x16xf32, #tpu.memory_space<hbm>> -> memref<80x16xf32, #tpu.memory_space<hbm>>
      tpu.wait_dma2 semaphore(%arg21 : memref<!tpu.dma_semaphore, #tpu.memory_space<semaphore_mem>>) src(%dma_wait3A_972 : memref<80x16xf32, #tpu.memory_space<hbm>>) dst(%arg23 : memref<80x16xf32, #tpu.memory_space<vmem>>)
      %add3A_973 = arith.constant 4 : i32
      %add3A_974 = arith.addi %mul3A_685, %add3A_973 : i32
      %get3A_975 = arith.index_cast %add3A_974 : i32 to index
      %get3A_976 = arith.constant 0 : index
      %get3A_977 = tpu.vector_load %arg7[%get3A_975, %get3A_976] {strides = array<i32>} : memref<125x80xi32, #tpu.memory_space<vmem>>, vector<16xi32>,
      %and3A_978 = arith.andi %get3A_977, %broadcast_in_dim3A_32 : vector<16xi32>
      %swap3A_979 = arith.constant 1 : i32
      %swap3A_980 = arith.index_cast %swap3A_979 : i32 to index
      %swap3A_981 = arith.constant 0 : index
      %swap3A_982 = tpu.vector_load %arg8[%swap3A_980, %swap3A_981] {strides = array<i32>} : memref<3x80xi32, #tpu.memory_space<vmem>>, vector<16xi32>,
      tpu.vector_store %arg8[%swap3A_980, %swap3A_981], %and3A_978 {strides = array<i32>} : memref<3x80xi32, #tpu.memory_space<vmem>>, vector<16xi32>,
      %broadcast_in_dim3A_983 = arith.constant 14 : i32
      %broadcast_in_dim3A_984 = vector.broadcast %broadcast_in_dim3A_983 : i32 to vector<16xi32>
      %shift_right_logical3A_985 = arith.shrui %get3A_977, %broadcast_in_dim3A_984 : vector<16xi32>
      %and3A_986 = arith.andi %shift_right_logical3A_985, %broadcast_in_dim3A_32 : vector<16xi32>
      %swap3A_987 = arith.constant 1 : i32
      %swap3A_988 = arith.index_cast %swap3A_987 : i32 to index
      %swap3A_989 = arith.constant 0 : index
      %swap3A_990 = tpu.vector_load %arg9[%swap3A_988, %swap3A_989] {strides = array<i32>} : memref<3x80xi32, #tpu.memory_space<vmem>>, vector<16xi32>,
      tpu.vector_store %arg9[%swap3A_988, %swap3A_989], %and3A_986 {strides = array<i32>} : memref<3x80xi32, #tpu.memory_space<vmem>>, vector<16xi32>,
      %get3A_991 = arith.index_cast %add3A_974 : i32 to index
      %get3A_992 = arith.constant 16 : index
      %get3A_993 = tpu.vector_load %arg7[%get3A_991, %get3A_992] {strides = array<i32>} : memref<125x80xi32, #tpu.memory_space<vmem>>, vector<16xi32>,
      %and3A_994 = arith.andi %get3A_993, %broadcast_in_dim3A_32 : vector<16xi32>
      %swap3A_995 = arith.constant 1 : i32
      %swap3A_996 = arith.index_cast %swap3A_995 : i32 to index
      %swap3A_997 = arith.constant 16 : index
      %swap3A_998 = tpu.vector_load %arg8[%swap3A_996, %swap3A_997] {strides = array<i32>} : memref<3x80xi32, #tpu.memory_space<vmem>>, vector<16xi32>,
      tpu.vector_store %arg8[%swap3A_996, %swap3A_997], %and3A_994 {strides = array<i32>} : memref<3x80xi32, #tpu.memory_space<vmem>>, vector<16xi32>,
      %broadcast_in_dim3A_999 = arith.constant 14 : i32
      %broadcast_in_dim3A_1000 = vector.broadcast %broadcast_in_dim3A_999 : i32 to vector<16xi32>
      %shift_right_logical3A_1001 = arith.shrui %get3A_993, %broadcast_in_dim3A_1000 : vector<16xi32>
      %and3A_1002 = arith.andi %shift_right_logical3A_1001, %broadcast_in_dim3A_32 : vector<16xi32>
      %swap3A_1003 = arith.constant 1 : i32
      %swap3A_1004 = arith.index_cast %swap3A_1003 : i32 to index
      %swap3A_1005 = arith.constant 16 : index
      %swap3A_1006 = tpu.vector_load %arg9[%swap3A_1004, %swap3A_1005] {strides = array<i32>} : memref<3x80xi32, #tpu.memory_space<vmem>>, vector<16xi32>,
      tpu.vector_store %arg9[%swap3A_1004, %swap3A_1005], %and3A_1002 {strides = array<i32>} : memref<3x80xi32, #tpu.memory_space<vmem>>, vector<16xi32>,
      %get3A_1007 = arith.index_cast %add3A_974 : i32 to index
      %get3A_1008 = arith.constant 32 : index
      %get3A_1009 = tpu.vector_load %arg7[%get3A_1007, %get3A_1008] {strides = array<i32>} : memref<125x80xi32, #tpu.memory_space<vmem>>, vector<16xi32>,
      %and3A_1010 = arith.andi %get3A_1009, %broadcast_in_dim3A_32 : vector<16xi32>
      %swap3A_1011 = arith.constant 1 : i32
      %swap3A_1012 = arith.index_cast %swap3A_1011 : i32 to index
      %swap3A_1013 = arith.constant 32 : index
      %swap3A_1014 = tpu.vector_load %arg8[%swap3A_1012, %swap3A_1013] {strides = array<i32>} : memref<3x80xi32, #tpu.memory_space<vmem>>, vector<16xi32>,
      tpu.vector_store %arg8[%swap3A_1012, %swap3A_1013], %and3A_1010 {strides = array<i32>} : memref<3x80xi32, #tpu.memory_space<vmem>>, vector<16xi32>,
      %broadcast_in_dim3A_1015 = arith.constant 14 : i32
      %broadcast_in_dim3A_1016 = vector.broadcast %broadcast_in_dim3A_1015 : i32 to vector<16xi32>
      %shift_right_logical3A_1017 = arith.shrui %get3A_1009, %broadcast_in_dim3A_1016 : vector<16xi32>
      %and3A_1018 = arith.andi %shift_right_logical3A_1017, %broadcast_in_dim3A_32 : vector<16xi32>
      %swap3A_1019 = arith.constant 1 : i32
      %swap3A_1020 = arith.index_cast %swap3A_1019 : i32 to index
      %swap3A_1021 = arith.constant 32 : index
      %swap3A_1022 = tpu.vector_load %arg9[%swap3A_1020, %swap3A_1021] {strides = array<i32>} : memref<3x80xi32, #tpu.memory_space<vmem>>, vector<16xi32>,
      tpu.vector_store %arg9[%swap3A_1020, %swap3A_1021], %and3A_1018 {strides = array<i32>} : memref<3x80xi32, #tpu.memory_space<vmem>>, vector<16xi32>,
      %get3A_1023 = arith.index_cast %add3A_974 : i32 to index
      %get3A_1024 = arith.constant 48 : index
      %get3A_1025 = tpu.vector_load %arg7[%get3A_1023, %get3A_1024] {strides = array<i32>} : memref<125x80xi32, #tpu.memory_space<vmem>>, vector<16xi32>,
      %and3A_1026 = arith.andi %get3A_1025, %broadcast_in_dim3A_32 : vector<16xi32>
      %swap3A_1027 = arith.constant 1 : i32
      %swap3A_1028 = arith.index_cast %swap3A_1027 : i32 to index
      %swap3A_1029 = arith.constant 48 : index
      %swap3A_1030 = tpu.vector_load %arg8[%swap3A_1028, %swap3A_1029] {strides = array<i32>} : memref<3x80xi32, #tpu.memory_space<vmem>>, vector<16xi32>,
      tpu.vector_store %arg8[%swap3A_1028, %swap3A_1029], %and3A_1026 {strides = array<i32>} : memref<3x80xi32, #tpu.memory_space<vmem>>, vector<16xi32>,
      %broadcast_in_dim3A_1031 = arith.constant 14 : i32
      %broadcast_in_dim3A_1032 = vector.broadcast %broadcast_in_dim3A_1031 : i32 to vector<16xi32>
      %shift_right_logical3A_1033 = arith.shrui %get3A_1025, %broadcast_in_dim3A_1032 : vector<16xi32>
      %and3A_1034 = arith.andi %shift_right_logical3A_1033, %broadcast_in_dim3A_32 : vector<16xi32>
      %swap3A_1035 = arith.constant 1 : i32
      %swap3A_1036 = arith.index_cast %swap3A_1035 : i32 to index
      %swap3A_1037 = arith.constant 48 : index
      %swap3A_1038 = tpu.vector_load %arg9[%swap3A_1036, %swap3A_1037] {strides = array<i32>} : memref<3x80xi32, #tpu.memory_space<vmem>>, vector<16xi32>,
      tpu.vector_store %arg9[%swap3A_1036, %swap3A_1037], %and3A_1034 {strides = array<i32>} : memref<3x80xi32, #tpu.memory_space<vmem>>, vector<16xi32>,
      %get3A_1039 = arith.index_cast %add3A_974 : i32 to index
      %get3A_1040 = arith.constant 64 : index
      %get3A_1041 = tpu.vector_load %arg7[%get3A_1039, %get3A_1040] {strides = array<i32>} : memref<125x80xi32, #tpu.memory_space<vmem>>, vector<16xi32>,
      %and3A_1042 = arith.andi %get3A_1041, %broadcast_in_dim3A_32 : vector<16xi32>
      %swap3A_1043 = arith.constant 1 : i32
      %swap3A_1044 = arith.index_cast %swap3A_1043 : i32 to index
      %swap3A_1045 = arith.constant 64 : index
      %swap3A_1046 = tpu.vector_load %arg8[%swap3A_1044, %swap3A_1045] {strides = array<i32>} : memref<3x80xi32, #tpu.memory_space<vmem>>, vector<16xi32>,
      tpu.vector_store %arg8[%swap3A_1044, %swap3A_1045], %and3A_1042 {strides = array<i32>} : memref<3x80xi32, #tpu.memory_space<vmem>>, vector<16xi32>,
      %broadcast_in_dim3A_1047 = arith.constant 14 : i32
      %broadcast_in_dim3A_1048 = vector.broadcast %broadcast_in_dim3A_1047 : i32 to vector<16xi32>
      %shift_right_logical3A_1049 = arith.shrui %get3A_1041, %broadcast_in_dim3A_1048 : vector<16xi32>
      %and3A_1050 = arith.andi %shift_right_logical3A_1049, %broadcast_in_dim3A_32 : vector<16xi32>
      %swap3A_1051 = arith.constant 1 : i32
      %swap3A_1052 = arith.index_cast %swap3A_1051 : i32 to index
      %swap3A_1053 = arith.constant 64 : index
      %swap3A_1054 = tpu.vector_load %arg9[%swap3A_1052, %swap3A_1053] {strides = array<i32>} : memref<3x80xi32, #tpu.memory_space<vmem>>, vector<16xi32>,
      tpu.vector_store %arg9[%swap3A_1052, %swap3A_1053], %and3A_1050 {strides = array<i32>} : memref<3x80xi32, #tpu.memory_space<vmem>>, vector<16xi32>,
      %add3A_1055 = arith.constant 4 : i32
      %add3A_1056 = arith.addi %mul3A_685, %add3A_1055 : i32
      %dma_start3A_1057 = arith.constant 1 : i32
      %dma_start3A_1058 = arith.constant 0 : i32
      %dma_start3A_1059 = tpu.memref_slice %arg8[%dma_start3A_1057, %dma_start3A_1058] : memref<3x80xi32, #tpu.memory_space<vmem>> -> memref<1x80xi32, #tpu.memory_space<vmem>>
      %dma_start3A_1060 = tpu.memref_squeeze %dma_start3A_1059 : memref<1x80xi32, #tpu.memory_space<vmem>> -> memref<80xi32, #tpu.memory_space<vmem>>
      %dma_start3A_1061 = arith.constant 0 : i32
      %dma_start3A_1062 = arith.constant 0 : i32
      %dma_start3A_1063 = tpu.memref_slice %arg2[%dma_start3A_1061, %dma_start3A_1062] : memref<10000x128xbf16, #tpu.memory_space<hbm>> -> memref<10000x128xbf16, #tpu.memory_space<hbm>>
      tpu.enqueue_indirect_dma source(%dma_start3A_1063 : memref<10000x128xbf16, #tpu.memory_space<hbm>>) target(%arg11 : memref<80x128xbf16, #tpu.memory_space<vmem>>) offsets(%dma_start3A_1060 : memref<80xi32, #tpu.memory_space<vmem>>) semaphore(%arg15 : memref<!tpu.dma_semaphore, #tpu.memory_space<semaphore_mem>>)
    }
    %scan3A_582 = arith.constant 40 : i32
    %dma_wait3A_583 = arith.constant 0 : i32
    %dma_wait3A_584 = arith.constant 0 : i32
    %dma_wait3A_585 = tpu.memref_slice %arg2[%dma_wait3A_583, %dma_wait3A_584] : memref<10000x128xbf16, #tpu.memory_space<hbm>> -> memref<80x128xbf16, #tpu.memory_space<hbm>>
    %dma_wait3A_586 = arith.constant 0 : i32
    %dma_wait3A_587 = arith.constant 0 : i32
    %dma_wait3A_588 = tpu.memref_slice %arg2[%dma_wait3A_586, %dma_wait3A_587] : memref<10000x128xbf16, #tpu.memory_space<hbm>> -> memref<80x128xbf16, #tpu.memory_space<hbm>>
    tpu.wait_dma2 semaphore(%arg14 : memref<!tpu.dma_semaphore, #tpu.memory_space<semaphore_mem>>) src(%dma_wait3A_588 : memref<80x128xbf16, #tpu.memory_space<hbm>>) dst(%arg10 : memref<80x128xbf16, #tpu.memory_space<vmem>>)
    %dma_start3A_589 = arith.constant 0 : i32
    %dma_start3A_590 = arith.constant 0 : i32
    %dma_start3A_591 = tpu.memref_slice %arg9[%dma_start3A_589, %dma_start3A_590] : memref<3x80xi32, #tpu.memory_space<vmem>> -> memref<1x80xi32, #tpu.memory_space<vmem>>
    %dma_start3A_592 = tpu.memref_squeeze %dma_start3A_591 : memref<1x80xi32, #tpu.memory_space<vmem>> -> memref<80xi32, #tpu.memory_space<vmem>>
    %dma_start3A_593 = arith.constant 0 : i32
    %dma_start3A_594 = arith.constant 0 : i32
    %dma_start3A_595 = tpu.memref_slice %arg25[%dma_start3A_593, %dma_start3A_594] : memref<10240x128xbf16, #tpu.memory_space<vmem_shared>> -> memref<10240x128xbf16, #tpu.memory_space<vmem_shared>>
    tpu.enqueue_indirect_dma source(%arg10 : memref<80x128xbf16, #tpu.memory_space<vmem>>) target(%dma_start3A_595 : memref<10240x128xbf16, #tpu.memory_space<vmem_shared>>) offsets(%dma_start3A_592 : memref<80xi32, #tpu.memory_space<vmem>>) semaphore(%arg17 : memref<!tpu.dma_semaphore, #tpu.memory_space<semaphore_mem>>) {add = true}
    %dma_start3A_596 = arith.constant 0 : i32
    %dma_start3A_597 = arith.constant 0 : i32
    %dma_start3A_598 = tpu.memref_slice %arg9[%dma_start3A_596, %dma_start3A_597] : memref<3x80xi32, #tpu.memory_space<vmem>> -> memref<1x80xi32, #tpu.memory_space<vmem>>
    %dma_start3A_599 = tpu.memref_squeeze %dma_start3A_598 : memref<1x80xi32, #tpu.memory_space<vmem>> -> memref<80xi32, #tpu.memory_space<vmem>>
    %dma_start3A_600 = arith.constant 0 : i32
    %dma_start3A_601 = arith.constant 0 : i32
    %dma_start3A_602 = tpu.memref_slice %arg26[%dma_start3A_600, %dma_start3A_601] : memref<10240x16xf32, #tpu.memory_space<vmem_shared>> -> memref<10240x16xf32, #tpu.memory_space<vmem_shared>>
    tpu.enqueue_indirect_dma source(%arg23 : memref<80x16xf32, #tpu.memory_space<vmem>>) target(%dma_start3A_602 : memref<10240x16xf32, #tpu.memory_space<vmem_shared>>) offsets(%dma_start3A_599 : memref<80xi32, #tpu.memory_space<vmem>>) semaphore(%arg20 : memref<!tpu.dma_semaphore, #tpu.memory_space<semaphore_mem>>) {add = true}
    %dma_wait3A_603 = arith.constant 0 : i32
    %dma_wait3A_604 = arith.constant 0 : i32
    %dma_wait3A_605 = tpu.memref_slice %arg2[%dma_wait3A_603, %dma_wait3A_604] : memref<10000x128xbf16, #tpu.memory_space<hbm>> -> memref<80x128xbf16, #tpu.memory_space<hbm>>
    %dma_wait3A_606 = arith.constant 0 : i32
    %dma_wait3A_607 = arith.constant 0 : i32
    %dma_wait3A_608 = tpu.memref_slice %arg2[%dma_wait3A_606, %dma_wait3A_607] : memref<10000x128xbf16, #tpu.memory_space<hbm>> -> memref<80x128xbf16, #tpu.memory_space<hbm>>
    tpu.wait_dma2 semaphore(%arg15 : memref<!tpu.dma_semaphore, #tpu.memory_space<semaphore_mem>>) src(%dma_wait3A_608 : memref<80x128xbf16, #tpu.memory_space<hbm>>) dst(%arg11 : memref<80x128xbf16, #tpu.memory_space<vmem>>)
    %dma_wait3A_609 = arith.constant 0 : i32
    %dma_wait3A_610 = arith.constant 0 : i32
    %dma_wait3A_611 = tpu.memref_slice %arg2[%dma_wait3A_609, %dma_wait3A_610] : memref<10000x128xbf16, #tpu.memory_space<hbm>> -> memref<80x128xbf16, #tpu.memory_space<hbm>>
    %dma_wait3A_612 = arith.constant 0 : i32
    %dma_wait3A_613 = arith.constant 0 : i32
    %dma_wait3A_614 = tpu.memref_slice %arg2[%dma_wait3A_612, %dma_wait3A_613] : memref<10000x128xbf16, #tpu.memory_space<hbm>> -> memref<80x128xbf16, #tpu.memory_space<hbm>>
    tpu.wait_dma2 semaphore(%arg19 : memref<!tpu.dma_semaphore, #tpu.memory_space<semaphore_mem>>) src(%dma_wait3A_614 : memref<80x128xbf16, #tpu.memory_space<hbm>>) dst(%arg12 : memref<80x128xbf16, #tpu.memory_space<vmem>>)
    %dma_wait3A_615 = arith.constant 0 : i32
    %dma_wait3A_616 = arith.constant 0 : i32
    %dma_wait3A_617 = arith.constant 0 : i32
    %dma_wait3A_618 = tpu.memref_slice %arg6[%dma_wait3A_615, %dma_wait3A_616, %dma_wait3A_617] : memref<2x10240x16xf32, #tpu.memory_space<hbm>> -> memref<1x80x16xf32, #tpu.memory_space<hbm>>
    %dma_wait3A_619 = tpu.memref_squeeze %dma_wait3A_618 : memref<1x80x16xf32, #tpu.memory_space<hbm>> -> memref<80x16xf32, #tpu.memory_space<hbm>>
    %dma_wait3A_620 = arith.constant 0 : i32
    %dma_wait3A_621 = arith.constant 0 : i32
    %dma_wait3A_622 = tpu.memref_slice %arg6[%dma_wait3A_615, %dma_wait3A_620, %dma_wait3A_621] : memref<2x10240x16xf32, #tpu.memory_space<hbm>> -> memref<1x80x16xf32, #tpu.memory_space<hbm>>
    %dma_wait3A_623 = tpu.memref_squeeze %dma_wait3A_622 : memref<1x80x16xf32, #tpu.memory_space<hbm>> -> memref<80x16xf32, #tpu.memory_space<hbm>>
    tpu.wait_dma2 semaphore(%arg22 : memref<!tpu.dma_semaphore, #tpu.memory_space<semaphore_mem>>) src(%dma_wait3A_623 : memref<80x16xf32, #tpu.memory_space<hbm>>) dst(%arg23 : memref<80x16xf32, #tpu.memory_space<vmem>>)
    %dma_start3A_624 = arith.constant 1 : i32
    %dma_start3A_625 = arith.constant 0 : i32
    %dma_start3A_626 = tpu.memref_slice %arg9[%dma_start3A_624, %dma_start3A_625] : memref<3x80xi32, #tpu.memory_space<vmem>> -> memref<1x80xi32, #tpu.memory_space<vmem>>
    %dma_start3A_627 = tpu.memref_squeeze %dma_start3A_626 : memref<1x80xi32, #tpu.memory_space<vmem>> -> memref<80xi32, #tpu.memory_space<vmem>>
    %dma_start3A_628 = arith.constant 0 : i32
    %dma_start3A_629 = arith.constant 0 : i32
    %dma_start3A_630 = tpu.memref_slice %arg25[%dma_start3A_628, %dma_start3A_629] : memref<10240x128xbf16, #tpu.memory_space<vmem_shared>> -> memref<10240x128xbf16, #tpu.memory_space<vmem_shared>>
    tpu.enqueue_indirect_dma source(%arg11 : memref<80x128xbf16, #tpu.memory_space<vmem>>) target(%dma_start3A_630 : memref<10240x128xbf16, #tpu.memory_space<vmem_shared>>) offsets(%dma_start3A_627 : memref<80xi32, #tpu.memory_space<vmem>>) semaphore(%arg18 : memref<!tpu.dma_semaphore, #tpu.memory_space<semaphore_mem>>) {add = true}
    %dma_start3A_631 = arith.constant 1 : i32
    %dma_start3A_632 = arith.constant 0 : i32
    %dma_start3A_633 = tpu.memref_slice %arg9[%dma_start3A_631, %dma_start3A_632] : memref<3x80xi32, #tpu.memory_space<vmem>> -> memref<1x80xi32, #tpu.memory_space<vmem>>
    %dma_start3A_634 = tpu.memref_squeeze %dma_start3A_633 : memref<1x80xi32, #tpu.memory_space<vmem>> -> memref<80xi32, #tpu.memory_space<vmem>>
    %dma_start3A_635 = arith.constant 0 : i32
    %dma_start3A_636 = arith.constant 0 : i32
    %dma_start3A_637 = tpu.memref_slice %arg26[%dma_start3A_635, %dma_start3A_636] : memref<10240x16xf32, #tpu.memory_space<vmem_shared>> -> memref<10240x16xf32, #tpu.memory_space<vmem_shared>>
    tpu.enqueue_indirect_dma source(%arg23 : memref<80x16xf32, #tpu.memory_space<vmem>>) target(%dma_start3A_637 : memref<10240x16xf32, #tpu.memory_space<vmem_shared>>) offsets(%dma_start3A_634 : memref<80xi32, #tpu.memory_space<vmem>>) semaphore(%arg21 : memref<!tpu.dma_semaphore, #tpu.memory_space<semaphore_mem>>) {add = true}
    %dma_wait3A_638 = arith.constant 0 : i32
    %dma_wait3A_639 = arith.constant 0 : i32
    %dma_wait3A_640 = tpu.memref_slice %arg2[%dma_wait3A_638, %dma_wait3A_639] : memref<10000x128xbf16, #tpu.memory_space<hbm>> -> memref<80x128xbf16, #tpu.memory_space<hbm>>
    %dma_wait3A_641 = arith.constant 0 : i32
    %dma_wait3A_642 = arith.constant 0 : i32
    %dma_wait3A_643 = tpu.memref_slice %arg2[%dma_wait3A_641, %dma_wait3A_642] : memref<10000x128xbf16, #tpu.memory_space<hbm>> -> memref<80x128xbf16, #tpu.memory_space<hbm>>
    tpu.wait_dma2 semaphore(%arg17 : memref<!tpu.dma_semaphore, #tpu.memory_space<semaphore_mem>>) src(%dma_wait3A_643 : memref<80x128xbf16, #tpu.memory_space<hbm>>) dst(%arg10 : memref<80x128xbf16, #tpu.memory_space<vmem>>)
    %dma_wait3A_644 = arith.constant 0 : i32
    %dma_wait3A_645 = arith.constant 0 : i32
    %dma_wait3A_646 = arith.constant 0 : i32
    %dma_wait3A_647 = tpu.memref_slice %arg6[%dma_wait3A_644, %dma_wait3A_645, %dma_wait3A_646] : memref<2x10240x16xf32, #tpu.memory_space<hbm>> -> memref<1x80x16xf32, #tpu.memory_space<hbm>>
    %dma_wait3A_648 = tpu.memref_squeeze %dma_wait3A_647 : memref<1x80x16xf32, #tpu.memory_space<hbm>> -> memref<80x16xf32, #tpu.memory_space<hbm>>
    %dma_wait3A_649 = arith.constant 0 : i32
    %dma_wait3A_650 = arith.constant 0 : i32
    %dma_wait3A_651 = tpu.memref_slice %arg6[%dma_wait3A_644, %dma_wait3A_649, %dma_wait3A_650] : memref<2x10240x16xf32, #tpu.memory_space<hbm>> -> memref<1x80x16xf32, #tpu.memory_space<hbm>>
    %dma_wait3A_652 = tpu.memref_squeeze %dma_wait3A_651 : memref<1x80x16xf32, #tpu.memory_space<hbm>> -> memref<80x16xf32, #tpu.memory_space<hbm>>
    tpu.wait_dma2 semaphore(%arg20 : memref<!tpu.dma_semaphore, #tpu.memory_space<semaphore_mem>>) src(%dma_wait3A_652 : memref<80x16xf32, #tpu.memory_space<hbm>>) dst(%arg23 : memref<80x16xf32, #tpu.memory_space<vmem>>)
    %dma_wait3A_653 = arith.constant 0 : i32
    %dma_wait3A_654 = arith.constant 0 : i32
    %dma_wait3A_655 = tpu.memref_slice %arg2[%dma_wait3A_653, %dma_wait3A_654] : memref<10000x128xbf16, #tpu.memory_space<hbm>> -> memref<80x128xbf16, #tpu.memory_space<hbm>>
    %dma_wait3A_656 = arith.constant 0 : i32
    %dma_wait3A_657 = arith.constant 0 : i32
    %dma_wait3A_658 = tpu.memref_slice %arg2[%dma_wait3A_656, %dma_wait3A_657] : memref<10000x128xbf16, #tpu.memory_space<hbm>> -> memref<80x128xbf16, #tpu.memory_space<hbm>>
    tpu.wait_dma2 semaphore(%arg18 : memref<!tpu.dma_semaphore, #tpu.memory_space<semaphore_mem>>) src(%dma_wait3A_658 : memref<80x128xbf16, #tpu.memory_space<hbm>>) dst(%arg11 : memref<80x128xbf16, #tpu.memory_space<vmem>>)
    %dma_wait3A_659 = arith.constant 0 : i32
    %dma_wait3A_660 = arith.constant 0 : i32
    %dma_wait3A_661 = arith.constant 0 : i32
    %dma_wait3A_662 = tpu.memref_slice %arg6[%dma_wait3A_659, %dma_wait3A_660, %dma_wait3A_661] : memref<2x10240x16xf32, #tpu.memory_space<hbm>> -> memref<1x80x16xf32, #tpu.memory_space<hbm>>
    %dma_wait3A_663 = tpu.memref_squeeze %dma_wait3A_662 : memref<1x80x16xf32, #tpu.memory_space<hbm>> -> memref<80x16xf32, #tpu.memory_space<hbm>>
    %dma_wait3A_664 = arith.constant 0 : i32
    %dma_wait3A_665 = arith.constant 0 : i32
    %dma_wait3A_666 = tpu.memref_slice %arg6[%dma_wait3A_659, %dma_wait3A_664, %dma_wait3A_665] : memref<2x10240x16xf32, #tpu.memory_space<hbm>> -> memref<1x80x16xf32, #tpu.memory_space<hbm>>
    %dma_wait3A_667 = tpu.memref_squeeze %dma_wait3A_666 : memref<1x80x16xf32, #tpu.memory_space<hbm>> -> memref<80x16xf32, #tpu.memory_space<hbm>>
    tpu.wait_dma2 semaphore(%arg21 : memref<!tpu.dma_semaphore, #tpu.memory_space<semaphore_mem>>) src(%dma_wait3A_667 : memref<80x16xf32, #tpu.memory_space<hbm>>) dst(%arg23 : memref<80x16xf32, #tpu.memory_space<vmem>>)
    %barrier3A_668 = arith.constant 0 : index
    tpu.barrier barrier_id(%barrier3A_668)
    %broadcast_in_dim3A_669 = arith.constant 16 : i32
    %broadcast_in_dim3A_670 = vector.broadcast %broadcast_in_dim3A_669 : i32 to vector<16xi32>
    %broadcast_in_dim3A_671 = arith.constant -65536 : i32
    %broadcast_in_dim3A_672 = vector.broadcast %broadcast_in_dim3A_671 : i32 to vector<16xi32>
    %scan3A_673 = arith.constant 0 : i32
    %scan3A_674 = arith.constant 0 : i32
    %scan3A_675 = arith.constant 8 : i32
    %scan3A_676 = arith.addi %scan3A_674, %scan3A_675 : i32
    %scan3A_677 = arith.constant 1 : i32
    scf.for %scan3A_683 = %scan3A_674 to %scan3A_676 step %scan3A_677  : i32 {
      %mul3A_684 = arith.constant 640 : i32
      %mul3A_685 = arith.muli %arg1, %mul3A_684 : i32
      %mul3A_686 = arith.constant 80 : i32
      %mul3A_687 = arith.muli %scan3A_683, %mul3A_686 : i32
      %add3A_688 = arith.addi %mul3A_685, %mul3A_687 : i32
      "tpu.region"() ({
        %run_scoped3A = tpu.sem_alloc : memref<!tpu.dma_semaphore, #tpu.memory_space<semaphore_mem>>
        %dma_start3A_702 = arith.constant 0 : i32
        %dma_start3A_703 = tpu.memref_slice %arg25[%add3A_688, %dma_start3A_702] : memref<10240x128xbf16, #tpu.memory_space<vmem_shared>> -> memref<80x128xbf16, #tpu.memory_space<vmem_shared>>
        %dma_start3A_704 = arith.constant 0 : i32
        %dma_start3A_705 = tpu.memref_slice %arg25[%add3A_688, %dma_start3A_704] : memref<10240x128xbf16, #tpu.memory_space<vmem_shared>> -> memref<80x128xbf16, #tpu.memory_space<vmem_shared>>
        tpu.enqueue_dma source(%dma_start3A_705 : memref<80x128xbf16, #tpu.memory_space<vmem_shared>>) target(%arg10 : memref<80x128xbf16, #tpu.memory_space<vmem>>) target_semaphore(%run_scoped3A : memref<!tpu.dma_semaphore, #tpu.memory_space<semaphore_mem>>)
        %dma_wait3A_706 = arith.constant 0 : i32
        %dma_wait3A_707 = tpu.memref_slice %arg25[%add3A_688, %dma_wait3A_706] : memref<10240x128xbf16, #tpu.memory_space<vmem_shared>> -> memref<80x128xbf16, #tpu.memory_space<vmem_shared>>
        %dma_wait3A_708 = arith.constant 0 : i32
        %dma_wait3A_709 = tpu.memref_slice %arg25[%add3A_688, %dma_wait3A_708] : memref<10240x128xbf16, #tpu.memory_space<vmem_shared>> -> memref<80x128xbf16, #tpu.memory_space<vmem_shared>>
        tpu.wait_dma2 semaphore(%run_scoped3A : memref<!tpu.dma_semaphore, #tpu.memory_space<semaphore_mem>>) src(%dma_wait3A_709 : memref<80x128xbf16, #tpu.memory_space<vmem_shared>>) dst(%arg10 : memref<80x128xbf16, #tpu.memory_space<vmem>>)
        tpu.yield
      }) : () -> ()
      %scan3A_689 = arith.constant 0 : i32
      %scan3A_690 = arith.constant 0 : i32
      %scan3A_691 = arith.constant 80 : i32
      %scan3A_692 = arith.addi %scan3A_690, %scan3A_691 : i32
      %scan3A_693 = arith.constant 1 : i32
      scf.for %scan3A_702 = %scan3A_690 to %scan3A_692 step %scan3A_693  : i32 {
        %get3A_703 = arith.index_cast %scan3A_702 : i32 to index
        %get3A_704 = arith.constant 0 : index
        %get3A_705 = tpu.vector_load %arg10[%get3A_703, %get3A_704] {strides = array<i32>} : memref<80x128xbf16, #tpu.memory_space<vmem>>, vector<32xbf16>,
        %bitcast3A = vector.bitcast %get3A_705 : vector<32xbf16> to vector<16xi32>
        %shift_left3A = arith.shli %bitcast3A, %broadcast_in_dim3A_670 : vector<16xi32>
        %bitcast3A_706 = vector.bitcast %shift_left3A : vector<16xi32> to vector<16xf32>
        %and3A_707 = arith.andi %bitcast3A, %broadcast_in_dim3A_672 : vector<16xi32>
        %bitcast3A_708 = vector.bitcast %and3A_707 : vector<16xi32> to vector<16xf32>
        %swap3A_709 = arith.index_cast %scan3A_702 : i32 to index
        %swap3A_710 = arith.constant 0 : index
        %swap3A_711 = tpu.vector_load %arg13[%swap3A_709, %swap3A_710] {strides = array<i32>} : memref<80x128xf32, #tpu.memory_space<vmem>>, vector<16xf32>,
        tpu.vector_store %arg13[%swap3A_709, %swap3A_710], %bitcast3A_706 {strides = array<i32>} : memref<80x128xf32, #tpu.memory_space<vmem>>, vector<16xf32>,
        %swap3A_712 = arith.index_cast %scan3A_702 : i32 to index
        %swap3A_713 = arith.constant 64 : index
        %swap3A_714 = tpu.vector_load %arg13[%swap3A_712, %swap3A_713] {strides = array<i32>} : memref<80x128xf32, #tpu.memory_space<vmem>>, vector<16xf32>,
        tpu.vector_store %arg13[%swap3A_712, %swap3A_713], %bitcast3A_708 {strides = array<i32>} : memref<80x128xf32, #tpu.memory_space<vmem>>, vector<16xf32>,
        %get3A_715 = arith.index_cast %scan3A_702 : i32 to index
        %get3A_716 = arith.constant 32 : index
        %get3A_717 = tpu.vector_load %arg10[%get3A_715, %get3A_716] {strides = array<i32>} : memref<80x128xbf16, #tpu.memory_space<vmem>>, vector<32xbf16>,
        %bitcast3A_718 = vector.bitcast %get3A_717 : vector<32xbf16> to vector<16xi32>
        %shift_left3A_719 = arith.shli %bitcast3A_718, %broadcast_in_dim3A_670 : vector<16xi32>
        %bitcast3A_720 = vector.bitcast %shift_left3A_719 : vector<16xi32> to vector<16xf32>
        %and3A_721 = arith.andi %bitcast3A_718, %broadcast_in_dim3A_672 : vector<16xi32>
        %bitcast3A_722 = vector.bitcast %and3A_721 : vector<16xi32> to vector<16xf32>
        %swap3A_723 = arith.index_cast %scan3A_702 : i32 to index
        %swap3A_724 = arith.constant 16 : index
        %swap3A_725 = tpu.vector_load %arg13[%swap3A_723, %swap3A_724] {strides = array<i32>} : memref<80x128xf32, #tpu.memory_space<vmem>>, vector<16xf32>,
        tpu.vector_store %arg13[%swap3A_723, %swap3A_724], %bitcast3A_720 {strides = array<i32>} : memref<80x128xf32, #tpu.memory_space<vmem>>, vector<16xf32>,
        %swap3A_726 = arith.index_cast %scan3A_702 : i32 to index
        %swap3A_727 = arith.constant 80 : index
        %swap3A_728 = tpu.vector_load %arg13[%swap3A_726, %swap3A_727] {strides = array<i32>} : memref<80x128xf32, #tpu.memory_space<vmem>>, vector<16xf32>,
        tpu.vector_store %arg13[%swap3A_726, %swap3A_727], %bitcast3A_722 {strides = array<i32>} : memref<80x128xf32, #tpu.memory_space<vmem>>, vector<16xf32>,
        %get3A_729 = arith.index_cast %scan3A_702 : i32 to index
        %get3A_730 = arith.constant 64 : index
        %get3A_731 = tpu.vector_load %arg10[%get3A_729, %get3A_730] {strides = array<i32>} : memref<80x128xbf16, #tpu.memory_space<vmem>>, vector<32xbf16>,
        %bitcast3A_732 = vector.bitcast %get3A_731 : vector<32xbf16> to vector<16xi32>
        %shift_left3A_733 = arith.shli %bitcast3A_732, %broadcast_in_dim3A_670 : vector<16xi32>
        %bitcast3A_734 = vector.bitcast %shift_left3A_733 : vector<16xi32> to vector<16xf32>
        %and3A_735 = arith.andi %bitcast3A_732, %broadcast_in_dim3A_672 : vector<16xi32>
        %bitcast3A_736 = vector.bitcast %and3A_735 : vector<16xi32> to vector<16xf32>
        %swap3A_737 = arith.index_cast %scan3A_702 : i32 to index
        %swap3A_738 = arith.constant 32 : index
        %swap3A_739 = tpu.vector_load %arg13[%swap3A_737, %swap3A_738] {strides = array<i32>} : memref<80x128xf32, #tpu.memory_space<vmem>>, vector<16xf32>,
        tpu.vector_store %arg13[%swap3A_737, %swap3A_738], %bitcast3A_734 {strides = array<i32>} : memref<80x128xf32, #tpu.memory_space<vmem>>, vector<16xf32>,
        %swap3A_740 = arith.index_cast %scan3A_702 : i32 to index
        %swap3A_741 = arith.constant 96 : index
        %swap3A_742 = tpu.vector_load %arg13[%swap3A_740, %swap3A_741] {strides = array<i32>} : memref<80x128xf32, #tpu.memory_space<vmem>>, vector<16xf32>,
        tpu.vector_store %arg13[%swap3A_740, %swap3A_741], %bitcast3A_736 {strides = array<i32>} : memref<80x128xf32, #tpu.memory_space<vmem>>, vector<16xf32>,
        %get3A_743 = arith.index_cast %scan3A_702 : i32 to index
        %get3A_744 = arith.constant 96 : index
        %get3A_745 = tpu.vector_load %arg10[%get3A_743, %get3A_744] {strides = array<i32>} : memref<80x128xbf16, #tpu.memory_space<vmem>>, vector<32xbf16>,
        %bitcast3A_746 = vector.bitcast %get3A_745 : vector<32xbf16> to vector<16xi32>
        %shift_left3A_747 = arith.shli %bitcast3A_746, %broadcast_in_dim3A_670 : vector<16xi32>
        %bitcast3A_748 = vector.bitcast %shift_left3A_747 : vector<16xi32> to vector<16xf32>
        %and3A_749 = arith.andi %bitcast3A_746, %broadcast_in_dim3A_672 : vector<16xi32>
        %bitcast3A_750 = vector.bitcast %and3A_749 : vector<16xi32> to vector<16xf32>
        %swap3A_751 = arith.index_cast %scan3A_702 : i32 to index
        %swap3A_752 = arith.constant 48 : index
        %swap3A_753 = tpu.vector_load %arg13[%swap3A_751, %swap3A_752] {strides = array<i32>} : memref<80x128xf32, #tpu.memory_space<vmem>>, vector<16xf32>,
        tpu.vector_store %arg13[%swap3A_751, %swap3A_752], %bitcast3A_748 {strides = array<i32>} : memref<80x128xf32, #tpu.memory_space<vmem>>, vector<16xf32>,
        %swap3A_754 = arith.index_cast %scan3A_702 : i32 to index
        %swap3A_755 = arith.constant 112 : index
        %swap3A_756 = tpu.vector_load %arg13[%swap3A_754, %swap3A_755] {strides = array<i32>} : memref<80x128xf32, #tpu.memory_space<vmem>>, vector<16xf32>,
        tpu.vector_store %arg13[%swap3A_754, %swap3A_755], %bitcast3A_750 {strides = array<i32>} : memref<80x128xf32, #tpu.memory_space<vmem>>, vector<16xf32>,
      }
      %scan3A_694 = arith.constant 80 : i32
      %eq3A = arith.constant 0 : i32
      %eq3A_695 = arith.cmpi eq, %arg0, %eq3A : i32
      %convert_element_type3A = arith.extui %eq3A_695 : i1 to i32
      %cond3A = arith.constant 0 : i32
      %cond3A_696 = arith.cmpi ne, %convert_element_type3A, %cond3A : i32
      scf.if %cond3A_696 {
        "tpu.region"() ({
          %run_scoped3A = tpu.sem_alloc : memref<!tpu.dma_semaphore, #tpu.memory_space<semaphore_mem>>
          %dma_start3A_702 = arith.constant 0 : i32
          %dma_start3A_703 = tpu.memref_slice %arg4[%add3A_688, %dma_start3A_702] : memref<10240x128xf32, #tpu.memory_space<hbm>> -> memref<80x128xf32, #tpu.memory_space<hbm>>
          %dma_start3A_704 = arith.constant 0 : i32
          %dma_start3A_705 = tpu.memref_slice %arg4[%add3A_688, %dma_start3A_704] : memref<10240x128xf32, #tpu.memory_space<hbm>> -> memref<80x128xf32, #tpu.memory_space<hbm>>
          tpu.enqueue_dma source(%arg13 : memref<80x128xf32, #tpu.memory_space<vmem>>) target(%dma_start3A_705 : memref<80x128xf32, #tpu.memory_space<hbm>>) target_semaphore(%run_scoped3A : memref<!tpu.dma_semaphore, #tpu.memory_space<semaphore_mem>>)
          %dma_wait3A_706 = arith.constant 0 : i32
          %dma_wait3A_707 = tpu.memref_slice %arg4[%add3A_688, %dma_wait3A_706] : memref<10240x128xf32, #tpu.memory_space<hbm>> -> memref<80x128xf32, #tpu.memory_space<hbm>>
          %dma_wait3A_708 = arith.constant 0 : i32
          %dma_wait3A_709 = tpu.memref_slice %arg4[%add3A_688, %dma_wait3A_708] : memref<10240x128xf32, #tpu.memory_space<hbm>> -> memref<80x128xf32, #tpu.memory_space<hbm>>
          tpu.wait_dma2 semaphore(%run_scoped3A : memref<!tpu.dma_semaphore, #tpu.memory_space<semaphore_mem>>) src(%arg13 : memref<80x128xf32, #tpu.memory_space<vmem>>) dst(%dma_wait3A_709 : memref<80x128xf32, #tpu.memory_space<hbm>>)
          tpu.yield
        }) : () -> ()
      } else {
      }
      %eq3A_697 = arith.constant 1 : i32
      %eq3A_698 = arith.cmpi eq, %arg0, %eq3A_697 : i32
      %convert_element_type3A_699 = arith.extui %eq3A_698 : i1 to i32
      %cond3A_700 = arith.constant 0 : i32
      %cond3A_701 = arith.cmpi ne, %convert_element_type3A_699, %cond3A_700 : i32
      scf.if %cond3A_701 {
        "tpu.region"() ({
          %run_scoped3A = tpu.sem_alloc : memref<!tpu.dma_semaphore, #tpu.memory_space<semaphore_mem>>
          %dma_start3A_702 = arith.constant 0 : i32
          %dma_start3A_703 = tpu.memref_slice %arg5[%add3A_688, %dma_start3A_702] : memref<10240x128xf32, #tpu.memory_space<hbm>> -> memref<80x128xf32, #tpu.memory_space<hbm>>
          %dma_start3A_704 = arith.constant 0 : i32
          %dma_start3A_705 = tpu.memref_slice %arg5[%add3A_688, %dma_start3A_704] : memref<10240x128xf32, #tpu.memory_space<hbm>> -> memref<80x128xf32, #tpu.memory_space<hbm>>
          tpu.enqueue_dma source(%arg13 : memref<80x128xf32, #tpu.memory_space<vmem>>) target(%dma_start3A_705 : memref<80x128xf32, #tpu.memory_space<hbm>>) target_semaphore(%run_scoped3A : memref<!tpu.dma_semaphore, #tpu.memory_space<semaphore_mem>>)
          %dma_wait3A_706 = arith.constant 0 : i32
          %dma_wait3A_707 = tpu.memref_slice %arg5[%add3A_688, %dma_wait3A_706] : memref<10240x128xf32, #tpu.memory_space<hbm>> -> memref<80x128xf32, #tpu.memory_space<hbm>>
          %dma_wait3A_708 = arith.constant 0 : i32
          %dma_wait3A_709 = tpu.memref_slice %arg5[%add3A_688, %dma_wait3A_708] : memref<10240x128xf32, #tpu.memory_space<hbm>> -> memref<80x128xf32, #tpu.memory_space<hbm>>
          tpu.wait_dma2 semaphore(%run_scoped3A : memref<!tpu.dma_semaphore, #tpu.memory_space<semaphore_mem>>) src(%arg13 : memref<80x128xf32, #tpu.memory_space<vmem>>) dst(%dma_wait3A_709 : memref<80x128xf32, #tpu.memory_space<hbm>>)
          tpu.yield
        }) : () -> ()
      } else {
      }
    }
    %scan3A_678 = arith.constant 8 : i32
    %mul3A_679 = arith.constant 640 : i32
    %mul3A_680 = arith.muli %arg1, %mul3A_679 : i32
    %mul3A_681 = arith.constant 640 : i32
    %mul3A_682 = arith.muli %arg1, %mul3A_681 : i32
    "tpu.region"() ({
      %run_scoped3A = tpu.sem_alloc : memref<!tpu.dma_semaphore, #tpu.memory_space<semaphore_mem>>
      %dma_start3A_683 = arith.constant 0 : i32
      %dma_start3A_684 = tpu.memref_slice %arg6[%arg0, %mul3A_682, %dma_start3A_683] : memref<2x10240x16xf32, #tpu.memory_space<hbm>> -> memref<1x640x16xf32, #tpu.memory_space<hbm>>
      %dma_start3A_685 = tpu.memref_squeeze %dma_start3A_684 : memref<1x640x16xf32, #tpu.memory_space<hbm>> -> memref<640x16xf32, #tpu.memory_space<hbm>>
      %dma_start3A_686 = arith.constant 0 : i32
      %dma_start3A_687 = tpu.memref_slice %arg26[%mul3A_680, %dma_start3A_686] : memref<10240x16xf32, #tpu.memory_space<vmem_shared>> -> memref<640x16xf32, #tpu.memory_space<vmem_shared>>
      tpu.enqueue_dma source(%dma_start3A_687 : memref<640x16xf32, #tpu.memory_space<vmem_shared>>) target(%dma_start3A_685 : memref<640x16xf32, #tpu.memory_space<hbm>>) target_semaphore(%run_scoped3A : memref<!tpu.dma_semaphore, #tpu.memory_space<semaphore_mem>>)
      %dma_wait3A_688 = arith.constant 0 : i32
      %dma_wait3A_689 = tpu.memref_slice %arg6[%arg0, %mul3A_682, %dma_wait3A_688] : memref<2x10240x16xf32, #tpu.memory_space<hbm>> -> memref<1x640x16xf32, #tpu.memory_space<hbm>>
      %dma_wait3A_690 = tpu.memref_squeeze %dma_wait3A_689 : memref<1x640x16xf32, #tpu.memory_space<hbm>> -> memref<640x16xf32, #tpu.memory_space<hbm>>
      %dma_wait3A_691 = arith.constant 0 : i32
      %dma_wait3A_692 = tpu.memref_slice %arg26[%mul3A_680, %dma_wait3A_691] : memref<10240x16xf32, #tpu.memory_space<vmem_shared>> -> memref<640x16xf32, #tpu.memory_space<vmem_shared>>
      tpu.wait_dma2 semaphore(%run_scoped3A : memref<!tpu.dma_semaphore, #tpu.memory_space<semaphore_mem>>) src(%dma_wait3A_692 : memref<640x16xf32, #tpu.memory_space<vmem_shared>>) dst(%dma_wait3A_690 : memref<640x16xf32, #tpu.memory_space<hbm>>)
      tpu.yield
    }) : () -> ()
    return
  }
}

module attributes {stable_mosaic.version = 14 : i64} {
  func.func @_proj_body(%arg0: i32, %arg1: memref<1000x128xf32, #tpu.memory_space<vmem>>, %arg2: memref<128x128xf32, #tpu.memory_space<vmem>>, %arg3: memref<1x128xf32, #tpu.memory_space<vmem>>, %arg4: memref<1000x128xf32, #tpu.memory_space<vmem>>, %arg5: memref<128000xbf16, #tpu.memory_space<vmem>>) attributes {dimension_semantics = [#tpu.dimension_semantics<arbitrary>], iteration_bounds = array<i64: 10>, scalar_prefetch = 0 : i64, scratch_operands = 0 : i64, tpu.core_type = #tpu.core_type<tc>, window_params = [{transform_indices = @transform_0, window_bounds = array<i64: 1000, 128>}, {pipeline_mode = #tpu.pipeline_mode<synchronous>, transform_indices = @transform_1, window_bounds = array<i64: 128, 128>}, {pipeline_mode = #tpu.pipeline_mode<synchronous>, transform_indices = @transform_2, window_bounds = array<i64: 1, 128>}, {transform_indices = @transform_3, window_bounds = array<i64: 1000, 128>}, {transform_indices = @transform_4, window_bounds = array<i64: 128000>}]} {
    %get3A = arith.constant 0 : index
    %get3A_0 = arith.constant 0 : index
    %get3A_1 = vector.load %arg1[%get3A, %get3A_0] : memref<1000x128xf32, #tpu.memory_space<vmem>>, vector<1000x128xf32>
    %get3A_2 = arith.constant 0 : index
    %get3A_3 = arith.constant 0 : index
    %get3A_4 = vector.load %arg2[%get3A_2, %get3A_3] : memref<128x128xf32, #tpu.memory_space<vmem>>, vector<128x128xf32>
    %dot_general3A = arith.constant dense<0.000000e+00> : vector<1000x128xf32>
    %dot_general3A_5 = tpu.matmul %get3A_1, %get3A_4, %dot_general3A {dimension_numbers = #tpu.dot_dimension_numbers<[1], [1], [0], [0], [0, 0, 1, 0], [], []>, transpose_lhs_hint = false} : vector<1000x128xf32>, vector<128x128xf32>, vector<1000x128xf32> -> vector<1000x128xf32>
    %get3A_6 = arith.constant 0 : index
    %get3A_7 = arith.constant 0 : index
    %get3A_8 = vector.load %arg3[%get3A_6, %get3A_7] : memref<1x128xf32, #tpu.memory_space<vmem>>, vector<1x128xf32>
    %add3A = vector.broadcast %get3A_8 : vector<1x128xf32> to vector<1000x128xf32>
    %add3A_9 = arith.addf %dot_general3A_5, %add3A : vector<1000x128xf32>
    %swap3A = arith.constant 0 : index
    %swap3A_10 = arith.constant 0 : index
    %swap3A_11 = vector.load %arg4[%swap3A, %swap3A_10] : memref<1000x128xf32, #tpu.memory_space<vmem>>, vector<1000x128xf32>
    tpu.vector_store %arg4[%swap3A, %swap3A_10], %add3A_9 {strides = array<i32>} : memref<1000x128xf32, #tpu.memory_space<vmem>>, vector<1000x128xf32>,
    %convert_element_type3A = arith.truncf %add3A_9 : vector<1000x128xf32> to vector<1000x128xbf16>
    %reshape3A = vector.shape_cast %convert_element_type3A : vector<1000x128xbf16> to vector<128000xbf16>
    %swap3A_12 = arith.constant 0 : index
    %swap3A_13 = vector.load %arg5[%swap3A_12] : memref<128000xbf16, #tpu.memory_space<vmem>>, vector<128000xbf16>
    tpu.vector_store %arg5[%swap3A_12], %reshape3A {strides = array<i32>} : memref<128000xbf16, #tpu.memory_space<vmem>>, vector<128000xbf16>,
    return
  }
  func.func @transform_0(%arg0: i32) -> (i32, i32) {
    %c0_i32 = arith.constant 0 : i32
    %c0_i32_0 = arith.constant 0 : i32
    return %arg0, %c0_i32 : i32, i32
  }
  func.func @transform_1(%arg0: i32) -> (i32, i32) {
    %c0_i32 = arith.constant 0 : i32
    %c0_i32_0 = arith.constant 0 : i32
    %c0_i32_1 = arith.constant 0 : i32
    return %c0_i32, %c0_i32_0 : i32, i32
  }
  func.func @transform_2(%arg0: i32) -> (i32, i32) {
    %c0_i32 = arith.constant 0 : i32
    %c0_i32_0 = arith.constant 0 : i32
    %c0_i32_1 = arith.constant 0 : i32
    return %c0_i32, %c0_i32_0 : i32, i32
  }
  func.func @transform_3(%arg0: i32) -> (i32, i32) {
    %c0_i32 = arith.constant 0 : i32
    %c0_i32_0 = arith.constant 0 : i32
    return %arg0, %c0_i32 : i32, i32
  }
  func.func @transform_4(%arg0: i32) -> i32 {
    %c0_i32 = arith.constant 0 : i32
    return %arg0 : i32
  }
}

module attributes {stable_mosaic.version = 14 : i64} {
  func.func @_pack_body(%arg0: memref<2x320000xi32, #tpu.memory_space<vmem>>, %arg1: memref<320000xi32, #tpu.memory_space<vmem>>) attributes {dimension_semantics = [], scalar_prefetch = 0 : i64, scratch_operands = 0 : i64, tpu.core_type = #tpu.core_type<tc>} {
    %get3A = arith.constant 0 : index
    %get3A_0 = arith.constant 0 : index
    %get3A_1 = vector.load %arg0[%get3A, %get3A_0] : memref<2x320000xi32, #tpu.memory_space<vmem>>, vector<1x320000xi32>
    %get3A_2 = vector.shape_cast %get3A_1 : vector<1x320000xi32> to vector<320000xi32>
    %get3A_3 = arith.constant 1 : index
    %get3A_4 = arith.constant 0 : index
    %get3A_5 = vector.load %arg0[%get3A_3, %get3A_4] : memref<2x320000xi32, #tpu.memory_space<vmem>>, vector<1x320000xi32>
    %get3A_6 = vector.shape_cast %get3A_5 : vector<1x320000xi32> to vector<320000xi32>
    %shift_left3A = arith.constant 14 : i32
    %shift_left3A_7 = vector.broadcast %shift_left3A : i32 to vector<320000xi32>
    %shift_left3A_8 = arith.shli %get3A_6, %shift_left3A_7 : vector<320000xi32>
    %or3A = arith.ori %get3A_2, %shift_left3A_8 : vector<320000xi32>
    %swap3A = arith.constant 0 : index
    %swap3A_9 = vector.load %arg1[%swap3A] : memref<320000xi32, #tpu.memory_space<vmem>>, vector<320000xi32>
    tpu.vector_store %arg1[%swap3A], %or3A {strides = array<i32>} : memref<320000xi32, #tpu.memory_space<vmem>>, vector<320000xi32>,
    return
  }
}

module attributes {stable_mosaic.version = 14 : i64} {
  func.func @_layer1_body(%arg0: i32, %arg1: memref<1000x128xf32, #tpu.memory_space<vmem>>, %arg2: memref<1000x128xf32, #tpu.memory_space<vmem>>, %arg3: memref<2x1000x16xf32, #tpu.memory_space<vmem>>, %arg4: memref<1000x128xf32, #tpu.memory_space<vmem>>, %arg5: memref<128x128xf32, #tpu.memory_space<vmem>>, %arg6: memref<1x128xf32, #tpu.memory_space<vmem>>, %arg7: memref<128x128xf32, #tpu.memory_space<vmem>>, %arg8: memref<1000x128xf32, #tpu.memory_space<vmem>>, %arg9: memref<128000xbf16, #tpu.memory_space<vmem>>, %arg10: memref<1000x16xf32, #tpu.memory_space<vmem>>) attributes {dimension_semantics = [#tpu.dimension_semantics<arbitrary>], iteration_bounds = array<i64: 10>, scalar_prefetch = 0 : i64, scratch_operands = 0 : i64, tpu.core_type = #tpu.core_type<tc>, window_params = [{transform_indices = @transform_0, window_bounds = array<i64: 1000, 128>}, {transform_indices = @transform_1, window_bounds = array<i64: 1000, 128>}, {transform_indices = @transform_2, window_bounds = array<i64: 2, 1000, 16>}, {transform_indices = @transform_3, window_bounds = array<i64: 1000, 128>}, {pipeline_mode = #tpu.pipeline_mode<synchronous>, transform_indices = @transform_4, window_bounds = array<i64: 128, 128>}, {pipeline_mode = #tpu.pipeline_mode<synchronous>, transform_indices = @transform_5, window_bounds = array<i64: 1, 128>}, {pipeline_mode = #tpu.pipeline_mode<synchronous>, transform_indices = @transform_6, window_bounds = array<i64: 128, 128>}, {transform_indices = @transform_7, window_bounds = array<i64: 1000, 128>}, {transform_indices = @transform_8, window_bounds = array<i64: 128000>}, {transform_indices = @transform_9, window_bounds = array<i64: 1000, 16>}]} {
    %get3A = arith.constant 0 : index
    %get3A_0 = arith.constant 0 : index
    %get3A_1 = vector.load %arg1[%get3A, %get3A_0] : memref<1000x128xf32, #tpu.memory_space<vmem>>, vector<1000x128xf32>
    %get3A_2 = arith.constant 0 : index
    %get3A_3 = arith.constant 0 : index
    %get3A_4 = vector.load %arg2[%get3A_2, %get3A_3] : memref<1000x128xf32, #tpu.memory_space<vmem>>, vector<1000x128xf32>
    %add3A = arith.addf %get3A_1, %get3A_4 : vector<1000x128xf32>
    %get3A_5 = arith.constant 0 : index
    %get3A_6 = arith.constant 0 : index
    %get3A_7 = arith.constant 0 : index
    %get3A_8 = vector.load %arg3[%get3A_5, %get3A_6, %get3A_7] : memref<2x1000x16xf32, #tpu.memory_space<vmem>>, vector<1x1000x16xf32>
    %get3A_9 = vector.shape_cast %get3A_8 : vector<1x1000x16xf32> to vector<1000x16xf32>
    %get3A_10 = arith.constant 1 : index
    %get3A_11 = arith.constant 0 : index
    %get3A_12 = arith.constant 0 : index
    %get3A_13 = vector.load %arg3[%get3A_10, %get3A_11, %get3A_12] : memref<2x1000x16xf32, #tpu.memory_space<vmem>>, vector<1x1000x16xf32>
    %get3A_14 = vector.shape_cast %get3A_13 : vector<1x1000x16xf32> to vector<1000x16xf32>
    %add3A_15 = arith.addf %get3A_9, %get3A_14 : vector<1000x16xf32>
    %max3A = arith.constant 1.000000e+00 : f32
    %max3A_16 = vector.broadcast %max3A : f32 to vector<1000x16xf32>
    %max3A_17 = arith.maximumf %add3A_15, %max3A_16 : vector<1000x16xf32>
    %div3A = arith.constant 1.000000e+00 : f32
    %div3A_18 = vector.broadcast %div3A : f32 to vector<1000x16xf32>
    %div3A_19 = arith.divf %div3A_18, %max3A_17 : vector<1000x16xf32>
    %swap3A = arith.constant 0 : index
    %swap3A_20 = arith.constant 0 : index
    %swap3A_21 = vector.load %arg10[%swap3A, %swap3A_20] : memref<1000x16xf32, #tpu.memory_space<vmem>>, vector<1000x16xf32>
    tpu.vector_store %arg10[%swap3A, %swap3A_20], %div3A_19 {strides = array<i32>} : memref<1000x16xf32, #tpu.memory_space<vmem>>, vector<1000x16xf32>,
    %slice3A = vector.extract_strided_slice %div3A_19 {offsets = [0, 0], sizes = [1000, 1], strides = [1, 1]} : vector<1000x16xf32> to vector<1000x1xf32>
    %mul3A = vector.broadcast %slice3A : vector<1000x1xf32> to vector<1000x128xf32>
    %mul3A_22 = arith.mulf %add3A, %mul3A : vector<1000x128xf32>
    %get3A_23 = arith.constant 0 : index
    %get3A_24 = arith.constant 0 : index
    %get3A_25 = vector.load %arg5[%get3A_23, %get3A_24] : memref<128x128xf32, #tpu.memory_space<vmem>>, vector<128x128xf32>
    %dot_general3A = arith.constant dense<0.000000e+00> : vector<1000x128xf32>
    %dot_general3A_26 = tpu.matmul %mul3A_22, %get3A_25, %dot_general3A {dimension_numbers = #tpu.dot_dimension_numbers<[1], [1], [0], [0], [0, 0, 1, 0], [], []>, transpose_lhs_hint = false} : vector<1000x128xf32>, vector<128x128xf32>, vector<1000x128xf32> -> vector<1000x128xf32>
    %get3A_27 = arith.constant 0 : index
    %get3A_28 = arith.constant 0 : index
    %get3A_29 = vector.load %arg6[%get3A_27, %get3A_28] : memref<1x128xf32, #tpu.memory_space<vmem>>, vector<1x128xf32>
    %add3A_30 = vector.broadcast %get3A_29 : vector<1x128xf32> to vector<1000x128xf32>
    %add3A_31 = arith.addf %dot_general3A_26, %add3A_30 : vector<1000x128xf32>
    %get3A_32 = arith.constant 0 : index
    %get3A_33 = arith.constant 0 : index
    %get3A_34 = vector.load %arg4[%get3A_32, %get3A_33] : memref<1000x128xf32, #tpu.memory_space<vmem>>, vector<1000x128xf32>
    %get3A_35 = arith.constant 0 : index
    %get3A_36 = arith.constant 0 : index
    %get3A_37 = vector.load %arg7[%get3A_35, %get3A_36] : memref<128x128xf32, #tpu.memory_space<vmem>>, vector<128x128xf32>
    %dot_general3A_38 = arith.constant dense<0.000000e+00> : vector<1000x128xf32>
    %dot_general3A_39 = tpu.matmul %get3A_34, %get3A_37, %dot_general3A_38 {dimension_numbers = #tpu.dot_dimension_numbers<[1], [1], [0], [0], [0, 0, 1, 0], [], []>, transpose_lhs_hint = false} : vector<1000x128xf32>, vector<128x128xf32>, vector<1000x128xf32> -> vector<1000x128xf32>
    %add3A_40 = arith.addf %add3A_31, %dot_general3A_39 : vector<1000x128xf32>
    %max3A_41 = arith.constant 0.000000e+00 : f32
    %max3A_42 = vector.broadcast %max3A_41 : f32 to vector<1000x128xf32>
    %max3A_43 = arith.maximumf %add3A_40, %max3A_42 : vector<1000x128xf32>
    %get3A_44 = arith.constant 0 : index
    %get3A_45 = arith.constant 0 : index
    %get3A_46 = vector.load %arg4[%get3A_44, %get3A_45] : memref<1000x128xf32, #tpu.memory_space<vmem>>, vector<1000x128xf32>
    %add3A_47 = arith.addf %max3A_43, %get3A_46 : vector<1000x128xf32>
    %swap3A_48 = arith.constant 0 : index
    %swap3A_49 = arith.constant 0 : index
    %swap3A_50 = vector.load %arg8[%swap3A_48, %swap3A_49] : memref<1000x128xf32, #tpu.memory_space<vmem>>, vector<1000x128xf32>
    tpu.vector_store %arg8[%swap3A_48, %swap3A_49], %add3A_47 {strides = array<i32>} : memref<1000x128xf32, #tpu.memory_space<vmem>>, vector<1000x128xf32>,
    %convert_element_type3A = arith.truncf %add3A_47 : vector<1000x128xf32> to vector<1000x128xbf16>
    %reshape3A = vector.shape_cast %convert_element_type3A : vector<1000x128xbf16> to vector<128000xbf16>
    %swap3A_51 = arith.constant 0 : index
    %swap3A_52 = vector.load %arg9[%swap3A_51] : memref<128000xbf16, #tpu.memory_space<vmem>>, vector<128000xbf16>
    tpu.vector_store %arg9[%swap3A_51], %reshape3A {strides = array<i32>} : memref<128000xbf16, #tpu.memory_space<vmem>>, vector<128000xbf16>,
    return
  }
  func.func @transform_0(%arg0: i32) -> (i32, i32) {
    %c0_i32 = arith.constant 0 : i32
    %c0_i32_0 = arith.constant 0 : i32
    return %arg0, %c0_i32 : i32, i32
  }
  func.func @transform_1(%arg0: i32) -> (i32, i32) {
    %c0_i32 = arith.constant 0 : i32
    %c0_i32_0 = arith.constant 0 : i32
    return %arg0, %c0_i32 : i32, i32
  }
  func.func @transform_2(%arg0: i32) -> (i32, i32, i32) {
    %c0_i32 = arith.constant 0 : i32
    %c0_i32_0 = arith.constant 0 : i32
    %c0_i32_1 = arith.constant 0 : i32
    return %c0_i32, %arg0, %c0_i32_0 : i32, i32, i32
  }
  func.func @transform_3(%arg0: i32) -> (i32, i32) {
    %c0_i32 = arith.constant 0 : i32
    %c0_i32_0 = arith.constant 0 : i32
    return %arg0, %c0_i32 : i32, i32
  }
  func.func @transform_4(%arg0: i32) -> (i32, i32) {
    %c0_i32 = arith.constant 0 : i32
    %c0_i32_0 = arith.constant 0 : i32
    %c0_i32_1 = arith.constant 0 : i32
    return %c0_i32, %c0_i32_0 : i32, i32
  }
  func.func @transform_5(%arg0: i32) -> (i32, i32) {
    %c0_i32 = arith.constant 0 : i32
    %c0_i32_0 = arith.constant 0 : i32
    %c0_i32_1 = arith.constant 0 : i32
    return %c0_i32, %c0_i32_0 : i32, i32
  }
  func.func @transform_6(%arg0: i32) -> (i32, i32) {
    %c0_i32 = arith.constant 0 : i32
    %c0_i32_0 = arith.constant 0 : i32
    %c0_i32_1 = arith.constant 0 : i32
    return %c0_i32, %c0_i32_0 : i32, i32
  }
  func.func @transform_7(%arg0: i32) -> (i32, i32) {
    %c0_i32 = arith.constant 0 : i32
    %c0_i32_0 = arith.constant 0 : i32
    return %arg0, %c0_i32 : i32, i32
  }
  func.func @transform_8(%arg0: i32) -> i32 {
    %c0_i32 = arith.constant 0 : i32
    return %arg0 : i32
  }
  func.func @transform_9(%arg0: i32) -> (i32, i32) {
    %c0_i32 = arith.constant 0 : i32
    %c0_i32_0 = arith.constant 0 : i32
    return %arg0, %c0_i32 : i32, i32
  }
}

module attributes {stable_mosaic.version = 14 : i64} {
  func.func @_layer2_body(%arg0: i32, %arg1: memref<1000x128xf32, #tpu.memory_space<vmem>>, %arg2: memref<1000x128xf32, #tpu.memory_space<vmem>>, %arg3: memref<1000x16xf32, #tpu.memory_space<vmem>>, %arg4: memref<1000x128xf32, #tpu.memory_space<vmem>>, %arg5: memref<128x128xf32, #tpu.memory_space<vmem>>, %arg6: memref<1x128xf32, #tpu.memory_space<vmem>>, %arg7: memref<128x128xf32, #tpu.memory_space<vmem>>, %arg8: memref<1000x128xf32, #tpu.memory_space<vmem>>) attributes {dimension_semantics = [#tpu.dimension_semantics<arbitrary>], iteration_bounds = array<i64: 10>, scalar_prefetch = 0 : i64, scratch_operands = 0 : i64, tpu.core_type = #tpu.core_type<tc>, window_params = [{transform_indices = @transform_0, window_bounds = array<i64: 1000, 128>}, {transform_indices = @transform_1, window_bounds = array<i64: 1000, 128>}, {transform_indices = @transform_2, window_bounds = array<i64: 1000, 16>}, {transform_indices = @transform_3, window_bounds = array<i64: 1000, 128>}, {pipeline_mode = #tpu.pipeline_mode<synchronous>, transform_indices = @transform_4, window_bounds = array<i64: 128, 128>}, {pipeline_mode = #tpu.pipeline_mode<synchronous>, transform_indices = @transform_5, window_bounds = array<i64: 1, 128>}, {pipeline_mode = #tpu.pipeline_mode<synchronous>, transform_indices = @transform_6, window_bounds = array<i64: 128, 128>}, {transform_indices = @transform_7, window_bounds = array<i64: 1000, 128>}]} {
    %get3A = arith.constant 0 : index
    %get3A_0 = arith.constant 0 : index
    %get3A_1 = vector.load %arg1[%get3A, %get3A_0] : memref<1000x128xf32, #tpu.memory_space<vmem>>, vector<1000x128xf32>
    %get3A_2 = arith.constant 0 : index
    %get3A_3 = arith.constant 0 : index
    %get3A_4 = vector.load %arg2[%get3A_2, %get3A_3] : memref<1000x128xf32, #tpu.memory_space<vmem>>, vector<1000x128xf32>
    %add3A = arith.addf %get3A_1, %get3A_4 : vector<1000x128xf32>
    %get3A_5 = arith.constant 0 : index
    %get3A_6 = arith.constant 0 : index
    %get3A_7 = vector.load %arg3[%get3A_5, %get3A_6] : memref<1000x16xf32, #tpu.memory_space<vmem>>, vector<1000x1xf32>
    %mul3A = vector.broadcast %get3A_7 : vector<1000x1xf32> to vector<1000x128xf32>
    %mul3A_8 = arith.mulf %add3A, %mul3A : vector<1000x128xf32>
    %get3A_9 = arith.constant 0 : index
    %get3A_10 = arith.constant 0 : index
    %get3A_11 = vector.load %arg5[%get3A_9, %get3A_10] : memref<128x128xf32, #tpu.memory_space<vmem>>, vector<128x128xf32>
    %dot_general3A = arith.constant dense<0.000000e+00> : vector<1000x128xf32>
    %dot_general3A_12 = tpu.matmul %mul3A_8, %get3A_11, %dot_general3A {dimension_numbers = #tpu.dot_dimension_numbers<[1], [1], [0], [0], [0, 0, 1, 0], [], []>, transpose_lhs_hint = false} : vector<1000x128xf32>, vector<128x128xf32>, vector<1000x128xf32> -> vector<1000x128xf32>
    %get3A_13 = arith.constant 0 : index
    %get3A_14 = arith.constant 0 : index
    %get3A_15 = vector.load %arg6[%get3A_13, %get3A_14] : memref<1x128xf32, #tpu.memory_space<vmem>>, vector<1x128xf32>
    %add3A_16 = vector.broadcast %get3A_15 : vector<1x128xf32> to vector<1000x128xf32>
    %add3A_17 = arith.addf %dot_general3A_12, %add3A_16 : vector<1000x128xf32>
    %get3A_18 = arith.constant 0 : index
    %get3A_19 = arith.constant 0 : index
    %get3A_20 = vector.load %arg4[%get3A_18, %get3A_19] : memref<1000x128xf32, #tpu.memory_space<vmem>>, vector<1000x128xf32>
    %get3A_21 = arith.constant 0 : index
    %get3A_22 = arith.constant 0 : index
    %get3A_23 = vector.load %arg7[%get3A_21, %get3A_22] : memref<128x128xf32, #tpu.memory_space<vmem>>, vector<128x128xf32>
    %dot_general3A_24 = arith.constant dense<0.000000e+00> : vector<1000x128xf32>
    %dot_general3A_25 = tpu.matmul %get3A_20, %get3A_23, %dot_general3A_24 {dimension_numbers = #tpu.dot_dimension_numbers<[1], [1], [0], [0], [0, 0, 1, 0], [], []>, transpose_lhs_hint = false} : vector<1000x128xf32>, vector<128x128xf32>, vector<1000x128xf32> -> vector<1000x128xf32>
    %add3A_26 = arith.addf %add3A_17, %dot_general3A_25 : vector<1000x128xf32>
    %get3A_27 = arith.constant 0 : index
    %get3A_28 = arith.constant 0 : index
    %get3A_29 = vector.load %arg4[%get3A_27, %get3A_28] : memref<1000x128xf32, #tpu.memory_space<vmem>>, vector<1000x128xf32>
    %add3A_30 = arith.addf %add3A_26, %get3A_29 : vector<1000x128xf32>
    %swap3A = arith.constant 0 : index
    %swap3A_31 = arith.constant 0 : index
    %swap3A_32 = vector.load %arg8[%swap3A, %swap3A_31] : memref<1000x128xf32, #tpu.memory_space<vmem>>, vector<1000x128xf32>
    tpu.vector_store %arg8[%swap3A, %swap3A_31], %add3A_30 {strides = array<i32>} : memref<1000x128xf32, #tpu.memory_space<vmem>>, vector<1000x128xf32>,
    return
  }
  func.func @transform_0(%arg0: i32) -> (i32, i32) {
    %c0_i32 = arith.constant 0 : i32
    %c0_i32_0 = arith.constant 0 : i32
    return %arg0, %c0_i32 : i32, i32
  }
  func.func @transform_1(%arg0: i32) -> (i32, i32) {
    %c0_i32 = arith.constant 0 : i32
    %c0_i32_0 = arith.constant 0 : i32
    return %arg0, %c0_i32 : i32, i32
  }
  func.func @transform_2(%arg0: i32) -> (i32, i32) {
    %c0_i32 = arith.constant 0 : i32
    %c0_i32_0 = arith.constant 0 : i32
    return %arg0, %c0_i32 : i32, i32
  }
  func.func @transform_3(%arg0: i32) -> (i32, i32) {
    %c0_i32 = arith.constant 0 : i32
    %c0_i32_0 = arith.constant 0 : i32
    return %arg0, %c0_i32 : i32, i32
  }
  func.func @transform_4(%arg0: i32) -> (i32, i32) {
    %c0_i32 = arith.constant 0 : i32
    %c0_i32_0 = arith.constant 0 : i32
    %c0_i32_1 = arith.constant 0 : i32
    return %c0_i32, %c0_i32_0 : i32, i32
  }
  func.func @transform_5(%arg0: i32) -> (i32, i32) {
    %c0_i32 = arith.constant 0 : i32
    %c0_i32_0 = arith.constant 0 : i32
    %c0_i32_1 = arith.constant 0 : i32
    return %c0_i32, %c0_i32_0 : i32, i32
  }
  func.func @transform_6(%arg0: i32) -> (i32, i32) {
    %c0_i32 = arith.constant 0 : i32
    %c0_i32_0 = arith.constant 0 : i32
    %c0_i32_1 = arith.constant 0 : i32
    return %c0_i32, %c0_i32_0 : i32, i32
  }
  func.func @transform_7(%arg0: i32) -> (i32, i32) {
    %c0_i32 = arith.constant 0 : i32
    %c0_i32_0 = arith.constant 0 : i32
    return %arg0, %c0_i32 : i32, i32
  }
}

</mosaic_0001>

<sc_bundles>
// kernel: sc_segment_sum.3.cloned.1.call-start
scs
__scs_entry_jumppad:
0x0: {  	(pc) =	sbr.rel $0x88, $3  }
0x1: {  	(tag) =	ssettag $0x0;
	lr =	simm.s32 $0x1  }
0x2: {  	[smem:$0x3F97] =	sst lr;
	_ =	strace $0xD0000000  }
0x3: {  	_ = 	snop  }
0x4: {  	_ = 	snop  }
0x5: {  	_ = 	snop  }
0x6: {  	_ = 	snop  }
0x7: {  	_ = 	snop  }
__scs_overlays_trampoline_lowered:
0x8: {  	[smem:$0x3FA6] =	sst s0  }
0x9: {  	[smem:$0x3FA7] =	sst s1  }
0xa: {  	[smem:$0x3FA8] =	sst s2  }
0xb: {  	[smem:$0x3FA9] =	sst s3  }
0xc: {  	[smem:$0x3FAA] =	sst s4  }
0xd: {  	[smem:$0x3FAB] =	sst s5  }
0xe: {  	[smem:$0x3FAC] =	sst s6  }
0xf: {  	[smem:$0x3FAD] =	sst s7  }
0x10: {  	[smem:$0x3FAE] =	sst s8  }
0x11: {  	[smem:$0x3FAF] =	sst s9;
	s0 =	simm.s32 @!p0 $0x0  }
0x12: {  	s1 =	sld [smem:$0x3F95];
	s0 =	simm.s32 @p0 $0x1  }
0x13: {  	[smem:$0x3FB0] =	sst s0;
	s0 =	simm.s32 @!p1 $0x0  }
0x14: {  	s2 =	sld [smem:$0x3F94];
	s0 =	simm.s32 @p1 $0x1  }
0x15: {  	[smem:$0x3FB1] =	sst s0;
	s0 =	simm.s32 @!p2 $0x0  }
0x16: {  	s3 =	sld [smem:$0x3FDB];
	s0 =	simm.s32 @p2 $0x1  }
0x17: {  	s4 =	simm.s32 $0x1BF5;
	[smem:$0x3FB3] =	sst s0  }
0x18: {  	s0 =	sld [smem:$0x3F96];
	_ =	swait.ge [sflag:s4], $0x0  }
0x19: {  	s7 =	sld [smem:$0x3F97]  }
0x1a: {  	s8 =	sadd.s32 $0xFFFFE003, lr  }
0x1b: {  	s9 =	sadd.s32 $0xFFFFFEF7, lr;
	s5 =	simm.s32 $0xFFFFFFFF;
	p2 =	slt.u32 s8, $0xFFFFF086  }
0x1c: {  	p1 =	slt.u32 s9, $0xF7A;
	s5 =	simm.s32 @!p2 $0x0  }
0x1d: {  	s5 =	simm.s32 @p1 $0x1;
	p0 =	seq.s32 s7, s2  }
0x1e: {  	s7 =	smul.u32 @!p0 $0xF7A, s2;
	p2 =	seq.s32 @!p0 s5, $0x0  }
0x1f: {  	s9 =	smul.u32 $0xF7A, s1;
	s8 =	simm.s32 @!p0 $0x1BF5;
	p2 =	por !p2, p0  }
0x20: {  	[sflag:s8] =	ssyncset.s32 @!p0 $0xFFFFF086;
	s6 =	sadd.s32 @!p0 s3, s7;
	s7 =	simm.s32 @!p0 $0x108  }
0x21: {  	s3 =	sadd.s32 s3, s9;
	s6 =	sadd.s32 @!p0 $0x88, s6;
	s7 =	simm.s32 @p2 $0x1082  }
0x22: {  	[simem:s7], [sflag:s8] =	dma.local @!p0 [hbm:s6], $0xF7A  }
0x23: {  	s9 =	sor.u32 $0xD0000000, s2;
	s6 =	simm.s32 $0x108;
	_ =	swait.ge @!p0 [sflag:s8], $0x0  }
0x24: {  	s3 =	sadd.s32 $0x88, s3;
	s6 =	simm.s32 @!p1 $0x1082;
	[sflag:s4] =	ssyncset.s32 $0xFFFFF086  }
0x25: {  	[simem:s6], [sflag:s4] =	dma.local [hbm:s3], $0xF7A  }
0x26: {  	[smem:$0x3F97] =	sst s1;
	(tag) =	ssettag s2;
	_ =	strace s9  }
0x27: {  	s1 =	sld [smem:$0x3FA7]  }
0x28: {  	s2 =	sld [smem:$0x3FA8]  }
0x29: {  	s4 =	sld [smem:$0x3FAA]  }
0x2a: {  	p0 =	seq.s32 s5, $0x0;
	s5 =	sld [smem:$0x3FAB]  }
0x2b: {  	s6 =	sld [smem:$0x3FAC]  }
0x2c: {  	s7 =	sld [smem:$0x3FAD]  }
0x2d: {  	s3 =	simm.s32 $0x108;
	s8 =	sld [smem:$0x3FAE]  }
0x2e: {  	s3 =	simm.s32 @!p0 $0x1082;
	s9 =	sld [smem:$0x3FAF]  }
0x2f: {  	lr =	sadd.s32 s0, s3;
	s0 =	sld [smem:$0x3FA6]  }
0x30: {  	s3 =	sld [smem:$0x3FA9]  }
0x31: {  	[smem:$0x3FB2] =	sst s10  }
0x32: {  	s10 =	sld [smem:$0x3FB0];
	_ =	sdelay $0x3  }
0x33: {  	p0 =	seq.s32 s10, $0x1;
	s10 =	sld [smem:$0x3FB2];
	_ =	sdelay $0x3  }
0x34: {  	[smem:$0x3FB2] =	sst s10  }
0x35: {  	s10 =	sld [smem:$0x3FB1];
	_ =	sdelay $0x3  }
0x36: {  	p1 =	seq.s32 s10, $0x1;
	s10 =	sld [smem:$0x3FB2];
	_ =	sdelay $0x3  }
0x37: {  	[smem:$0x3FB2] =	sst s10  }
0x38: {  	s10 =	sld [smem:$0x3FB3]  }
0x39: {  	_ = 	snop;
	(pc) =	sbr.ind lr, $3  }
0x3a: {  	_ = 	snop  }
0x3b: {  	_ = 	snop  }
0x3c: {  	p2 =	seq.s32 s10, $0x1;
	s10 =	sld [smem:$0x3FB2]  }
0x3d: {  	_ =	shalt  }
0x3e: {  	_ =	shalt  }
0x3f: {  	_ =	shalt  }
0x40: {  	_ =	shalt  }
0x41: {  	_ =	shalt  }
0x42: {  	_ =	shalt  }
0x43: {  	_ =	shalt  }
0x44: {  	_ =	shalt  }
0x45: {  	_ =	shalt  }
0x46: {  	_ =	shalt  }
0x47: {  	_ =	shalt  }
0x48: {  	_ =	shalt  }
0x49: {  	_ =	shalt  }
0x4a: {  	_ =	shalt  }
0x4b: {  	_ =	shalt  }
0x4c: {  	_ =	shalt  }
0x4d: {  	_ =	shalt  }
0x4e: {  	_ =	shalt  }
0x4f: {  	_ =	shalt  }
0x50: {  	_ =	shalt  }
0x51: {  	_ =	shalt  }
0x52: {  	_ =	shalt  }
0x53: {  	_ =	shalt  }
0x54: {  	_ =	shalt  }
0x55: {  	_ =	shalt  }
0x56: {  	_ =	shalt  }
0x57: {  	_ =	shalt  }
0x58: {  	_ =	shalt  }
0x59: {  	_ =	shalt  }
0x5a: {  	_ =	shalt  }
0x5b: {  	_ =	shalt  }
0x5c: {  	_ =	shalt  }
0x5d: {  	_ =	shalt  }
0x5e: {  	_ =	shalt  }
0x5f: {  	_ =	shalt  }
0x60: {  	_ =	shalt  }
0x61: {  	_ =	shalt  }
0x62: {  	_ =	shalt  }
0x63: {  	_ =	shalt  }
0x64: {  	_ =	shalt  }
0x65: {  	_ =	shalt  }
0x66: {  	_ =	shalt  }
0x67: {  	_ =	shalt  }
0x68: {  	_ =	shalt  }
0x69: {  	_ =	shalt  }
0x6a: {  	_ =	shalt  }
0x6b: {  	_ =	shalt  }
0x6c: {  	_ =	shalt  }
0x6d: {  	_ =	shalt  }
0x6e: {  	_ =	shalt  }
0x6f: {  	_ =	shalt  }
0x70: {  	_ =	shalt  }
0x71: {  	_ =	shalt  }
0x72: {  	_ =	shalt  }
0x73: {  	_ =	shalt  }
0x74: {  	_ =	shalt  }
0x75: {  	_ =	shalt  }
0x76: {  	_ =	shalt  }
0x77: {  	_ =	shalt  }
0x78: {  	_ =	shalt  }
0x79: {  	_ =	shalt  }
0x7a: {  	_ =	shalt  }
0x7b: {  	_ =	shalt  }
0x7c: {  	_ =	shalt  }
0x7d: {  	_ =	shalt  }
0x7e: {  	_ =	shalt  }
0x7f: {  	_ =	shalt  }
0x80: {  	_ =	shalt  }
0x81: {  	_ =	shalt  }
0x82: {  	_ =	shalt  }
0x83: {  	_ =	shalt  }
0x84: {  	_ =	shalt  }
0x85: {  	_ =	shalt  }
0x86: {  	_ =	shalt  }
0x87: {  	_ =	shalt  }
.Lfunc_end0:
.L_simem_size_0:
called_computation.1_lowered:
.L_overlay_start_0:
0x88: {  	s2 =	sld [smem:$0x3FD9]  }
0x89: {  	s3 =	sld [smem:$0x3FFE];
	_ =	sdelay $0x1  }
0x8a: {  	s1 =	srdreg.scid  }
0x8b: {  	s0 =	sand.u32 $0x1, s1  }
0x8c: {  	s14 =	sshll.u32 s0, $0xA;
	s2 =	sadd.s32 s3, s2  }
0x8d: {  	s2 =	sadd.s32 s2, s14  }
0x8e: {  	[smem:$0x3FBE] =	sst s2  }
0x8f: {  	_ = 	snop  }
0x90: {  	s2 =	sld [smem:$0x3FD0];
	_ =	sdelay $0x2  }
0x91: {  	s15 =	simm.s32 $0xA;
	s4 =	simm.s32 $0x10  }
0x92: {  	[smem:s4], [sflag:s15] =	dma.local [hbm:s2], $0x1  }
0x93: {  	_ =	swait.eq [sflag:s15], $0x1  }
0x94: {  	[sflag:s15] =	ssyncset.done $0x0  }
0x95: {  	[sflag:s15] =	ssyncadd.s32 $0xFFFFFFFF  }
0x96: {  	s16 =	sld [smem:$0x11];
	(tm) =	ssettm $0x1  }
0x97: {  	s17 =	sld [smem:$0x3FFB];
	_ =	sdelay $0x3  }
0x98: {  	_ =	strace s17  }
0x99: {  	s3 =	sld [smem:$0x3FFC];
	_ =	sdelay $0x3  }
0x9a: {  	_ =	strace s3  }
0x9b: {  	s3 =	sld [smem:$0x3FFD];
	_ =	sdelay $0x3  }
0x9c: {  	_ =	strace s3  }
0x9d: {  	_ =	strace $0x8FFFFFFF  }
0x9e: {  	s18 =	sld [smem:$0x3FDB];
	_ =	sdelay $0x1  }
0x9f: {  	s19 =	simm.s32 $_scs_section_size  }
0xa0: {  	s5 =	simm.s32 $_size__tile_overlayer_lowered;
	s6 =	simm.s32 $_tile_overlayer_lowered  }
0xa1: {  	s22 =	simm.s32 $0x1BFF;
	s21 =	sshll.u32 s6, $0x1;
	s3 =	sadd.s32 s19, s18  }
0xa2: {  	s7 =	simm.s32 $0x0;
	s20 =	sshll.u32 s5, $0x1;
	s5 =	sadd.s32 s21, s3  }
0xa3: {  	[timem:s7], [sflag:s22] =	dma.local [hbm:s5], s20  }
0xa4: {  	_ =	swait.ge [sflag:s22], s20  }
0xa5: {  	s4 =	ssub.s32 $0x0, s20;
	[sflag:s22] =	ssyncset.done $0x0  }
0xa6: {  	[sflag:s22] =	ssyncadd.s32 s4;
	_ =	sdelay $0x1  }
0xa7: {  	s23 =	simm.s32 $0x1B8B  }
0xa8: {  	_ =	swait.ge [sflag:s23], $0x1  }
0xa9: {  	[sflag:s23] =	ssyncset.done $0x0  }
0xaa: {  	s25 =	simm.s32 $0x1B8E;
	s24 =	sld [smem:$0x3FFE];
	[sflag:s23] =	ssyncadd.s32 $0xFFFFFFFF  }
0xab: {  	s26 =	simm.s32 $execute0_lowered;
	[smem:$0x3FD2] =	sst s25  }
0xac: {  	s5 =	sshll.u32 s26, $0x1;
	_ =	strace $0x80000049;
	[dreg:$0x1] =	wrdreg $0xFFFFFFFF  }
0xad: {  	s28 =	simm.s32 $_size_execute0_lowered;
	s3 =	sadd.s32 s3, s5;
	[dreg:$0x0] =	wrdreg $0x0  }
0xae: {  	s5 =	sshll.u32 s28, $0x1;
	[dreg:$0x2] =	wrdreg s3  }
0xaf: {  	[dreg:$0x3] =	wrdreg s5  }
0xb0: {  	[dreg:$0x4] =	wrdreg $0xC0  }
0xb1: {  	_ =	task [dreg:s7], $0x5FFFF  }
0xb2: {  	[dreg:$0x1] =	wrdreg $0xFFFFFFFF  }
0xb3: {  	[dreg:$0x0] =	wrdreg $0x60  }
0xb4: {  	[dreg:$0x2] =	wrdreg s16  }
0xb5: {  	[dreg:$0x3] =	wrdreg s24  }
0xb6: {  	[dreg:$0x4] =	wrdreg $0x8CF00  }
0xb7: {  	[dreg:$0x5] =	wrdreg $0x9  }
0xb8: {  	_ =	task.clear_ibuf [dreg:s7], $0x6FFFF;
	_ =	strace $0x90000049  }
0xb9: {  	s29 =	simm.s32 $0x9;
	_ =	strace $0x8000004B  }
0xba: {  	_ =	swait.ge [sflag:s29], $0x1  }
0xbb: {  	[sflag:s29] =	ssyncadd.s32 $0xFFFFFFFF  }
0xbc: {  	_ =	strace $0x9000004B  }
0xbd: {  	_ =	sfence  }
0xbe: {  	s30 =	sld [smem:$0x0];
	_ =	sdelay $0x2  }
0xbf: {  	s31 =	sshll.u32 s1, $0xD;
	s1 =	sshrl.u32 s1, $0x2  }
0xc0: {  	s3 =	sand.u32 $0x4000, s31;
	s1 =	sadd.s32 s1, s30  }
0xc1: {  	s0 =	sor.u32 s3, s0;
	s1 =	sshll.u32 s1, $0x11  }
0xc2: {  	s0 =	sor.u32 s1, s0  }
0xc3: {  	s0 =	sadd.s32 $0x8F2B, s0  }
0xc4: {  	[sflag:s0] =	ssyncadd.remote.s32 $0x1  }
0xc5: {  	_ =	sfence.sel $0xFFFF  }
0xc6: {  	[dreg:$0x0] =	wrdreg $0xFFFFFFFF;
	(pc) =	sbr.abs _section_cstart, $3  }
0xc7: {  	[dreg:$0x1] =	wrdreg $0xFFFFFFFF  }
0xc8: {  	_ =	task.clear_ibuf [dreg:s7], $0x2FFFF;
	_ =	strace $0x9FFFFFFF  }
0xc9: {  	(tm) =	ssettm $0x7FFFFFFF  }
tec
execute0_lowered:
.L_overlay_start_1:
0x0: {  	(tag) =	ssettag $0x1  }
0x1: {  	s1 =	rddreg [dreg:$0x0]  }
0x2: {  	s0 =	srdreg.scid;
	s2 =	rddreg [dreg:$0x1]  }
0x3: {  	s9 =	stileid.u32;
	s3 =	rddreg [dreg:$0x2]  }
0x4: {  	s17 =	simm.s32 $0x28F0;
	s28 =	simm.s32 $0x50F0;
	s29 =	simm.s32 $0x2  }
0x5: {  	s30 =	simm.s32 $0x2850;
	s31 =	simm.s32 $0x4;
	s10 =	simm.s32 $0x64F0  }
0x6: {  	s11 =	simm.s32 $0x0;
	s0 =	sand.u32 $0x1, s0;
	s4 =	sshll.u32 s9, $0x1  }
0x7: {  	s7 =	smul.u32 $0x28000, s9;
	s5 =	sor.u32 s0, s4;
	s4 =	simm.s32 $0x0  }
0x8: {  	s6 =	ssub.s32 $0x2, s0;
	p0 =	seq.s32 s0, $0x0;
	s0 =	simm.s32 $0xD800  }
0x9: {  	s5 =	smul.u32 $0x4E2, s5;
	[smem:$0x7FF] =	sst s4;
	s18 =	sshrl.u32 s6, $0x1  }
0xa: {  	s7 =	sshrl.u32 s7, $0x2;
	s0 =	simm.s32 @!p0 $0x35800;
	_ =	strace $0x8000004A  }
0xb: {  	s6 =	ssub.s32 s6, s18;
	s7 =	sadd.s32 s7, s3;
	s16 =	sadd.s32 s0, s2  }
0xc: {  	s18 =	simm.s32 $0x7;
	s19 =	smax.u32 s6, $0x1;
	[dreg:$0x5] =	wrdreg s7  }
0xd: {  	s0 =	simm.s32 $0x28A0;
	s20 =	sadd.s32 $0x1400, s7;
	[dreg:$0x6] =	wrdreg s19  }
0xe: {  	s8 =	sadd.s32 s5, s2;
	s21 =	sadd.s32 $0x2800, s7;
	[dreg:$0x7] =	wrdreg s20  }
0xf: {  	s5 =	smul.u32 $0x280, s9;
	s22 =	sadd.s32 $0x3C00, s7;
	[dreg:$0x8] =	wrdreg s21  }
0x10: {  	s23 =	sadd.s32 $0x5000, s7;
	s24 =	sadd.s32 $0x6400, s7;
	[dreg:$0x9] =	wrdreg s22  }
0x11: {  	s25 =	sadd.s32 $0x7800, s7;
	s26 =	sadd.s32 $0x8C00, s7;
	[dreg:$0xa] =	wrdreg s23  }
0x12: {  	s2 =	simm.s32 $0x3;
	s6 =	simm.s32 $0x5;
	[dreg:$0xb] =	wrdreg s24  }
0x13: {  	s9 =	simm.s32 $0x8;
	s8 =	sadd.s32 $0x3A00, s8;
	[dreg:$0xc] =	wrdreg s25  }
0x14: {  	[dreg:$0xd] =	wrdreg s26;
	s19 =	simm.s32 $0x50;
	s20 =	simm.s32 $0x2710  }
0x15: {  	s21 =	simm.s32 $0x2760;
	s22 =	simm.s32 $0x3CF0;
	s23 =	simm.s32 $0x8  }
0x16: {  	s24 =	simm.s32 $0x1;
	s25 =	simm.s32 $0x2800;
	s26 =	simm.s32 $0x27B0  }
0x17: {  	v0 =	vimm.bf16 $0.0e+00;
	[dreg:$0x4] =	wrdreg s8;
	s23 =	simm.s32 @!p0 $0x7;
	s8 =	simm.s32 $0x6  }
.LBB2_1:
0x18: {  	s12 =	simm.s32 $0x100;
	s7 =	simm.s32 $0x0  }
.LBB2_2:
0x19: {  	p0 =	sne.s32 s12, $0x4F00;
	[tilespmem:s7+$0x2920] =	vst v0;
	s13 =	smov.u32 s12;
	s12 =	sadd.s32 $0x100, s12  }
.Ltmp0:
0x1a: {  	[tilespmem:s7+$0x2910] =	vst v0;
	(pc) =	sbr.rel @p0 .LBB2_2-.Ltmp0, $3  }
0x1b: {  	[tilespmem:s7+$0x28F0] =	vst v0  }
0x1c: {  	[tilespmem:s7+$0x2900] =	vst v0;
	_ =	sdelay $0x1  }
0x1d: {  	s7 =	sshra.s32 s13, $0x2  }
0x1e: {  	[tilespmem:s7+$0x2920] =	vst v0  }
0x1f: {  	[tilespmem:s7+$0x2910] =	vst v0  }
0x20: {  	[tilespmem:s7+$0x28F0] =	vst v0  }
0x21: {  	[tilespmem:s7+$0x2900] =	vst v0;
	s15 =	rddreg [dreg:$0x5]  }
0x22: {  	[spmem:s15] =	stream.linear.scatter [tilespmem:s17], [sflag:$0x7], $0x1400, $0x38;
	[tilespmem:$0x12CF0] =	vst v63  }
0x23: {  	_ =	swait.ge [sflag:s18], $0x1400  }
0x24: {  	[sflag:s18] =	ssyncset.done $0x0  }
0x25: {  	s12 =	rddreg [dreg:$0x7];
	[sflag:s18] =	ssyncadd.s32 $0xFFFFEC00  }
0x26: {  	[spmem:s12] =	stream.linear.scatter [tilespmem:s17], [sflag:$0x7], $0x1400, $0x38;
	[tilespmem:$0x12CF0] =	vst v63  }
0x27: {  	_ =	swait.ge [sflag:s18], $0x1400  }
0x28: {  	[sflag:s18] =	ssyncset.done $0x0  }
0x29: {  	s13 =	rddreg [dreg:$0x8];
	[sflag:s18] =	ssyncadd.s32 $0xFFFFEC00  }
0x2a: {  	[spmem:s13] =	stream.linear.scatter [tilespmem:s17], [sflag:$0x7], $0x1400, $0x38;
	[tilespmem:$0x12CF0] =	vst v63  }
0x2b: {  	_ =	swait.ge [sflag:s18], $0x1400  }
0x2c: {  	[sflag:s18] =	ssyncset.done $0x0  }
0x2d: {  	s14 =	rddreg [dreg:$0x9];
	[sflag:s18] =	ssyncadd.s32 $0xFFFFEC00  }
0x2e: {  	[spmem:s14] =	stream.linear.scatter [tilespmem:s17], [sflag:$0x7], $0x1400, $0x38;
	[tilespmem:$0x12CF0] =	vst v63  }
0x2f: {  	_ =	swait.ge [sflag:s18], $0x1400  }
0x30: {  	[sflag:s18] =	ssyncset.done $0x0  }
0x31: {  	s15 =	rddreg [dreg:$0xa];
	[sflag:s18] =	ssyncadd.s32 $0xFFFFEC00  }
0x32: {  	[spmem:s15] =	stream.linear.scatter [tilespmem:s17], [sflag:$0x7], $0x1400, $0x38;
	[tilespmem:$0x12CF0] =	vst v63  }
0x33: {  	_ =	swait.ge [sflag:s18], $0x1400  }
0x34: {  	[sflag:s18] =	ssyncset.done $0x0  }
0x35: {  	s12 =	rddreg [dreg:$0xb];
	[sflag:s18] =	ssyncadd.s32 $0xFFFFEC00  }
0x36: {  	[spmem:s12] =	stream.linear.scatter [tilespmem:s17], [sflag:$0x7], $0x1400, $0x38;
	[tilespmem:$0x12CF0] =	vst v63  }
0x37: {  	_ =	swait.ge [sflag:s18], $0x1400  }
0x38: {  	[sflag:s18] =	ssyncset.done $0x0  }
0x39: {  	s13 =	rddreg [dreg:$0xc];
	[sflag:s18] =	ssyncadd.s32 $0xFFFFEC00  }
0x3a: {  	[spmem:s13] =	stream.linear.scatter [tilespmem:s17], [sflag:$0x7], $0x1400, $0x38;
	[tilespmem:$0x12CF0] =	vst v63  }
0x3b: {  	_ =	swait.ge [sflag:s18], $0x1400  }
0x3c: {  	[sflag:s18] =	ssyncset.done $0x0  }
0x3d: {  	s14 =	rddreg [dreg:$0xd];
	[sflag:s18] =	ssyncadd.s32 $0xFFFFEC00  }
0x3e: {  	[spmem:s14] =	stream.linear.scatter [tilespmem:s17], [sflag:$0x7], $0x1400, $0x38;
	[tilespmem:$0x12CF0] =	vst v63  }
0x3f: {  	_ =	swait.ge [sflag:s18], $0x1400  }
0x40: {  	[sflag:s18] =	ssyncset.done $0x0  }
0x41: {  	[sflag:s18] =	ssyncadd.s32 $0xFFFFEC00  }
0x42: {  	[bflag:$0x0] =	sbarrier.arrive $0xFFFF  }
0x43: {  	s15 =	rddreg [dreg:$0x4]  }
0x44: {  	[tilespmem:s4], [sflag:$0x7] =	stream.linear.gather [hbm4b:s15+s4], $0x2710, $0x38;
	[tilespmem:$0x12CF0] =	vst v63  }
0x45: {  	_ =	swait.ge [sflag:s18], $0x2710  }
0x46: {  	[sflag:s18] =	ssyncset.done $0x0  }
0x47: {  	[sflag:s18] =	ssyncadd.s32 $0xFFFFD8F0  }
0x48: {  	v1 =	vld [tilespmem:$0x0];
	_ =	sdelay $0x1  }
0x49: {  	v2 =	vld [tilespmem:$0x10];
	_ =	sdelay $0x1  }
0x4a: {  	v3 =	vld [tilespmem:$0x20]  }
0x4b: {  	v4 =	vand.u32 $0x3FFF, v1;
	v1 =	vshrl.u32 v1, $0xE  }
0x4c: {  	v55 =	vld [tilespmem:$0x30];
	[tilespmem:$0x2710] =	vst v4;
	v1 =	vand.u32 $0x3FFF, v1  }
0x4d: {  	[tilespmem:$0x2800] =	vst v1;
	v1 =	vand.u32 $0x3FFF, v2;
	v2 =	vshrl.u32 v2, $0xE  }
0x4e: {  	[tilespmem:$0x2720] =	vst v1;
	v1 =	vand.u32 $0x3FFF, v2;
	v2 =	vld [tilespmem:$0x40]  }
0x4f: {  	[tilespmem:$0x2810] =	vst v1;
	v1 =	vand.u32 $0x3FFF, v3;
	v3 =	vshrl.u32 v3, $0xE  }
0x50: {  	[tilespmem:$0x2730] =	vst v1;
	v1 =	vand.u32 $0x3FFF, v3  }
0x51: {  	v3 =	vshrl.u32 v55, $0xE;
	[tilespmem:$0x2820] =	vst v1;
	v1 =	vand.u32 $0x3FFF, v55  }
0x52: {  	[tilespmem:$0x2740] =	vst v1;
	v1 =	vand.u32 $0x3FFF, v3  }
0x53: {  	[tilespmem:$0x2830] =	vst v1;
	v1 =	vand.u32 $0x3FFF, v2;
	v2 =	vshrl.u32 v2, $0xE  }
0x54: {  	[tilespmem:$0x2750] =	vst v1;
	v1 =	vand.u32 $0x3FFF, v2  }
0x55: {  	[tilespmem:$0x2840] =	vst v1  }
0x56: {  	[tilespmem:s17], [sflag:$0x1] =	stream.indirect.gather [hbm4b:s1+s19], $0x40, s20, s19, $0xb8;
	[tilespmem:$0x12CF0] =	vst v63  }
0x57: {  	v1 =	vld [tilespmem:$0x50];
	_ =	sdelay $0x1  }
0x58: {  	v2 =	vld [tilespmem:$0x60];
	_ =	sdelay $0x1  }
0x59: {  	v3 =	vld [tilespmem:$0x70]  }
0x5a: {  	v56 =	vand.u32 $0x3FFF, v1;
	v1 =	vshrl.u32 v1, $0xE  }
0x5b: {  	v57 =	vld [tilespmem:$0x80];
	[tilespmem:$0x2760] =	vst v56;
	v1 =	vand.u32 $0x3FFF, v1  }
0x5c: {  	[tilespmem:$0x2850] =	vst v1;
	v1 =	vand.u32 $0x3FFF, v2;
	v2 =	vshrl.u32 v2, $0xE  }
0x5d: {  	[tilespmem:$0x2770] =	vst v1;
	v1 =	vand.u32 $0x3FFF, v2;
	v2 =	vld [tilespmem:$0x90]  }
0x5e: {  	[tilespmem:$0x2860] =	vst v1;
	v1 =	vand.u32 $0x3FFF, v3;
	v3 =	vshrl.u32 v3, $0xE  }
0x5f: {  	[tilespmem:$0x2780] =	vst v1;
	v1 =	vand.u32 $0x3FFF, v3  }
0x60: {  	v3 =	vshrl.u32 v57, $0xE;
	[tilespmem:$0x2870] =	vst v1;
	v1 =	vand.u32 $0x3FFF, v57  }
0x61: {  	[tilespmem:$0x2790] =	vst v1;
	v1 =	vand.u32 $0x3FFF, v3  }
0x62: {  	[tilespmem:$0x2880] =	vst v1;
	v1 =	vand.u32 $0x3FFF, v2;
	v2 =	vshrl.u32 v2, $0xE  }
0x63: {  	[tilespmem:$0x27A0] =	vst v1;
	v1 =	vand.u32 $0x3FFF, v2  }
0x64: {  	[tilespmem:$0x2890] =	vst v1  }
0x65: {  	[tilespmem:s22], [sflag:$0x2] =	stream.indirect.gather [hbm4b:s1+s19], $0x40, s21, s19, $0xb8;
	[tilespmem:$0x12CF0] =	vst v63  }
0x66: {  	_ =	swait.ge [sflag:s24], $0x1400  }
0x67: {  	[sflag:s24] =	ssyncset.done $0x0  }
0x68: {  	[sflag:s24] =	ssyncadd.s32 $0xFFFFEC00  }
0x69: {  	[spmem:s3] =	stream.indirect.scatter.add.bf16 [tilespmem:s17], [sflag:$0x4], $0x40, s25, s19, $0xb8;
	[tilespmem:$0x12CF0] =	vst v63  }
0x6a: {  	v1 =	vld [tilespmem:$0xA0];
	_ =	sdelay $0x1  }
0x6b: {  	v2 =	vld [tilespmem:$0xB0];
	_ =	sdelay $0x1  }
0x6c: {  	v3 =	vld [tilespmem:$0xC0]  }
0x6d: {  	v58 =	vand.u32 $0x3FFF, v1;
	v1 =	vshrl.u32 v1, $0xE  }
0x6e: {  	v59 =	vld [tilespmem:$0xD0];
	[tilespmem:$0x27B0] =	vst v58;
	v1 =	vand.u32 $0x3FFF, v1  }
0x6f: {  	[tilespmem:$0x28A0] =	vst v1;
	v1 =	vand.u32 $0x3FFF, v2;
	v2 =	vshrl.u32 v2, $0xE  }
0x70: {  	[tilespmem:$0x27C0] =	vst v1;
	v1 =	vand.u32 $0x3FFF, v2;
	v2 =	vld [tilespmem:$0xE0]  }
0x71: {  	[tilespmem:$0x28B0] =	vst v1;
	v1 =	vand.u32 $0x3FFF, v3;
	v3 =	vshrl.u32 v3, $0xE  }
0x72: {  	[tilespmem:$0x27D0] =	vst v1;
	v1 =	vand.u32 $0x3FFF, v3  }
0x73: {  	v3 =	vshrl.u32 v59, $0xE;
	[tilespmem:$0x28C0] =	vst v1;
	v1 =	vand.u32 $0x3FFF, v59  }
0x74: {  	[tilespmem:$0x27E0] =	vst v1;
	v1 =	vand.u32 $0x3FFF, v3  }
0x75: {  	[tilespmem:$0x28D0] =	vst v1;
	v1 =	vand.u32 $0x3FFF, v2;
	v2 =	vshrl.u32 v2, $0xE  }
0x76: {  	[tilespmem:$0x27F0] =	vst v1;
	v1 =	vand.u32 $0x3FFF, v2  }
0x77: {  	[tilespmem:$0x28E0] =	vst v1  }
0x78: {  	[tilespmem:s28], [sflag:$0x3] =	stream.indirect.gather [hbm4b:s1+s19], $0x40, s26, s19, $0xb8;
	[tilespmem:$0x12CF0] =	vst v63  }
0x79: {  	_ =	swait.ge [sflag:s29], $0x1400  }
0x7a: {  	[sflag:s29] =	ssyncset.done $0x0  }
0x7b: {  	[sflag:s29] =	ssyncadd.s32 $0xFFFFEC00  }
0x7c: {  	[spmem:s3] =	stream.indirect.scatter.add.bf16 [tilespmem:s22], [sflag:$0x5], $0x40, s30, s19, $0xb8;
	[tilespmem:$0x12CF0] =	vst v63  }
0x7d: {  	_ =	swait.ge [sflag:s31], $0x1400  }
0x7e: {  	[sflag:s31] =	ssyncset.done $0x0  }
0x7f: {  	[sflag:s31] =	ssyncadd.s32 $0xFFFFEC00  }
0x80: {  	v1 =	vld [tilespmem:$0xF0];
	_ =	sdelay $0x1  }
0x81: {  	v2 =	vld [tilespmem:$0x100];
	_ =	sdelay $0x1  }
0x82: {  	v3 =	vld [tilespmem:$0x110]  }
0x83: {  	v60 =	vand.u32 $0x3FFF, v1;
	v1 =	vshrl.u32 v1, $0xE  }
0x84: {  	v61 =	vld [tilespmem:$0x120];
	[tilespmem:$0x2710] =	vst v60;
	v1 =	vand.u32 $0x3FFF, v1  }
0x85: {  	[tilespmem:$0x2800] =	vst v1;
	v1 =	vand.u32 $0x3FFF, v2;
	v2 =	vshrl.u32 v2, $0xE  }
0x86: {  	[tilespmem:$0x2720] =	vst v1;
	v1 =	vand.u32 $0x3FFF, v2;
	v2 =	vld [tilespmem:$0x130]  }
0x87: {  	[tilespmem:$0x2810] =	vst v1;
	v1 =	vand.u32 $0x3FFF, v3;
	v3 =	vshrl.u32 v3, $0xE  }
0x88: {  	[tilespmem:$0x2730] =	vst v1;
	v1 =	vand.u32 $0x3FFF, v3  }
0x89: {  	v3 =	vshrl.u32 v61, $0xE;
	[tilespmem:$0x2820] =	vst v1;
	v1 =	vand.u32 $0x3FFF, v61  }
0x8a: {  	[tilespmem:$0x2740] =	vst v1;
	v1 =	vand.u32 $0x3FFF, v3  }
0x8b: {  	[tilespmem:$0x2830] =	vst v1;
	v1 =	vand.u32 $0x3FFF, v2;
	v2 =	vshrl.u32 v2, $0xE  }
0x8c: {  	[tilespmem:$0x2750] =	vst v1;
	v1 =	vand.u32 $0x3FFF, v2  }
0x8d: {  	[tilespmem:$0x2840] =	vst v1  }
0x8e: {  	[tilespmem:s17], [sflag:$0x1] =	stream.indirect.gather [hbm4b:s1+s19], $0x40, s20, s19, $0xb8;
	[tilespmem:$0x12CF0] =	vst v63  }
0x8f: {  	_ =	swait.ge [sflag:s2], $0x1400  }
0x90: {  	[sflag:s2] =	ssyncset.done $0x0  }
0x91: {  	[sflag:s2] =	ssyncadd.s32 $0xFFFFEC00  }
0x92: {  	[spmem:s3] =	stream.indirect.scatter.add.bf16 [tilespmem:s28], [sflag:$0x6], $0x40, s0, s19, $0xb8;
	[tilespmem:$0x12CF0] =	vst v63  }
0x93: {  	_ =	swait.ge [sflag:s6], $0x1400  }
0x94: {  	[sflag:s6] =	ssyncset.done $0x0  }
0x95: {  	[sflag:s6] =	ssyncadd.s32 $0xFFFFEC00  }
0x96: {  	v1 =	vld [tilespmem:$0x140];
	_ =	sdelay $0x1  }
0x97: {  	v2 =	vld [tilespmem:$0x150];
	_ =	sdelay $0x1  }
0x98: {  	v3 =	vld [tilespmem:$0x160]  }
0x99: {  	v62 =	vand.u32 $0x3FFF, v1;
	v1 =	vshrl.u32 v1, $0xE  }
0x9a: {  	v63 =	vld [tilespmem:$0x170];
	[tilespmem:$0x2760] =	vst v62;
	v1 =	vand.u32 $0x3FFF, v1  }
0x9b: {  	[tilespmem:$0x2850] =	vst v1;
	v1 =	vand.u32 $0x3FFF, v2;
	v2 =	vshrl.u32 v2, $0xE  }
0x9c: {  	[tilespmem:$0x2770] =	vst v1;
	v1 =	vand.u32 $0x3FFF, v2;
	v2 =	vld [tilespmem:$0x180]  }
0x9d: {  	[tilespmem:$0x2860] =	vst v1;
	v1 =	vand.u32 $0x3FFF, v3;
	v3 =	vshrl.u32 v3, $0xE  }
0x9e: {  	[tilespmem:$0x2780] =	vst v1;
	v1 =	vand.u32 $0x3FFF, v3  }
0x9f: {  	v3 =	vshrl.u32 v63, $0xE;
	[tilespmem:$0x2870] =	vst v1;
	v1 =	vand.u32 $0x3FFF, v63  }
0xa0: {  	[tilespmem:$0x2790] =	vst v1;
	v1 =	vand.u32 $0x3FFF, v3  }
0xa1: {  	[tilespmem:$0x2880] =	vst v1;
	v1 =	vand.u32 $0x3FFF, v2;
	v2 =	vshrl.u32 v2, $0xE  }
0xa2: {  	[tilespmem:$0x27A0] =	vst v1;
	v1 =	vand.u32 $0x3FFF, v2  }
0xa3: {  	[tilespmem:$0x2890] =	vst v1  }
0xa4: {  	[tilespmem:s22], [sflag:$0x2] =	stream.indirect.gather [hbm4b:s1+s19], $0x40, s21, s19, $0xb8;
	[tilespmem:$0x12CF0] =	vst v63  }
0xa5: {  	_ =	swait.ge [sflag:s24], $0x1400  }
0xa6: {  	[sflag:s24] =	ssyncset.done $0x0  }
0xa7: {  	[sflag:s24] =	ssyncadd.s32 $0xFFFFEC00  }
0xa8: {  	[spmem:s3] =	stream.indirect.scatter.add.bf16 [tilespmem:s17], [sflag:$0x4], $0x40, s25, s19, $0xb8;
	[tilespmem:$0x12CF0] =	vst v63  }
0xa9: {  	_ =	swait.ge [sflag:s8], $0x1400  }
0xaa: {  	[sflag:s8] =	ssyncset.done $0x0  }
0xab: {  	s12 =	simm.s32 $0x270;
	[sflag:s8] =	ssyncadd.s32 $0xFFFFEC00  }
0xac: {  	v1 =	vld [tilespmem:s12+$0xFFFFFF20];
	_ =	sdelay $0x4  }
0xad: {  	v2 =	vand.u32 $0x3FFF, v1;
	v1 =	vshrl.u32 v1, $0xE  }
0xae: {  	[tilespmem:$0x27B0] =	vst v2;
	v1 =	vand.u32 $0x3FFF, v1  }
0xaf: {  	[tilespmem:$0x28A0] =	vst v1  }
0xb0: {  	v1 =	vld [tilespmem:s12+$0xFFFFFF30];
	_ =	sdelay $0x4  }
0xb1: {  	v2 =	vand.u32 $0x3FFF, v1;
	v1 =	vshrl.u32 v1, $0xE  }
0xb2: {  	[tilespmem:$0x27C0] =	vst v2;
	v1 =	vand.u32 $0x3FFF, v1  }
0xb3: {  	[tilespmem:$0x28B0] =	vst v1  }
0xb4: {  	v1 =	vld [tilespmem:s12+$0xFFFFFF40];
	_ =	sdelay $0x4  }
0xb5: {  	v2 =	vand.u32 $0x3FFF, v1;
	v1 =	vshrl.u32 v1, $0xE  }
0xb6: {  	[tilespmem:$0x27D0] =	vst v2;
	v1 =	vand.u32 $0x3FFF, v1  }
0xb7: {  	[tilespmem:$0x28C0] =	vst v1  }
0xb8: {  	v1 =	vld [tilespmem:s12+$0xFFFFFF50];
	_ =	sdelay $0x4  }
0xb9: {  	v2 =	vand.u32 $0x3FFF, v1;
	v1 =	vshrl.u32 v1, $0xE  }
0xba: {  	[tilespmem:$0x27E0] =	vst v2;
	v1 =	vand.u32 $0x3FFF, v1  }
0xbb: {  	[tilespmem:$0x28D0] =	vst v1  }
0xbc: {  	v1 =	vld [tilespmem:s12+$0xFFFFFF60];
	_ =	sdelay $0x4  }
0xbd: {  	v2 =	vand.u32 $0x3FFF, v1;
	v1 =	vshrl.u32 v1, $0xE  }
0xbe: {  	[tilespmem:$0x27F0] =	vst v2;
	v1 =	vand.u32 $0x3FFF, v1  }
0xbf: {  	[tilespmem:$0x28E0] =	vst v1  }
0xc0: {  	[tilespmem:s28], [sflag:$0x3] =	stream.indirect.gather [hbm4b:s1+s19], $0x40, s26, s19, $0xb8;
	[tilespmem:$0x12CF0] =	vst v63  }
0xc1: {  	_ =	swait.ge [sflag:s29], $0x1400  }
0xc2: {  	[sflag:s29] =	ssyncset.done $0x0  }
0xc3: {  	[sflag:s29] =	ssyncadd.s32 $0xFFFFEC00  }
0xc4: {  	[spmem:s3] =	stream.indirect.scatter.add.bf16 [tilespmem:s22], [sflag:$0x5], $0x40, s30, s19, $0xb8;
	[tilespmem:$0x12CF0] =	vst v63  }
0xc5: {  	_ =	swait.ge [sflag:s31], $0x1400  }
0xc6: {  	[sflag:s31] =	ssyncset.done $0x0  }
0xc7: {  	[sflag:s31] =	ssyncadd.s32 $0xFFFFEC00  }
0xc8: {  	v1 =	vld [tilespmem:s12+$0xFFFFFF70];
	_ =	sdelay $0x4  }
0xc9: {  	v2 =	vand.u32 $0x3FFF, v1;
	v1 =	vshrl.u32 v1, $0xE  }
0xca: {  	[tilespmem:$0x2710] =	vst v2;
	v1 =	vand.u32 $0x3FFF, v1  }
0xcb: {  	[tilespmem:$0x2800] =	vst v1  }
0xcc: {  	v1 =	vld [tilespmem:s12+$0xFFFFFF80];
	_ =	sdelay $0x4  }
0xcd: {  	v2 =	vand.u32 $0x3FFF, v1;
	v1 =	vshrl.u32 v1, $0xE  }
0xce: {  	[tilespmem:$0x2720] =	vst v2;
	v1 =	vand.u32 $0x3FFF, v1  }
0xcf: {  	[tilespmem:$0x2810] =	vst v1  }
0xd0: {  	v1 =	vld [tilespmem:s12+$0xFFFFFF90];
	_ =	sdelay $0x4  }
0xd1: {  	v2 =	vand.u32 $0x3FFF, v1;
	v1 =	vshrl.u32 v1, $0xE  }
0xd2: {  	[tilespmem:$0x2730] =	vst v2;
	v1 =	vand.u32 $0x3FFF, v1  }
0xd3: {  	[tilespmem:$0x2820] =	vst v1  }
0xd4: {  	v1 =	vld [tilespmem:s12+$0xFFFFFFA0];
	_ =	sdelay $0x4  }
0xd5: {  	v2 =	vand.u32 $0x3FFF, v1;
	v1 =	vshrl.u32 v1, $0xE  }
0xd6: {  	[tilespmem:$0x2740] =	vst v2;
	v1 =	vand.u32 $0x3FFF, v1  }
0xd7: {  	[tilespmem:$0x2830] =	vst v1  }
0xd8: {  	v1 =	vld [tilespmem:s12+$0xFFFFFFB0];
	_ =	sdelay $0x4  }
0xd9: {  	v2 =	vand.u32 $0x3FFF, v1;
	v1 =	vshrl.u32 v1, $0xE  }
0xda: {  	[tilespmem:$0x2750] =	vst v2;
	v1 =	vand.u32 $0x3FFF, v1  }
0xdb: {  	[tilespmem:$0x2840] =	vst v1  }
0xdc: {  	[tilespmem:s17], [sflag:$0x1] =	stream.indirect.gather [hbm4b:s1+s19], $0x40, s20, s19, $0xb8;
	[tilespmem:$0x12CF0] =	vst v63  }
0xdd: {  	_ =	swait.ge [sflag:s2], $0x1400  }
0xde: {  	[sflag:s2] =	ssyncset.done $0x0  }
0xdf: {  	[sflag:s2] =	ssyncadd.s32 $0xFFFFEC00  }
0xe0: {  	[spmem:s3] =	stream.indirect.scatter.add.bf16 [tilespmem:s28], [sflag:$0x6], $0x40, s0, s19, $0xb8;
	[tilespmem:$0x12CF0] =	vst v63  }
0xe1: {  	_ =	swait.ge [sflag:s6], $0x1400  }
0xe2: {  	[sflag:s6] =	ssyncset.done $0x0  }
0xe3: {  	[sflag:s6] =	ssyncadd.s32 $0xFFFFEC00  }
0xe4: {  	v1 =	vld [tilespmem:s12+$0xFFFFFFC0];
	_ =	sdelay $0x4  }
0xe5: {  	v2 =	vand.u32 $0x3FFF, v1;
	v1 =	vshrl.u32 v1, $0xE  }
0xe6: {  	[tilespmem:$0x2760] =	vst v2;
	v1 =	vand.u32 $0x3FFF, v1  }
0xe7: {  	[tilespmem:$0x2850] =	vst v1  }
0xe8: {  	v1 =	vld [tilespmem:s12+$0xFFFFFFD0];
	_ =	sdelay $0x4  }
0xe9: {  	v2 =	vand.u32 $0x3FFF, v1;
	v1 =	vshrl.u32 v1, $0xE  }
0xea: {  	[tilespmem:$0x2770] =	vst v2;
	v1 =	vand.u32 $0x3FFF, v1  }
0xeb: {  	[tilespmem:$0x2860] =	vst v1  }
0xec: {  	v1 =	vld [tilespmem:s12+$0xFFFFFFE0];
	_ =	sdelay $0x4  }
0xed: {  	v2 =	vand.u32 $0x3FFF, v1;
	v1 =	vshrl.u32 v1, $0xE  }
0xee: {  	[tilespmem:$0x2780] =	vst v2;
	v1 =	vand.u32 $0x3FFF, v1  }
0xef: {  	[tilespmem:$0x2870] =	vst v1  }
0xf0: {  	v1 =	vld [tilespmem:s12+$0xFFFFFFF0];
	_ =	sdelay $0x4  }
0xf1: {  	v2 =	vand.u32 $0x3FFF, v1;
	v1 =	vshrl.u32 v1, $0xE  }
0xf2: {  	[tilespmem:$0x2790] =	vst v2;
	v1 =	vand.u32 $0x3FFF, v1  }
0xf3: {  	[tilespmem:$0x2880] =	vst v1  }
0xf4: {  	v1 =	vld [tilespmem:s12+$0x0];
	_ =	sdelay $0x4  }
0xf5: {  	v2 =	vand.u32 $0x3FFF, v1;
	v1 =	vshrl.u32 v1, $0xE  }
0xf6: {  	[tilespmem:$0x27A0] =	vst v2;
	v1 =	vand.u32 $0x3FFF, v1  }
0xf7: {  	s12 =	simm.s32 $0xD80;
	[tilespmem:$0x2890] =	vst v1  }
.LBB2_4:
0xf8: {  	[tilespmem:s22], [sflag:$0x2] =	stream.indirect.gather [hbm4b:s1+s19], $0x40, s21, s19, $0xb8;
	[tilespmem:$0x12CF0] =	vst v63  }
0xf9: {  	s7 =	smov.u32 s12  }
0xfa: {  	p0 =	sne.s32 s12, $0x9C00;
	s12 =	sadd.s32 $0x3C0, s12;
	_ =	swait.ge [sflag:s24], $0x1400  }
0xfb: {  	[sflag:s24] =	ssyncset.done $0x0  }
0xfc: {  	[sflag:s24] =	ssyncadd.s32 $0xFFFFEC00  }
0xfd: {  	[spmem:s3] =	stream.indirect.scatter.add.bf16 [tilespmem:s17], [sflag:$0x4], $0x40, s25, s19, $0xb8;
	[tilespmem:$0x12CF0] =	vst v63  }
0xfe: {  	_ =	swait.ge [sflag:s8], $0x1400  }
0xff: {  	[sflag:s8] =	ssyncset.done $0x0  }
0x100: {  	s13 =	sshra.s32 s7, $0x2;
	[sflag:s8] =	ssyncadd.s32 $0xFFFFEC00  }
0x101: {  	v1 =	vld [tilespmem:s13+$0xFFFFFF20];
	_ =	sdelay $0x4  }
0x102: {  	v2 =	vand.u32 $0x3FFF, v1;
	v1 =	vshrl.u32 v1, $0xE  }
0x103: {  	[tilespmem:$0x27B0] =	vst v2;
	v1 =	vand.u32 $0x3FFF, v1  }
0x104: {  	[tilespmem:$0x28A0] =	vst v1  }
0x105: {  	v1 =	vld [tilespmem:s13+$0xFFFFFF30];
	_ =	sdelay $0x4  }
0x106: {  	v2 =	vand.u32 $0x3FFF, v1;
	v1 =	vshrl.u32 v1, $0xE  }
0x107: {  	[tilespmem:$0x27C0] =	vst v2;
	v1 =	vand.u32 $0x3FFF, v1  }
0x108: {  	[tilespmem:$0x28B0] =	vst v1  }
0x109: {  	v1 =	vld [tilespmem:s13+$0xFFFFFF40];
	_ =	sdelay $0x4  }
0x10a: {  	v2 =	vand.u32 $0x3FFF, v1;
	v1 =	vshrl.u32 v1, $0xE  }
0x10b: {  	[tilespmem:$0x27D0] =	vst v2;
	v1 =	vand.u32 $0x3FFF, v1  }
0x10c: {  	[tilespmem:$0x28C0] =	vst v1  }
0x10d: {  	v1 =	vld [tilespmem:s13+$0xFFFFFF50];
	_ =	sdelay $0x4  }
0x10e: {  	v2 =	vand.u32 $0x3FFF, v1;
	v1 =	vshrl.u32 v1, $0xE  }
0x10f: {  	[tilespmem:$0x27E0] =	vst v2;
	v1 =	vand.u32 $0x3FFF, v1  }
0x110: {  	[tilespmem:$0x28D0] =	vst v1  }
0x111: {  	v1 =	vld [tilespmem:s13+$0xFFFFFF60];
	_ =	sdelay $0x4  }
0x112: {  	v2 =	vand.u32 $0x3FFF, v1;
	v1 =	vshrl.u32 v1, $0xE  }
0x113: {  	[tilespmem:$0x27F0] =	vst v2;
	v1 =	vand.u32 $0x3FFF, v1  }
0x114: {  	[tilespmem:$0x28E0] =	vst v1  }
0x115: {  	[tilespmem:s28], [sflag:$0x3] =	stream.indirect.gather [hbm4b:s1+s19], $0x40, s26, s19, $0xb8;
	[tilespmem:$0x12CF0] =	vst v63  }
0x116: {  	_ =	swait.ge [sflag:s29], $0x1400  }
0x117: {  	[sflag:s29] =	ssyncset.done $0x0  }
0x118: {  	[sflag:s29] =	ssyncadd.s32 $0xFFFFEC00  }
0x119: {  	[spmem:s3] =	stream.indirect.scatter.add.bf16 [tilespmem:s22], [sflag:$0x5], $0x40, s30, s19, $0xb8;
	[tilespmem:$0x12CF0] =	vst v63  }
0x11a: {  	_ =	swait.ge [sflag:s31], $0x1400  }
0x11b: {  	[sflag:s31] =	ssyncset.done $0x0  }
0x11c: {  	[sflag:s31] =	ssyncadd.s32 $0xFFFFEC00  }
0x11d: {  	v1 =	vld [tilespmem:s13+$0xFFFFFF70];
	_ =	sdelay $0x4  }
0x11e: {  	v2 =	vand.u32 $0x3FFF, v1;
	v1 =	vshrl.u32 v1, $0xE  }
0x11f: {  	[tilespmem:$0x2710] =	vst v2;
	v1 =	vand.u32 $0x3FFF, v1  }
0x120: {  	[tilespmem:$0x2800] =	vst v1  }
0x121: {  	v1 =	vld [tilespmem:s13+$0xFFFFFF80];
	_ =	sdelay $0x4  }
0x122: {  	v2 =	vand.u32 $0x3FFF, v1;
	v1 =	vshrl.u32 v1, $0xE  }
0x123: {  	[tilespmem:$0x2720] =	vst v2;
	v1 =	vand.u32 $0x3FFF, v1  }
0x124: {  	[tilespmem:$0x2810] =	vst v1  }
0x125: {  	v1 =	vld [tilespmem:s13+$0xFFFFFF90];
	_ =	sdelay $0x4  }
0x126: {  	v2 =	vand.u32 $0x3FFF, v1;
	v1 =	vshrl.u32 v1, $0xE  }
0x127: {  	[tilespmem:$0x2730] =	vst v2;
	v1 =	vand.u32 $0x3FFF, v1  }
0x128: {  	[tilespmem:$0x2820] =	vst v1  }
0x129: {  	v1 =	vld [tilespmem:s13+$0xFFFFFFA0];
	_ =	sdelay $0x4  }
0x12a: {  	v2 =	vand.u32 $0x3FFF, v1;
	v1 =	vshrl.u32 v1, $0xE  }
0x12b: {  	[tilespmem:$0x2740] =	vst v2;
	v1 =	vand.u32 $0x3FFF, v1  }
0x12c: {  	[tilespmem:$0x2830] =	vst v1  }
0x12d: {  	v1 =	vld [tilespmem:s13+$0xFFFFFFB0];
	_ =	sdelay $0x4  }
0x12e: {  	v2 =	vand.u32 $0x3FFF, v1;
	v1 =	vshrl.u32 v1, $0xE  }
0x12f: {  	[tilespmem:$0x2750] =	vst v2;
	v1 =	vand.u32 $0x3FFF, v1  }
0x130: {  	[tilespmem:$0x2840] =	vst v1  }
0x131: {  	[tilespmem:s17], [sflag:$0x1] =	stream.indirect.gather [hbm4b:s1+s19], $0x40, s20, s19, $0xb8;
	[tilespmem:$0x12CF0] =	vst v63  }
0x132: {  	_ =	swait.ge [sflag:s2], $0x1400  }
0x133: {  	[sflag:s2] =	ssyncset.done $0x0  }
0x134: {  	[sflag:s2] =	ssyncadd.s32 $0xFFFFEC00  }
0x135: {  	[spmem:s3] =	stream.indirect.scatter.add.bf16 [tilespmem:s28], [sflag:$0x6], $0x40, s0, s19, $0xb8;
	[tilespmem:$0x12CF0] =	vst v63  }
0x136: {  	_ =	swait.ge [sflag:s6], $0x1400  }
0x137: {  	[sflag:s6] =	ssyncset.done $0x0  }
0x138: {  	[sflag:s6] =	ssyncadd.s32 $0xFFFFEC00  }
0x139: {  	v1 =	vld [tilespmem:s13+$0xFFFFFFC0];
	_ =	sdelay $0x4  }
0x13a: {  	v2 =	vand.u32 $0x3FFF, v1;
	v1 =	vshrl.u32 v1, $0xE  }
0x13b: {  	[tilespmem:$0x2760] =	vst v2;
	v1 =	vand.u32 $0x3FFF, v1  }
0x13c: {  	[tilespmem:$0x2850] =	vst v1  }
0x13d: {  	v1 =	vld [tilespmem:s13+$0xFFFFFFD0];
	_ =	sdelay $0x4  }
0x13e: {  	v2 =	vand.u32 $0x3FFF, v1;
	v1 =	vshrl.u32 v1, $0xE  }
0x13f: {  	[tilespmem:$0x2770] =	vst v2;
	v1 =	vand.u32 $0x3FFF, v1  }
0x140: {  	[tilespmem:$0x2860] =	vst v1  }
0x141: {  	v1 =	vld [tilespmem:s13+$0xFFFFFFE0];
	_ =	sdelay $0x4  }
0x142: {  	v2 =	vand.u32 $0x3FFF, v1;
	v1 =	vshrl.u32 v1, $0xE  }
0x143: {  	[tilespmem:$0x2780] =	vst v2;
	v1 =	vand.u32 $0x3FFF, v1  }
0x144: {  	[tilespmem:$0x2870] =	vst v1  }
0x145: {  	v1 =	vld [tilespmem:s13+$0xFFFFFFF0];
	_ =	sdelay $0x4  }
0x146: {  	v2 =	vand.u32 $0x3FFF, v1;
	v1 =	vshrl.u32 v1, $0xE  }
0x147: {  	[tilespmem:$0x2790] =	vst v2;
	v1 =	vand.u32 $0x3FFF, v1  }
0x148: {  	[tilespmem:$0x2880] =	vst v1  }
0x149: {  	v1 =	vld [tilespmem:s13+$0x0];
	_ =	sdelay $0x2  }
.Ltmp1:
0x14a: {  	(pc) =	sbr.rel @p0 .LBB2_4-.Ltmp1, $4  }
0x14b: {  	_ = 	snop  }
0x14c: {  	v2 =	vand.u32 $0x3FFF, v1;
	v1 =	vshrl.u32 v1, $0xE  }
0x14d: {  	[tilespmem:$0x27A0] =	vst v2;
	v1 =	vand.u32 $0x3FFF, v1  }
0x14e: {  	[tilespmem:$0x2890] =	vst v1  }
0x14f: {  	[tilespmem:s22], [sflag:$0x2] =	stream.indirect.gather [hbm4b:s1+s19], $0x40, s21, s19, $0xb8;
	[tilespmem:$0x12CF0] =	vst v63  }
0x150: {  	_ =	swait.ge [sflag:s24], $0x1400  }
0x151: {  	[sflag:s24] =	ssyncset.done $0x0  }
0x152: {  	[sflag:s24] =	ssyncadd.s32 $0xFFFFEC00  }
0x153: {  	[spmem:s3] =	stream.indirect.scatter.add.bf16 [tilespmem:s17], [sflag:$0x4], $0x40, s25, s19, $0xb8;
	[tilespmem:$0x12CF0] =	vst v63  }
0x154: {  	_ =	swait.ge [sflag:s29], $0x1400  }
0x155: {  	[sflag:s29] =	ssyncset.done $0x0  }
0x156: {  	[sflag:s29] =	ssyncadd.s32 $0xFFFFEC00  }
0x157: {  	_ =	swait.ge [sflag:s8], $0x1400  }
0x158: {  	[sflag:s8] =	ssyncset.done $0x0  }
0x159: {  	[sflag:s8] =	ssyncadd.s32 $0xFFFFEC00  }
0x15a: {  	[spmem:s3] =	stream.indirect.scatter.add.bf16 [tilespmem:s22], [sflag:$0x5], $0x40, s30, s19, $0xb8;
	[tilespmem:$0x12CF0] =	vst v63  }
0x15b: {  	_ =	swait.ge [sflag:s31], $0x1400  }
0x15c: {  	[sflag:s31] =	ssyncset.done $0x0  }
0x15d: {  	[sflag:s31] =	ssyncadd.s32 $0xFFFFEC00  }
0x15e: {  	_ =	swait.ge [sflag:s6], $0x1400  }
0x15f: {  	[sflag:s6] =	ssyncset.done $0x0  }
0x160: {  	[sflag:s6] =	ssyncadd.s32 $0xFFFFEC00  }
0x161: {  	s12 =	simm.s32 $0x0;
	[bflag:$0x0] =	sbarrier.arrive $0xFFFF  }
.LBB2_6:
0x162: {  	s7 =	smul.u32 $0x50, s12;
	_ =	sdelay $0x1  }
0x163: {  	s13 =	sadd.s32 s5, s7  }
0x164: {  	s7 =	sshll.u32 s13, $0x6  }
0x165: {  	s7 =	sand.u32 $0x3FFFFFC0, s7  }
0x166: {  	s7 =	sadd.s32 s7, s3  }
0x167: {  	[tilespmem:s17], [sflag:$0x8] =	stream.linear.gather [spmem:s7], $0x1400, $0x38;
	[tilespmem:$0x12CF0] =	vst v63  }
0x168: {  	_ =	swait.ge [sflag:s9], $0x1400  }
0x169: {  	[sflag:s9] =	ssyncset.done $0x0  }
0x16a: {  	s15 =	simm.s32 $0x30;
	[sflag:s9] =	ssyncadd.s32 $0xFFFFEC00  }
0x16b: {  	v1 =	vld [tilespmem:s15+$0x28C0];
	_ =	sdelay $0x4  }
0x16c: {  	s14 =	simm.s32 $0x6530;
	v2 =	vshll.u32 v1, $0x10  }
0x16d: {  	v1 =	vand.u32 $0xFFFF0000, v1;
	[tilespmem:s14+$0xFFFFFFC0] =	vst v2  }
0x16e: {  	[tilespmem:s14+$0x0] =	vst v1  }
0x16f: {  	v1 =	vld [tilespmem:s15+$0x28D0];
	_ =	sdelay $0x4  }
0x170: {  	v2 =	vshll.u32 v1, $0x10  }
0x171: {  	v1 =	vand.u32 $0xFFFF0000, v1;
	[tilespmem:s14+$0xFFFFFFD0] =	vst v2  }
0x172: {  	[tilespmem:s14+$0x10] =	vst v1  }
0x173: {  	v1 =	vld [tilespmem:s15+$0x28E0];
	_ =	sdelay $0x4  }
0x174: {  	v2 =	vand.u32 $0xFFFF0000, v1  }
0x175: {  	v1 =	vshll.u32 v1, $0x10;
	[tilespmem:s14+$0x20] =	vst v2  }
0x176: {  	[tilespmem:s14+$0xFFFFFFE0] =	vst v1  }
0x177: {  	v1 =	vld [tilespmem:s15+$0x28F0];
	_ =	sdelay $0x4  }
0x178: {  	v2 =	vshll.u32 v1, $0x10  }
0x179: {  	v1 =	vand.u32 $0xFFFF0000, v1;
	[tilespmem:s14+$0xFFFFFFF0] =	vst v2  }
0x17a: {  	s15 =	simm.s32 $0x70;
	[tilespmem:s14+$0x30] =	vst v1  }
0x17b: {  	v1 =	vld [tilespmem:s15+$0x28C0]  }
0x17c: {  	s7 =	simm.s32 $0x2C0  }
.LBB2_7:
0x17d: {  	p0 =	sne.s32 s7, $0x4FC0;
	_ =	sdelay $0x2  }
0x17e: {  	s14 =	sadd.s32 $0x80, s14;
	v2 =	vshll.u32 v1, $0x10  }
0x17f: {  	v1 =	vand.u32 $0xFFFF0000, v1;
	[tilespmem:s14+$0xFFFFFFC0] =	vst v2  }
0x180: {  	[tilespmem:s14+$0x0] =	vst v1  }
0x181: {  	v1 =	vld [tilespmem:s15+$0x28D0];
	_ =	sdelay $0x4  }
0x182: {  	v2 =	vshll.u32 v1, $0x10  }
0x183: {  	v1 =	vand.u32 $0xFFFF0000, v1;
	[tilespmem:s14+$0xFFFFFFD0] =	vst v2  }
0x184: {  	[tilespmem:s14+$0x10] =	vst v1  }
0x185: {  	v1 =	vld [tilespmem:s15+$0x28E0];
	_ =	sdelay $0x4  }
0x186: {  	v2 =	vshll.u32 v1, $0x10;
	v1 =	vand.u32 $0xFFFF0000, v1  }
0x187: {  	[tilespmem:s14+$0x20] =	vst v1  }
0x188: {  	[tilespmem:s14+$0xFFFFFFE0] =	vst v2  }
0x189: {  	v1 =	vld [tilespmem:s15+$0x28F0];
	_ =	sdelay $0x4  }
.Ltmp2:
0x18a: {  	v2 =	vshll.u32 v1, $0x10;
	v1 =	vand.u32 $0xFFFF0000, v1;
	(pc) =	sbr.rel @p0 .LBB2_7-.Ltmp2, $4  }
0x18b: {  	[tilespmem:s14+$0xFFFFFFF0] =	vst v2  }
0x18c: {  	s15 =	sshra.s32 s7, $0x2;
	[tilespmem:s14+$0x30] =	vst v1  }
0x18d: {  	v1 =	vld [tilespmem:s15+$0x28C0]  }
0x18e: {  	s7 =	sadd.s32 $0x100, s7  }
0x18f: {  	_ =	sdelay $0x2  }
0x190: {  	s7 =	sadd.s32 $0x80, s14;
	v2 =	vshll.u32 v1, $0x10  }
0x191: {  	v1 =	vand.u32 $0xFFFF0000, v1;
	[tilespmem:s7+$0xFFFFFFC0] =	vst v2  }
0x192: {  	[tilespmem:s7+$0x0] =	vst v1  }
0x193: {  	v1 =	vld [tilespmem:s15+$0x28D0];
	_ =	sdelay $0x4  }
0x194: {  	v2 =	vshll.u32 v1, $0x10  }
0x195: {  	v1 =	vand.u32 $0xFFFF0000, v1;
	[tilespmem:s7+$0xFFFFFFD0] =	vst v2  }
0x196: {  	[tilespmem:s7+$0x10] =	vst v1  }
0x197: {  	v1 =	vld [tilespmem:s15+$0x28E0];
	_ =	sdelay $0x4  }
0x198: {  	v2 =	vand.u32 $0xFFFF0000, v1  }
0x199: {  	v1 =	vshll.u32 v1, $0x10;
	[tilespmem:s7+$0x20] =	vst v2  }
0x19a: {  	[tilespmem:s7+$0xFFFFFFE0] =	vst v1  }
0x19b: {  	v1 =	vld [tilespmem:s15+$0x28F0];
	_ =	sdelay $0x4  }
0x19c: {  	s12 =	sadd.s32 $0x1, s12;
	v2 =	vshll.u32 v1, $0x10  }
0x19d: {  	s13 =	sshll.u32 s13, $0x4;
	p0 =	sne.s32 s12, $0x8;
	v1 =	vand.u32 $0xFFFF0000, v1;
	[tilespmem:s7+$0xFFFFFFF0] =	vst v2  }
.Ltmp3:
0x19e: {  	s15 =	sadd.s32 s16, s13;
	[tilespmem:s7+$0x30] =	vst v1;
	(pc) =	sbr.rel @p0 .LBB2_6-.Ltmp3, $4  }
0x19f: {  	[hbm4b:s15+s4] =	stream.linear.scatter [tilespmem:s10], [sflag:s23], $0x2800, $0x38;
	[tilespmem:$0x12CF0] =	vst v63  }
0x1a0: {  	_ =	swait.ge [sflag:s23], $0x2800  }
0x1a1: {  	[sflag:s23] =	ssyncset.done $0x0  }
0x1a2: {  	[sflag:s23] =	ssyncadd.s32 $0xFFFFD800  }
0x1a3: {  	s11 =	sadd.s32 $0x1, s11;
	s7 =	rddreg [dreg:$0x6]  }
0x1a4: {  	p0 =	sne.s32 s11, s7  }
.Ltmp4:
0x1a5: {  	_ = 	snop;
	(pc) =	sbr.rel @p0 .LBB2_1-.Ltmp4, $1  }
0x1a6: {  	_ =	sdelay $0x3  }
0x1a7: {  	_ =	sfence.sel $0x180000  }
0x1a8: {  	[bflag:$0x0] =	sbarrier.arrive $0xFFFF  }
0x1a9: {  	_ =	strace $0x9000004A  }
0x1aa: {  	s0 =	stileid.u32;
	[bflag:$0x2] =	sbarrier.arrive $0xFFFF  }
0x1ab: {  	p0 =	sne.s32 s0, $0x0;
	s0 =	rddreg [dreg:$0x3]  }
0x1ac: {  	s0 =	sadd.s32 @!p0 $0x100000, s0  }
0x1ad: {  	[sflag:s0] =	ssyncadd.tile.s32 @!p0 $0x1;
	_ =	shalt  }
.Lfunc_end2:
_tile_overlayer_lowered:
.L_overlay_start_2:
0x1ae: {  	(tag) =	ssettag $0x2  }
0x1af: {  	s0 =	rddreg [dreg:$0x0];
	s2 =	stileid.u32  }
0x1b0: {  	s1 =	rddreg [dreg:$0x1];
	p0 =	sne.s32 s2, $0x0  }
0x1b1: {  	s3 =	rddreg [dreg:$0x2];
	[bflag:$0x3] =	sbarrier.arrive $0xFFFF;
	s2 =	simm.s32 @!p0 $0x1C07  }
0x1b2: {  	[timem:s3], [sflag:s2] =	dma.local @!p0 [hbm:s0], s1  }
0x1b3: {  	s0 =	simm.s32 @!p0 $0x7  }
0x1b4: {  	_ =	swait.ge @!p0 [sflag:s0], s1  }
0x1b5: {  	s1 =	ssub.s32 @!p0 $0x0, s1;
	[sflag:s0] =	ssyncset.done @!p0 $0x0  }
0x1b6: {  	[sflag:s0] =	ssyncadd.s32 @!p0 s1  }
0x1b7: {  	[bflag:$0x3] =	sbarrier.arrive $0xFFFF  }
0x1b8: {  	_ =	shalt  }

// kernel: sc_segment_sum_counts.3.cloned.1.call-start
scs
__scs_entry_jumppad:
0x0: {  	(pc) =	sbr.rel $0x88, $3  }
0x1: {  	(tag) =	ssettag $0x0;
	lr =	simm.s32 $0x1  }
0x2: {  	[smem:$0x3F97] =	sst lr;
	_ =	strace $0xD0000000  }
0x3: {  	_ = 	snop  }
0x4: {  	_ = 	snop  }
0x5: {  	_ = 	snop  }
0x6: {  	_ = 	snop  }
0x7: {  	_ = 	snop  }
__scs_overlays_trampoline_lowered:
0x8: {  	[smem:$0x3FA6] =	sst s0  }
0x9: {  	[smem:$0x3FA7] =	sst s1  }
0xa: {  	[smem:$0x3FA8] =	sst s2  }
0xb: {  	[smem:$0x3FA9] =	sst s3  }
0xc: {  	[smem:$0x3FAA] =	sst s4  }
0xd: {  	[smem:$0x3FAB] =	sst s5  }
0xe: {  	[smem:$0x3FAC] =	sst s6  }
0xf: {  	[smem:$0x3FAD] =	sst s7  }
0x10: {  	[smem:$0x3FAE] =	sst s8  }
0x11: {  	[smem:$0x3FAF] =	sst s9;
	s0 =	simm.s32 @!p0 $0x0  }
0x12: {  	s1 =	sld [smem:$0x3F95];
	s0 =	simm.s32 @p0 $0x1  }
0x13: {  	[smem:$0x3FB0] =	sst s0;
	s0 =	simm.s32 @!p1 $0x0  }
0x14: {  	s2 =	sld [smem:$0x3F94];
	s0 =	simm.s32 @p1 $0x1  }
0x15: {  	[smem:$0x3FB1] =	sst s0;
	s0 =	simm.s32 @!p2 $0x0  }
0x16: {  	s3 =	sld [smem:$0x3FDB];
	s0 =	simm.s32 @p2 $0x1  }
0x17: {  	s4 =	simm.s32 $0x1BF5;
	[smem:$0x3FB3] =	sst s0  }
0x18: {  	s0 =	sld [smem:$0x3F96];
	_ =	swait.ge [sflag:s4], $0x0  }
0x19: {  	s7 =	sld [smem:$0x3F97]  }
0x1a: {  	s8 =	sadd.s32 $0xFFFFE003, lr  }
0x1b: {  	s9 =	sadd.s32 $0xFFFFFEF7, lr;
	s5 =	simm.s32 $0xFFFFFFFF;
	p2 =	slt.u32 s8, $0xFFFFF086  }
0x1c: {  	p1 =	slt.u32 s9, $0xF7A;
	s5 =	simm.s32 @!p2 $0x0  }
0x1d: {  	s5 =	simm.s32 @p1 $0x1;
	p0 =	seq.s32 s7, s2  }
0x1e: {  	s7 =	smul.u32 @!p0 $0xF7A, s2;
	p2 =	seq.s32 @!p0 s5, $0x0  }
0x1f: {  	s9 =	smul.u32 $0xF7A, s1;
	s8 =	simm.s32 @!p0 $0x1BF5;
	p2 =	por !p2, p0  }
0x20: {  	[sflag:s8] =	ssyncset.s32 @!p0 $0xFFFFF086;
	s6 =	sadd.s32 @!p0 s3, s7;
	s7 =	simm.s32 @!p0 $0x108  }
0x21: {  	s3 =	sadd.s32 s3, s9;
	s6 =	sadd.s32 @!p0 $0x88, s6;
	s7 =	simm.s32 @p2 $0x1082  }
0x22: {  	[simem:s7], [sflag:s8] =	dma.local @!p0 [hbm:s6], $0xF7A  }
0x23: {  	s9 =	sor.u32 $0xD0000000, s2;
	s6 =	simm.s32 $0x108;
	_ =	swait.ge @!p0 [sflag:s8], $0x0  }
0x24: {  	s3 =	sadd.s32 $0x88, s3;
	s6 =	simm.s32 @!p1 $0x1082;
	[sflag:s4] =	ssyncset.s32 $0xFFFFF086  }
0x25: {  	[simem:s6], [sflag:s4] =	dma.local [hbm:s3], $0xF7A  }
0x26: {  	[smem:$0x3F97] =	sst s1;
	(tag) =	ssettag s2;
	_ =	strace s9  }
0x27: {  	s1 =	sld [smem:$0x3FA7]  }
0x28: {  	s2 =	sld [smem:$0x3FA8]  }
0x29: {  	s4 =	sld [smem:$0x3FAA]  }
0x2a: {  	p0 =	seq.s32 s5, $0x0;
	s5 =	sld [smem:$0x3FAB]  }
0x2b: {  	s6 =	sld [smem:$0x3FAC]  }
0x2c: {  	s7 =	sld [smem:$0x3FAD]  }
0x2d: {  	s3 =	simm.s32 $0x108;
	s8 =	sld [smem:$0x3FAE]  }
0x2e: {  	s3 =	simm.s32 @!p0 $0x1082;
	s9 =	sld [smem:$0x3FAF]  }
0x2f: {  	lr =	sadd.s32 s0, s3;
	s0 =	sld [smem:$0x3FA6]  }
0x30: {  	s3 =	sld [smem:$0x3FA9]  }
0x31: {  	[smem:$0x3FB2] =	sst s10  }
0x32: {  	s10 =	sld [smem:$0x3FB0];
	_ =	sdelay $0x3  }
0x33: {  	p0 =	seq.s32 s10, $0x1;
	s10 =	sld [smem:$0x3FB2];
	_ =	sdelay $0x3  }
0x34: {  	[smem:$0x3FB2] =	sst s10  }
0x35: {  	s10 =	sld [smem:$0x3FB1];
	_ =	sdelay $0x3  }
0x36: {  	p1 =	seq.s32 s10, $0x1;
	s10 =	sld [smem:$0x3FB2];
	_ =	sdelay $0x3  }
0x37: {  	[smem:$0x3FB2] =	sst s10  }
0x38: {  	s10 =	sld [smem:$0x3FB3]  }
0x39: {  	_ = 	snop;
	(pc) =	sbr.ind lr, $3  }
0x3a: {  	_ = 	snop  }
0x3b: {  	_ = 	snop  }
0x3c: {  	p2 =	seq.s32 s10, $0x1;
	s10 =	sld [smem:$0x3FB2]  }
0x3d: {  	_ =	shalt  }
0x3e: {  	_ =	shalt  }
0x3f: {  	_ =	shalt  }
0x40: {  	_ =	shalt  }
0x41: {  	_ =	shalt  }
0x42: {  	_ =	shalt  }
0x43: {  	_ =	shalt  }
0x44: {  	_ =	shalt  }
0x45: {  	_ =	shalt  }
0x46: {  	_ =	shalt  }
0x47: {  	_ =	shalt  }
0x48: {  	_ =	shalt  }
0x49: {  	_ =	shalt  }
0x4a: {  	_ =	shalt  }
0x4b: {  	_ =	shalt  }
0x4c: {  	_ =	shalt  }
0x4d: {  	_ =	shalt  }
0x4e: {  	_ =	shalt  }
0x4f: {  	_ =	shalt  }
0x50: {  	_ =	shalt  }
0x51: {  	_ =	shalt  }
0x52: {  	_ =	shalt  }
0x53: {  	_ =	shalt  }
0x54: {  	_ =	shalt  }
0x55: {  	_ =	shalt  }
0x56: {  	_ =	shalt  }
0x57: {  	_ =	shalt  }
0x58: {  	_ =	shalt  }
0x59: {  	_ =	shalt  }
0x5a: {  	_ =	shalt  }
0x5b: {  	_ =	shalt  }
0x5c: {  	_ =	shalt  }
0x5d: {  	_ =	shalt  }
0x5e: {  	_ =	shalt  }
0x5f: {  	_ =	shalt  }
0x60: {  	_ =	shalt  }
0x61: {  	_ =	shalt  }
0x62: {  	_ =	shalt  }
0x63: {  	_ =	shalt  }
0x64: {  	_ =	shalt  }
0x65: {  	_ =	shalt  }
0x66: {  	_ =	shalt  }
0x67: {  	_ =	shalt  }
0x68: {  	_ =	shalt  }
0x69: {  	_ =	shalt  }
0x6a: {  	_ =	shalt  }
0x6b: {  	_ =	shalt  }
0x6c: {  	_ =	shalt  }
0x6d: {  	_ =	shalt  }
0x6e: {  	_ =	shalt  }
0x6f: {  	_ =	shalt  }
0x70: {  	_ =	shalt  }
0x71: {  	_ =	shalt  }
0x72: {  	_ =	shalt  }
0x73: {  	_ =	shalt  }
0x74: {  	_ =	shalt  }
0x75: {  	_ =	shalt  }
0x76: {  	_ =	shalt  }
0x77: {  	_ =	shalt  }
0x78: {  	_ =	shalt  }
0x79: {  	_ =	shalt  }
0x7a: {  	_ =	shalt  }
0x7b: {  	_ =	shalt  }
0x7c: {  	_ =	shalt  }
0x7d: {  	_ =	shalt  }
0x7e: {  	_ =	shalt  }
0x7f: {  	_ =	shalt  }
0x80: {  	_ =	shalt  }
0x81: {  	_ =	shalt  }
0x82: {  	_ =	shalt  }
0x83: {  	_ =	shalt  }
0x84: {  	_ =	shalt  }
0x85: {  	_ =	shalt  }
0x86: {  	_ =	shalt  }
0x87: {  	_ =	shalt  }
.Lfunc_end0:
.L_simem_size_0:
called_computation_lowered:
.L_overlay_start_0:
0x88: {  	s2 =	sld [smem:$0x3FD9]  }
0x89: {  	s3 =	sld [smem:$0x3FFE];
	_ =	sdelay $0x1  }
0x8a: {  	s1 =	srdreg.scid  }
0x8b: {  	s0 =	sand.u32 $0x1, s1  }
0x8c: {  	s14 =	sshll.u32 s0, $0xA;
	s2 =	sadd.s32 s3, s2  }
0x8d: {  	s2 =	sadd.s32 s2, s14  }
0x8e: {  	[smem:$0x3FBE] =	sst s2  }
0x8f: {  	_ = 	snop  }
0x90: {  	s2 =	sld [smem:$0x3FD0];
	_ =	sdelay $0x2  }
0x91: {  	s15 =	simm.s32 $0xA;
	s4 =	simm.s32 $0x10  }
0x92: {  	[smem:s4], [sflag:s15] =	dma.local [hbm:s2], $0x1  }
0x93: {  	_ =	swait.eq [sflag:s15], $0x1  }
0x94: {  	[sflag:s15] =	ssyncset.done $0x0  }
0x95: {  	s16 =	sld [smem:$0x10];
	[sflag:s15] =	ssyncadd.s32 $0xFFFFFFFF  }
0x96: {  	s17 =	sld [smem:$0x11];
	(tm) =	ssettm $0x1  }
0x97: {  	s18 =	sld [smem:$0x3FFB];
	_ =	sdelay $0x3  }
0x98: {  	_ =	strace s18  }
0x99: {  	s4 =	sld [smem:$0x3FFC];
	_ =	sdelay $0x3  }
0x9a: {  	_ =	strace s4  }
0x9b: {  	s4 =	sld [smem:$0x3FFD];
	_ =	sdelay $0x3  }
0x9c: {  	_ =	strace s4  }
0x9d: {  	_ =	strace $0x8FFFFFFF  }
0x9e: {  	s19 =	sld [smem:$0x3FDB];
	_ =	sdelay $0x1  }
0x9f: {  	s5 =	simm.s32 $_scs_section_size  }
0xa0: {  	s6 =	simm.s32 $_size__tile_overlayer_lowered;
	s7 =	simm.s32 $_tile_overlayer_lowered  }
0xa1: {  	s22 =	simm.s32 $0x1BFF;
	s21 =	sshll.u32 s7, $0x1;
	s4 =	sadd.s32 s5, s19  }
0xa2: {  	s8 =	simm.s32 $0x0;
	s20 =	sshll.u32 s6, $0x1;
	s6 =	sadd.s32 s21, s4  }
0xa3: {  	[timem:s8], [sflag:s22] =	dma.local [hbm:s6], s20  }
0xa4: {  	_ =	swait.ge [sflag:s22], s20  }
0xa5: {  	s5 =	ssub.s32 $0x0, s20;
	[sflag:s22] =	ssyncset.done $0x0  }
0xa6: {  	[sflag:s22] =	ssyncadd.s32 s5;
	_ =	sdelay $0x1  }
0xa7: {  	s23 =	simm.s32 $0x1B8B  }
0xa8: {  	_ =	swait.ge [sflag:s23], $0x1  }
0xa9: {  	[sflag:s23] =	ssyncset.done $0x0  }
0xaa: {  	s25 =	simm.s32 $0x1B8E;
	s24 =	sld [smem:$0x3FFE];
	[sflag:s23] =	ssyncadd.s32 $0xFFFFFFFF  }
0xab: {  	s26 =	simm.s32 $execute0_lowered;
	[smem:$0x3FD2] =	sst s25  }
0xac: {  	s6 =	sshll.u32 s26, $0x1;
	_ =	strace $0x80000046;
	[dreg:$0x1] =	wrdreg $0xFFFFFFFF  }
0xad: {  	s28 =	simm.s32 $_size_execute0_lowered;
	s4 =	sadd.s32 s4, s6;
	[dreg:$0x0] =	wrdreg $0x0  }
0xae: {  	s6 =	sshll.u32 s28, $0x1;
	[dreg:$0x2] =	wrdreg s4  }
0xaf: {  	[dreg:$0x3] =	wrdreg s6  }
0xb0: {  	[dreg:$0x4] =	wrdreg $0xC0  }
0xb1: {  	_ =	task [dreg:s8], $0x5FFFF  }
0xb2: {  	[dreg:$0x1] =	wrdreg $0xFFFFFFFF  }
0xb3: {  	[dreg:$0x0] =	wrdreg $0x60  }
0xb4: {  	[dreg:$0x2] =	wrdreg s17  }
0xb5: {  	[dreg:$0x3] =	wrdreg s24  }
0xb6: {  	[dreg:$0x4] =	wrdreg s16  }
0xb7: {  	[dreg:$0x5] =	wrdreg $0xB9F00  }
0xb8: {  	[dreg:$0x6] =	wrdreg $0x159F00  }
0xb9: {  	[dreg:$0x7] =	wrdreg $0x9  }
0xba: {  	_ =	task.clear_ibuf [dreg:s8], $0x8FFFF;
	_ =	strace $0x90000046  }
0xbb: {  	s29 =	simm.s32 $0x9;
	_ =	strace $0x80000048  }
0xbc: {  	_ =	swait.ge [sflag:s29], $0x1  }
0xbd: {  	[sflag:s29] =	ssyncadd.s32 $0xFFFFFFFF  }
0xbe: {  	_ =	strace $0x90000048  }
0xbf: {  	_ =	sfence  }
0xc0: {  	s30 =	sld [smem:$0x0];
	_ =	sdelay $0x2  }
0xc1: {  	s31 =	sshll.u32 s1, $0xD;
	s1 =	sshrl.u32 s1, $0x2  }
0xc2: {  	s3 =	sand.u32 $0x4000, s31;
	s1 =	sadd.s32 s1, s30  }
0xc3: {  	s0 =	sor.u32 s3, s0;
	s1 =	sshll.u32 s1, $0x11  }
0xc4: {  	s0 =	sor.u32 s1, s0  }
0xc5: {  	s0 =	sadd.s32 $0x8F2B, s0  }
0xc6: {  	[sflag:s0] =	ssyncadd.remote.s32 $0x1  }
0xc7: {  	_ =	sfence.sel $0xFFFF  }
0xc8: {  	[dreg:$0x0] =	wrdreg $0xFFFFFFFF;
	(pc) =	sbr.abs _section_cstart, $3  }
0xc9: {  	[dreg:$0x1] =	wrdreg $0xFFFFFFFF  }
0xca: {  	_ =	task.clear_ibuf [dreg:s8], $0x2FFFF;
	_ =	strace $0x9FFFFFFF  }
0xcb: {  	(tm) =	ssettm $0x7FFFFFFF  }
tec
execute0_lowered:
.L_overlay_start_1:
0x0: {  	(tag) =	ssettag $0x1  }
0x1: {  	s1 =	rddreg [dreg:$0x0]  }
0x2: {  	s0 =	rddreg [dreg:$0x1]  }
0x3: {  	s2 =	rddreg [dreg:$0x2];
	s4 =	srdreg.scid  }
0x4: {  	s12 =	stileid.u32;
	s3 =	rddreg [dreg:$0x3];
	s7 =	simm.s32 $0x0  }
0x5: {  	s28 =	simm.s32 $0x3CF0;
	s29 =	simm.s32 $0x1;
	s30 =	simm.s32 $0x2800  }
0x6: {  	s31 =	simm.s32 $0x8CF0;
	s5 =	sand.u32 $0x1, s4;
	s26 =	smul.u32 $0x2800, s12  }
0x7: {  	s6 =	sshll.u32 s12, $0x1;
	s4 =	rddreg [dreg:$0x4];
	s11 =	smul.u32 $0x28000, s12  }
0x8: {  	[smem:$0x7FF] =	sst s7;
	s13 =	smul.u32 $0x280, s12;
	s12 =	simm.s32 $0x3  }
0x9: {  	s6 =	sor.u32 s5, s6;
	_ =	strace $0x80000047;
	s9 =	smul.u32 $0x28000, s5  }
0xa: {  	s8 =	ssub.s32 $0x2, s5;
	p0 =	seq.s32 s5, $0x0;
	s6 =	smul.u32 $0x4E2, s6  }
0xb: {  	s10 =	sshrl.u32 s8, $0x1;
	[dreg:$0x6] =	wrdreg s13;
	s21 =	sadd.s32 s26, s4  }
0xc: {  	s15 =	sshrl.u32 s11, $0x2;
	s11 =	simm.s32 $0x7;
	s13 =	simm.s32 $0x28A0  }
0xd: {  	s8 =	ssub.s32 s8, s10;
	s14 =	sadd.s32 s26, s9;
	s17 =	sadd.s32 s15, s3  }
0xe: {  	s9 =	simm.s32 $0xA;
	s10 =	simm.s32 $0x4;
	[dreg:$0x7] =	wrdreg s21  }
0xf: {  	s15 =	simm.s32 $0x8;
	s18 =	smax.u32 s8, $0x1;
	[dreg:$0x9] =	wrdreg s17  }
0x10: {  	s6 =	sadd.s32 s6, s0;
	s19 =	sadd.s32 $0x1400, s17;
	[dreg:$0xb] =	wrdreg s18  }
0x11: {  	s16 =	sshrl.u32 s14, $0x3;
	s20 =	sadd.s32 $0x2800, s17;
	[dreg:$0xc] =	wrdreg s19  }
0x12: {  	s22 =	sadd.s32 $0x3C00, s17;
	s23 =	sadd.s32 $0x5000, s17;
	[dreg:$0xd] =	wrdreg s20  }
0x13: {  	s24 =	sadd.s32 $0x6400, s17;
	s25 =	sadd.s32 $0x7800, s17;
	[dreg:$0xe] =	wrdreg s22  }
0x14: {  	s26 =	sadd.s32 $0x8C00, s17;
	s8 =	simm.s32 $0x2850;
	[dreg:$0xf] =	wrdreg s23  }
0x15: {  	s14 =	simm.s32 $0x5;
	s17 =	simm.s32 $0x9;
	[dreg:$0x10] =	wrdreg s24  }
0x16: {  	s6 =	sadd.s32 $0x3A00, s6;
	s2 =	sadd.s32 s2, s16;
	[dreg:$0x11] =	wrdreg s25  }
0x17: {  	[dreg:$0x12] =	wrdreg s26;
	s20 =	simm.s32 $0x28F0;
	s23 =	simm.s32 $0x50  }
0x18: {  	s24 =	simm.s32 $0x2710;
	s25 =	simm.s32 $0xB;
	s26 =	simm.s32 $0x2760  }
0x19: {  	s22 =	simm.s32 $0x50F0;
	s16 =	simm.s32 $0x6;
	[dreg:$0x8] =	wrdreg s6  }
0x1a: {  	s18 =	simm.s32 $0xB;
	[dreg:$0xa] =	wrdreg s2;
	s2 =	simm.s32 $0xD800  }
0x1b: {  	s25 =	simm.s32 @!p0 $0xA;
	s6 =	simm.s32 $0x0;
	s2 =	simm.s32 @!p0 $0x35800  }
0x1c: {  	v0 =	vimm.bf16 $0.0e+00;
	v1 =	vimm.f32 $0.0e+00;
	v2 =	vimm.f32 $1.000000000e+00;
	s19 =	sadd.s32 s2, s0;
	s2 =	simm.s32 $0x27B0;
	s0 =	simm.s32 $0x2  }
.LBB2_1:
0x1d: {  	[dreg:$0x13] =	wrdreg s6;
	s6 =	simm.s32 $0x100;
	s5 =	simm.s32 $0x0  }
.LBB2_2:
0x1e: {  	p0 =	sne.s32 s6, $0x4F00;
	[tilespmem:s5+$0x2920] =	vst v0;
	s7 =	smov.u32 s6;
	s6 =	sadd.s32 $0x100, s6  }
.Ltmp0:
0x1f: {  	[tilespmem:s5+$0x2910] =	vst v0;
	(pc) =	sbr.rel @p0 .LBB2_2-.Ltmp0, $3  }
0x20: {  	[tilespmem:s5+$0x28F0] =	vst v0  }
0x21: {  	[tilespmem:s5+$0x2900] =	vst v0;
	_ =	sdelay $0x1  }
0x22: {  	s5 =	sshra.s32 s7, $0x2  }
0x23: {  	[tilespmem:s5+$0x2920] =	vst v0  }
0x24: {  	[tilespmem:s5+$0x2910] =	vst v0  }
0x25: {  	[tilespmem:s5+$0x28F0] =	vst v0  }
0x26: {  	[tilespmem:s5+$0x2900] =	vst v0;
	s6 =	rddreg [dreg:$0x9]  }
0x27: {  	[spmem:s6] =	stream.linear.scatter [tilespmem:s20], [sflag:$0xA], $0x1400, $0x38;
	[tilespmem:$0x181F0] =	vst v63  }
0x28: {  	_ =	swait.ge [sflag:s9], $0x1400  }
0x29: {  	[sflag:s9] =	ssyncset.done $0x0  }
0x2a: {  	s7 =	rddreg [dreg:$0xc];
	[sflag:s9] =	ssyncadd.s32 $0xFFFFEC00  }
0x2b: {  	[spmem:s7] =	stream.linear.scatter [tilespmem:s20], [sflag:$0xA], $0x1400, $0x38;
	[tilespmem:$0x181F0] =	vst v63  }
0x2c: {  	_ =	swait.ge [sflag:s9], $0x1400  }
0x2d: {  	[sflag:s9] =	ssyncset.done $0x0  }
0x2e: {  	s6 =	rddreg [dreg:$0xd];
	[sflag:s9] =	ssyncadd.s32 $0xFFFFEC00  }
0x2f: {  	[spmem:s6] =	stream.linear.scatter [tilespmem:s20], [sflag:$0xA], $0x1400, $0x38;
	[tilespmem:$0x181F0] =	vst v63  }
0x30: {  	_ =	swait.ge [sflag:s9], $0x1400  }
0x31: {  	[sflag:s9] =	ssyncset.done $0x0  }
0x32: {  	s7 =	rddreg [dreg:$0xe];
	[sflag:s9] =	ssyncadd.s32 $0xFFFFEC00  }
0x33: {  	[spmem:s7] =	stream.linear.scatter [tilespmem:s20], [sflag:$0xA], $0x1400, $0x38;
	[tilespmem:$0x181F0] =	vst v63  }
0x34: {  	_ =	swait.ge [sflag:s9], $0x1400  }
0x35: {  	[sflag:s9] =	ssyncset.done $0x0  }
0x36: {  	s6 =	rddreg [dreg:$0xf];
	[sflag:s9] =	ssyncadd.s32 $0xFFFFEC00  }
0x37: {  	[spmem:s6] =	stream.linear.scatter [tilespmem:s20], [sflag:$0xA], $0x1400, $0x38;
	[tilespmem:$0x181F0] =	vst v63  }
0x38: {  	_ =	swait.ge [sflag:s9], $0x1400  }
0x39: {  	[sflag:s9] =	ssyncset.done $0x0  }
0x3a: {  	s7 =	rddreg [dreg:$0x10];
	[sflag:s9] =	ssyncadd.s32 $0xFFFFEC00  }
0x3b: {  	[spmem:s7] =	stream.linear.scatter [tilespmem:s20], [sflag:$0xA], $0x1400, $0x38;
	[tilespmem:$0x181F0] =	vst v63  }
0x3c: {  	_ =	swait.ge [sflag:s9], $0x1400  }
0x3d: {  	[sflag:s9] =	ssyncset.done $0x0  }
0x3e: {  	s6 =	rddreg [dreg:$0x11];
	[sflag:s9] =	ssyncadd.s32 $0xFFFFEC00  }
0x3f: {  	[spmem:s6] =	stream.linear.scatter [tilespmem:s20], [sflag:$0xA], $0x1400, $0x38;
	[tilespmem:$0x181F0] =	vst v63  }
0x40: {  	_ =	swait.ge [sflag:s9], $0x1400  }
0x41: {  	[sflag:s9] =	ssyncset.done $0x0  }
0x42: {  	s7 =	rddreg [dreg:$0x12];
	[sflag:s9] =	ssyncadd.s32 $0xFFFFEC00  }
0x43: {  	[spmem:s7] =	stream.linear.scatter [tilespmem:s20], [sflag:$0xA], $0x1400, $0x38;
	[tilespmem:$0x181F0] =	vst v63  }
0x44: {  	_ =	swait.ge [sflag:s9], $0x1400  }
0x45: {  	[sflag:s9] =	ssyncset.done $0x0  }
0x46: {  	s5 =	simm.s32 $0x40;
	s6 =	simm.s32 $0x0;
	[sflag:s9] =	ssyncadd.s32 $0xFFFFEC00  }
.LBB2_4:
0x47: {  	p0 =	sne.s32 s5, $0x9FC0;
	[tilespmem:s6+$0x91F0] =	vst v1;
	s6 =	smov.u32 s5;
	s5 =	sadd.s32 $0x40, s5  }
.Ltmp1:
0x48: {  	(pc) =	sbr.rel @p0 .LBB2_4-.Ltmp1, $2  }
0x49: {  	_ =	sdelay $0x2  }
0x4a: {  	s6 =	sshra.s32 s6, $0x2  }
0x4b: {  	[tilespmem:s6+$0x91F0] =	vst v1;
	s5 =	simm.s32 $0x91F0  }
0x4c: {  	[spmem:s21] =	stream.linear.scatter [tilespmem:s5], [sflag:$0xA], $0x2800, $0x38;
	[tilespmem:$0x181F0] =	vst v63  }
0x4d: {  	_ =	swait.ge [sflag:s9], $0x2800  }
0x4e: {  	[sflag:s9] =	ssyncset.done $0x0  }
0x4f: {  	s6 =	simm.s32 $0x0;
	s5 =	simm.s32 $0x40;
	[sflag:s9] =	ssyncadd.s32 $0xFFFFD800  }
.LBB2_6:
0x50: {  	p0 =	sne.s32 s5, $0x13C0;
	[tilespmem:s6+$0x8CF0] =	vst v2;
	s6 =	smov.u32 s5;
	s5 =	sadd.s32 $0x40, s5  }
.Ltmp2:
0x51: {  	(pc) =	sbr.rel @p0 .LBB2_6-.Ltmp2, $2  }
0x52: {  	_ =	sdelay $0x2  }
0x53: {  	s6 =	sshra.s32 s6, $0x2  }
0x54: {  	[tilespmem:s6+$0x8CF0] =	vst v2  }
0x55: {  	[bflag:$0x0] =	sbarrier.arrive $0xFFFF  }
0x56: {  	s5 =	simm.s32 $0x0;
	s7 =	rddreg [dreg:$0x8]  }
0x57: {  	[tilespmem:s5], [sflag:$0xA] =	stream.linear.gather [hbm4b:s7+s5], $0x2710, $0x38;
	[tilespmem:$0x181F0] =	vst v63  }
0x58: {  	_ =	swait.ge [sflag:s9], $0x2710  }
0x59: {  	[sflag:s9] =	ssyncset.done $0x0  }
0x5a: {  	[sflag:s9] =	ssyncadd.s32 $0xFFFFD8F0  }
0x5b: {  	v3 =	vld [tilespmem:$0x0];
	_ =	sdelay $0x1  }
0x5c: {  	v4 =	vld [tilespmem:$0x10];
	_ =	sdelay $0x1  }
0x5d: {  	v5 =	vld [tilespmem:$0x20]  }
0x5e: {  	v6 =	vand.u32 $0x3FFF, v3;
	v3 =	vshrl.u32 v3, $0xE  }
0x5f: {  	v22 =	vld [tilespmem:$0x30];
	[tilespmem:$0x2710] =	vst v6;
	v3 =	vand.u32 $0x3FFF, v3  }
0x60: {  	[tilespmem:$0x2800] =	vst v3;
	v3 =	vand.u32 $0x3FFF, v4;
	v4 =	vshrl.u32 v4, $0xE  }
0x61: {  	v23 =	vld [tilespmem:$0x40];
	[tilespmem:$0x2720] =	vst v3;
	v3 =	vand.u32 $0x3FFF, v4  }
0x62: {  	[tilespmem:$0x2810] =	vst v3;
	v3 =	vand.u32 $0x3FFF, v5;
	v5 =	vshrl.u32 v5, $0xE  }
0x63: {  	[tilespmem:$0x2730] =	vst v3;
	v3 =	vand.u32 $0x3FFF, v5  }
0x64: {  	v24 =	vshrl.u32 v22, $0xE;
	[tilespmem:$0x2820] =	vst v3;
	v3 =	vand.u32 $0x3FFF, v22  }
0x65: {  	[tilespmem:$0x2740] =	vst v3;
	v3 =	vand.u32 $0x3FFF, v24  }
0x66: {  	v4 =	vshrl.u32 v23, $0xE;
	[tilespmem:$0x2830] =	vst v3;
	v3 =	vand.u32 $0x3FFF, v23  }
0x67: {  	[tilespmem:$0x2750] =	vst v3;
	v3 =	vand.u32 $0x3FFF, v4  }
0x68: {  	[tilespmem:$0x2840] =	vst v3  }
0x69: {  	[tilespmem:s20], [sflag:$0x1] =	stream.indirect.gather [hbm4b:s1+s23], $0x40, s24, s23, $0xb8;
	[tilespmem:$0x181F0] =	vst v63  }
0x6a: {  	v3 =	vld [tilespmem:$0x50];
	_ =	sdelay $0x1  }
0x6b: {  	v25 =	vld [tilespmem:$0x60];
	_ =	sdelay $0x1  }
0x6c: {  	v26 =	vld [tilespmem:$0x70]  }
0x6d: {  	v27 =	vand.u32 $0x3FFF, v3;
	v3 =	vshrl.u32 v3, $0xE  }
0x6e: {  	v28 =	vld [tilespmem:$0x80];
	[tilespmem:$0x2760] =	vst v27;
	v3 =	vand.u32 $0x3FFF, v3  }
0x6f: {  	v4 =	vshrl.u32 v25, $0xE;
	[tilespmem:$0x2850] =	vst v3;
	v3 =	vand.u32 $0x3FFF, v25  }
0x70: {  	v29 =	vld [tilespmem:$0x90];
	[tilespmem:$0x2770] =	vst v3;
	v3 =	vand.u32 $0x3FFF, v4  }
0x71: {  	v5 =	vshrl.u32 v26, $0xE;
	[tilespmem:$0x2860] =	vst v3;
	v3 =	vand.u32 $0x3FFF, v26  }
0x72: {  	[tilespmem:$0x2780] =	vst v3;
	v3 =	vand.u32 $0x3FFF, v5  }
0x73: {  	v30 =	vshrl.u32 v28, $0xE;
	[tilespmem:$0x2870] =	vst v3;
	v3 =	vand.u32 $0x3FFF, v28  }
0x74: {  	[tilespmem:$0x2790] =	vst v3;
	v3 =	vand.u32 $0x3FFF, v30  }
0x75: {  	v4 =	vshrl.u32 v29, $0xE;
	[tilespmem:$0x2880] =	vst v3;
	v3 =	vand.u32 $0x3FFF, v29  }
0x76: {  	[tilespmem:$0x27A0] =	vst v3;
	v3 =	vand.u32 $0x3FFF, v4  }
0x77: {  	[tilespmem:$0x2890] =	vst v3  }
0x78: {  	[tilespmem:s28], [sflag:$0x2] =	stream.indirect.gather [hbm4b:s1+s23], $0x40, s26, s23, $0xb8;
	[tilespmem:$0x181F0] =	vst v63  }
0x79: {  	_ =	swait.ge [sflag:s29], $0x1400  }
0x7a: {  	[sflag:s29] =	ssyncset.done $0x0  }
0x7b: {  	[sflag:s29] =	ssyncadd.s32 $0xFFFFEC00  }
0x7c: {  	[spmem:s3] =	stream.indirect.scatter.add.bf16 [tilespmem:s20], [sflag:$0x4], $0x40, s30, s23, $0xb8;
	[tilespmem:$0x181F0] =	vst v63  }
0x7d: {  	_ = 	snop  }
0x7e: {  	[spmem:s4] =	stream.indirect.scatter.add.f32 [tilespmem:s31], [sflag:$0x7], $0x10, s30, s23, $0xb8;
	[tilespmem:$0x181F0] =	vst v63  }
0x7f: {  	v3 =	vld [tilespmem:$0xA0];
	_ =	sdelay $0x1  }
0x80: {  	v31 =	vld [tilespmem:$0xB0];
	_ =	sdelay $0x1  }
0x81: {  	v32 =	vld [tilespmem:$0xC0]  }
0x82: {  	v33 =	vand.u32 $0x3FFF, v3;
	v3 =	vshrl.u32 v3, $0xE  }
0x83: {  	v34 =	vld [tilespmem:$0xD0];
	[tilespmem:$0x27B0] =	vst v33;
	v3 =	vand.u32 $0x3FFF, v3  }
0x84: {  	v4 =	vshrl.u32 v31, $0xE;
	[tilespmem:$0x28A0] =	vst v3;
	v3 =	vand.u32 $0x3FFF, v31  }
0x85: {  	v35 =	vld [tilespmem:$0xE0];
	[tilespmem:$0x27C0] =	vst v3;
	v3 =	vand.u32 $0x3FFF, v4  }
0x86: {  	v5 =	vshrl.u32 v32, $0xE;
	[tilespmem:$0x28B0] =	vst v3;
	v3 =	vand.u32 $0x3FFF, v32  }
0x87: {  	[tilespmem:$0x27D0] =	vst v3;
	v3 =	vand.u32 $0x3FFF, v5  }
0x88: {  	v36 =	vshrl.u32 v34, $0xE;
	[tilespmem:$0x28C0] =	vst v3;
	v3 =	vand.u32 $0x3FFF, v34  }
0x89: {  	[tilespmem:$0x27E0] =	vst v3;
	v3 =	vand.u32 $0x3FFF, v36  }
0x8a: {  	v4 =	vshrl.u32 v35, $0xE;
	[tilespmem:$0x28D0] =	vst v3;
	v3 =	vand.u32 $0x3FFF, v35  }
0x8b: {  	[tilespmem:$0x27F0] =	vst v3;
	v3 =	vand.u32 $0x3FFF, v4  }
0x8c: {  	[tilespmem:$0x28E0] =	vst v3  }
0x8d: {  	[tilespmem:s22], [sflag:$0x3] =	stream.indirect.gather [hbm4b:s1+s23], $0x40, s2, s23, $0xb8;
	[tilespmem:$0x181F0] =	vst v63  }
0x8e: {  	_ =	swait.ge [sflag:s0], $0x1400  }
0x8f: {  	[sflag:s0] =	ssyncset.done $0x0  }
0x90: {  	[sflag:s0] =	ssyncadd.s32 $0xFFFFEC00  }
0x91: {  	[spmem:s3] =	stream.indirect.scatter.add.bf16 [tilespmem:s28], [sflag:$0x5], $0x40, s8, s23, $0xb8;
	[tilespmem:$0x181F0] =	vst v63  }
0x92: {  	_ = 	snop  }
0x93: {  	[spmem:s4] =	stream.indirect.scatter.add.f32 [tilespmem:s31], [sflag:$0x8], $0x10, s8, s23, $0xb8;
	[tilespmem:$0x181F0] =	vst v63  }
0x94: {  	_ =	swait.ge [sflag:s10], $0x1400  }
0x95: {  	[sflag:s10] =	ssyncset.done $0x0  }
0x96: {  	[sflag:s10] =	ssyncadd.s32 $0xFFFFEC00  }
0x97: {  	_ =	swait.ge [sflag:s11], $0x500  }
0x98: {  	[sflag:s11] =	ssyncset.done $0x0  }
0x99: {  	[sflag:s11] =	ssyncadd.s32 $0xFFFFFB00  }
0x9a: {  	v3 =	vld [tilespmem:$0xF0];
	_ =	sdelay $0x1  }
0x9b: {  	v37 =	vld [tilespmem:$0x100];
	_ =	sdelay $0x1  }
0x9c: {  	v38 =	vld [tilespmem:$0x110]  }
0x9d: {  	v39 =	vand.u32 $0x3FFF, v3;
	v3 =	vshrl.u32 v3, $0xE  }
0x9e: {  	v40 =	vld [tilespmem:$0x120];
	[tilespmem:$0x2710] =	vst v39;
	v3 =	vand.u32 $0x3FFF, v3  }
0x9f: {  	v4 =	vshrl.u32 v37, $0xE;
	[tilespmem:$0x2800] =	vst v3;
	v3 =	vand.u32 $0x3FFF, v37  }
0xa0: {  	v41 =	vld [tilespmem:$0x130];
	[tilespmem:$0x2720] =	vst v3;
	v3 =	vand.u32 $0x3FFF, v4  }
0xa1: {  	v5 =	vshrl.u32 v38, $0xE;
	[tilespmem:$0x2810] =	vst v3;
	v3 =	vand.u32 $0x3FFF, v38  }
0xa2: {  	[tilespmem:$0x2730] =	vst v3;
	v3 =	vand.u32 $0x3FFF, v5  }
0xa3: {  	v42 =	vshrl.u32 v40, $0xE;
	[tilespmem:$0x2820] =	vst v3;
	v3 =	vand.u32 $0x3FFF, v40  }
0xa4: {  	[tilespmem:$0x2740] =	vst v3;
	v3 =	vand.u32 $0x3FFF, v42  }
0xa5: {  	v4 =	vshrl.u32 v41, $0xE;
	[tilespmem:$0x2830] =	vst v3;
	v3 =	vand.u32 $0x3FFF, v41  }
0xa6: {  	[tilespmem:$0x2750] =	vst v3;
	v3 =	vand.u32 $0x3FFF, v4  }
0xa7: {  	[tilespmem:$0x2840] =	vst v3  }
0xa8: {  	[tilespmem:s20], [sflag:$0x1] =	stream.indirect.gather [hbm4b:s1+s23], $0x40, s24, s23, $0xb8;
	[tilespmem:$0x181F0] =	vst v63  }
0xa9: {  	_ =	swait.ge [sflag:s12], $0x1400  }
0xaa: {  	[sflag:s12] =	ssyncset.done $0x0  }
0xab: {  	[sflag:s12] =	ssyncadd.s32 $0xFFFFEC00  }
0xac: {  	[spmem:s3] =	stream.indirect.scatter.add.bf16 [tilespmem:s22], [sflag:$0x6], $0x40, s13, s23, $0xb8;
	[tilespmem:$0x181F0] =	vst v63  }
0xad: {  	_ = 	snop  }
0xae: {  	[spmem:s4] =	stream.indirect.scatter.add.f32 [tilespmem:s31], [sflag:$0x9], $0x10, s13, s23, $0xb8;
	[tilespmem:$0x181F0] =	vst v63  }
0xaf: {  	_ =	swait.ge [sflag:s14], $0x1400  }
0xb0: {  	[sflag:s14] =	ssyncset.done $0x0  }
0xb1: {  	[sflag:s14] =	ssyncadd.s32 $0xFFFFEC00  }
0xb2: {  	_ =	swait.ge [sflag:s15], $0x500  }
0xb3: {  	[sflag:s15] =	ssyncset.done $0x0  }
0xb4: {  	[sflag:s15] =	ssyncadd.s32 $0xFFFFFB00  }
0xb5: {  	v3 =	vld [tilespmem:$0x140];
	_ =	sdelay $0x1  }
0xb6: {  	v43 =	vld [tilespmem:$0x150];
	_ =	sdelay $0x1  }
0xb7: {  	v44 =	vld [tilespmem:$0x160]  }
0xb8: {  	v45 =	vand.u32 $0x3FFF, v3;
	v3 =	vshrl.u32 v3, $0xE  }
0xb9: {  	v46 =	vld [tilespmem:$0x170];
	[tilespmem:$0x2760] =	vst v45;
	v3 =	vand.u32 $0x3FFF, v3  }
0xba: {  	v4 =	vshrl.u32 v43, $0xE;
	[tilespmem:$0x2850] =	vst v3;
	v3 =	vand.u32 $0x3FFF, v43  }
0xbb: {  	v47 =	vld [tilespmem:$0x180];
	[tilespmem:$0x2770] =	vst v3;
	v3 =	vand.u32 $0x3FFF, v4  }
0xbc: {  	v5 =	vshrl.u32 v44, $0xE;
	[tilespmem:$0x2860] =	vst v3;
	v3 =	vand.u32 $0x3FFF, v44  }
0xbd: {  	[tilespmem:$0x2780] =	vst v3;
	v3 =	vand.u32 $0x3FFF, v5  }
0xbe: {  	v48 =	vshrl.u32 v46, $0xE;
	[tilespmem:$0x2870] =	vst v3;
	v3 =	vand.u32 $0x3FFF, v46  }
0xbf: {  	[tilespmem:$0x2790] =	vst v3;
	v3 =	vand.u32 $0x3FFF, v48  }
0xc0: {  	v4 =	vshrl.u32 v47, $0xE;
	[tilespmem:$0x2880] =	vst v3;
	v3 =	vand.u32 $0x3FFF, v47  }
0xc1: {  	[tilespmem:$0x27A0] =	vst v3;
	v3 =	vand.u32 $0x3FFF, v4  }
0xc2: {  	[tilespmem:$0x2890] =	vst v3  }
0xc3: {  	[tilespmem:s28], [sflag:$0x2] =	stream.indirect.gather [hbm4b:s1+s23], $0x40, s26, s23, $0xb8;
	[tilespmem:$0x181F0] =	vst v63  }
0xc4: {  	_ =	swait.ge [sflag:s29], $0x1400  }
0xc5: {  	[sflag:s29] =	ssyncset.done $0x0  }
0xc6: {  	[sflag:s29] =	ssyncadd.s32 $0xFFFFEC00  }
0xc7: {  	[spmem:s3] =	stream.indirect.scatter.add.bf16 [tilespmem:s20], [sflag:$0x4], $0x40, s30, s23, $0xb8;
	[tilespmem:$0x181F0] =	vst v63  }
0xc8: {  	_ = 	snop  }
0xc9: {  	[spmem:s4] =	stream.indirect.scatter.add.f32 [tilespmem:s31], [sflag:$0x7], $0x10, s30, s23, $0xb8;
	[tilespmem:$0x181F0] =	vst v63  }
0xca: {  	_ =	swait.ge [sflag:s16], $0x1400  }
0xcb: {  	[sflag:s16] =	ssyncset.done $0x0  }
0xcc: {  	[sflag:s16] =	ssyncadd.s32 $0xFFFFEC00  }
0xcd: {  	_ =	swait.ge [sflag:s17], $0x500  }
0xce: {  	[sflag:s17] =	ssyncset.done $0x0  }
0xcf: {  	s21 =	simm.s32 $0x270;
	[sflag:s17] =	ssyncadd.s32 $0xFFFFFB00  }
0xd0: {  	v3 =	vld [tilespmem:s21+$0xFFFFFF20];
	_ =	sdelay $0x4  }
0xd1: {  	v49 =	vand.u32 $0x3FFF, v3;
	v3 =	vshrl.u32 v3, $0xE  }
0xd2: {  	[tilespmem:$0x27B0] =	vst v49;
	v3 =	vand.u32 $0x3FFF, v3  }
0xd3: {  	[tilespmem:$0x28A0] =	vst v3  }
0xd4: {  	v3 =	vld [tilespmem:s21+$0xFFFFFF30];
	_ =	sdelay $0x4  }
0xd5: {  	v50 =	vand.u32 $0x3FFF, v3;
	v3 =	vshrl.u32 v3, $0xE  }
0xd6: {  	[tilespmem:$0x27C0] =	vst v50;
	v3 =	vand.u32 $0x3FFF, v3  }
0xd7: {  	[tilespmem:$0x28B0] =	vst v3  }
0xd8: {  	v3 =	vld [tilespmem:s21+$0xFFFFFF40];
	_ =	sdelay $0x4  }
0xd9: {  	v51 =	vand.u32 $0x3FFF, v3;
	v3 =	vshrl.u32 v3, $0xE  }
0xda: {  	[tilespmem:$0x27D0] =	vst v51;
	v3 =	vand.u32 $0x3FFF, v3  }
0xdb: {  	[tilespmem:$0x28C0] =	vst v3  }
0xdc: {  	v3 =	vld [tilespmem:s21+$0xFFFFFF50];
	_ =	sdelay $0x4  }
0xdd: {  	v52 =	vand.u32 $0x3FFF, v3;
	v3 =	vshrl.u32 v3, $0xE  }
0xde: {  	[tilespmem:$0x27E0] =	vst v52;
	v3 =	vand.u32 $0x3FFF, v3  }
0xdf: {  	[tilespmem:$0x28D0] =	vst v3  }
0xe0: {  	v3 =	vld [tilespmem:s21+$0xFFFFFF60];
	_ =	sdelay $0x4  }
0xe1: {  	v53 =	vand.u32 $0x3FFF, v3;
	v3 =	vshrl.u32 v3, $0xE  }
0xe2: {  	[tilespmem:$0x27F0] =	vst v53;
	v3 =	vand.u32 $0x3FFF, v3  }
0xe3: {  	[tilespmem:$0x28E0] =	vst v3  }
0xe4: {  	[tilespmem:s22], [sflag:$0x3] =	stream.indirect.gather [hbm4b:s1+s23], $0x40, s2, s23, $0xb8;
	[tilespmem:$0x181F0] =	vst v63  }
0xe5: {  	_ =	swait.ge [sflag:s0], $0x1400  }
0xe6: {  	[sflag:s0] =	ssyncset.done $0x0  }
0xe7: {  	[sflag:s0] =	ssyncadd.s32 $0xFFFFEC00  }
0xe8: {  	[spmem:s3] =	stream.indirect.scatter.add.bf16 [tilespmem:s28], [sflag:$0x5], $0x40, s8, s23, $0xb8;
	[tilespmem:$0x181F0] =	vst v63  }
0xe9: {  	_ = 	snop  }
0xea: {  	[spmem:s4] =	stream.indirect.scatter.add.f32 [tilespmem:s31], [sflag:$0x8], $0x10, s8, s23, $0xb8;
	[tilespmem:$0x181F0] =	vst v63  }
0xeb: {  	_ =	swait.ge [sflag:s10], $0x1400  }
0xec: {  	[sflag:s10] =	ssyncset.done $0x0  }
0xed: {  	[sflag:s10] =	ssyncadd.s32 $0xFFFFEC00  }
0xee: {  	_ =	swait.ge [sflag:s11], $0x500  }
0xef: {  	[sflag:s11] =	ssyncset.done $0x0  }
0xf0: {  	[sflag:s11] =	ssyncadd.s32 $0xFFFFFB00  }
0xf1: {  	v3 =	vld [tilespmem:s21+$0xFFFFFF70];
	_ =	sdelay $0x4  }
0xf2: {  	v54 =	vand.u32 $0x3FFF, v3;
	v3 =	vshrl.u32 v3, $0xE  }
0xf3: {  	[tilespmem:$0x2710] =	vst v54;
	v3 =	vand.u32 $0x3FFF, v3  }
0xf4: {  	[tilespmem:$0x2800] =	vst v3  }
0xf5: {  	v3 =	vld [tilespmem:s21+$0xFFFFFF80];
	_ =	sdelay $0x4  }
0xf6: {  	v55 =	vand.u32 $0x3FFF, v3;
	v3 =	vshrl.u32 v3, $0xE  }
0xf7: {  	[tilespmem:$0x2720] =	vst v55;
	v3 =	vand.u32 $0x3FFF, v3  }
0xf8: {  	[tilespmem:$0x2810] =	vst v3  }
0xf9: {  	v3 =	vld [tilespmem:s21+$0xFFFFFF90];
	_ =	sdelay $0x4  }
0xfa: {  	v56 =	vand.u32 $0x3FFF, v3;
	v3 =	vshrl.u32 v3, $0xE  }
0xfb: {  	[tilespmem:$0x2730] =	vst v56;
	v3 =	vand.u32 $0x3FFF, v3  }
0xfc: {  	[tilespmem:$0x2820] =	vst v3  }
0xfd: {  	v3 =	vld [tilespmem:s21+$0xFFFFFFA0];
	_ =	sdelay $0x4  }
0xfe: {  	v57 =	vand.u32 $0x3FFF, v3;
	v3 =	vshrl.u32 v3, $0xE  }
0xff: {  	[tilespmem:$0x2740] =	vst v57;
	v3 =	vand.u32 $0x3FFF, v3  }
0x100: {  	[tilespmem:$0x2830] =	vst v3  }
0x101: {  	v3 =	vld [tilespmem:s21+$0xFFFFFFB0];
	_ =	sdelay $0x4  }
0x102: {  	v58 =	vand.u32 $0x3FFF, v3;
	v3 =	vshrl.u32 v3, $0xE  }
0x103: {  	[tilespmem:$0x2750] =	vst v58;
	v3 =	vand.u32 $0x3FFF, v3  }
0x104: {  	[tilespmem:$0x2840] =	vst v3  }
0x105: {  	[tilespmem:s20], [sflag:$0x1] =	stream.indirect.gather [hbm4b:s1+s23], $0x40, s24, s23, $0xb8;
	[tilespmem:$0x181F0] =	vst v63  }
0x106: {  	_ =	swait.ge [sflag:s12], $0x1400  }
0x107: {  	[sflag:s12] =	ssyncset.done $0x0  }
0x108: {  	[sflag:s12] =	ssyncadd.s32 $0xFFFFEC00  }
0x109: {  	[spmem:s3] =	stream.indirect.scatter.add.bf16 [tilespmem:s22], [sflag:$0x6], $0x40, s13, s23, $0xb8;
	[tilespmem:$0x181F0] =	vst v63  }
0x10a: {  	_ = 	snop  }
0x10b: {  	[spmem:s4] =	stream.indirect.scatter.add.f32 [tilespmem:s31], [sflag:$0x9], $0x10, s13, s23, $0xb8;
	[tilespmem:$0x181F0] =	vst v63  }
0x10c: {  	_ =	swait.ge [sflag:s14], $0x1400  }
0x10d: {  	[sflag:s14] =	ssyncset.done $0x0  }
0x10e: {  	[sflag:s14] =	ssyncadd.s32 $0xFFFFEC00  }
0x10f: {  	_ =	swait.ge [sflag:s15], $0x500  }
0x110: {  	[sflag:s15] =	ssyncset.done $0x0  }
0x111: {  	[sflag:s15] =	ssyncadd.s32 $0xFFFFFB00  }
0x112: {  	v3 =	vld [tilespmem:s21+$0xFFFFFFC0];
	_ =	sdelay $0x4  }
0x113: {  	v59 =	vand.u32 $0x3FFF, v3;
	v3 =	vshrl.u32 v3, $0xE  }
0x114: {  	[tilespmem:$0x2760] =	vst v59;
	v3 =	vand.u32 $0x3FFF, v3  }
0x115: {  	[tilespmem:$0x2850] =	vst v3  }
0x116: {  	v3 =	vld [tilespmem:s21+$0xFFFFFFD0];
	_ =	sdelay $0x4  }
0x117: {  	v60 =	vand.u32 $0x3FFF, v3;
	v3 =	vshrl.u32 v3, $0xE  }
0x118: {  	[tilespmem:$0x2770] =	vst v60;
	v3 =	vand.u32 $0x3FFF, v3  }
0x119: {  	[tilespmem:$0x2860] =	vst v3  }
0x11a: {  	v3 =	vld [tilespmem:s21+$0xFFFFFFE0];
	_ =	sdelay $0x4  }
0x11b: {  	v61 =	vand.u32 $0x3FFF, v3;
	v3 =	vshrl.u32 v3, $0xE  }
0x11c: {  	[tilespmem:$0x2780] =	vst v61;
	v3 =	vand.u32 $0x3FFF, v3  }
0x11d: {  	[tilespmem:$0x2870] =	vst v3  }
0x11e: {  	v3 =	vld [tilespmem:s21+$0xFFFFFFF0];
	_ =	sdelay $0x4  }
0x11f: {  	v62 =	vand.u32 $0x3FFF, v3;
	v3 =	vshrl.u32 v3, $0xE  }
0x120: {  	[tilespmem:$0x2790] =	vst v62;
	v3 =	vand.u32 $0x3FFF, v3  }
0x121: {  	[tilespmem:$0x2880] =	vst v3  }
0x122: {  	v3 =	vld [tilespmem:s21+$0x0];
	_ =	sdelay $0x4  }
0x123: {  	v63 =	vand.u32 $0x3FFF, v3;
	v3 =	vshrl.u32 v3, $0xE  }
0x124: {  	[tilespmem:$0x27A0] =	vst v63;
	v3 =	vand.u32 $0x3FFF, v3  }
0x125: {  	s7 =	simm.s32 $0xD80;
	[tilespmem:$0x2890] =	vst v3  }
.LBB2_8:
0x126: {  	[tilespmem:s28], [sflag:$0x2] =	stream.indirect.gather [hbm4b:s1+s23], $0x40, s26, s23, $0xb8;
	[tilespmem:$0x181F0] =	vst v63  }
0x127: {  	s5 =	smov.u32 s7  }
0x128: {  	p0 =	sne.s32 s7, $0x9C00;
	s7 =	sadd.s32 $0x3C0, s7;
	_ =	swait.ge [sflag:s29], $0x1400  }
0x129: {  	[sflag:s29] =	ssyncset.done $0x0  }
0x12a: {  	[sflag:s29] =	ssyncadd.s32 $0xFFFFEC00  }
0x12b: {  	[spmem:s3] =	stream.indirect.scatter.add.bf16 [tilespmem:s20], [sflag:$0x4], $0x40, s30, s23, $0xb8;
	[tilespmem:$0x181F0] =	vst v63  }
0x12c: {  	_ = 	snop  }
0x12d: {  	[spmem:s4] =	stream.indirect.scatter.add.f32 [tilespmem:s31], [sflag:$0x7], $0x10, s30, s23, $0xb8;
	[tilespmem:$0x181F0] =	vst v63  }
0x12e: {  	_ =	swait.ge [sflag:s16], $0x1400  }
0x12f: {  	[sflag:s16] =	ssyncset.done $0x0  }
0x130: {  	[sflag:s16] =	ssyncadd.s32 $0xFFFFEC00  }
0x131: {  	_ =	swait.ge [sflag:s17], $0x500  }
0x132: {  	[sflag:s17] =	ssyncset.done $0x0  }
0x133: {  	s5 =	sshra.s32 s5, $0x2;
	[sflag:s17] =	ssyncadd.s32 $0xFFFFFB00  }
0x134: {  	v3 =	vld [tilespmem:s5+$0xFFFFFF20];
	_ =	sdelay $0x4  }
0x135: {  	v4 =	vand.u32 $0x3FFF, v3;
	v3 =	vshrl.u32 v3, $0xE  }
0x136: {  	[tilespmem:$0x27B0] =	vst v4;
	v3 =	vand.u32 $0x3FFF, v3  }
0x137: {  	[tilespmem:$0x28A0] =	vst v3  }
0x138: {  	v3 =	vld [tilespmem:s5+$0xFFFFFF30];
	_ =	sdelay $0x4  }
0x139: {  	v4 =	vand.u32 $0x3FFF, v3;
	v3 =	vshrl.u32 v3, $0xE  }
0x13a: {  	[tilespmem:$0x27C0] =	vst v4;
	v3 =	vand.u32 $0x3FFF, v3  }
0x13b: {  	[tilespmem:$0x28B0] =	vst v3  }
0x13c: {  	v3 =	vld [tilespmem:s5+$0xFFFFFF40];
	_ =	sdelay $0x4  }
0x13d: {  	v4 =	vand.u32 $0x3FFF, v3;
	v3 =	vshrl.u32 v3, $0xE  }
0x13e: {  	[tilespmem:$0x27D0] =	vst v4;
	v3 =	vand.u32 $0x3FFF, v3  }
0x13f: {  	[tilespmem:$0x28C0] =	vst v3  }
0x140: {  	v3 =	vld [tilespmem:s5+$0xFFFFFF50];
	_ =	sdelay $0x4  }
0x141: {  	v4 =	vand.u32 $0x3FFF, v3;
	v3 =	vshrl.u32 v3, $0xE  }
0x142: {  	[tilespmem:$0x27E0] =	vst v4;
	v3 =	vand.u32 $0x3FFF, v3  }
0x143: {  	[tilespmem:$0x28D0] =	vst v3  }
0x144: {  	v3 =	vld [tilespmem:s5+$0xFFFFFF60];
	_ =	sdelay $0x4  }
0x145: {  	v4 =	vand.u32 $0x3FFF, v3;
	v3 =	vshrl.u32 v3, $0xE  }
0x146: {  	[tilespmem:$0x27F0] =	vst v4;
	v3 =	vand.u32 $0x3FFF, v3  }
0x147: {  	[tilespmem:$0x28E0] =	vst v3  }
0x148: {  	[tilespmem:s22], [sflag:$0x3] =	stream.indirect.gather [hbm4b:s1+s23], $0x40, s2, s23, $0xb8;
	[tilespmem:$0x181F0] =	vst v63  }
0x149: {  	_ =	swait.ge [sflag:s0], $0x1400  }
0x14a: {  	[sflag:s0] =	ssyncset.done $0x0  }
0x14b: {  	[sflag:s0] =	ssyncadd.s32 $0xFFFFEC00  }
0x14c: {  	[spmem:s3] =	stream.indirect.scatter.add.bf16 [tilespmem:s28], [sflag:$0x5], $0x40, s8, s23, $0xb8;
	[tilespmem:$0x181F0] =	vst v63  }
0x14d: {  	_ = 	snop  }
0x14e: {  	[spmem:s4] =	stream.indirect.scatter.add.f32 [tilespmem:s31], [sflag:$0x8], $0x10, s8, s23, $0xb8;
	[tilespmem:$0x181F0] =	vst v63  }
0x14f: {  	_ =	swait.ge [sflag:s10], $0x1400  }
0x150: {  	[sflag:s10] =	ssyncset.done $0x0  }
0x151: {  	[sflag:s10] =	ssyncadd.s32 $0xFFFFEC00  }
0x152: {  	_ =	swait.ge [sflag:s11], $0x500  }
0x153: {  	[sflag:s11] =	ssyncset.done $0x0  }
0x154: {  	[sflag:s11] =	ssyncadd.s32 $0xFFFFFB00  }
0x155: {  	v3 =	vld [tilespmem:s5+$0xFFFFFF70];
	_ =	sdelay $0x4  }
0x156: {  	v4 =	vand.u32 $0x3FFF, v3;
	v3 =	vshrl.u32 v3, $0xE  }
0x157: {  	[tilespmem:$0x2710] =	vst v4;
	v3 =	vand.u32 $0x3FFF, v3  }
0x158: {  	[tilespmem:$0x2800] =	vst v3  }
0x159: {  	v3 =	vld [tilespmem:s5+$0xFFFFFF80];
	_ =	sdelay $0x4  }
0x15a: {  	v4 =	vand.u32 $0x3FFF, v3;
	v3 =	vshrl.u32 v3, $0xE  }
0x15b: {  	[tilespmem:$0x2720] =	vst v4;
	v3 =	vand.u32 $0x3FFF, v3  }
0x15c: {  	[tilespmem:$0x2810] =	vst v3  }
0x15d: {  	v3 =	vld [tilespmem:s5+$0xFFFFFF90];
	_ =	sdelay $0x4  }
0x15e: {  	v4 =	vand.u32 $0x3FFF, v3;
	v3 =	vshrl.u32 v3, $0xE  }
0x15f: {  	[tilespmem:$0x2730] =	vst v4;
	v3 =	vand.u32 $0x3FFF, v3  }
0x160: {  	[tilespmem:$0x2820] =	vst v3  }
0x161: {  	v3 =	vld [tilespmem:s5+$0xFFFFFFA0];
	_ =	sdelay $0x4  }
0x162: {  	v4 =	vand.u32 $0x3FFF, v3;
	v3 =	vshrl.u32 v3, $0xE  }
0x163: {  	[tilespmem:$0x2740] =	vst v4;
	v3 =	vand.u32 $0x3FFF, v3  }
0x164: {  	[tilespmem:$0x2830] =	vst v3  }
0x165: {  	v3 =	vld [tilespmem:s5+$0xFFFFFFB0];
	_ =	sdelay $0x4  }
0x166: {  	v4 =	vand.u32 $0x3FFF, v3;
	v3 =	vshrl.u32 v3, $0xE  }
0x167: {  	[tilespmem:$0x2750] =	vst v4;
	v3 =	vand.u32 $0x3FFF, v3  }
0x168: {  	[tilespmem:$0x2840] =	vst v3  }
0x169: {  	[tilespmem:s20], [sflag:$0x1] =	stream.indirect.gather [hbm4b:s1+s23], $0x40, s24, s23, $0xb8;
	[tilespmem:$0x181F0] =	vst v63  }
0x16a: {  	_ =	swait.ge [sflag:s12], $0x1400  }
0x16b: {  	[sflag:s12] =	ssyncset.done $0x0  }
0x16c: {  	[sflag:s12] =	ssyncadd.s32 $0xFFFFEC00  }
0x16d: {  	[spmem:s3] =	stream.indirect.scatter.add.bf16 [tilespmem:s22], [sflag:$0x6], $0x40, s13, s23, $0xb8;
	[tilespmem:$0x181F0] =	vst v63  }
0x16e: {  	_ = 	snop  }
0x16f: {  	[spmem:s4] =	stream.indirect.scatter.add.f32 [tilespmem:s31], [sflag:$0x9], $0x10, s13, s23, $0xb8;
	[tilespmem:$0x181F0] =	vst v63  }
0x170: {  	_ =	swait.ge [sflag:s14], $0x1400  }
0x171: {  	[sflag:s14] =	ssyncset.done $0x0  }
0x172: {  	[sflag:s14] =	ssyncadd.s32 $0xFFFFEC00  }
0x173: {  	_ =	swait.ge [sflag:s15], $0x500  }
0x174: {  	[sflag:s15] =	ssyncset.done $0x0  }
0x175: {  	[sflag:s15] =	ssyncadd.s32 $0xFFFFFB00  }
0x176: {  	v3 =	vld [tilespmem:s5+$0xFFFFFFC0];
	_ =	sdelay $0x4  }
0x177: {  	v4 =	vand.u32 $0x3FFF, v3;
	v3 =	vshrl.u32 v3, $0xE  }
0x178: {  	[tilespmem:$0x2760] =	vst v4;
	v3 =	vand.u32 $0x3FFF, v3  }
0x179: {  	[tilespmem:$0x2850] =	vst v3  }
0x17a: {  	v3 =	vld [tilespmem:s5+$0xFFFFFFD0];
	_ =	sdelay $0x4  }
0x17b: {  	v4 =	vand.u32 $0x3FFF, v3;
	v3 =	vshrl.u32 v3, $0xE  }
0x17c: {  	[tilespmem:$0x2770] =	vst v4;
	v3 =	vand.u32 $0x3FFF, v3  }
0x17d: {  	[tilespmem:$0x2860] =	vst v3  }
0x17e: {  	v3 =	vld [tilespmem:s5+$0xFFFFFFE0];
	_ =	sdelay $0x4  }
0x17f: {  	v4 =	vand.u32 $0x3FFF, v3;
	v3 =	vshrl.u32 v3, $0xE  }
0x180: {  	[tilespmem:$0x2780] =	vst v4;
	v3 =	vand.u32 $0x3FFF, v3  }
0x181: {  	[tilespmem:$0x2870] =	vst v3  }
0x182: {  	v3 =	vld [tilespmem:s5+$0xFFFFFFF0];
	_ =	sdelay $0x4  }
0x183: {  	v4 =	vand.u32 $0x3FFF, v3;
	v3 =	vshrl.u32 v3, $0xE  }
0x184: {  	[tilespmem:$0x2790] =	vst v4;
	v3 =	vand.u32 $0x3FFF, v3  }
0x185: {  	[tilespmem:$0x2880] =	vst v3  }
0x186: {  	v3 =	vld [tilespmem:s5+$0x0];
	_ =	sdelay $0x2  }
.Ltmp3:
0x187: {  	(pc) =	sbr.rel @p0 .LBB2_8-.Ltmp3, $4  }
0x188: {  	_ = 	snop  }
0x189: {  	v4 =	vand.u32 $0x3FFF, v3;
	v3 =	vshrl.u32 v3, $0xE  }
0x18a: {  	[tilespmem:$0x27A0] =	vst v4;
	v3 =	vand.u32 $0x3FFF, v3  }
0x18b: {  	[tilespmem:$0x2890] =	vst v3  }
0x18c: {  	[tilespmem:s28], [sflag:$0x2] =	stream.indirect.gather [hbm4b:s1+s23], $0x40, s26, s23, $0xb8;
	[tilespmem:$0x181F0] =	vst v63  }
0x18d: {  	_ =	swait.ge [sflag:s29], $0x1400  }
0x18e: {  	[sflag:s29] =	ssyncset.done $0x0  }
0x18f: {  	[sflag:s29] =	ssyncadd.s32 $0xFFFFEC00  }
0x190: {  	[spmem:s3] =	stream.indirect.scatter.add.bf16 [tilespmem:s20], [sflag:$0x4], $0x40, s30, s23, $0xb8;
	[tilespmem:$0x181F0] =	vst v63  }
0x191: {  	_ = 	snop  }
0x192: {  	[spmem:s4] =	stream.indirect.scatter.add.f32 [tilespmem:s31], [sflag:$0x7], $0x10, s30, s23, $0xb8;
	[tilespmem:$0x181F0] =	vst v63  }
0x193: {  	_ =	swait.ge [sflag:s0], $0x1400  }
0x194: {  	[sflag:s0] =	ssyncset.done $0x0  }
0x195: {  	[sflag:s0] =	ssyncadd.s32 $0xFFFFEC00  }
0x196: {  	_ =	swait.ge [sflag:s16], $0x1400  }
0x197: {  	[sflag:s16] =	ssyncset.done $0x0  }
0x198: {  	[sflag:s16] =	ssyncadd.s32 $0xFFFFEC00  }
0x199: {  	_ =	swait.ge [sflag:s17], $0x500  }
0x19a: {  	[sflag:s17] =	ssyncset.done $0x0  }
0x19b: {  	[sflag:s17] =	ssyncadd.s32 $0xFFFFFB00  }
0x19c: {  	[spmem:s3] =	stream.indirect.scatter.add.bf16 [tilespmem:s28], [sflag:$0x5], $0x40, s8, s23, $0xb8;
	[tilespmem:$0x181F0] =	vst v63  }
0x19d: {  	_ = 	snop  }
0x19e: {  	[spmem:s4] =	stream.indirect.scatter.add.f32 [tilespmem:s31], [sflag:$0x8], $0x10, s8, s23, $0xb8;
	[tilespmem:$0x181F0] =	vst v63  }
0x19f: {  	_ =	swait.ge [sflag:s10], $0x1400  }
0x1a0: {  	[sflag:s10] =	ssyncset.done $0x0  }
0x1a1: {  	[sflag:s10] =	ssyncadd.s32 $0xFFFFEC00  }
0x1a2: {  	_ =	swait.ge [sflag:s11], $0x500  }
0x1a3: {  	[sflag:s11] =	ssyncset.done $0x0  }
0x1a4: {  	[sflag:s11] =	ssyncadd.s32 $0xFFFFFB00  }
0x1a5: {  	_ =	swait.ge [sflag:s14], $0x1400  }
0x1a6: {  	[sflag:s14] =	ssyncset.done $0x0  }
0x1a7: {  	[sflag:s14] =	ssyncadd.s32 $0xFFFFEC00  }
0x1a8: {  	_ =	swait.ge [sflag:s15], $0x500  }
0x1a9: {  	[sflag:s15] =	ssyncset.done $0x0  }
0x1aa: {  	[sflag:s15] =	ssyncadd.s32 $0xFFFFFB00  }
0x1ab: {  	s5 =	simm.s32 $0x0;
	[bflag:$0x0] =	sbarrier.arrive $0xFFFF  }
.LBB2_10:
0x1ac: {  	s6 =	smul.u32 $0x50, s5  }
0x1ad: {  	s7 =	rddreg [dreg:$0x6]  }
0x1ae: {  	s7 =	sadd.s32 s7, s6  }
0x1af: {  	s6 =	sshll.u32 s7, $0x6  }
0x1b0: {  	s6 =	sand.u32 $0x3FFFFFC0, s6  }
0x1b1: {  	s6 =	sadd.s32 s6, s3  }
0x1b2: {  	[tilespmem:s20], [sflag:$0xB] =	stream.linear.gather [spmem:s6], $0x1400, $0x38;
	[tilespmem:$0x181F0] =	vst v63  }
0x1b3: {  	_ =	swait.ge [sflag:s18], $0x1400  }
0x1b4: {  	[sflag:s18] =	ssyncset.done $0x0  }
0x1b5: {  	s21 =	simm.s32 $0x30;
	[sflag:s18] =	ssyncadd.s32 $0xFFFFEC00  }
0x1b6: {  	v3 =	vld [tilespmem:s21+$0x28C0];
	_ =	sdelay $0x4  }
0x1b7: {  	s9 =	simm.s32 $0x6530;
	v4 =	vshll.u32 v3, $0x10  }
0x1b8: {  	v3 =	vand.u32 $0xFFFF0000, v3;
	[tilespmem:s9+$0xFFFFFFC0] =	vst v4  }
0x1b9: {  	[tilespmem:s9+$0x0] =	vst v3  }
0x1ba: {  	v3 =	vld [tilespmem:s21+$0x28D0];
	_ =	sdelay $0x4  }
0x1bb: {  	v4 =	vshll.u32 v3, $0x10  }
0x1bc: {  	v3 =	vand.u32 $0xFFFF0000, v3;
	[tilespmem:s9+$0xFFFFFFD0] =	vst v4  }
0x1bd: {  	[tilespmem:s9+$0x10] =	vst v3  }
0x1be: {  	v3 =	vld [tilespmem:s21+$0x28E0];
	_ =	sdelay $0x4  }
0x1bf: {  	v4 =	vand.u32 $0xFFFF0000, v3  }
0x1c0: {  	v3 =	vshll.u32 v3, $0x10;
	[tilespmem:s9+$0x20] =	vst v4  }
0x1c1: {  	[tilespmem:s9+$0xFFFFFFE0] =	vst v3  }
0x1c2: {  	v3 =	vld [tilespmem:s21+$0x28F0];
	_ =	sdelay $0x4  }
0x1c3: {  	v4 =	vshll.u32 v3, $0x10  }
0x1c4: {  	v3 =	vand.u32 $0xFFFF0000, v3;
	[tilespmem:s9+$0xFFFFFFF0] =	vst v4  }
0x1c5: {  	s21 =	simm.s32 $0x70;
	[tilespmem:s9+$0x30] =	vst v3  }
0x1c6: {  	v3 =	vld [tilespmem:s21+$0x28C0]  }
0x1c7: {  	s6 =	simm.s32 $0x2C0  }
.LBB2_11:
0x1c8: {  	p0 =	sne.s32 s6, $0x4FC0;
	_ =	sdelay $0x2  }
0x1c9: {  	s9 =	sadd.s32 $0x80, s9;
	v4 =	vshll.u32 v3, $0x10  }
0x1ca: {  	v3 =	vand.u32 $0xFFFF0000, v3;
	[tilespmem:s9+$0xFFFFFFC0] =	vst v4  }
0x1cb: {  	[tilespmem:s9+$0x0] =	vst v3  }
0x1cc: {  	v3 =	vld [tilespmem:s21+$0x28D0];
	_ =	sdelay $0x4  }
0x1cd: {  	v4 =	vshll.u32 v3, $0x10  }
0x1ce: {  	v3 =	vand.u32 $0xFFFF0000, v3;
	[tilespmem:s9+$0xFFFFFFD0] =	vst v4  }
0x1cf: {  	[tilespmem:s9+$0x10] =	vst v3  }
0x1d0: {  	v3 =	vld [tilespmem:s21+$0x28E0];
	_ =	sdelay $0x4  }
0x1d1: {  	v4 =	vshll.u32 v3, $0x10;
	v3 =	vand.u32 $0xFFFF0000, v3  }
0x1d2: {  	[tilespmem:s9+$0x20] =	vst v3  }
0x1d3: {  	[tilespmem:s9+$0xFFFFFFE0] =	vst v4  }
0x1d4: {  	v3 =	vld [tilespmem:s21+$0x28F0];
	_ =	sdelay $0x4  }
.Ltmp4:
0x1d5: {  	v4 =	vshll.u32 v3, $0x10;
	v3 =	vand.u32 $0xFFFF0000, v3;
	(pc) =	sbr.rel @p0 .LBB2_11-.Ltmp4, $4  }
0x1d6: {  	[tilespmem:s9+$0xFFFFFFF0] =	vst v4  }
0x1d7: {  	s21 =	sshra.s32 s6, $0x2;
	[tilespmem:s9+$0x30] =	vst v3  }
0x1d8: {  	v3 =	vld [tilespmem:s21+$0x28C0]  }
0x1d9: {  	s6 =	sadd.s32 $0x100, s6  }
0x1da: {  	_ =	sdelay $0x2  }
0x1db: {  	s6 =	sadd.s32 $0x80, s9;
	v4 =	vshll.u32 v3, $0x10  }
0x1dc: {  	v3 =	vand.u32 $0xFFFF0000, v3;
	[tilespmem:s6+$0xFFFFFFC0] =	vst v4  }
0x1dd: {  	[tilespmem:s6+$0x0] =	vst v3  }
0x1de: {  	v3 =	vld [tilespmem:s21+$0x28D0];
	_ =	sdelay $0x4  }
0x1df: {  	v61 =	vshll.u32 v3, $0x10  }
0x1e0: {  	v3 =	vand.u32 $0xFFFF0000, v3;
	[tilespmem:s6+$0xFFFFFFD0] =	vst v61  }
0x1e1: {  	[tilespmem:s6+$0x10] =	vst v3  }
0x1e2: {  	v3 =	vld [tilespmem:s21+$0x28E0];
	_ =	sdelay $0x4  }
0x1e3: {  	v62 =	vand.u32 $0xFFFF0000, v3  }
0x1e4: {  	v3 =	vshll.u32 v3, $0x10;
	[tilespmem:s6+$0x20] =	vst v62  }
0x1e5: {  	[tilespmem:s6+$0xFFFFFFE0] =	vst v3  }
0x1e6: {  	v3 =	vld [tilespmem:s21+$0x28F0];
	_ =	sdelay $0x4  }
0x1e7: {  	s5 =	sadd.s32 $0x1, s5;
	v63 =	vshll.u32 v3, $0x10  }
0x1e8: {  	s7 =	sshll.u32 s7, $0x4;
	s9 =	simm.s32 $0x0;
	p0 =	sne.s32 s5, $0x8;
	v3 =	vand.u32 $0xFFFF0000, v3;
	[tilespmem:s6+$0xFFFFFFF0] =	vst v63  }
.Ltmp5:
0x1e9: {  	s7 =	sadd.s32 s19, s7;
	s21 =	simm.s32 $0x64F0;
	[tilespmem:s6+$0x30] =	vst v3;
	(pc) =	sbr.rel @p0 .LBB2_10-.Ltmp5, $4  }
0x1ea: {  	[hbm4b:s7+s9] =	stream.linear.scatter [tilespmem:s21], [sflag:s25], $0x2800, $0x38;
	[tilespmem:$0x181F0] =	vst v63  }
0x1eb: {  	_ =	swait.ge [sflag:s25], $0x2800  }
0x1ec: {  	[sflag:s25] =	ssyncset.done $0x0  }
0x1ed: {  	[sflag:s25] =	ssyncadd.s32 $0xFFFFD800  }
0x1ee: {  	s5 =	stileid.u32;
	s21 =	rddreg [dreg:$0x7]  }
0x1ef: {  	s7 =	rddreg [dreg:$0xa];
	s5 =	sshll.u32 s5, $0x6  }
0x1f0: {  	s9 =	simm.s32 $0xA;
	s6 =	sshrl.u32 s21, $0x3;
	s5 =	sor.u32 $0x1C0A, s5  }
0x1f1: {  	[hbm:s7], [sflag:s5] =	dma.local [spmem:s6], $0x500  }
0x1f2: {  	_ =	swait.ge [sflag:s9], $0x500  }
0x1f3: {  	s5 =	rddreg [dreg:$0x13]  }
0x1f4: {  	s7 =	rddreg [dreg:$0xb];
	s6 =	sadd.s32 $0x1, s5  }
0x1f5: {  	p0 =	sne.s32 s6, s7  }
.Ltmp6:
0x1f6: {  	_ = 	snop;
	(pc) =	sbr.rel @p0 .LBB2_1-.Ltmp6, $3  }
0x1f7: {  	_ =	sdelay $0x1  }
0x1f8: {  	[sflag:s9] =	ssyncset.done $0x0  }
0x1f9: {  	[sflag:s9] =	ssyncadd.s32 $0xFFFFFB00  }
0x1fa: {  	_ =	sfence.sel $0x180000  }
0x1fb: {  	[bflag:$0x0] =	sbarrier.arrive $0xFFFF  }
0x1fc: {  	_ =	strace $0x90000047  }
0x1fd: {  	s0 =	stileid.u32;
	[bflag:$0x2] =	sbarrier.arrive $0xFFFF  }
0x1fe: {  	p0 =	sne.s32 s0, $0x0;
	s0 =	rddreg [dreg:$0x5]  }
0x1ff: {  	s0 =	sadd.s32 @!p0 $0x100000, s0  }
0x200: {  	[sflag:s0] =	ssyncadd.tile.s32 @!p0 $0x1;
	_ =	shalt  }
.Lfunc_end2:
_tile_overlayer_lowered:
.L_overlay_start_2:
0x201: {  	(tag) =	ssettag $0x2  }
0x202: {  	s0 =	rddreg [dreg:$0x0];
	s2 =	stileid.u32  }
0x203: {  	s1 =	rddreg [dreg:$0x1];
	p0 =	sne.s32 s2, $0x0  }
0x204: {  	s3 =	rddreg [dreg:$0x2];
	[bflag:$0x3] =	sbarrier.arrive $0xFFFF;
	s2 =	simm.s32 @!p0 $0x1C0A  }
0x205: {  	[timem:s3], [sflag:s2] =	dma.local @!p0 [hbm:s0], s1  }
0x206: {  	s0 =	simm.s32 @!p0 $0xA  }
0x207: {  	_ =	swait.ge @!p0 [sflag:s0], s1  }
0x208: {  	s1 =	ssub.s32 @!p0 $0x0, s1;
	[sflag:s0] =	ssyncset.done @!p0 $0x0  }
0x209: {  	[sflag:s0] =	ssyncadd.s32 @!p0 s1  }
0x20a: {  	[bflag:$0x3] =	sbarrier.arrive $0xFFFF  }
0x20b: {  	_ =	shalt  }

</sc_bundles>
